<compile_context>
chip_gen: v7x
topology: tpu7x:2x2x1
jax: 0.10.2.dev20260603
libtpu: 0.0.44.dev20260713+nightly
codegen_flags: <defaults>
</compile_context>

<pallas_src>
import functools

import jax
import jax.numpy as jnp
from jax import lax
from jax.experimental import pallas as pl
from jax.experimental.pallas import tpu as pltpu
from jax.experimental.pallas import tpu_sc as plsc

F32 = jnp.float32
JOB = 200


def _pre_body(h_ref, w1a_ref, w1b_ref, b1_ref, t1_ref, t2_ref):
    h = h_ref[...]
    t1_ref[...] = jnp.dot(h, w1a_ref[...], preferred_element_type=F32) \
        + b1_ref[...]
    t2_ref[...] = jnp.dot(h, w1b_ref[...], preferred_element_type=F32)


def _k_pre(h, w1a, w1b, b1, n):
    bn = 2000
    return pl.pallas_call(
        _pre_body,
        grid=(n // bn,),
        in_specs=[
            pl.BlockSpec((bn, 128), lambda i: (i, 0)),
            pl.BlockSpec((128, 128), lambda i: (0, 0)),
            pl.BlockSpec((128, 128), lambda i: (0, 0)),
            pl.BlockSpec((128,), lambda i: (0,)),
        ],
        out_specs=[
            pl.BlockSpec((bn, 128), lambda i: (i, 0)),
            pl.BlockSpec((bn, 128), lambda i: (i, 0)),
        ],
        out_shape=[
            jax.ShapeDtypeStruct((n, 128), F32),
            jax.ShapeDtypeStruct((n, 128), F32),
        ],
    )(h, w1a, w1b, b1)


def _make_d2(e, n, nc, ns):
    nw = nc * ns
    job2 = 2000
    jobs_per_w = e // job2 // nw
    mesh = plsc.VectorSubcoreMesh(core_axis_name="c", subcore_axis_name="s")

    @functools.partial(
        pl.kernel,
        mesh=mesh,
        out_type=jax.ShapeDtypeStruct((e,), F32),
        scratch_types=[
            pltpu.VMEM((job2,), jnp.int32),
            pltpu.VMEM((job2,), jnp.int32),
            pltpu.VMEM((job2,), F32),
            pltpu.VMEM((4 * n,), F32),
        ],
        compiler_params=pltpu.CompilerParams(needs_layout_passes=False),
    )
    def d2_k(ii_hbm, jj_hbm, xf_hbm, d2_hbm, ii_v, jj_v, d2_v, xf_v):
        cid = lax.axis_index("c")
        sid = lax.axis_index("s")
        wid = sid * nc + cid
        pltpu.sync_copy(xf_hbm, xf_v)

        def job(k, carry):
            base = (wid * jobs_per_w + k) * job2
            pltpu.sync_copy(ii_hbm.at[pl.ds(base, job2)], ii_v)
            pltpu.sync_copy(jj_hbm.at[pl.ds(base, job2)], jj_v)

            def step(s, carry2):
                sl = pl.ds(s * 16, 16)
                i16 = ii_v[sl] * 4
                j16 = jj_v[sl] * 4
                acc = jnp.zeros((16,), dtype=F32)
                for c in range(3):
                    xi = plsc.load_gather(xf_v, [i16 + c])
                    xj = plsc.load_gather(xf_v, [j16 + c])
                    d = xi - xj
                    acc = acc + d * d
                d2_v[sl] = acc
                return carry2

            lax.fori_loop(0, job2 // 16, step, 0)
            pltpu.sync_copy(d2_v, d2_hbm.at[pl.ds(base, job2)])
            return carry

        lax.fori_loop(0, jobs_per_w, job, 0)

    return d2_k


def _make_gather(e, n, nc, ns):
    nw = nc * ns
    njobs = e // JOB
    jobs_per_w = njobs // nw
    pairs = jobs_per_w // 2
    mesh = plsc.VectorSubcoreMesh(core_axis_name="c", subcore_axis_name="s")

    @functools.partial(
        pl.kernel,
        mesh=mesh,
        out_type=jax.ShapeDtypeStruct((e, 128), F32),
        scratch_types=[
            pltpu.VMEM((10000,), jnp.int32),
            pltpu.VMEM((10000,), jnp.int32),
            pltpu.VMEM((JOB, 128), F32),
            pltpu.VMEM((JOB, 128), F32),
            pltpu.VMEM((JOB, 128), F32),
            pltpu.VMEM((JOB, 128), F32),
            pltpu.SemaphoreType.DMA,
            pltpu.SemaphoreType.DMA,
            pltpu.SemaphoreType.DMA,
            pltpu.SemaphoreType.DMA,
        ],
        compiler_params=pltpu.CompilerParams(needs_layout_passes=False),
    )
    def gather_k(t1_hbm, t2_hbm, ii_hbm, jj_hbm, g_hbm,
                 iiw_v, jjw_v, g1a_v, g1b_v, g2a_v, g2b_v,
                 s1a, s1b, s2a, s2b):
        cid = lax.axis_index("c")
        sid = lax.axis_index("s")
        wid = sid * nc + cid
        wbase = wid * jobs_per_w * JOB
        epw = jobs_per_w * JOB
        pltpu.sync_copy(ii_hbm.at[pl.ds(wbase, epw)], iiw_v)
        pltpu.sync_copy(jj_hbm.at[pl.ds(wbase, epw)], jjw_v)

        def add_rows(g1_v, g2_v):
            def add_row(r, carry2):
                for rr in range(4):
                    for c in range(8):
                        sl = pl.ds(c * 16, 16)
                        g1_v[4 * r + rr, sl] = \
                            g1_v[4 * r + rr, sl] + g2_v[4 * r + rr, sl]
                return carry2

            lax.fori_loop(0, JOB // 4, add_row, 0)

        def pair(t, carry):
            base = wbase + t * (2 * JOB)
            off = t * (2 * JOB)
            d1a = pltpu.async_copy(
                t1_hbm.at[iiw_v.at[pl.ds(off, JOB)]], g1a_v, s1a)
            d2a = pltpu.async_copy(
                t2_hbm.at[jjw_v.at[pl.ds(off, JOB)]], g2a_v, s2a)
            d1b = pltpu.async_copy(
                t1_hbm.at[iiw_v.at[pl.ds(off + JOB, JOB)]], g1b_v, s1b)
            d2b = pltpu.async_copy(
                t2_hbm.at[jjw_v.at[pl.ds(off + JOB, JOB)]], g2b_v, s2b)

            d1a.wait()
            d2a.wait()
            add_rows(g1a_v, g2a_v)
            pltpu.sync_copy(g1a_v, g_hbm.at[pl.ds(base, JOB)])
            d1b.wait()
            d2b.wait()
            add_rows(g1b_v, g2b_v)
            pltpu.sync_copy(g1b_v, g_hbm.at[pl.ds(base + JOB, JOB)])
            return carry

        lax.fori_loop(0, pairs, pair, 0)

    return gather_k


def _edge_body(g_ref, d2_ref, w1r_ref, w2_ref, b2_ref, m_ref):
    dist = jnp.sqrt(d2_ref[...])
    centers = (lax.broadcasted_iota(jnp.int32, (1, 32), 1).astype(F32)
               * (5.0 / 31.0))
    rbf = jnp.exp(-10.0 * (dist - centers) ** 2)
    t = g_ref[...] + jnp.dot(rbf, w1r_ref[...], preferred_element_type=F32)
    m = jnp.dot(jax.nn.relu(t), w2_ref[...], preferred_element_type=F32)
    m_ref[...] = m + b2_ref[...]


def _k_edge(g, d2, w1r, w2, b2, e):
    bn = 2560
    return pl.pallas_call(
        _edge_body,
        grid=(e // bn,),
        in_specs=[
            pl.BlockSpec((bn, 128), lambda i: (i, 0)),
            pl.BlockSpec((bn, 1), lambda i: (i, 0)),
            pl.BlockSpec((32, 128), lambda i: (0, 0)),
            pl.BlockSpec((128, 128), lambda i: (0, 0)),
            pl.BlockSpec((128,), lambda i: (0,)),
        ],
        out_specs=pl.BlockSpec((bn, 128), lambda i: (i, 0)),
        out_shape=jax.ShapeDtypeStruct((e, 128), F32),
    )(g, d2, w1r, w2, b2)


def _make_scatter(e, n, nc, ns):
    nw = nc * ns
    pj = 400
    jobs_per_sub = e // pj // ns
    half = n // nc
    trash = half
    zsub = 5
    zspan = half // zsub
    zrows = 200
    mesh = plsc.VectorSubcoreMesh(core_axis_name="c", subcore_axis_name="s")

    @functools.partial(
        pl.kernel,
        mesh=mesh,
        out_type=[
            jax.ShapeDtypeStruct((n, 128), F32),
            jax.ShapeDtypeStruct((nw * n,), F32),
        ],
        scratch_types=[
            pltpu.VMEM((pj,), jnp.int32),
            pltpu.VMEM((pj, 128), F32),
            pltpu.VMEM((n,), F32),
            pltpu.VMEM_SHARED((half + 8, 128), F32),
        ],
        compiler_params=pltpu.CompilerParams(needs_layout_passes=False),
    )
    def scatter_k(m_hbm, ii_hbm, out_hbm, deg_hbm,
                  ii0_v, m0_v, deg_v, acc_sh):
        cid = lax.axis_index("c")
        sid = lax.axis_index("s")
        wid = sid * nc + cid
        lo = cid * half
        sbase = sid * jobs_per_sub * pj

        zvec = jnp.zeros((16,), dtype=F32)

        def zrow(r, carry):
            for c in range(8):
                m0_v[r, pl.ds(c * 16, 16)] = zvec
            return carry

        lax.fori_loop(0, zrows, zrow, 0)

        def zdeg(r, carry):
            deg_v[pl.ds(r * 16, 16)] = zvec
            return carry

        lax.fori_loop(0, n // 16, zdeg, 0)

        @pl.when(sid < zsub)
        def _zero():
            def zcopy(k, carry):
                pltpu.sync_copy(
                    m0_v.at[pl.ds(0, zrows)],
                    acc_sh.at[pl.ds(sid * zspan + k * zrows, zrows)])
                return carry

            lax.fori_loop(0, zspan // zrows, zcopy, 0)

        plsc.subcore_barrier()

        def remap(ii_v):
            for s in range(pj // 16):
                sl = pl.ds(s * 16, 16)
                i16 = ii_v[sl]
                loc = i16 - lo
                own = (loc >= 0) & (loc < half)
                plsc.addupdate_scatter(
                    deg_v, [i16], jnp.where(own, 1.0, 0.0).astype(F32))
                ii_v[sl] = jnp.where(own, loc, trash)

        def body(u, carry):
            b0 = sbase + u * pj
            pltpu.sync_copy(ii_hbm.at[pl.ds(b0, pj)], ii0_v)
            pltpu.sync_copy(m_hbm.at[pl.ds(b0, pj)], m0_v)
            remap(ii0_v)
            pltpu.sync_copy(m0_v, acc_sh.at[ii0_v], add=True)
            return carry

        lax.fori_loop(0, jobs_per_sub, body, 0)
        plsc.subcore_barrier()

        pltpu.sync_copy(deg_v, deg_hbm.at[pl.ds(wid * n, n)])

        @pl.when(sid < zsub)
        def _writeout():
            def wcopy(k, carry):
                r0 = sid * zspan + k * zrows
                pltpu.sync_copy(acc_sh.at[pl.ds(r0, zrows)],
                                m0_v.at[pl.ds(0, zrows)])
                pltpu.sync_copy(m0_v.at[pl.ds(0, zrows)],
                                out_hbm.at[pl.ds(lo + r0, zrows)])
                return carry

            lax.fori_loop(0, zspan // zrows, wcopy, 0)

    return scatter_k


def _update_body(h_ref, p_ref, r_ref, w3a_ref, w3b_ref, b3_ref, w4_ref,
                 b4_ref, out_ref):
    aggr = p_ref[...] * r_ref[...]
    t = (jnp.dot(h_ref[...], w3a_ref[...], preferred_element_type=F32)
         + jnp.dot(aggr, w3b_ref[...], preferred_element_type=F32)
         + b3_ref[...])
    out_ref[...] = (jnp.dot(jax.nn.relu(t), w4_ref[...],
                            preferred_element_type=F32) + b4_ref[...])


def _k_update(h, p, recip, w3a, w3b, b3, w4, b4, n):
    bn = 1000
    return pl.pallas_call(
        _update_body,
        grid=(n // bn,),
        in_specs=[
            pl.BlockSpec((bn, 128), lambda i: (i, 0)),
            pl.BlockSpec((bn, 128), lambda i: (i, 0)),
            pl.BlockSpec((bn, 1), lambda i: (i, 0)),
            pl.BlockSpec((128, 128), lambda i: (0, 0)),
            pl.BlockSpec((128, 128), lambda i: (0, 0)),
            pl.BlockSpec((128,), lambda i: (0,)),
            pl.BlockSpec((128, 128), lambda i: (0, 0)),
            pl.BlockSpec((128,), lambda i: (0,)),
        ],
        out_specs=pl.BlockSpec((bn, 128), lambda i: (i, 0)),
        out_shape=jax.ShapeDtypeStruct((n, 128), F32),
    )(h, p, recip, w3a, w3b, b3, w4, b4)


def kernel(h, x, edge_index, W1, b1, W2, b2, W3, b3, W4, b4):
    n = h.shape[0]
    e = edge_index.shape[1]
    try:
        info = plsc.get_sparse_core_info()
        nc, ns = info.num_cores, info.num_subcores
    except Exception:
        nc, ns = 2, 16

    ii = edge_index[0].astype(jnp.int32)
    jj = edge_index[1].astype(jnp.int32)
    xf = jnp.pad(x.astype(F32), ((0, 0), (0, 1))).reshape(-1)
    w1a = W1[:128]
    w1b = W1[128:256]
    w1r = W1[256:288]
    w3a = W3[:128]
    w3b = W3[128:256]

    t1, t2 = _k_pre(h, w1a, w1b, b1, n)
    d2 = _make_d2(e, n, nc, ns)(ii, jj, xf)
    g = _make_gather(e, n, nc, ns)(t1, t2, ii, jj)
    m = _k_edge(g, d2.reshape(e, 1), w1r, W2, b2, e)
    p, deg = _make_scatter(e, n, nc, ns)(m, ii)
    recip = (1.0 / jnp.clip(deg.reshape(nc * ns, n).sum(axis=0),
                            1.0, None))[:, None]
    h_new = _k_update(h, p, recip, w3a, w3b, b3, W4, b4, n)
    return (h_new, x)

# --- scband reference (transcript-rebuilt; emitter-appended) ---
"""Pipeline reference for scband-message-layer-31241592111733 (READ-ONLY COPY).

The authoritative reference and input builder live on the scoring server;
editing this copy changes nothing except your own understanding.
"""

import jax, jax.numpy as jnp
import numpy as np

N = 10000
E = 320000
D = 128
RBF = 32


def _rbf(dist):
    # Gaussian radial basis expansion: the original code takes an arbitrary callable
    # `rbf`; we use a standard fixed Gaussian RBF expansion (centers on [0, 5]).
    centers = jnp.linspace(0.0, 5.0, RBF, dtype=jnp.float32)  # [RBF]
    return jnp.exp(-10.0 * (dist - centers) ** 2)  # [E, RBF]


def setup_inputs(seed: int = 0) -> dict:
    key = jax.random.key(seed)
    ks = jax.random.split(key, 12)
    h = jax.random.normal(ks[0], (N, D), dtype=jnp.float32)
    x = jax.random.normal(ks[1], (N, 3), dtype=jnp.float32)
    # avoid self-loops so norm() is differentiable everywhere
    src = jax.random.randint(ks[2], (E,), 0, N)
    off = jax.random.randint(ks[3], (E,), 1, N)
    dst = (src + off) % N
    edge_index = jnp.stack([src, dst]).astype(jnp.int64)

    def lin(k, fan_in, fan_out):
        bound = 1.0 / np.sqrt(fan_in)
        kw, kb = jax.random.split(k)
        W = jax.random.uniform(kw, (fan_in, fan_out), minval=-bound, maxval=bound, dtype=jnp.float32)
        b = jax.random.uniform(kb, (fan_out,), minval=-bound, maxval=bound, dtype=jnp.float32)
        return W, b

    W1, b1 = lin(ks[4], 2 * D + RBF, D)   # msg_net layer 1
    W2, b2 = lin(ks[5], D, D)             # msg_net layer 2
    W3, b3 = lin(ks[6], 2 * D, D)         # update_net layer 1
    W4, b4 = lin(ks[7], D, D)             # update_net layer 2
    return {"h": h, "x": x, "edge_index": edge_index,
            "W1": W1, "b1": b1, "W2": W2, "b2": b2,
            "W3": W3, "b3": b3, "W4": W4, "b4": b4}


def reference(h, x, edge_index, W1, b1, W2, b2, W3, b3, W4, b4):
    n = h.shape[0]
    i = edge_index[0]
    j = edge_index[1]
    rel_pos = x[i] - x[j]                                    # gather [E,3]
    dist = jnp.linalg.norm(rel_pos, axis=-1, keepdims=True)  # [E,1]
    rbf_feat = _rbf(dist)                                    # [E,RBF]
    m_in = jnp.concatenate([h[i], h[j], rbf_feat], axis=-1)  # gather [E, 2D+RBF]
    m_ij = jax.nn.relu(m_in @ W1 + b1) @ W2 + b2             # [E, D]
    deg = jnp.zeros((n,), dtype=h.dtype).at[i].add(jnp.ones((m_ij.shape[0],), dtype=h.dtype))
    aggr = jnp.zeros_like(h).at[i].add(m_ij) / jnp.clip(deg, 1.0, None)[:, None]
    h_new = jax.nn.relu(jnp.concatenate([h, aggr], axis=-1) @ W3 + b3) @ W4 + b4
    return (h_new, x)

if __name__ == "__main__":
    import jax
    _d = setup_inputs()
    print(jax.jit(kernel)(*tuple(_d.values())))

</pallas_src>

<mosaic_0001>
#map = affine_map<(d0, d1) -> (0)>
module attributes {stable_mosaic.version = 14 : i64} {
  func.func @d2_k(%arg0: i32, %arg1: i32, %arg2: memref<320000xi32, #tpu.memory_space<hbm>>, %arg3: memref<320000xi32, #tpu.memory_space<hbm>>, %arg4: memref<40000xf32, #tpu.memory_space<hbm>>, %arg5: memref<320000xf32, #tpu.memory_space<hbm>>, %arg6: memref<2000xi32, #tpu.memory_space<vmem>>, %arg7: memref<2000xi32, #tpu.memory_space<vmem>>, %arg8: memref<2000xf32, #tpu.memory_space<vmem>>, %arg9: memref<40000xf32, #tpu.memory_space<vmem>>) attributes {dimension_semantics = [#tpu.dimension_semantics<core_parallel>, #tpu.dimension_semantics<subcore_parallel>], iteration_bounds = array<i64: 2, 16>, scalar_prefetch = 0 : i64, scratch_operands = 4 : i64, tpu.core_type = #tpu.core_type<sc_vector_subcore>, window_params = [{transform_indices = #map}, {transform_indices = #map}, {transform_indices = #map}, {transform_indices = #map}]} {
    %mul3A = arith.constant 2 : i32
    %mul3A_0 = arith.muli %arg1, %mul3A : i32
    %add3A = arith.addi %mul3A_0, %arg0 : i32
    "tpu.region"() ({
      %run_scoped3A = tpu.sem_alloc : memref<!tpu.dma_semaphore, #tpu.memory_space<semaphore_mem>>
      tpu.enqueue_dma source(%arg4 : memref<40000xf32, #tpu.memory_space<hbm>>) target(%arg9 : memref<40000xf32, #tpu.memory_space<vmem>>) target_semaphore(%run_scoped3A : memref<!tpu.dma_semaphore, #tpu.memory_space<semaphore_mem>>)
      tpu.wait_dma2 semaphore(%run_scoped3A : memref<!tpu.dma_semaphore, #tpu.memory_space<semaphore_mem>>) src(%arg4 : memref<40000xf32, #tpu.memory_space<hbm>>) dst(%arg9 : memref<40000xf32, #tpu.memory_space<vmem>>)
      tpu.yield
    }) : () -> ()
    %scan3A = arith.constant 0 : i32
    %scan3A_1 = arith.constant 0 : i32
    %scan3A_2 = arith.constant 5 : i32
    %scan3A_3 = arith.addi %scan3A_1, %scan3A_2 : i32
    %scan3A_4 = arith.constant 1 : i32
    scf.for %scan3A_6 = %scan3A_1 to %scan3A_3 step %scan3A_4  : i32 {
      %mul3A_7 = arith.constant 5 : i32
      %mul3A_8 = arith.muli %add3A, %mul3A_7 : i32
      %add3A_9 = arith.addi %mul3A_8, %scan3A_6 : i32
      %mul3A_10 = arith.constant 2000 : i32
      %mul3A_11 = arith.muli %add3A_9, %mul3A_10 : i32
      "tpu.region"() ({
        %run_scoped3A = tpu.sem_alloc : memref<!tpu.dma_semaphore, #tpu.memory_space<semaphore_mem>>
        %dma_start3A = tpu.memref_slice %arg2[%mul3A_11] : memref<320000xi32, #tpu.memory_space<hbm>> -> memref<2000xi32, #tpu.memory_space<hbm>>
        %dma_start3A_18 = tpu.memref_slice %arg2[%mul3A_11] : memref<320000xi32, #tpu.memory_space<hbm>> -> memref<2000xi32, #tpu.memory_space<hbm>>
        tpu.enqueue_dma source(%dma_start3A_18 : memref<2000xi32, #tpu.memory_space<hbm>>) target(%arg6 : memref<2000xi32, #tpu.memory_space<vmem>>) target_semaphore(%run_scoped3A : memref<!tpu.dma_semaphore, #tpu.memory_space<semaphore_mem>>)
        %dma_wait3A = tpu.memref_slice %arg2[%mul3A_11] : memref<320000xi32, #tpu.memory_space<hbm>> -> memref<2000xi32, #tpu.memory_space<hbm>>
        %dma_wait3A_19 = tpu.memref_slice %arg2[%mul3A_11] : memref<320000xi32, #tpu.memory_space<hbm>> -> memref<2000xi32, #tpu.memory_space<hbm>>
        tpu.wait_dma2 semaphore(%run_scoped3A : memref<!tpu.dma_semaphore, #tpu.memory_space<semaphore_mem>>) src(%dma_wait3A_19 : memref<2000xi32, #tpu.memory_space<hbm>>) dst(%arg6 : memref<2000xi32, #tpu.memory_space<vmem>>)
        tpu.yield
      }) : () -> ()
      "tpu.region"() ({
        %run_scoped3A = tpu.sem_alloc : memref<!tpu.dma_semaphore, #tpu.memory_space<semaphore_mem>>
        %dma_start3A = tpu.memref_slice %arg3[%mul3A_11] : memref<320000xi32, #tpu.memory_space<hbm>> -> memref<2000xi32, #tpu.memory_space<hbm>>
        %dma_start3A_18 = tpu.memref_slice %arg3[%mul3A_11] : memref<320000xi32, #tpu.memory_space<hbm>> -> memref<2000xi32, #tpu.memory_space<hbm>>
        tpu.enqueue_dma source(%dma_start3A_18 : memref<2000xi32, #tpu.memory_space<hbm>>) target(%arg7 : memref<2000xi32, #tpu.memory_space<vmem>>) target_semaphore(%run_scoped3A : memref<!tpu.dma_semaphore, #tpu.memory_space<semaphore_mem>>)
        %dma_wait3A = tpu.memref_slice %arg3[%mul3A_11] : memref<320000xi32, #tpu.memory_space<hbm>> -> memref<2000xi32, #tpu.memory_space<hbm>>
        %dma_wait3A_19 = tpu.memref_slice %arg3[%mul3A_11] : memref<320000xi32, #tpu.memory_space<hbm>> -> memref<2000xi32, #tpu.memory_space<hbm>>
        tpu.wait_dma2 semaphore(%run_scoped3A : memref<!tpu.dma_semaphore, #tpu.memory_space<semaphore_mem>>) src(%dma_wait3A_19 : memref<2000xi32, #tpu.memory_space<hbm>>) dst(%arg7 : memref<2000xi32, #tpu.memory_space<vmem>>)
        tpu.yield
      }) : () -> ()
      %scan3A_12 = arith.constant 0 : i32
      %scan3A_13 = arith.constant 0 : i32
      %scan3A_14 = arith.constant 125 : i32
      %scan3A_15 = arith.addi %scan3A_13, %scan3A_14 : i32
      %scan3A_16 = arith.constant 1 : i32
      scf.for %scan3A_18 = %scan3A_13 to %scan3A_15 step %scan3A_16  : i32 {
        %mul3A_19 = arith.constant 16 : i32
        %mul3A_20 = arith.muli %scan3A_18, %mul3A_19 : i32
        %get3A = arith.index_cast %mul3A_20 : i32 to index
        %get3A_21 = tpu.vector_load %arg6[%get3A] {strides = array<i32>} : memref<2000xi32, #tpu.memory_space<vmem>>, vector<16xi32>,
        %mul3A_22 = arith.constant 4 : i32
        %mul3A_23 = vector.broadcast %mul3A_22 : i32 to vector<16xi32>
        %mul3A_24 = arith.muli %get3A_21, %mul3A_23 : vector<16xi32>
        %get3A_25 = arith.index_cast %mul3A_20 : i32 to index
        %get3A_26 = tpu.vector_load %arg7[%get3A_25] {strides = array<i32>} : memref<2000xi32, #tpu.memory_space<vmem>>, vector<16xi32>,
        %mul3A_27 = arith.constant 4 : i32
        %mul3A_28 = vector.broadcast %mul3A_27 : i32 to vector<16xi32>
        %mul3A_29 = arith.muli %get3A_26, %mul3A_28 : vector<16xi32>
        %broadcast_in_dim3A = arith.constant 0.000000e+00 : f32
        %broadcast_in_dim3A_30 = vector.broadcast %broadcast_in_dim3A : f32 to vector<16xf32>
        %add3A_31 = arith.constant 0 : i32
        %add3A_32 = vector.broadcast %add3A_31 : i32 to vector<16xi32>
        %add3A_33 = arith.addi %mul3A_24, %add3A_32 : vector<16xi32>
        %gather3A = tpu.vector_load_idx %arg9[%add3A_33] : memref<40000xf32, #tpu.memory_space<vmem>>[vector<16xi32>], vector<16xf32>,
        %add3A_34 = arith.constant 0 : i32
        %add3A_35 = vector.broadcast %add3A_34 : i32 to vector<16xi32>
        %add3A_36 = arith.addi %mul3A_29, %add3A_35 : vector<16xi32>
        %gather3A_37 = tpu.vector_load_idx %arg9[%add3A_36] : memref<40000xf32, #tpu.memory_space<vmem>>[vector<16xi32>], vector<16xf32>,
        %sub3A = arith.subf %gather3A, %gather3A_37 : vector<16xf32>
        %mul3A_38 = arith.mulf %sub3A, %sub3A : vector<16xf32>
        %add3A_39 = arith.addf %broadcast_in_dim3A_30, %mul3A_38 : vector<16xf32>
        %add3A_40 = arith.constant 1 : i32
        %add3A_41 = vector.broadcast %add3A_40 : i32 to vector<16xi32>
        %add3A_42 = arith.addi %mul3A_24, %add3A_41 : vector<16xi32>
        %gather3A_43 = tpu.vector_load_idx %arg9[%add3A_42] : memref<40000xf32, #tpu.memory_space<vmem>>[vector<16xi32>], vector<16xf32>,
        %add3A_44 = arith.constant 1 : i32
        %add3A_45 = vector.broadcast %add3A_44 : i32 to vector<16xi32>
        %add3A_46 = arith.addi %mul3A_29, %add3A_45 : vector<16xi32>
        %gather3A_47 = tpu.vector_load_idx %arg9[%add3A_46] : memref<40000xf32, #tpu.memory_space<vmem>>[vector<16xi32>], vector<16xf32>,
        %sub3A_48 = arith.subf %gather3A_43, %gather3A_47 : vector<16xf32>
        %mul3A_49 = arith.mulf %sub3A_48, %sub3A_48 : vector<16xf32>
        %add3A_50 = arith.addf %add3A_39, %mul3A_49 : vector<16xf32>
        %add3A_51 = arith.constant 2 : i32
        %add3A_52 = vector.broadcast %add3A_51 : i32 to vector<16xi32>
        %add3A_53 = arith.addi %mul3A_24, %add3A_52 : vector<16xi32>
        %gather3A_54 = tpu.vector_load_idx %arg9[%add3A_53] : memref<40000xf32, #tpu.memory_space<vmem>>[vector<16xi32>], vector<16xf32>,
        %add3A_55 = arith.constant 2 : i32
        %add3A_56 = vector.broadcast %add3A_55 : i32 to vector<16xi32>
        %add3A_57 = arith.addi %mul3A_29, %add3A_56 : vector<16xi32>
        %gather3A_58 = tpu.vector_load_idx %arg9[%add3A_57] : memref<40000xf32, #tpu.memory_space<vmem>>[vector<16xi32>], vector<16xf32>,
        %sub3A_59 = arith.subf %gather3A_54, %gather3A_58 : vector<16xf32>
        %mul3A_60 = arith.mulf %sub3A_59, %sub3A_59 : vector<16xf32>
        %add3A_61 = arith.addf %add3A_50, %mul3A_60 : vector<16xf32>
        %swap3A = arith.index_cast %mul3A_20 : i32 to index
        %swap3A_62 = tpu.vector_load %arg8[%swap3A] {strides = array<i32>} : memref<2000xf32, #tpu.memory_space<vmem>>, vector<16xf32>,
        tpu.vector_store %arg8[%swap3A], %add3A_61 {strides = array<i32>} : memref<2000xf32, #tpu.memory_space<vmem>>, vector<16xf32>,
      }
      %scan3A_17 = arith.constant 125 : i32
      "tpu.region"() ({
        %run_scoped3A = tpu.sem_alloc : memref<!tpu.dma_semaphore, #tpu.memory_space<semaphore_mem>>
        %dma_start3A = tpu.memref_slice %arg5[%mul3A_11] : memref<320000xf32, #tpu.memory_space<hbm>> -> memref<2000xf32, #tpu.memory_space<hbm>>
        %dma_start3A_18 = tpu.memref_slice %arg5[%mul3A_11] : memref<320000xf32, #tpu.memory_space<hbm>> -> memref<2000xf32, #tpu.memory_space<hbm>>
        tpu.enqueue_dma source(%arg8 : memref<2000xf32, #tpu.memory_space<vmem>>) target(%dma_start3A_18 : memref<2000xf32, #tpu.memory_space<hbm>>) target_semaphore(%run_scoped3A : memref<!tpu.dma_semaphore, #tpu.memory_space<semaphore_mem>>)
        %dma_wait3A = tpu.memref_slice %arg5[%mul3A_11] : memref<320000xf32, #tpu.memory_space<hbm>> -> memref<2000xf32, #tpu.memory_space<hbm>>
        %dma_wait3A_19 = tpu.memref_slice %arg5[%mul3A_11] : memref<320000xf32, #tpu.memory_space<hbm>> -> memref<2000xf32, #tpu.memory_space<hbm>>
        tpu.wait_dma2 semaphore(%run_scoped3A : memref<!tpu.dma_semaphore, #tpu.memory_space<semaphore_mem>>) src(%arg8 : memref<2000xf32, #tpu.memory_space<vmem>>) dst(%dma_wait3A_19 : memref<2000xf32, #tpu.memory_space<hbm>>)
        tpu.yield
      }) : () -> ()
    }
    %scan3A_5 = arith.constant 5 : i32
    return
  }
}

#map = affine_map<(d0, d1) -> (0, 0)>
#map1 = affine_map<(d0, d1) -> (0)>
module attributes {stable_mosaic.version = 14 : i64} {
  func.func @gather_k(%arg0: i32, %arg1: i32, %arg2: memref<10000x128xf32, #tpu.memory_space<hbm>>, %arg3: memref<10000x128xf32, #tpu.memory_space<hbm>>, %arg4: memref<320000xi32, #tpu.memory_space<hbm>>, %arg5: memref<320000xi32, #tpu.memory_space<hbm>>, %arg6: memref<320000x128xf32, #tpu.memory_space<hbm>>, %arg7: memref<10000xi32, #tpu.memory_space<vmem>>, %arg8: memref<10000xi32, #tpu.memory_space<vmem>>, %arg9: memref<200x128xf32, #tpu.memory_space<vmem>>, %arg10: memref<200x128xf32, #tpu.memory_space<vmem>>, %arg11: memref<200x128xf32, #tpu.memory_space<vmem>>, %arg12: memref<200x128xf32, #tpu.memory_space<vmem>>, %arg13: memref<!tpu.dma_semaphore, #tpu.memory_space<semaphore_mem>>, %arg14: memref<!tpu.dma_semaphore, #tpu.memory_space<semaphore_mem>>, %arg15: memref<!tpu.dma_semaphore, #tpu.memory_space<semaphore_mem>>, %arg16: memref<!tpu.dma_semaphore, #tpu.memory_space<semaphore_mem>>) attributes {dimension_semantics = [#tpu.dimension_semantics<core_parallel>, #tpu.dimension_semantics<subcore_parallel>], iteration_bounds = array<i64: 2, 16>, scalar_prefetch = 0 : i64, scratch_operands = 10 : i64, tpu.core_type = #tpu.core_type<sc_vector_subcore>, window_params = [{transform_indices = #map}, {transform_indices = #map}, {transform_indices = #map1}, {transform_indices = #map1}, {transform_indices = #map}]} {
    %mul3A = arith.constant 2 : i32
    %mul3A_0 = arith.muli %arg1, %mul3A : i32
    %add3A = arith.addi %mul3A_0, %arg0 : i32
    %mul3A_1 = arith.constant 50 : i32
    %mul3A_2 = arith.muli %add3A, %mul3A_1 : i32
    %mul3A_3 = arith.constant 200 : i32
    %mul3A_4 = arith.muli %mul3A_2, %mul3A_3 : i32
    "tpu.region"() ({
      %run_scoped3A = tpu.sem_alloc : memref<!tpu.dma_semaphore, #tpu.memory_space<semaphore_mem>>
      %dma_start3A = tpu.memref_slice %arg4[%mul3A_4] : memref<320000xi32, #tpu.memory_space<hbm>> -> memref<10000xi32, #tpu.memory_space<hbm>>
      %dma_start3A_10 = tpu.memref_slice %arg4[%mul3A_4] : memref<320000xi32, #tpu.memory_space<hbm>> -> memref<10000xi32, #tpu.memory_space<hbm>>
      tpu.enqueue_dma source(%dma_start3A_10 : memref<10000xi32, #tpu.memory_space<hbm>>) target(%arg7 : memref<10000xi32, #tpu.memory_space<vmem>>) target_semaphore(%run_scoped3A : memref<!tpu.dma_semaphore, #tpu.memory_space<semaphore_mem>>)
      %dma_wait3A = tpu.memref_slice %arg4[%mul3A_4] : memref<320000xi32, #tpu.memory_space<hbm>> -> memref<10000xi32, #tpu.memory_space<hbm>>
      %dma_wait3A_11 = tpu.memref_slice %arg4[%mul3A_4] : memref<320000xi32, #tpu.memory_space<hbm>> -> memref<10000xi32, #tpu.memory_space<hbm>>
      tpu.wait_dma2 semaphore(%run_scoped3A : memref<!tpu.dma_semaphore, #tpu.memory_space<semaphore_mem>>) src(%dma_wait3A_11 : memref<10000xi32, #tpu.memory_space<hbm>>) dst(%arg7 : memref<10000xi32, #tpu.memory_space<vmem>>)
      tpu.yield
    }) : () -> ()
    "tpu.region"() ({
      %run_scoped3A = tpu.sem_alloc : memref<!tpu.dma_semaphore, #tpu.memory_space<semaphore_mem>>
      %dma_start3A = tpu.memref_slice %arg5[%mul3A_4] : memref<320000xi32, #tpu.memory_space<hbm>> -> memref<10000xi32, #tpu.memory_space<hbm>>
      %dma_start3A_10 = tpu.memref_slice %arg5[%mul3A_4] : memref<320000xi32, #tpu.memory_space<hbm>> -> memref<10000xi32, #tpu.memory_space<hbm>>
      tpu.enqueue_dma source(%dma_start3A_10 : memref<10000xi32, #tpu.memory_space<hbm>>) target(%arg8 : memref<10000xi32, #tpu.memory_space<vmem>>) target_semaphore(%run_scoped3A : memref<!tpu.dma_semaphore, #tpu.memory_space<semaphore_mem>>)
      %dma_wait3A = tpu.memref_slice %arg5[%mul3A_4] : memref<320000xi32, #tpu.memory_space<hbm>> -> memref<10000xi32, #tpu.memory_space<hbm>>
      %dma_wait3A_11 = tpu.memref_slice %arg5[%mul3A_4] : memref<320000xi32, #tpu.memory_space<hbm>> -> memref<10000xi32, #tpu.memory_space<hbm>>
      tpu.wait_dma2 semaphore(%run_scoped3A : memref<!tpu.dma_semaphore, #tpu.memory_space<semaphore_mem>>) src(%dma_wait3A_11 : memref<10000xi32, #tpu.memory_space<hbm>>) dst(%arg8 : memref<10000xi32, #tpu.memory_space<vmem>>)
      tpu.yield
    }) : () -> ()
    %scan3A = arith.constant 0 : i32
    %scan3A_5 = arith.constant 0 : i32
    %scan3A_6 = arith.constant 25 : i32
    %scan3A_7 = arith.addi %scan3A_5, %scan3A_6 : i32
    %scan3A_8 = arith.constant 1 : i32
    scf.for %scan3A_10 = %scan3A_5 to %scan3A_7 step %scan3A_8  : i32 {
      %mul3A_11 = arith.constant 400 : i32
      %mul3A_12 = arith.muli %scan3A_10, %mul3A_11 : i32
      %add3A_13 = arith.addi %mul3A_4, %mul3A_12 : i32
      %mul3A_14 = arith.constant 400 : i32
      %mul3A_15 = arith.muli %scan3A_10, %mul3A_14 : i32
      %dma_start3A = tpu.memref_slice %arg7[%mul3A_15] : memref<10000xi32, #tpu.memory_space<vmem>> -> memref<200xi32, #tpu.memory_space<vmem>>
      %dma_start3A_16 = arith.constant 0 : i32
      %dma_start3A_17 = arith.constant 0 : i32
      %dma_start3A_18 = tpu.memref_slice %arg2[%dma_start3A_16, %dma_start3A_17] : memref<10000x128xf32, #tpu.memory_space<hbm>> -> memref<10000x128xf32, #tpu.memory_space<hbm>>
      tpu.enqueue_indirect_dma source(%dma_start3A_18 : memref<10000x128xf32, #tpu.memory_space<hbm>>) target(%arg9 : memref<200x128xf32, #tpu.memory_space<vmem>>) offsets(%dma_start3A : memref<200xi32, #tpu.memory_space<vmem>>) semaphore(%arg13 : memref<!tpu.dma_semaphore, #tpu.memory_space<semaphore_mem>>)
      %dma_start3A_19 = tpu.memref_slice %arg8[%mul3A_15] : memref<10000xi32, #tpu.memory_space<vmem>> -> memref<200xi32, #tpu.memory_space<vmem>>
      %dma_start3A_20 = arith.constant 0 : i32
      %dma_start3A_21 = arith.constant 0 : i32
      %dma_start3A_22 = tpu.memref_slice %arg3[%dma_start3A_20, %dma_start3A_21] : memref<10000x128xf32, #tpu.memory_space<hbm>> -> memref<10000x128xf32, #tpu.memory_space<hbm>>
      tpu.enqueue_indirect_dma source(%dma_start3A_22 : memref<10000x128xf32, #tpu.memory_space<hbm>>) target(%arg11 : memref<200x128xf32, #tpu.memory_space<vmem>>) offsets(%dma_start3A_19 : memref<200xi32, #tpu.memory_space<vmem>>) semaphore(%arg15 : memref<!tpu.dma_semaphore, #tpu.memory_space<semaphore_mem>>)
      %add3A_23 = arith.constant 200 : i32
      %add3A_24 = arith.addi %mul3A_15, %add3A_23 : i32
      %dma_start3A_25 = tpu.memref_slice %arg7[%add3A_24] : memref<10000xi32, #tpu.memory_space<vmem>> -> memref<200xi32, #tpu.memory_space<vmem>>
      %dma_start3A_26 = arith.constant 0 : i32
      %dma_start3A_27 = arith.constant 0 : i32
      %dma_start3A_28 = tpu.memref_slice %arg2[%dma_start3A_26, %dma_start3A_27] : memref<10000x128xf32, #tpu.memory_space<hbm>> -> memref<10000x128xf32, #tpu.memory_space<hbm>>
      tpu.enqueue_indirect_dma source(%dma_start3A_28 : memref<10000x128xf32, #tpu.memory_space<hbm>>) target(%arg10 : memref<200x128xf32, #tpu.memory_space<vmem>>) offsets(%dma_start3A_25 : memref<200xi32, #tpu.memory_space<vmem>>) semaphore(%arg14 : memref<!tpu.dma_semaphore, #tpu.memory_space<semaphore_mem>>)
      %add3A_29 = arith.constant 200 : i32
      %add3A_30 = arith.addi %mul3A_15, %add3A_29 : i32
      %dma_start3A_31 = tpu.memref_slice %arg8[%add3A_30] : memref<10000xi32, #tpu.memory_space<vmem>> -> memref<200xi32, #tpu.memory_space<vmem>>
      %dma_start3A_32 = arith.constant 0 : i32
      %dma_start3A_33 = arith.constant 0 : i32
      %dma_start3A_34 = tpu.memref_slice %arg3[%dma_start3A_32, %dma_start3A_33] : memref<10000x128xf32, #tpu.memory_space<hbm>> -> memref<10000x128xf32, #tpu.memory_space<hbm>>
      tpu.enqueue_indirect_dma source(%dma_start3A_34 : memref<10000x128xf32, #tpu.memory_space<hbm>>) target(%arg12 : memref<200x128xf32, #tpu.memory_space<vmem>>) offsets(%dma_start3A_31 : memref<200xi32, #tpu.memory_space<vmem>>) semaphore(%arg16 : memref<!tpu.dma_semaphore, #tpu.memory_space<semaphore_mem>>)
      %dma_wait3A = tpu.memref_slice %arg7[%mul3A_15] : memref<10000xi32, #tpu.memory_space<vmem>> -> memref<200xi32, #tpu.memory_space<vmem>>
      %dma_wait3A_35 = arith.constant 0 : i32
      %dma_wait3A_36 = arith.constant 0 : i32
      %dma_wait3A_37 = tpu.memref_slice %arg2[%dma_wait3A_35, %dma_wait3A_36] : memref<10000x128xf32, #tpu.memory_space<hbm>> -> memref<10000x128xf32, #tpu.memory_space<hbm>>
      tpu.wait_indirect_dma semaphore(%arg13 : memref<!tpu.dma_semaphore, #tpu.memory_space<semaphore_mem>>) src(%dma_wait3A_37 : memref<10000x128xf32, #tpu.memory_space<hbm>>) dst(%arg9 : memref<200x128xf32, #tpu.memory_space<vmem>>)
      %dma_wait3A_38 = tpu.memref_slice %arg8[%mul3A_15] : memref<10000xi32, #tpu.memory_space<vmem>> -> memref<200xi32, #tpu.memory_space<vmem>>
      %dma_wait3A_39 = arith.constant 0 : i32
      %dma_wait3A_40 = arith.constant 0 : i32
      %dma_wait3A_41 = tpu.memref_slice %arg3[%dma_wait3A_39, %dma_wait3A_40] : memref<10000x128xf32, #tpu.memory_space<hbm>> -> memref<10000x128xf32, #tpu.memory_space<hbm>>
      tpu.wait_indirect_dma semaphore(%arg15 : memref<!tpu.dma_semaphore, #tpu.memory_space<semaphore_mem>>) src(%dma_wait3A_41 : memref<10000x128xf32, #tpu.memory_space<hbm>>) dst(%arg11 : memref<200x128xf32, #tpu.memory_space<vmem>>)
      %scan3A_42 = arith.constant 0 : i32
      %scan3A_43 = arith.constant 0 : i32
      %scan3A_44 = arith.constant 50 : i32
      %scan3A_45 = arith.addi %scan3A_43, %scan3A_44 : i32
      %scan3A_46 = arith.constant 1 : i32
      scf.for %scan3A_64 = %scan3A_43 to %scan3A_45 step %scan3A_46  : i32 {
        %mul3A_65 = arith.constant 4 : i32
        %mul3A_66 = arith.muli %mul3A_65, %scan3A_64 : i32
        %add3A_67 = arith.constant 0 : i32
        %add3A_68 = arith.addi %mul3A_66, %add3A_67 : i32
        %get3A = arith.index_cast %add3A_68 : i32 to index
        %get3A_69 = arith.constant 0 : index
        %get3A_70 = tpu.vector_load %arg9[%get3A, %get3A_69] {strides = array<i32>} : memref<200x128xf32, #tpu.memory_space<vmem>>, vector<16xf32>,
        %mul3A_71 = arith.constant 4 : i32
        %mul3A_72 = arith.muli %mul3A_71, %scan3A_64 : i32
        %add3A_73 = arith.constant 0 : i32
        %add3A_74 = arith.addi %mul3A_72, %add3A_73 : i32
        %get3A_75 = arith.index_cast %add3A_74 : i32 to index
        %get3A_76 = arith.constant 0 : index
        %get3A_77 = tpu.vector_load %arg11[%get3A_75, %get3A_76] {strides = array<i32>} : memref<200x128xf32, #tpu.memory_space<vmem>>, vector<16xf32>,
        %add3A_78 = arith.addf %get3A_70, %get3A_77 : vector<16xf32>
        %mul3A_79 = arith.constant 4 : i32
        %mul3A_80 = arith.muli %mul3A_79, %scan3A_64 : i32
        %add3A_81 = arith.constant 0 : i32
        %add3A_82 = arith.addi %mul3A_80, %add3A_81 : i32
        %swap3A = arith.index_cast %add3A_82 : i32 to index
        %swap3A_83 = arith.constant 0 : index
        %swap3A_84 = tpu.vector_load %arg9[%swap3A, %swap3A_83] {strides = array<i32>} : memref<200x128xf32, #tpu.memory_space<vmem>>, vector<16xf32>,
        tpu.vector_store %arg9[%swap3A, %swap3A_83], %add3A_78 {strides = array<i32>} : memref<200x128xf32, #tpu.memory_space<vmem>>, vector<16xf32>,
        %mul3A_85 = arith.constant 4 : i32
        %mul3A_86 = arith.muli %mul3A_85, %scan3A_64 : i32
        %add3A_87 = arith.constant 0 : i32
        %add3A_88 = arith.addi %mul3A_86, %add3A_87 : i32
        %get3A_89 = arith.index_cast %add3A_88 : i32 to index
        %get3A_90 = arith.constant 16 : index
        %get3A_91 = tpu.vector_load %arg9[%get3A_89, %get3A_90] {strides = array<i32>} : memref<200x128xf32, #tpu.memory_space<vmem>>, vector<16xf32>,
        %mul3A_92 = arith.constant 4 : i32
        %mul3A_93 = arith.muli %mul3A_92, %scan3A_64 : i32
        %add3A_94 = arith.constant 0 : i32
        %add3A_95 = arith.addi %mul3A_93, %add3A_94 : i32
        %get3A_96 = arith.index_cast %add3A_95 : i32 to index
        %get3A_97 = arith.constant 16 : index
        %get3A_98 = tpu.vector_load %arg11[%get3A_96, %get3A_97] {strides = array<i32>} : memref<200x128xf32, #tpu.memory_space<vmem>>, vector<16xf32>,
        %add3A_99 = arith.addf %get3A_91, %get3A_98 : vector<16xf32>
        %mul3A_100 = arith.constant 4 : i32
        %mul3A_101 = arith.muli %mul3A_100, %scan3A_64 : i32
        %add3A_102 = arith.constant 0 : i32
        %add3A_103 = arith.addi %mul3A_101, %add3A_102 : i32
        %swap3A_104 = arith.index_cast %add3A_103 : i32 to index
        %swap3A_105 = arith.constant 16 : index
        %swap3A_106 = tpu.vector_load %arg9[%swap3A_104, %swap3A_105] {strides = array<i32>} : memref<200x128xf32, #tpu.memory_space<vmem>>, vector<16xf32>,
        tpu.vector_store %arg9[%swap3A_104, %swap3A_105], %add3A_99 {strides = array<i32>} : memref<200x128xf32, #tpu.memory_space<vmem>>, vector<16xf32>,
        %mul3A_107 = arith.constant 4 : i32
        %mul3A_108 = arith.muli %mul3A_107, %scan3A_64 : i32
        %add3A_109 = arith.constant 0 : i32
        %add3A_110 = arith.addi %mul3A_108, %add3A_109 : i32
        %get3A_111 = arith.index_cast %add3A_110 : i32 to index
        %get3A_112 = arith.constant 32 : index
        %get3A_113 = tpu.vector_load %arg9[%get3A_111, %get3A_112] {strides = array<i32>} : memref<200x128xf32, #tpu.memory_space<vmem>>, vector<16xf32>,
        %mul3A_114 = arith.constant 4 : i32
        %mul3A_115 = arith.muli %mul3A_114, %scan3A_64 : i32
        %add3A_116 = arith.constant 0 : i32
        %add3A_117 = arith.addi %mul3A_115, %add3A_116 : i32
        %get3A_118 = arith.index_cast %add3A_117 : i32 to index
        %get3A_119 = arith.constant 32 : index
        %get3A_120 = tpu.vector_load %arg11[%get3A_118, %get3A_119] {strides = array<i32>} : memref<200x128xf32, #tpu.memory_space<vmem>>, vector<16xf32>,
        %add3A_121 = arith.addf %get3A_113, %get3A_120 : vector<16xf32>
        %mul3A_122 = arith.constant 4 : i32
        %mul3A_123 = arith.muli %mul3A_122, %scan3A_64 : i32
        %add3A_124 = arith.constant 0 : i32
        %add3A_125 = arith.addi %mul3A_123, %add3A_124 : i32
        %swap3A_126 = arith.index_cast %add3A_125 : i32 to index
        %swap3A_127 = arith.constant 32 : index
        %swap3A_128 = tpu.vector_load %arg9[%swap3A_126, %swap3A_127] {strides = array<i32>} : memref<200x128xf32, #tpu.memory_space<vmem>>, vector<16xf32>,
        tpu.vector_store %arg9[%swap3A_126, %swap3A_127], %add3A_121 {strides = array<i32>} : memref<200x128xf32, #tpu.memory_space<vmem>>, vector<16xf32>,
        %mul3A_129 = arith.constant 4 : i32
        %mul3A_130 = arith.muli %mul3A_129, %scan3A_64 : i32
        %add3A_131 = arith.constant 0 : i32
        %add3A_132 = arith.addi %mul3A_130, %add3A_131 : i32
        %get3A_133 = arith.index_cast %add3A_132 : i32 to index
        %get3A_134 = arith.constant 48 : index
        %get3A_135 = tpu.vector_load %arg9[%get3A_133, %get3A_134] {strides = array<i32>} : memref<200x128xf32, #tpu.memory_space<vmem>>, vector<16xf32>,
        %mul3A_136 = arith.constant 4 : i32
        %mul3A_137 = arith.muli %mul3A_136, %scan3A_64 : i32
        %add3A_138 = arith.constant 0 : i32
        %add3A_139 = arith.addi %mul3A_137, %add3A_138 : i32
        %get3A_140 = arith.index_cast %add3A_139 : i32 to index
        %get3A_141 = arith.constant 48 : index
        %get3A_142 = tpu.vector_load %arg11[%get3A_140, %get3A_141] {strides = array<i32>} : memref<200x128xf32, #tpu.memory_space<vmem>>, vector<16xf32>,
        %add3A_143 = arith.addf %get3A_135, %get3A_142 : vector<16xf32>
        %mul3A_144 = arith.constant 4 : i32
        %mul3A_145 = arith.muli %mul3A_144, %scan3A_64 : i32
        %add3A_146 = arith.constant 0 : i32
        %add3A_147 = arith.addi %mul3A_145, %add3A_146 : i32
        %swap3A_148 = arith.index_cast %add3A_147 : i32 to index
        %swap3A_149 = arith.constant 48 : index
        %swap3A_150 = tpu.vector_load %arg9[%swap3A_148, %swap3A_149] {strides = array<i32>} : memref<200x128xf32, #tpu.memory_space<vmem>>, vector<16xf32>,
        tpu.vector_store %arg9[%swap3A_148, %swap3A_149], %add3A_143 {strides = array<i32>} : memref<200x128xf32, #tpu.memory_space<vmem>>, vector<16xf32>,
        %mul3A_151 = arith.constant 4 : i32
        %mul3A_152 = arith.muli %mul3A_151, %scan3A_64 : i32
        %add3A_153 = arith.constant 0 : i32
        %add3A_154 = arith.addi %mul3A_152, %add3A_153 : i32
        %get3A_155 = arith.index_cast %add3A_154 : i32 to index
        %get3A_156 = arith.constant 64 : index
        %get3A_157 = tpu.vector_load %arg9[%get3A_155, %get3A_156] {strides = array<i32>} : memref<200x128xf32, #tpu.memory_space<vmem>>, vector<16xf32>,
        %mul3A_158 = arith.constant 4 : i32
        %mul3A_159 = arith.muli %mul3A_158, %scan3A_64 : i32
        %add3A_160 = arith.constant 0 : i32
        %add3A_161 = arith.addi %mul3A_159, %add3A_160 : i32
        %get3A_162 = arith.index_cast %add3A_161 : i32 to index
        %get3A_163 = arith.constant 64 : index
        %get3A_164 = tpu.vector_load %arg11[%get3A_162, %get3A_163] {strides = array<i32>} : memref<200x128xf32, #tpu.memory_space<vmem>>, vector<16xf32>,
        %add3A_165 = arith.addf %get3A_157, %get3A_164 : vector<16xf32>
        %mul3A_166 = arith.constant 4 : i32
        %mul3A_167 = arith.muli %mul3A_166, %scan3A_64 : i32
        %add3A_168 = arith.constant 0 : i32
        %add3A_169 = arith.addi %mul3A_167, %add3A_168 : i32
        %swap3A_170 = arith.index_cast %add3A_169 : i32 to index
        %swap3A_171 = arith.constant 64 : index
        %swap3A_172 = tpu.vector_load %arg9[%swap3A_170, %swap3A_171] {strides = array<i32>} : memref<200x128xf32, #tpu.memory_space<vmem>>, vector<16xf32>,
        tpu.vector_store %arg9[%swap3A_170, %swap3A_171], %add3A_165 {strides = array<i32>} : memref<200x128xf32, #tpu.memory_space<vmem>>, vector<16xf32>,
        %mul3A_173 = arith.constant 4 : i32
        %mul3A_174 = arith.muli %mul3A_173, %scan3A_64 : i32
        %add3A_175 = arith.constant 0 : i32
        %add3A_176 = arith.addi %mul3A_174, %add3A_175 : i32
        %get3A_177 = arith.index_cast %add3A_176 : i32 to index
        %get3A_178 = arith.constant 80 : index
        %get3A_179 = tpu.vector_load %arg9[%get3A_177, %get3A_178] {strides = array<i32>} : memref<200x128xf32, #tpu.memory_space<vmem>>, vector<16xf32>,
        %mul3A_180 = arith.constant 4 : i32
        %mul3A_181 = arith.muli %mul3A_180, %scan3A_64 : i32
        %add3A_182 = arith.constant 0 : i32
        %add3A_183 = arith.addi %mul3A_181, %add3A_182 : i32
        %get3A_184 = arith.index_cast %add3A_183 : i32 to index
        %get3A_185 = arith.constant 80 : index
        %get3A_186 = tpu.vector_load %arg11[%get3A_184, %get3A_185] {strides = array<i32>} : memref<200x128xf32, #tpu.memory_space<vmem>>, vector<16xf32>,
        %add3A_187 = arith.addf %get3A_179, %get3A_186 : vector<16xf32>
        %mul3A_188 = arith.constant 4 : i32
        %mul3A_189 = arith.muli %mul3A_188, %scan3A_64 : i32
        %add3A_190 = arith.constant 0 : i32
        %add3A_191 = arith.addi %mul3A_189, %add3A_190 : i32
        %swap3A_192 = arith.index_cast %add3A_191 : i32 to index
        %swap3A_193 = arith.constant 80 : index
        %swap3A_194 = tpu.vector_load %arg9[%swap3A_192, %swap3A_193] {strides = array<i32>} : memref<200x128xf32, #tpu.memory_space<vmem>>, vector<16xf32>,
        tpu.vector_store %arg9[%swap3A_192, %swap3A_193], %add3A_187 {strides = array<i32>} : memref<200x128xf32, #tpu.memory_space<vmem>>, vector<16xf32>,
        %mul3A_195 = arith.constant 4 : i32
        %mul3A_196 = arith.muli %mul3A_195, %scan3A_64 : i32
        %add3A_197 = arith.constant 0 : i32
        %add3A_198 = arith.addi %mul3A_196, %add3A_197 : i32
        %get3A_199 = arith.index_cast %add3A_198 : i32 to index
        %get3A_200 = arith.constant 96 : index
        %get3A_201 = tpu.vector_load %arg9[%get3A_199, %get3A_200] {strides = array<i32>} : memref<200x128xf32, #tpu.memory_space<vmem>>, vector<16xf32>,
        %mul3A_202 = arith.constant 4 : i32
        %mul3A_203 = arith.muli %mul3A_202, %scan3A_64 : i32
        %add3A_204 = arith.constant 0 : i32
        %add3A_205 = arith.addi %mul3A_203, %add3A_204 : i32
        %get3A_206 = arith.index_cast %add3A_205 : i32 to index
        %get3A_207 = arith.constant 96 : index
        %get3A_208 = tpu.vector_load %arg11[%get3A_206, %get3A_207] {strides = array<i32>} : memref<200x128xf32, #tpu.memory_space<vmem>>, vector<16xf32>,
        %add3A_209 = arith.addf %get3A_201, %get3A_208 : vector<16xf32>
        %mul3A_210 = arith.constant 4 : i32
        %mul3A_211 = arith.muli %mul3A_210, %scan3A_64 : i32
        %add3A_212 = arith.constant 0 : i32
        %add3A_213 = arith.addi %mul3A_211, %add3A_212 : i32
        %swap3A_214 = arith.index_cast %add3A_213 : i32 to index
        %swap3A_215 = arith.constant 96 : index
        %swap3A_216 = tpu.vector_load %arg9[%swap3A_214, %swap3A_215] {strides = array<i32>} : memref<200x128xf32, #tpu.memory_space<vmem>>, vector<16xf32>,
        tpu.vector_store %arg9[%swap3A_214, %swap3A_215], %add3A_209 {strides = array<i32>} : memref<200x128xf32, #tpu.memory_space<vmem>>, vector<16xf32>,
        %mul3A_217 = arith.constant 4 : i32
        %mul3A_218 = arith.muli %mul3A_217, %scan3A_64 : i32
        %add3A_219 = arith.constant 0 : i32
        %add3A_220 = arith.addi %mul3A_218, %add3A_219 : i32
        %get3A_221 = arith.index_cast %add3A_220 : i32 to index
        %get3A_222 = arith.constant 112 : index
        %get3A_223 = tpu.vector_load %arg9[%get3A_221, %get3A_222] {strides = array<i32>} : memref<200x128xf32, #tpu.memory_space<vmem>>, vector<16xf32>,
        %mul3A_224 = arith.constant 4 : i32
        %mul3A_225 = arith.muli %mul3A_224, %scan3A_64 : i32
        %add3A_226 = arith.constant 0 : i32
        %add3A_227 = arith.addi %mul3A_225, %add3A_226 : i32
        %get3A_228 = arith.index_cast %add3A_227 : i32 to index
        %get3A_229 = arith.constant 112 : index
        %get3A_230 = tpu.vector_load %arg11[%get3A_228, %get3A_229] {strides = array<i32>} : memref<200x128xf32, #tpu.memory_space<vmem>>, vector<16xf32>,
        %add3A_231 = arith.addf %get3A_223, %get3A_230 : vector<16xf32>
        %mul3A_232 = arith.constant 4 : i32
        %mul3A_233 = arith.muli %mul3A_232, %scan3A_64 : i32
        %add3A_234 = arith.constant 0 : i32
        %add3A_235 = arith.addi %mul3A_233, %add3A_234 : i32
        %swap3A_236 = arith.index_cast %add3A_235 : i32 to index
        %swap3A_237 = arith.constant 112 : index
        %swap3A_238 = tpu.vector_load %arg9[%swap3A_236, %swap3A_237] {strides = array<i32>} : memref<200x128xf32, #tpu.memory_space<vmem>>, vector<16xf32>,
        tpu.vector_store %arg9[%swap3A_236, %swap3A_237], %add3A_231 {strides = array<i32>} : memref<200x128xf32, #tpu.memory_space<vmem>>, vector<16xf32>,
        %mul3A_239 = arith.constant 4 : i32
        %mul3A_240 = arith.muli %mul3A_239, %scan3A_64 : i32
        %add3A_241 = arith.constant 1 : i32
        %add3A_242 = arith.addi %mul3A_240, %add3A_241 : i32
        %get3A_243 = arith.index_cast %add3A_242 : i32 to index
        %get3A_244 = arith.constant 0 : index
        %get3A_245 = tpu.vector_load %arg9[%get3A_243, %get3A_244] {strides = array<i32>} : memref<200x128xf32, #tpu.memory_space<vmem>>, vector<16xf32>,
        %mul3A_246 = arith.constant 4 : i32
        %mul3A_247 = arith.muli %mul3A_246, %scan3A_64 : i32
        %add3A_248 = arith.constant 1 : i32
        %add3A_249 = arith.addi %mul3A_247, %add3A_248 : i32
        %get3A_250 = arith.index_cast %add3A_249 : i32 to index
        %get3A_251 = arith.constant 0 : index
        %get3A_252 = tpu.vector_load %arg11[%get3A_250, %get3A_251] {strides = array<i32>} : memref<200x128xf32, #tpu.memory_space<vmem>>, vector<16xf32>,
        %add3A_253 = arith.addf %get3A_245, %get3A_252 : vector<16xf32>
        %mul3A_254 = arith.constant 4 : i32
        %mul3A_255 = arith.muli %mul3A_254, %scan3A_64 : i32
        %add3A_256 = arith.constant 1 : i32
        %add3A_257 = arith.addi %mul3A_255, %add3A_256 : i32
        %swap3A_258 = arith.index_cast %add3A_257 : i32 to index
        %swap3A_259 = arith.constant 0 : index
        %swap3A_260 = tpu.vector_load %arg9[%swap3A_258, %swap3A_259] {strides = array<i32>} : memref<200x128xf32, #tpu.memory_space<vmem>>, vector<16xf32>,
        tpu.vector_store %arg9[%swap3A_258, %swap3A_259], %add3A_253 {strides = array<i32>} : memref<200x128xf32, #tpu.memory_space<vmem>>, vector<16xf32>,
        %mul3A_261 = arith.constant 4 : i32
        %mul3A_262 = arith.muli %mul3A_261, %scan3A_64 : i32
        %add3A_263 = arith.constant 1 : i32
        %add3A_264 = arith.addi %mul3A_262, %add3A_263 : i32
        %get3A_265 = arith.index_cast %add3A_264 : i32 to index
        %get3A_266 = arith.constant 16 : index
        %get3A_267 = tpu.vector_load %arg9[%get3A_265, %get3A_266] {strides = array<i32>} : memref<200x128xf32, #tpu.memory_space<vmem>>, vector<16xf32>,
        %mul3A_268 = arith.constant 4 : i32
        %mul3A_269 = arith.muli %mul3A_268, %scan3A_64 : i32
        %add3A_270 = arith.constant 1 : i32
        %add3A_271 = arith.addi %mul3A_269, %add3A_270 : i32
        %get3A_272 = arith.index_cast %add3A_271 : i32 to index
        %get3A_273 = arith.constant 16 : index
        %get3A_274 = tpu.vector_load %arg11[%get3A_272, %get3A_273] {strides = array<i32>} : memref<200x128xf32, #tpu.memory_space<vmem>>, vector<16xf32>,
        %add3A_275 = arith.addf %get3A_267, %get3A_274 : vector<16xf32>
        %mul3A_276 = arith.constant 4 : i32
        %mul3A_277 = arith.muli %mul3A_276, %scan3A_64 : i32
        %add3A_278 = arith.constant 1 : i32
        %add3A_279 = arith.addi %mul3A_277, %add3A_278 : i32
        %swap3A_280 = arith.index_cast %add3A_279 : i32 to index
        %swap3A_281 = arith.constant 16 : index
        %swap3A_282 = tpu.vector_load %arg9[%swap3A_280, %swap3A_281] {strides = array<i32>} : memref<200x128xf32, #tpu.memory_space<vmem>>, vector<16xf32>,
        tpu.vector_store %arg9[%swap3A_280, %swap3A_281], %add3A_275 {strides = array<i32>} : memref<200x128xf32, #tpu.memory_space<vmem>>, vector<16xf32>,
        %mul3A_283 = arith.constant 4 : i32
        %mul3A_284 = arith.muli %mul3A_283, %scan3A_64 : i32
        %add3A_285 = arith.constant 1 : i32
        %add3A_286 = arith.addi %mul3A_284, %add3A_285 : i32
        %get3A_287 = arith.index_cast %add3A_286 : i32 to index
        %get3A_288 = arith.constant 32 : index
        %get3A_289 = tpu.vector_load %arg9[%get3A_287, %get3A_288] {strides = array<i32>} : memref<200x128xf32, #tpu.memory_space<vmem>>, vector<16xf32>,
        %mul3A_290 = arith.constant 4 : i32
        %mul3A_291 = arith.muli %mul3A_290, %scan3A_64 : i32
        %add3A_292 = arith.constant 1 : i32
        %add3A_293 = arith.addi %mul3A_291, %add3A_292 : i32
        %get3A_294 = arith.index_cast %add3A_293 : i32 to index
        %get3A_295 = arith.constant 32 : index
        %get3A_296 = tpu.vector_load %arg11[%get3A_294, %get3A_295] {strides = array<i32>} : memref<200x128xf32, #tpu.memory_space<vmem>>, vector<16xf32>,
        %add3A_297 = arith.addf %get3A_289, %get3A_296 : vector<16xf32>
        %mul3A_298 = arith.constant 4 : i32
        %mul3A_299 = arith.muli %mul3A_298, %scan3A_64 : i32
        %add3A_300 = arith.constant 1 : i32
        %add3A_301 = arith.addi %mul3A_299, %add3A_300 : i32
        %swap3A_302 = arith.index_cast %add3A_301 : i32 to index
        %swap3A_303 = arith.constant 32 : index
        %swap3A_304 = tpu.vector_load %arg9[%swap3A_302, %swap3A_303] {strides = array<i32>} : memref<200x128xf32, #tpu.memory_space<vmem>>, vector<16xf32>,
        tpu.vector_store %arg9[%swap3A_302, %swap3A_303], %add3A_297 {strides = array<i32>} : memref<200x128xf32, #tpu.memory_space<vmem>>, vector<16xf32>,
        %mul3A_305 = arith.constant 4 : i32
        %mul3A_306 = arith.muli %mul3A_305, %scan3A_64 : i32
        %add3A_307 = arith.constant 1 : i32
        %add3A_308 = arith.addi %mul3A_306, %add3A_307 : i32
        %get3A_309 = arith.index_cast %add3A_308 : i32 to index
        %get3A_310 = arith.constant 48 : index
        %get3A_311 = tpu.vector_load %arg9[%get3A_309, %get3A_310] {strides = array<i32>} : memref<200x128xf32, #tpu.memory_space<vmem>>, vector<16xf32>,
        %mul3A_312 = arith.constant 4 : i32
        %mul3A_313 = arith.muli %mul3A_312, %scan3A_64 : i32
        %add3A_314 = arith.constant 1 : i32
        %add3A_315 = arith.addi %mul3A_313, %add3A_314 : i32
        %get3A_316 = arith.index_cast %add3A_315 : i32 to index
        %get3A_317 = arith.constant 48 : index
        %get3A_318 = tpu.vector_load %arg11[%get3A_316, %get3A_317] {strides = array<i32>} : memref<200x128xf32, #tpu.memory_space<vmem>>, vector<16xf32>,
        %add3A_319 = arith.addf %get3A_311, %get3A_318 : vector<16xf32>
        %mul3A_320 = arith.constant 4 : i32
        %mul3A_321 = arith.muli %mul3A_320, %scan3A_64 : i32
        %add3A_322 = arith.constant 1 : i32
        %add3A_323 = arith.addi %mul3A_321, %add3A_322 : i32
        %swap3A_324 = arith.index_cast %add3A_323 : i32 to index
        %swap3A_325 = arith.constant 48 : index
        %swap3A_326 = tpu.vector_load %arg9[%swap3A_324, %swap3A_325] {strides = array<i32>} : memref<200x128xf32, #tpu.memory_space<vmem>>, vector<16xf32>,
        tpu.vector_store %arg9[%swap3A_324, %swap3A_325], %add3A_319 {strides = array<i32>} : memref<200x128xf32, #tpu.memory_space<vmem>>, vector<16xf32>,
        %mul3A_327 = arith.constant 4 : i32
        %mul3A_328 = arith.muli %mul3A_327, %scan3A_64 : i32
        %add3A_329 = arith.constant 1 : i32
        %add3A_330 = arith.addi %mul3A_328, %add3A_329 : i32
        %get3A_331 = arith.index_cast %add3A_330 : i32 to index
        %get3A_332 = arith.constant 64 : index
        %get3A_333 = tpu.vector_load %arg9[%get3A_331, %get3A_332] {strides = array<i32>} : memref<200x128xf32, #tpu.memory_space<vmem>>, vector<16xf32>,
        %mul3A_334 = arith.constant 4 : i32
        %mul3A_335 = arith.muli %mul3A_334, %scan3A_64 : i32
        %add3A_336 = arith.constant 1 : i32
        %add3A_337 = arith.addi %mul3A_335, %add3A_336 : i32
        %get3A_338 = arith.index_cast %add3A_337 : i32 to index
        %get3A_339 = arith.constant 64 : index
        %get3A_340 = tpu.vector_load %arg11[%get3A_338, %get3A_339] {strides = array<i32>} : memref<200x128xf32, #tpu.memory_space<vmem>>, vector<16xf32>,
        %add3A_341 = arith.addf %get3A_333, %get3A_340 : vector<16xf32>
        %mul3A_342 = arith.constant 4 : i32
        %mul3A_343 = arith.muli %mul3A_342, %scan3A_64 : i32
        %add3A_344 = arith.constant 1 : i32
        %add3A_345 = arith.addi %mul3A_343, %add3A_344 : i32
        %swap3A_346 = arith.index_cast %add3A_345 : i32 to index
        %swap3A_347 = arith.constant 64 : index
        %swap3A_348 = tpu.vector_load %arg9[%swap3A_346, %swap3A_347] {strides = array<i32>} : memref<200x128xf32, #tpu.memory_space<vmem>>, vector<16xf32>,
        tpu.vector_store %arg9[%swap3A_346, %swap3A_347], %add3A_341 {strides = array<i32>} : memref<200x128xf32, #tpu.memory_space<vmem>>, vector<16xf32>,
        %mul3A_349 = arith.constant 4 : i32
        %mul3A_350 = arith.muli %mul3A_349, %scan3A_64 : i32
        %add3A_351 = arith.constant 1 : i32
        %add3A_352 = arith.addi %mul3A_350, %add3A_351 : i32
        %get3A_353 = arith.index_cast %add3A_352 : i32 to index
        %get3A_354 = arith.constant 80 : index
        %get3A_355 = tpu.vector_load %arg9[%get3A_353, %get3A_354] {strides = array<i32>} : memref<200x128xf32, #tpu.memory_space<vmem>>, vector<16xf32>,
        %mul3A_356 = arith.constant 4 : i32
        %mul3A_357 = arith.muli %mul3A_356, %scan3A_64 : i32
        %add3A_358 = arith.constant 1 : i32
        %add3A_359 = arith.addi %mul3A_357, %add3A_358 : i32
        %get3A_360 = arith.index_cast %add3A_359 : i32 to index
        %get3A_361 = arith.constant 80 : index
        %get3A_362 = tpu.vector_load %arg11[%get3A_360, %get3A_361] {strides = array<i32>} : memref<200x128xf32, #tpu.memory_space<vmem>>, vector<16xf32>,
        %add3A_363 = arith.addf %get3A_355, %get3A_362 : vector<16xf32>
        %mul3A_364 = arith.constant 4 : i32
        %mul3A_365 = arith.muli %mul3A_364, %scan3A_64 : i32
        %add3A_366 = arith.constant 1 : i32
        %add3A_367 = arith.addi %mul3A_365, %add3A_366 : i32
        %swap3A_368 = arith.index_cast %add3A_367 : i32 to index
        %swap3A_369 = arith.constant 80 : index
        %swap3A_370 = tpu.vector_load %arg9[%swap3A_368, %swap3A_369] {strides = array<i32>} : memref<200x128xf32, #tpu.memory_space<vmem>>, vector<16xf32>,
        tpu.vector_store %arg9[%swap3A_368, %swap3A_369], %add3A_363 {strides = array<i32>} : memref<200x128xf32, #tpu.memory_space<vmem>>, vector<16xf32>,
        %mul3A_371 = arith.constant 4 : i32
        %mul3A_372 = arith.muli %mul3A_371, %scan3A_64 : i32
        %add3A_373 = arith.constant 1 : i32
        %add3A_374 = arith.addi %mul3A_372, %add3A_373 : i32
        %get3A_375 = arith.index_cast %add3A_374 : i32 to index
        %get3A_376 = arith.constant 96 : index
        %get3A_377 = tpu.vector_load %arg9[%get3A_375, %get3A_376] {strides = array<i32>} : memref<200x128xf32, #tpu.memory_space<vmem>>, vector<16xf32>,
        %mul3A_378 = arith.constant 4 : i32
        %mul3A_379 = arith.muli %mul3A_378, %scan3A_64 : i32
        %add3A_380 = arith.constant 1 : i32
        %add3A_381 = arith.addi %mul3A_379, %add3A_380 : i32
        %get3A_382 = arith.index_cast %add3A_381 : i32 to index
        %get3A_383 = arith.constant 96 : index
        %get3A_384 = tpu.vector_load %arg11[%get3A_382, %get3A_383] {strides = array<i32>} : memref<200x128xf32, #tpu.memory_space<vmem>>, vector<16xf32>,
        %add3A_385 = arith.addf %get3A_377, %get3A_384 : vector<16xf32>
        %mul3A_386 = arith.constant 4 : i32
        %mul3A_387 = arith.muli %mul3A_386, %scan3A_64 : i32
        %add3A_388 = arith.constant 1 : i32
        %add3A_389 = arith.addi %mul3A_387, %add3A_388 : i32
        %swap3A_390 = arith.index_cast %add3A_389 : i32 to index
        %swap3A_391 = arith.constant 96 : index
        %swap3A_392 = tpu.vector_load %arg9[%swap3A_390, %swap3A_391] {strides = array<i32>} : memref<200x128xf32, #tpu.memory_space<vmem>>, vector<16xf32>,
        tpu.vector_store %arg9[%swap3A_390, %swap3A_391], %add3A_385 {strides = array<i32>} : memref<200x128xf32, #tpu.memory_space<vmem>>, vector<16xf32>,
        %mul3A_393 = arith.constant 4 : i32
        %mul3A_394 = arith.muli %mul3A_393, %scan3A_64 : i32
        %add3A_395 = arith.constant 1 : i32
        %add3A_396 = arith.addi %mul3A_394, %add3A_395 : i32
        %get3A_397 = arith.index_cast %add3A_396 : i32 to index
        %get3A_398 = arith.constant 112 : index
        %get3A_399 = tpu.vector_load %arg9[%get3A_397, %get3A_398] {strides = array<i32>} : memref<200x128xf32, #tpu.memory_space<vmem>>, vector<16xf32>,
        %mul3A_400 = arith.constant 4 : i32
        %mul3A_401 = arith.muli %mul3A_400, %scan3A_64 : i32
        %add3A_402 = arith.constant 1 : i32
        %add3A_403 = arith.addi %mul3A_401, %add3A_402 : i32
        %get3A_404 = arith.index_cast %add3A_403 : i32 to index
        %get3A_405 = arith.constant 112 : index
        %get3A_406 = tpu.vector_load %arg11[%get3A_404, %get3A_405] {strides = array<i32>} : memref<200x128xf32, #tpu.memory_space<vmem>>, vector<16xf32>,
        %add3A_407 = arith.addf %get3A_399, %get3A_406 : vector<16xf32>
        %mul3A_408 = arith.constant 4 : i32
        %mul3A_409 = arith.muli %mul3A_408, %scan3A_64 : i32
        %add3A_410 = arith.constant 1 : i32
        %add3A_411 = arith.addi %mul3A_409, %add3A_410 : i32
        %swap3A_412 = arith.index_cast %add3A_411 : i32 to index
        %swap3A_413 = arith.constant 112 : index
        %swap3A_414 = tpu.vector_load %arg9[%swap3A_412, %swap3A_413] {strides = array<i32>} : memref<200x128xf32, #tpu.memory_space<vmem>>, vector<16xf32>,
        tpu.vector_store %arg9[%swap3A_412, %swap3A_413], %add3A_407 {strides = array<i32>} : memref<200x128xf32, #tpu.memory_space<vmem>>, vector<16xf32>,
        %mul3A_415 = arith.constant 4 : i32
        %mul3A_416 = arith.muli %mul3A_415, %scan3A_64 : i32
        %add3A_417 = arith.constant 2 : i32
        %add3A_418 = arith.addi %mul3A_416, %add3A_417 : i32
        %get3A_419 = arith.index_cast %add3A_418 : i32 to index
        %get3A_420 = arith.constant 0 : index
        %get3A_421 = tpu.vector_load %arg9[%get3A_419, %get3A_420] {strides = array<i32>} : memref<200x128xf32, #tpu.memory_space<vmem>>, vector<16xf32>,
        %mul3A_422 = arith.constant 4 : i32
        %mul3A_423 = arith.muli %mul3A_422, %scan3A_64 : i32
        %add3A_424 = arith.constant 2 : i32
        %add3A_425 = arith.addi %mul3A_423, %add3A_424 : i32
        %get3A_426 = arith.index_cast %add3A_425 : i32 to index
        %get3A_427 = arith.constant 0 : index
        %get3A_428 = tpu.vector_load %arg11[%get3A_426, %get3A_427] {strides = array<i32>} : memref<200x128xf32, #tpu.memory_space<vmem>>, vector<16xf32>,
        %add3A_429 = arith.addf %get3A_421, %get3A_428 : vector<16xf32>
        %mul3A_430 = arith.constant 4 : i32
        %mul3A_431 = arith.muli %mul3A_430, %scan3A_64 : i32
        %add3A_432 = arith.constant 2 : i32
        %add3A_433 = arith.addi %mul3A_431, %add3A_432 : i32
        %swap3A_434 = arith.index_cast %add3A_433 : i32 to index
        %swap3A_435 = arith.constant 0 : index
        %swap3A_436 = tpu.vector_load %arg9[%swap3A_434, %swap3A_435] {strides = array<i32>} : memref<200x128xf32, #tpu.memory_space<vmem>>, vector<16xf32>,
        tpu.vector_store %arg9[%swap3A_434, %swap3A_435], %add3A_429 {strides = array<i32>} : memref<200x128xf32, #tpu.memory_space<vmem>>, vector<16xf32>,
        %mul3A_437 = arith.constant 4 : i32
        %mul3A_438 = arith.muli %mul3A_437, %scan3A_64 : i32
        %add3A_439 = arith.constant 2 : i32
        %add3A_440 = arith.addi %mul3A_438, %add3A_439 : i32
        %get3A_441 = arith.index_cast %add3A_440 : i32 to index
        %get3A_442 = arith.constant 16 : index
        %get3A_443 = tpu.vector_load %arg9[%get3A_441, %get3A_442] {strides = array<i32>} : memref<200x128xf32, #tpu.memory_space<vmem>>, vector<16xf32>,
        %mul3A_444 = arith.constant 4 : i32
        %mul3A_445 = arith.muli %mul3A_444, %scan3A_64 : i32
        %add3A_446 = arith.constant 2 : i32
        %add3A_447 = arith.addi %mul3A_445, %add3A_446 : i32
        %get3A_448 = arith.index_cast %add3A_447 : i32 to index
        %get3A_449 = arith.constant 16 : index
        %get3A_450 = tpu.vector_load %arg11[%get3A_448, %get3A_449] {strides = array<i32>} : memref<200x128xf32, #tpu.memory_space<vmem>>, vector<16xf32>,
        %add3A_451 = arith.addf %get3A_443, %get3A_450 : vector<16xf32>
        %mul3A_452 = arith.constant 4 : i32
        %mul3A_453 = arith.muli %mul3A_452, %scan3A_64 : i32
        %add3A_454 = arith.constant 2 : i32
        %add3A_455 = arith.addi %mul3A_453, %add3A_454 : i32
        %swap3A_456 = arith.index_cast %add3A_455 : i32 to index
        %swap3A_457 = arith.constant 16 : index
        %swap3A_458 = tpu.vector_load %arg9[%swap3A_456, %swap3A_457] {strides = array<i32>} : memref<200x128xf32, #tpu.memory_space<vmem>>, vector<16xf32>,
        tpu.vector_store %arg9[%swap3A_456, %swap3A_457], %add3A_451 {strides = array<i32>} : memref<200x128xf32, #tpu.memory_space<vmem>>, vector<16xf32>,
        %mul3A_459 = arith.constant 4 : i32
        %mul3A_460 = arith.muli %mul3A_459, %scan3A_64 : i32
        %add3A_461 = arith.constant 2 : i32
        %add3A_462 = arith.addi %mul3A_460, %add3A_461 : i32
        %get3A_463 = arith.index_cast %add3A_462 : i32 to index
        %get3A_464 = arith.constant 32 : index
        %get3A_465 = tpu.vector_load %arg9[%get3A_463, %get3A_464] {strides = array<i32>} : memref<200x128xf32, #tpu.memory_space<vmem>>, vector<16xf32>,
        %mul3A_466 = arith.constant 4 : i32
        %mul3A_467 = arith.muli %mul3A_466, %scan3A_64 : i32
        %add3A_468 = arith.constant 2 : i32
        %add3A_469 = arith.addi %mul3A_467, %add3A_468 : i32
        %get3A_470 = arith.index_cast %add3A_469 : i32 to index
        %get3A_471 = arith.constant 32 : index
        %get3A_472 = tpu.vector_load %arg11[%get3A_470, %get3A_471] {strides = array<i32>} : memref<200x128xf32, #tpu.memory_space<vmem>>, vector<16xf32>,
        %add3A_473 = arith.addf %get3A_465, %get3A_472 : vector<16xf32>
        %mul3A_474 = arith.constant 4 : i32
        %mul3A_475 = arith.muli %mul3A_474, %scan3A_64 : i32
        %add3A_476 = arith.constant 2 : i32
        %add3A_477 = arith.addi %mul3A_475, %add3A_476 : i32
        %swap3A_478 = arith.index_cast %add3A_477 : i32 to index
        %swap3A_479 = arith.constant 32 : index
        %swap3A_480 = tpu.vector_load %arg9[%swap3A_478, %swap3A_479] {strides = array<i32>} : memref<200x128xf32, #tpu.memory_space<vmem>>, vector<16xf32>,
        tpu.vector_store %arg9[%swap3A_478, %swap3A_479], %add3A_473 {strides = array<i32>} : memref<200x128xf32, #tpu.memory_space<vmem>>, vector<16xf32>,
        %mul3A_481 = arith.constant 4 : i32
        %mul3A_482 = arith.muli %mul3A_481, %scan3A_64 : i32
        %add3A_483 = arith.constant 2 : i32
        %add3A_484 = arith.addi %mul3A_482, %add3A_483 : i32
        %get3A_485 = arith.index_cast %add3A_484 : i32 to index
        %get3A_486 = arith.constant 48 : index
        %get3A_487 = tpu.vector_load %arg9[%get3A_485, %get3A_486] {strides = array<i32>} : memref<200x128xf32, #tpu.memory_space<vmem>>, vector<16xf32>,
        %mul3A_488 = arith.constant 4 : i32
        %mul3A_489 = arith.muli %mul3A_488, %scan3A_64 : i32
        %add3A_490 = arith.constant 2 : i32
        %add3A_491 = arith.addi %mul3A_489, %add3A_490 : i32
        %get3A_492 = arith.index_cast %add3A_491 : i32 to index
        %get3A_493 = arith.constant 48 : index
        %get3A_494 = tpu.vector_load %arg11[%get3A_492, %get3A_493] {strides = array<i32>} : memref<200x128xf32, #tpu.memory_space<vmem>>, vector<16xf32>,
        %add3A_495 = arith.addf %get3A_487, %get3A_494 : vector<16xf32>
        %mul3A_496 = arith.constant 4 : i32
        %mul3A_497 = arith.muli %mul3A_496, %scan3A_64 : i32
        %add3A_498 = arith.constant 2 : i32
        %add3A_499 = arith.addi %mul3A_497, %add3A_498 : i32
        %swap3A_500 = arith.index_cast %add3A_499 : i32 to index
        %swap3A_501 = arith.constant 48 : index
        %swap3A_502 = tpu.vector_load %arg9[%swap3A_500, %swap3A_501] {strides = array<i32>} : memref<200x128xf32, #tpu.memory_space<vmem>>, vector<16xf32>,
        tpu.vector_store %arg9[%swap3A_500, %swap3A_501], %add3A_495 {strides = array<i32>} : memref<200x128xf32, #tpu.memory_space<vmem>>, vector<16xf32>,
        %mul3A_503 = arith.constant 4 : i32
        %mul3A_504 = arith.muli %mul3A_503, %scan3A_64 : i32
        %add3A_505 = arith.constant 2 : i32
        %add3A_506 = arith.addi %mul3A_504, %add3A_505 : i32
        %get3A_507 = arith.index_cast %add3A_506 : i32 to index
        %get3A_508 = arith.constant 64 : index
        %get3A_509 = tpu.vector_load %arg9[%get3A_507, %get3A_508] {strides = array<i32>} : memref<200x128xf32, #tpu.memory_space<vmem>>, vector<16xf32>,
        %mul3A_510 = arith.constant 4 : i32
        %mul3A_511 = arith.muli %mul3A_510, %scan3A_64 : i32
        %add3A_512 = arith.constant 2 : i32
        %add3A_513 = arith.addi %mul3A_511, %add3A_512 : i32
        %get3A_514 = arith.index_cast %add3A_513 : i32 to index
        %get3A_515 = arith.constant 64 : index
        %get3A_516 = tpu.vector_load %arg11[%get3A_514, %get3A_515] {strides = array<i32>} : memref<200x128xf32, #tpu.memory_space<vmem>>, vector<16xf32>,
        %add3A_517 = arith.addf %get3A_509, %get3A_516 : vector<16xf32>
        %mul3A_518 = arith.constant 4 : i32
        %mul3A_519 = arith.muli %mul3A_518, %scan3A_64 : i32
        %add3A_520 = arith.constant 2 : i32
        %add3A_521 = arith.addi %mul3A_519, %add3A_520 : i32
        %swap3A_522 = arith.index_cast %add3A_521 : i32 to index
        %swap3A_523 = arith.constant 64 : index
        %swap3A_524 = tpu.vector_load %arg9[%swap3A_522, %swap3A_523] {strides = array<i32>} : memref<200x128xf32, #tpu.memory_space<vmem>>, vector<16xf32>,
        tpu.vector_store %arg9[%swap3A_522, %swap3A_523], %add3A_517 {strides = array<i32>} : memref<200x128xf32, #tpu.memory_space<vmem>>, vector<16xf32>,
        %mul3A_525 = arith.constant 4 : i32
        %mul3A_526 = arith.muli %mul3A_525, %scan3A_64 : i32
        %add3A_527 = arith.constant 2 : i32
        %add3A_528 = arith.addi %mul3A_526, %add3A_527 : i32
        %get3A_529 = arith.index_cast %add3A_528 : i32 to index
        %get3A_530 = arith.constant 80 : index
        %get3A_531 = tpu.vector_load %arg9[%get3A_529, %get3A_530] {strides = array<i32>} : memref<200x128xf32, #tpu.memory_space<vmem>>, vector<16xf32>,
        %mul3A_532 = arith.constant 4 : i32
        %mul3A_533 = arith.muli %mul3A_532, %scan3A_64 : i32
        %add3A_534 = arith.constant 2 : i32
        %add3A_535 = arith.addi %mul3A_533, %add3A_534 : i32
        %get3A_536 = arith.index_cast %add3A_535 : i32 to index
        %get3A_537 = arith.constant 80 : index
        %get3A_538 = tpu.vector_load %arg11[%get3A_536, %get3A_537] {strides = array<i32>} : memref<200x128xf32, #tpu.memory_space<vmem>>, vector<16xf32>,
        %add3A_539 = arith.addf %get3A_531, %get3A_538 : vector<16xf32>
        %mul3A_540 = arith.constant 4 : i32
        %mul3A_541 = arith.muli %mul3A_540, %scan3A_64 : i32
        %add3A_542 = arith.constant 2 : i32
        %add3A_543 = arith.addi %mul3A_541, %add3A_542 : i32
        %swap3A_544 = arith.index_cast %add3A_543 : i32 to index
        %swap3A_545 = arith.constant 80 : index
        %swap3A_546 = tpu.vector_load %arg9[%swap3A_544, %swap3A_545] {strides = array<i32>} : memref<200x128xf32, #tpu.memory_space<vmem>>, vector<16xf32>,
        tpu.vector_store %arg9[%swap3A_544, %swap3A_545], %add3A_539 {strides = array<i32>} : memref<200x128xf32, #tpu.memory_space<vmem>>, vector<16xf32>,
        %mul3A_547 = arith.constant 4 : i32
        %mul3A_548 = arith.muli %mul3A_547, %scan3A_64 : i32
        %add3A_549 = arith.constant 2 : i32
        %add3A_550 = arith.addi %mul3A_548, %add3A_549 : i32
        %get3A_551 = arith.index_cast %add3A_550 : i32 to index
        %get3A_552 = arith.constant 96 : index
        %get3A_553 = tpu.vector_load %arg9[%get3A_551, %get3A_552] {strides = array<i32>} : memref<200x128xf32, #tpu.memory_space<vmem>>, vector<16xf32>,
        %mul3A_554 = arith.constant 4 : i32
        %mul3A_555 = arith.muli %mul3A_554, %scan3A_64 : i32
        %add3A_556 = arith.constant 2 : i32
        %add3A_557 = arith.addi %mul3A_555, %add3A_556 : i32
        %get3A_558 = arith.index_cast %add3A_557 : i32 to index
        %get3A_559 = arith.constant 96 : index
        %get3A_560 = tpu.vector_load %arg11[%get3A_558, %get3A_559] {strides = array<i32>} : memref<200x128xf32, #tpu.memory_space<vmem>>, vector<16xf32>,
        %add3A_561 = arith.addf %get3A_553, %get3A_560 : vector<16xf32>
        %mul3A_562 = arith.constant 4 : i32
        %mul3A_563 = arith.muli %mul3A_562, %scan3A_64 : i32
        %add3A_564 = arith.constant 2 : i32
        %add3A_565 = arith.addi %mul3A_563, %add3A_564 : i32
        %swap3A_566 = arith.index_cast %add3A_565 : i32 to index
        %swap3A_567 = arith.constant 96 : index
        %swap3A_568 = tpu.vector_load %arg9[%swap3A_566, %swap3A_567] {strides = array<i32>} : memref<200x128xf32, #tpu.memory_space<vmem>>, vector<16xf32>,
        tpu.vector_store %arg9[%swap3A_566, %swap3A_567], %add3A_561 {strides = array<i32>} : memref<200x128xf32, #tpu.memory_space<vmem>>, vector<16xf32>,
        %mul3A_569 = arith.constant 4 : i32
        %mul3A_570 = arith.muli %mul3A_569, %scan3A_64 : i32
        %add3A_571 = arith.constant 2 : i32
        %add3A_572 = arith.addi %mul3A_570, %add3A_571 : i32
        %get3A_573 = arith.index_cast %add3A_572 : i32 to index
        %get3A_574 = arith.constant 112 : index
        %get3A_575 = tpu.vector_load %arg9[%get3A_573, %get3A_574] {strides = array<i32>} : memref<200x128xf32, #tpu.memory_space<vmem>>, vector<16xf32>,
        %mul3A_576 = arith.constant 4 : i32
        %mul3A_577 = arith.muli %mul3A_576, %scan3A_64 : i32
        %add3A_578 = arith.constant 2 : i32
        %add3A_579 = arith.addi %mul3A_577, %add3A_578 : i32
        %get3A_580 = arith.index_cast %add3A_579 : i32 to index
        %get3A_581 = arith.constant 112 : index
        %get3A_582 = tpu.vector_load %arg11[%get3A_580, %get3A_581] {strides = array<i32>} : memref<200x128xf32, #tpu.memory_space<vmem>>, vector<16xf32>,
        %add3A_583 = arith.addf %get3A_575, %get3A_582 : vector<16xf32>
        %mul3A_584 = arith.constant 4 : i32
        %mul3A_585 = arith.muli %mul3A_584, %scan3A_64 : i32
        %add3A_586 = arith.constant 2 : i32
        %add3A_587 = arith.addi %mul3A_585, %add3A_586 : i32
        %swap3A_588 = arith.index_cast %add3A_587 : i32 to index
        %swap3A_589 = arith.constant 112 : index
        %swap3A_590 = tpu.vector_load %arg9[%swap3A_588, %swap3A_589] {strides = array<i32>} : memref<200x128xf32, #tpu.memory_space<vmem>>, vector<16xf32>,
        tpu.vector_store %arg9[%swap3A_588, %swap3A_589], %add3A_583 {strides = array<i32>} : memref<200x128xf32, #tpu.memory_space<vmem>>, vector<16xf32>,
        %mul3A_591 = arith.constant 4 : i32
        %mul3A_592 = arith.muli %mul3A_591, %scan3A_64 : i32
        %add3A_593 = arith.constant 3 : i32
        %add3A_594 = arith.addi %mul3A_592, %add3A_593 : i32
        %get3A_595 = arith.index_cast %add3A_594 : i32 to index
        %get3A_596 = arith.constant 0 : index
        %get3A_597 = tpu.vector_load %arg9[%get3A_595, %get3A_596] {strides = array<i32>} : memref<200x128xf32, #tpu.memory_space<vmem>>, vector<16xf32>,
        %mul3A_598 = arith.constant 4 : i32
        %mul3A_599 = arith.muli %mul3A_598, %scan3A_64 : i32
        %add3A_600 = arith.constant 3 : i32
        %add3A_601 = arith.addi %mul3A_599, %add3A_600 : i32
        %get3A_602 = arith.index_cast %add3A_601 : i32 to index
        %get3A_603 = arith.constant 0 : index
        %get3A_604 = tpu.vector_load %arg11[%get3A_602, %get3A_603] {strides = array<i32>} : memref<200x128xf32, #tpu.memory_space<vmem>>, vector<16xf32>,
        %add3A_605 = arith.addf %get3A_597, %get3A_604 : vector<16xf32>
        %mul3A_606 = arith.constant 4 : i32
        %mul3A_607 = arith.muli %mul3A_606, %scan3A_64 : i32
        %add3A_608 = arith.constant 3 : i32
        %add3A_609 = arith.addi %mul3A_607, %add3A_608 : i32
        %swap3A_610 = arith.index_cast %add3A_609 : i32 to index
        %swap3A_611 = arith.constant 0 : index
        %swap3A_612 = tpu.vector_load %arg9[%swap3A_610, %swap3A_611] {strides = array<i32>} : memref<200x128xf32, #tpu.memory_space<vmem>>, vector<16xf32>,
        tpu.vector_store %arg9[%swap3A_610, %swap3A_611], %add3A_605 {strides = array<i32>} : memref<200x128xf32, #tpu.memory_space<vmem>>, vector<16xf32>,
        %mul3A_613 = arith.constant 4 : i32
        %mul3A_614 = arith.muli %mul3A_613, %scan3A_64 : i32
        %add3A_615 = arith.constant 3 : i32
        %add3A_616 = arith.addi %mul3A_614, %add3A_615 : i32
        %get3A_617 = arith.index_cast %add3A_616 : i32 to index
        %get3A_618 = arith.constant 16 : index
        %get3A_619 = tpu.vector_load %arg9[%get3A_617, %get3A_618] {strides = array<i32>} : memref<200x128xf32, #tpu.memory_space<vmem>>, vector<16xf32>,
        %mul3A_620 = arith.constant 4 : i32
        %mul3A_621 = arith.muli %mul3A_620, %scan3A_64 : i32
        %add3A_622 = arith.constant 3 : i32
        %add3A_623 = arith.addi %mul3A_621, %add3A_622 : i32
        %get3A_624 = arith.index_cast %add3A_623 : i32 to index
        %get3A_625 = arith.constant 16 : index
        %get3A_626 = tpu.vector_load %arg11[%get3A_624, %get3A_625] {strides = array<i32>} : memref<200x128xf32, #tpu.memory_space<vmem>>, vector<16xf32>,
        %add3A_627 = arith.addf %get3A_619, %get3A_626 : vector<16xf32>
        %mul3A_628 = arith.constant 4 : i32
        %mul3A_629 = arith.muli %mul3A_628, %scan3A_64 : i32
        %add3A_630 = arith.constant 3 : i32
        %add3A_631 = arith.addi %mul3A_629, %add3A_630 : i32
        %swap3A_632 = arith.index_cast %add3A_631 : i32 to index
        %swap3A_633 = arith.constant 16 : index
        %swap3A_634 = tpu.vector_load %arg9[%swap3A_632, %swap3A_633] {strides = array<i32>} : memref<200x128xf32, #tpu.memory_space<vmem>>, vector<16xf32>,
        tpu.vector_store %arg9[%swap3A_632, %swap3A_633], %add3A_627 {strides = array<i32>} : memref<200x128xf32, #tpu.memory_space<vmem>>, vector<16xf32>,
        %mul3A_635 = arith.constant 4 : i32
        %mul3A_636 = arith.muli %mul3A_635, %scan3A_64 : i32
        %add3A_637 = arith.constant 3 : i32
        %add3A_638 = arith.addi %mul3A_636, %add3A_637 : i32
        %get3A_639 = arith.index_cast %add3A_638 : i32 to index
        %get3A_640 = arith.constant 32 : index
        %get3A_641 = tpu.vector_load %arg9[%get3A_639, %get3A_640] {strides = array<i32>} : memref<200x128xf32, #tpu.memory_space<vmem>>, vector<16xf32>,
        %mul3A_642 = arith.constant 4 : i32
        %mul3A_643 = arith.muli %mul3A_642, %scan3A_64 : i32
        %add3A_644 = arith.constant 3 : i32
        %add3A_645 = arith.addi %mul3A_643, %add3A_644 : i32
        %get3A_646 = arith.index_cast %add3A_645 : i32 to index
        %get3A_647 = arith.constant 32 : index
        %get3A_648 = tpu.vector_load %arg11[%get3A_646, %get3A_647] {strides = array<i32>} : memref<200x128xf32, #tpu.memory_space<vmem>>, vector<16xf32>,
        %add3A_649 = arith.addf %get3A_641, %get3A_648 : vector<16xf32>
        %mul3A_650 = arith.constant 4 : i32
        %mul3A_651 = arith.muli %mul3A_650, %scan3A_64 : i32
        %add3A_652 = arith.constant 3 : i32
        %add3A_653 = arith.addi %mul3A_651, %add3A_652 : i32
        %swap3A_654 = arith.index_cast %add3A_653 : i32 to index
        %swap3A_655 = arith.constant 32 : index
        %swap3A_656 = tpu.vector_load %arg9[%swap3A_654, %swap3A_655] {strides = array<i32>} : memref<200x128xf32, #tpu.memory_space<vmem>>, vector<16xf32>,
        tpu.vector_store %arg9[%swap3A_654, %swap3A_655], %add3A_649 {strides = array<i32>} : memref<200x128xf32, #tpu.memory_space<vmem>>, vector<16xf32>,
        %mul3A_657 = arith.constant 4 : i32
        %mul3A_658 = arith.muli %mul3A_657, %scan3A_64 : i32
        %add3A_659 = arith.constant 3 : i32
        %add3A_660 = arith.addi %mul3A_658, %add3A_659 : i32
        %get3A_661 = arith.index_cast %add3A_660 : i32 to index
        %get3A_662 = arith.constant 48 : index
        %get3A_663 = tpu.vector_load %arg9[%get3A_661, %get3A_662] {strides = array<i32>} : memref<200x128xf32, #tpu.memory_space<vmem>>, vector<16xf32>,
        %mul3A_664 = arith.constant 4 : i32
        %mul3A_665 = arith.muli %mul3A_664, %scan3A_64 : i32
        %add3A_666 = arith.constant 3 : i32
        %add3A_667 = arith.addi %mul3A_665, %add3A_666 : i32
        %get3A_668 = arith.index_cast %add3A_667 : i32 to index
        %get3A_669 = arith.constant 48 : index
        %get3A_670 = tpu.vector_load %arg11[%get3A_668, %get3A_669] {strides = array<i32>} : memref<200x128xf32, #tpu.memory_space<vmem>>, vector<16xf32>,
        %add3A_671 = arith.addf %get3A_663, %get3A_670 : vector<16xf32>
        %mul3A_672 = arith.constant 4 : i32
        %mul3A_673 = arith.muli %mul3A_672, %scan3A_64 : i32
        %add3A_674 = arith.constant 3 : i32
        %add3A_675 = arith.addi %mul3A_673, %add3A_674 : i32
        %swap3A_676 = arith.index_cast %add3A_675 : i32 to index
        %swap3A_677 = arith.constant 48 : index
        %swap3A_678 = tpu.vector_load %arg9[%swap3A_676, %swap3A_677] {strides = array<i32>} : memref<200x128xf32, #tpu.memory_space<vmem>>, vector<16xf32>,
        tpu.vector_store %arg9[%swap3A_676, %swap3A_677], %add3A_671 {strides = array<i32>} : memref<200x128xf32, #tpu.memory_space<vmem>>, vector<16xf32>,
        %mul3A_679 = arith.constant 4 : i32
        %mul3A_680 = arith.muli %mul3A_679, %scan3A_64 : i32
        %add3A_681 = arith.constant 3 : i32
        %add3A_682 = arith.addi %mul3A_680, %add3A_681 : i32
        %get3A_683 = arith.index_cast %add3A_682 : i32 to index
        %get3A_684 = arith.constant 64 : index
        %get3A_685 = tpu.vector_load %arg9[%get3A_683, %get3A_684] {strides = array<i32>} : memref<200x128xf32, #tpu.memory_space<vmem>>, vector<16xf32>,
        %mul3A_686 = arith.constant 4 : i32
        %mul3A_687 = arith.muli %mul3A_686, %scan3A_64 : i32
        %add3A_688 = arith.constant 3 : i32
        %add3A_689 = arith.addi %mul3A_687, %add3A_688 : i32
        %get3A_690 = arith.index_cast %add3A_689 : i32 to index
        %get3A_691 = arith.constant 64 : index
        %get3A_692 = tpu.vector_load %arg11[%get3A_690, %get3A_691] {strides = array<i32>} : memref<200x128xf32, #tpu.memory_space<vmem>>, vector<16xf32>,
        %add3A_693 = arith.addf %get3A_685, %get3A_692 : vector<16xf32>
        %mul3A_694 = arith.constant 4 : i32
        %mul3A_695 = arith.muli %mul3A_694, %scan3A_64 : i32
        %add3A_696 = arith.constant 3 : i32
        %add3A_697 = arith.addi %mul3A_695, %add3A_696 : i32
        %swap3A_698 = arith.index_cast %add3A_697 : i32 to index
        %swap3A_699 = arith.constant 64 : index
        %swap3A_700 = tpu.vector_load %arg9[%swap3A_698, %swap3A_699] {strides = array<i32>} : memref<200x128xf32, #tpu.memory_space<vmem>>, vector<16xf32>,
        tpu.vector_store %arg9[%swap3A_698, %swap3A_699], %add3A_693 {strides = array<i32>} : memref<200x128xf32, #tpu.memory_space<vmem>>, vector<16xf32>,
        %mul3A_701 = arith.constant 4 : i32
        %mul3A_702 = arith.muli %mul3A_701, %scan3A_64 : i32
        %add3A_703 = arith.constant 3 : i32
        %add3A_704 = arith.addi %mul3A_702, %add3A_703 : i32
        %get3A_705 = arith.index_cast %add3A_704 : i32 to index
        %get3A_706 = arith.constant 80 : index
        %get3A_707 = tpu.vector_load %arg9[%get3A_705, %get3A_706] {strides = array<i32>} : memref<200x128xf32, #tpu.memory_space<vmem>>, vector<16xf32>,
        %mul3A_708 = arith.constant 4 : i32
        %mul3A_709 = arith.muli %mul3A_708, %scan3A_64 : i32
        %add3A_710 = arith.constant 3 : i32
        %add3A_711 = arith.addi %mul3A_709, %add3A_710 : i32
        %get3A_712 = arith.index_cast %add3A_711 : i32 to index
        %get3A_713 = arith.constant 80 : index
        %get3A_714 = tpu.vector_load %arg11[%get3A_712, %get3A_713] {strides = array<i32>} : memref<200x128xf32, #tpu.memory_space<vmem>>, vector<16xf32>,
        %add3A_715 = arith.addf %get3A_707, %get3A_714 : vector<16xf32>
        %mul3A_716 = arith.constant 4 : i32
        %mul3A_717 = arith.muli %mul3A_716, %scan3A_64 : i32
        %add3A_718 = arith.constant 3 : i32
        %add3A_719 = arith.addi %mul3A_717, %add3A_718 : i32
        %swap3A_720 = arith.index_cast %add3A_719 : i32 to index
        %swap3A_721 = arith.constant 80 : index
        %swap3A_722 = tpu.vector_load %arg9[%swap3A_720, %swap3A_721] {strides = array<i32>} : memref<200x128xf32, #tpu.memory_space<vmem>>, vector<16xf32>,
        tpu.vector_store %arg9[%swap3A_720, %swap3A_721], %add3A_715 {strides = array<i32>} : memref<200x128xf32, #tpu.memory_space<vmem>>, vector<16xf32>,
        %mul3A_723 = arith.constant 4 : i32
        %mul3A_724 = arith.muli %mul3A_723, %scan3A_64 : i32
        %add3A_725 = arith.constant 3 : i32
        %add3A_726 = arith.addi %mul3A_724, %add3A_725 : i32
        %get3A_727 = arith.index_cast %add3A_726 : i32 to index
        %get3A_728 = arith.constant 96 : index
        %get3A_729 = tpu.vector_load %arg9[%get3A_727, %get3A_728] {strides = array<i32>} : memref<200x128xf32, #tpu.memory_space<vmem>>, vector<16xf32>,
        %mul3A_730 = arith.constant 4 : i32
        %mul3A_731 = arith.muli %mul3A_730, %scan3A_64 : i32
        %add3A_732 = arith.constant 3 : i32
        %add3A_733 = arith.addi %mul3A_731, %add3A_732 : i32
        %get3A_734 = arith.index_cast %add3A_733 : i32 to index
        %get3A_735 = arith.constant 96 : index
        %get3A_736 = tpu.vector_load %arg11[%get3A_734, %get3A_735] {strides = array<i32>} : memref<200x128xf32, #tpu.memory_space<vmem>>, vector<16xf32>,
        %add3A_737 = arith.addf %get3A_729, %get3A_736 : vector<16xf32>
        %mul3A_738 = arith.constant 4 : i32
        %mul3A_739 = arith.muli %mul3A_738, %scan3A_64 : i32
        %add3A_740 = arith.constant 3 : i32
        %add3A_741 = arith.addi %mul3A_739, %add3A_740 : i32
        %swap3A_742 = arith.index_cast %add3A_741 : i32 to index
        %swap3A_743 = arith.constant 96 : index
        %swap3A_744 = tpu.vector_load %arg9[%swap3A_742, %swap3A_743] {strides = array<i32>} : memref<200x128xf32, #tpu.memory_space<vmem>>, vector<16xf32>,
        tpu.vector_store %arg9[%swap3A_742, %swap3A_743], %add3A_737 {strides = array<i32>} : memref<200x128xf32, #tpu.memory_space<vmem>>, vector<16xf32>,
        %mul3A_745 = arith.constant 4 : i32
        %mul3A_746 = arith.muli %mul3A_745, %scan3A_64 : i32
        %add3A_747 = arith.constant 3 : i32
        %add3A_748 = arith.addi %mul3A_746, %add3A_747 : i32
        %get3A_749 = arith.index_cast %add3A_748 : i32 to index
        %get3A_750 = arith.constant 112 : index
        %get3A_751 = tpu.vector_load %arg9[%get3A_749, %get3A_750] {strides = array<i32>} : memref<200x128xf32, #tpu.memory_space<vmem>>, vector<16xf32>,
        %mul3A_752 = arith.constant 4 : i32
        %mul3A_753 = arith.muli %mul3A_752, %scan3A_64 : i32
        %add3A_754 = arith.constant 3 : i32
        %add3A_755 = arith.addi %mul3A_753, %add3A_754 : i32
        %get3A_756 = arith.index_cast %add3A_755 : i32 to index
        %get3A_757 = arith.constant 112 : index
        %get3A_758 = tpu.vector_load %arg11[%get3A_756, %get3A_757] {strides = array<i32>} : memref<200x128xf32, #tpu.memory_space<vmem>>, vector<16xf32>,
        %add3A_759 = arith.addf %get3A_751, %get3A_758 : vector<16xf32>
        %mul3A_760 = arith.constant 4 : i32
        %mul3A_761 = arith.muli %mul3A_760, %scan3A_64 : i32
        %add3A_762 = arith.constant 3 : i32
        %add3A_763 = arith.addi %mul3A_761, %add3A_762 : i32
        %swap3A_764 = arith.index_cast %add3A_763 : i32 to index
        %swap3A_765 = arith.constant 112 : index
        %swap3A_766 = tpu.vector_load %arg9[%swap3A_764, %swap3A_765] {strides = array<i32>} : memref<200x128xf32, #tpu.memory_space<vmem>>, vector<16xf32>,
        tpu.vector_store %arg9[%swap3A_764, %swap3A_765], %add3A_759 {strides = array<i32>} : memref<200x128xf32, #tpu.memory_space<vmem>>, vector<16xf32>,
      }
      %scan3A_47 = arith.constant 50 : i32
      "tpu.region"() ({
        %run_scoped3A = tpu.sem_alloc : memref<!tpu.dma_semaphore, #tpu.memory_space<semaphore_mem>>
        %dma_start3A_64 = arith.constant 0 : i32
        %dma_start3A_65 = tpu.memref_slice %arg6[%add3A_13, %dma_start3A_64] : memref<320000x128xf32, #tpu.memory_space<hbm>> -> memref<200x128xf32, #tpu.memory_space<hbm>>
        %dma_start3A_66 = arith.constant 0 : i32
        %dma_start3A_67 = tpu.memref_slice %arg6[%add3A_13, %dma_start3A_66] : memref<320000x128xf32, #tpu.memory_space<hbm>> -> memref<200x128xf32, #tpu.memory_space<hbm>>
        tpu.enqueue_dma source(%arg9 : memref<200x128xf32, #tpu.memory_space<vmem>>) target(%dma_start3A_67 : memref<200x128xf32, #tpu.memory_space<hbm>>) target_semaphore(%run_scoped3A : memref<!tpu.dma_semaphore, #tpu.memory_space<semaphore_mem>>)
        %dma_wait3A_68 = arith.constant 0 : i32
        %dma_wait3A_69 = tpu.memref_slice %arg6[%add3A_13, %dma_wait3A_68] : memref<320000x128xf32, #tpu.memory_space<hbm>> -> memref<200x128xf32, #tpu.memory_space<hbm>>
        %dma_wait3A_70 = arith.constant 0 : i32
        %dma_wait3A_71 = tpu.memref_slice %arg6[%add3A_13, %dma_wait3A_70] : memref<320000x128xf32, #tpu.memory_space<hbm>> -> memref<200x128xf32, #tpu.memory_space<hbm>>
        tpu.wait_dma2 semaphore(%run_scoped3A : memref<!tpu.dma_semaphore, #tpu.memory_space<semaphore_mem>>) src(%arg9 : memref<200x128xf32, #tpu.memory_space<vmem>>) dst(%dma_wait3A_71 : memref<200x128xf32, #tpu.memory_space<hbm>>)
        tpu.yield
      }) : () -> ()
      %dma_wait3A_48 = tpu.memref_slice %arg7[%add3A_24] : memref<10000xi32, #tpu.memory_space<vmem>> -> memref<200xi32, #tpu.memory_space<vmem>>
      %dma_wait3A_49 = arith.constant 0 : i32
      %dma_wait3A_50 = arith.constant 0 : i32
      %dma_wait3A_51 = tpu.memref_slice %arg2[%dma_wait3A_49, %dma_wait3A_50] : memref<10000x128xf32, #tpu.memory_space<hbm>> -> memref<10000x128xf32, #tpu.memory_space<hbm>>
      tpu.wait_indirect_dma semaphore(%arg14 : memref<!tpu.dma_semaphore, #tpu.memory_space<semaphore_mem>>) src(%dma_wait3A_51 : memref<10000x128xf32, #tpu.memory_space<hbm>>) dst(%arg10 : memref<200x128xf32, #tpu.memory_space<vmem>>)
      %dma_wait3A_52 = tpu.memref_slice %arg8[%add3A_30] : memref<10000xi32, #tpu.memory_space<vmem>> -> memref<200xi32, #tpu.memory_space<vmem>>
      %dma_wait3A_53 = arith.constant 0 : i32
      %dma_wait3A_54 = arith.constant 0 : i32
      %dma_wait3A_55 = tpu.memref_slice %arg3[%dma_wait3A_53, %dma_wait3A_54] : memref<10000x128xf32, #tpu.memory_space<hbm>> -> memref<10000x128xf32, #tpu.memory_space<hbm>>
      tpu.wait_indirect_dma semaphore(%arg16 : memref<!tpu.dma_semaphore, #tpu.memory_space<semaphore_mem>>) src(%dma_wait3A_55 : memref<10000x128xf32, #tpu.memory_space<hbm>>) dst(%arg12 : memref<200x128xf32, #tpu.memory_space<vmem>>)
      %scan3A_56 = arith.constant 0 : i32
      %scan3A_57 = arith.constant 0 : i32
      %scan3A_58 = arith.constant 50 : i32
      %scan3A_59 = arith.addi %scan3A_57, %scan3A_58 : i32
      %scan3A_60 = arith.constant 1 : i32
      scf.for %scan3A_64 = %scan3A_57 to %scan3A_59 step %scan3A_60  : i32 {
        %mul3A_65 = arith.constant 4 : i32
        %mul3A_66 = arith.muli %mul3A_65, %scan3A_64 : i32
        %add3A_67 = arith.constant 0 : i32
        %add3A_68 = arith.addi %mul3A_66, %add3A_67 : i32
        %get3A = arith.index_cast %add3A_68 : i32 to index
        %get3A_69 = arith.constant 0 : index
        %get3A_70 = tpu.vector_load %arg10[%get3A, %get3A_69] {strides = array<i32>} : memref<200x128xf32, #tpu.memory_space<vmem>>, vector<16xf32>,
        %mul3A_71 = arith.constant 4 : i32
        %mul3A_72 = arith.muli %mul3A_71, %scan3A_64 : i32
        %add3A_73 = arith.constant 0 : i32
        %add3A_74 = arith.addi %mul3A_72, %add3A_73 : i32
        %get3A_75 = arith.index_cast %add3A_74 : i32 to index
        %get3A_76 = arith.constant 0 : index
        %get3A_77 = tpu.vector_load %arg12[%get3A_75, %get3A_76] {strides = array<i32>} : memref<200x128xf32, #tpu.memory_space<vmem>>, vector<16xf32>,
        %add3A_78 = arith.addf %get3A_70, %get3A_77 : vector<16xf32>
        %mul3A_79 = arith.constant 4 : i32
        %mul3A_80 = arith.muli %mul3A_79, %scan3A_64 : i32
        %add3A_81 = arith.constant 0 : i32
        %add3A_82 = arith.addi %mul3A_80, %add3A_81 : i32
        %swap3A = arith.index_cast %add3A_82 : i32 to index
        %swap3A_83 = arith.constant 0 : index
        %swap3A_84 = tpu.vector_load %arg10[%swap3A, %swap3A_83] {strides = array<i32>} : memref<200x128xf32, #tpu.memory_space<vmem>>, vector<16xf32>,
        tpu.vector_store %arg10[%swap3A, %swap3A_83], %add3A_78 {strides = array<i32>} : memref<200x128xf32, #tpu.memory_space<vmem>>, vector<16xf32>,
        %mul3A_85 = arith.constant 4 : i32
        %mul3A_86 = arith.muli %mul3A_85, %scan3A_64 : i32
        %add3A_87 = arith.constant 0 : i32
        %add3A_88 = arith.addi %mul3A_86, %add3A_87 : i32
        %get3A_89 = arith.index_cast %add3A_88 : i32 to index
        %get3A_90 = arith.constant 16 : index
        %get3A_91 = tpu.vector_load %arg10[%get3A_89, %get3A_90] {strides = array<i32>} : memref<200x128xf32, #tpu.memory_space<vmem>>, vector<16xf32>,
        %mul3A_92 = arith.constant 4 : i32
        %mul3A_93 = arith.muli %mul3A_92, %scan3A_64 : i32
        %add3A_94 = arith.constant 0 : i32
        %add3A_95 = arith.addi %mul3A_93, %add3A_94 : i32
        %get3A_96 = arith.index_cast %add3A_95 : i32 to index
        %get3A_97 = arith.constant 16 : index
        %get3A_98 = tpu.vector_load %arg12[%get3A_96, %get3A_97] {strides = array<i32>} : memref<200x128xf32, #tpu.memory_space<vmem>>, vector<16xf32>,
        %add3A_99 = arith.addf %get3A_91, %get3A_98 : vector<16xf32>
        %mul3A_100 = arith.constant 4 : i32
        %mul3A_101 = arith.muli %mul3A_100, %scan3A_64 : i32
        %add3A_102 = arith.constant 0 : i32
        %add3A_103 = arith.addi %mul3A_101, %add3A_102 : i32
        %swap3A_104 = arith.index_cast %add3A_103 : i32 to index
        %swap3A_105 = arith.constant 16 : index
        %swap3A_106 = tpu.vector_load %arg10[%swap3A_104, %swap3A_105] {strides = array<i32>} : memref<200x128xf32, #tpu.memory_space<vmem>>, vector<16xf32>,
        tpu.vector_store %arg10[%swap3A_104, %swap3A_105], %add3A_99 {strides = array<i32>} : memref<200x128xf32, #tpu.memory_space<vmem>>, vector<16xf32>,
        %mul3A_107 = arith.constant 4 : i32
        %mul3A_108 = arith.muli %mul3A_107, %scan3A_64 : i32
        %add3A_109 = arith.constant 0 : i32
        %add3A_110 = arith.addi %mul3A_108, %add3A_109 : i32
        %get3A_111 = arith.index_cast %add3A_110 : i32 to index
        %get3A_112 = arith.constant 32 : index
        %get3A_113 = tpu.vector_load %arg10[%get3A_111, %get3A_112] {strides = array<i32>} : memref<200x128xf32, #tpu.memory_space<vmem>>, vector<16xf32>,
        %mul3A_114 = arith.constant 4 : i32
        %mul3A_115 = arith.muli %mul3A_114, %scan3A_64 : i32
        %add3A_116 = arith.constant 0 : i32
        %add3A_117 = arith.addi %mul3A_115, %add3A_116 : i32
        %get3A_118 = arith.index_cast %add3A_117 : i32 to index
        %get3A_119 = arith.constant 32 : index
        %get3A_120 = tpu.vector_load %arg12[%get3A_118, %get3A_119] {strides = array<i32>} : memref<200x128xf32, #tpu.memory_space<vmem>>, vector<16xf32>,
        %add3A_121 = arith.addf %get3A_113, %get3A_120 : vector<16xf32>
        %mul3A_122 = arith.constant 4 : i32
        %mul3A_123 = arith.muli %mul3A_122, %scan3A_64 : i32
        %add3A_124 = arith.constant 0 : i32
        %add3A_125 = arith.addi %mul3A_123, %add3A_124 : i32
        %swap3A_126 = arith.index_cast %add3A_125 : i32 to index
        %swap3A_127 = arith.constant 32 : index
        %swap3A_128 = tpu.vector_load %arg10[%swap3A_126, %swap3A_127] {strides = array<i32>} : memref<200x128xf32, #tpu.memory_space<vmem>>, vector<16xf32>,
        tpu.vector_store %arg10[%swap3A_126, %swap3A_127], %add3A_121 {strides = array<i32>} : memref<200x128xf32, #tpu.memory_space<vmem>>, vector<16xf32>,
        %mul3A_129 = arith.constant 4 : i32
        %mul3A_130 = arith.muli %mul3A_129, %scan3A_64 : i32
        %add3A_131 = arith.constant 0 : i32
        %add3A_132 = arith.addi %mul3A_130, %add3A_131 : i32
        %get3A_133 = arith.index_cast %add3A_132 : i32 to index
        %get3A_134 = arith.constant 48 : index
        %get3A_135 = tpu.vector_load %arg10[%get3A_133, %get3A_134] {strides = array<i32>} : memref<200x128xf32, #tpu.memory_space<vmem>>, vector<16xf32>,
        %mul3A_136 = arith.constant 4 : i32
        %mul3A_137 = arith.muli %mul3A_136, %scan3A_64 : i32
        %add3A_138 = arith.constant 0 : i32
        %add3A_139 = arith.addi %mul3A_137, %add3A_138 : i32
        %get3A_140 = arith.index_cast %add3A_139 : i32 to index
        %get3A_141 = arith.constant 48 : index
        %get3A_142 = tpu.vector_load %arg12[%get3A_140, %get3A_141] {strides = array<i32>} : memref<200x128xf32, #tpu.memory_space<vmem>>, vector<16xf32>,
        %add3A_143 = arith.addf %get3A_135, %get3A_142 : vector<16xf32>
        %mul3A_144 = arith.constant 4 : i32
        %mul3A_145 = arith.muli %mul3A_144, %scan3A_64 : i32
        %add3A_146 = arith.constant 0 : i32
        %add3A_147 = arith.addi %mul3A_145, %add3A_146 : i32
        %swap3A_148 = arith.index_cast %add3A_147 : i32 to index
        %swap3A_149 = arith.constant 48 : index
        %swap3A_150 = tpu.vector_load %arg10[%swap3A_148, %swap3A_149] {strides = array<i32>} : memref<200x128xf32, #tpu.memory_space<vmem>>, vector<16xf32>,
        tpu.vector_store %arg10[%swap3A_148, %swap3A_149], %add3A_143 {strides = array<i32>} : memref<200x128xf32, #tpu.memory_space<vmem>>, vector<16xf32>,
        %mul3A_151 = arith.constant 4 : i32
        %mul3A_152 = arith.muli %mul3A_151, %scan3A_64 : i32
        %add3A_153 = arith.constant 0 : i32
        %add3A_154 = arith.addi %mul3A_152, %add3A_153 : i32
        %get3A_155 = arith.index_cast %add3A_154 : i32 to index
        %get3A_156 = arith.constant 64 : index
        %get3A_157 = tpu.vector_load %arg10[%get3A_155, %get3A_156] {strides = array<i32>} : memref<200x128xf32, #tpu.memory_space<vmem>>, vector<16xf32>,
        %mul3A_158 = arith.constant 4 : i32
        %mul3A_159 = arith.muli %mul3A_158, %scan3A_64 : i32
        %add3A_160 = arith.constant 0 : i32
        %add3A_161 = arith.addi %mul3A_159, %add3A_160 : i32
        %get3A_162 = arith.index_cast %add3A_161 : i32 to index
        %get3A_163 = arith.constant 64 : index
        %get3A_164 = tpu.vector_load %arg12[%get3A_162, %get3A_163] {strides = array<i32>} : memref<200x128xf32, #tpu.memory_space<vmem>>, vector<16xf32>,
        %add3A_165 = arith.addf %get3A_157, %get3A_164 : vector<16xf32>
        %mul3A_166 = arith.constant 4 : i32
        %mul3A_167 = arith.muli %mul3A_166, %scan3A_64 : i32
        %add3A_168 = arith.constant 0 : i32
        %add3A_169 = arith.addi %mul3A_167, %add3A_168 : i32
        %swap3A_170 = arith.index_cast %add3A_169 : i32 to index
        %swap3A_171 = arith.constant 64 : index
        %swap3A_172 = tpu.vector_load %arg10[%swap3A_170, %swap3A_171] {strides = array<i32>} : memref<200x128xf32, #tpu.memory_space<vmem>>, vector<16xf32>,
        tpu.vector_store %arg10[%swap3A_170, %swap3A_171], %add3A_165 {strides = array<i32>} : memref<200x128xf32, #tpu.memory_space<vmem>>, vector<16xf32>,
        %mul3A_173 = arith.constant 4 : i32
        %mul3A_174 = arith.muli %mul3A_173, %scan3A_64 : i32
        %add3A_175 = arith.constant 0 : i32
        %add3A_176 = arith.addi %mul3A_174, %add3A_175 : i32
        %get3A_177 = arith.index_cast %add3A_176 : i32 to index
        %get3A_178 = arith.constant 80 : index
        %get3A_179 = tpu.vector_load %arg10[%get3A_177, %get3A_178] {strides = array<i32>} : memref<200x128xf32, #tpu.memory_space<vmem>>, vector<16xf32>,
        %mul3A_180 = arith.constant 4 : i32
        %mul3A_181 = arith.muli %mul3A_180, %scan3A_64 : i32
        %add3A_182 = arith.constant 0 : i32
        %add3A_183 = arith.addi %mul3A_181, %add3A_182 : i32
        %get3A_184 = arith.index_cast %add3A_183 : i32 to index
        %get3A_185 = arith.constant 80 : index
        %get3A_186 = tpu.vector_load %arg12[%get3A_184, %get3A_185] {strides = array<i32>} : memref<200x128xf32, #tpu.memory_space<vmem>>, vector<16xf32>,
        %add3A_187 = arith.addf %get3A_179, %get3A_186 : vector<16xf32>
        %mul3A_188 = arith.constant 4 : i32
        %mul3A_189 = arith.muli %mul3A_188, %scan3A_64 : i32
        %add3A_190 = arith.constant 0 : i32
        %add3A_191 = arith.addi %mul3A_189, %add3A_190 : i32
        %swap3A_192 = arith.index_cast %add3A_191 : i32 to index
        %swap3A_193 = arith.constant 80 : index
        %swap3A_194 = tpu.vector_load %arg10[%swap3A_192, %swap3A_193] {strides = array<i32>} : memref<200x128xf32, #tpu.memory_space<vmem>>, vector<16xf32>,
        tpu.vector_store %arg10[%swap3A_192, %swap3A_193], %add3A_187 {strides = array<i32>} : memref<200x128xf32, #tpu.memory_space<vmem>>, vector<16xf32>,
        %mul3A_195 = arith.constant 4 : i32
        %mul3A_196 = arith.muli %mul3A_195, %scan3A_64 : i32
        %add3A_197 = arith.constant 0 : i32
        %add3A_198 = arith.addi %mul3A_196, %add3A_197 : i32
        %get3A_199 = arith.index_cast %add3A_198 : i32 to index
        %get3A_200 = arith.constant 96 : index
        %get3A_201 = tpu.vector_load %arg10[%get3A_199, %get3A_200] {strides = array<i32>} : memref<200x128xf32, #tpu.memory_space<vmem>>, vector<16xf32>,
        %mul3A_202 = arith.constant 4 : i32
        %mul3A_203 = arith.muli %mul3A_202, %scan3A_64 : i32
        %add3A_204 = arith.constant 0 : i32
        %add3A_205 = arith.addi %mul3A_203, %add3A_204 : i32
        %get3A_206 = arith.index_cast %add3A_205 : i32 to index
        %get3A_207 = arith.constant 96 : index
        %get3A_208 = tpu.vector_load %arg12[%get3A_206, %get3A_207] {strides = array<i32>} : memref<200x128xf32, #tpu.memory_space<vmem>>, vector<16xf32>,
        %add3A_209 = arith.addf %get3A_201, %get3A_208 : vector<16xf32>
        %mul3A_210 = arith.constant 4 : i32
        %mul3A_211 = arith.muli %mul3A_210, %scan3A_64 : i32
        %add3A_212 = arith.constant 0 : i32
        %add3A_213 = arith.addi %mul3A_211, %add3A_212 : i32
        %swap3A_214 = arith.index_cast %add3A_213 : i32 to index
        %swap3A_215 = arith.constant 96 : index
        %swap3A_216 = tpu.vector_load %arg10[%swap3A_214, %swap3A_215] {strides = array<i32>} : memref<200x128xf32, #tpu.memory_space<vmem>>, vector<16xf32>,
        tpu.vector_store %arg10[%swap3A_214, %swap3A_215], %add3A_209 {strides = array<i32>} : memref<200x128xf32, #tpu.memory_space<vmem>>, vector<16xf32>,
        %mul3A_217 = arith.constant 4 : i32
        %mul3A_218 = arith.muli %mul3A_217, %scan3A_64 : i32
        %add3A_219 = arith.constant 0 : i32
        %add3A_220 = arith.addi %mul3A_218, %add3A_219 : i32
        %get3A_221 = arith.index_cast %add3A_220 : i32 to index
        %get3A_222 = arith.constant 112 : index
        %get3A_223 = tpu.vector_load %arg10[%get3A_221, %get3A_222] {strides = array<i32>} : memref<200x128xf32, #tpu.memory_space<vmem>>, vector<16xf32>,
        %mul3A_224 = arith.constant 4 : i32
        %mul3A_225 = arith.muli %mul3A_224, %scan3A_64 : i32
        %add3A_226 = arith.constant 0 : i32
        %add3A_227 = arith.addi %mul3A_225, %add3A_226 : i32
        %get3A_228 = arith.index_cast %add3A_227 : i32 to index
        %get3A_229 = arith.constant 112 : index
        %get3A_230 = tpu.vector_load %arg12[%get3A_228, %get3A_229] {strides = array<i32>} : memref<200x128xf32, #tpu.memory_space<vmem>>, vector<16xf32>,
        %add3A_231 = arith.addf %get3A_223, %get3A_230 : vector<16xf32>
        %mul3A_232 = arith.constant 4 : i32
        %mul3A_233 = arith.muli %mul3A_232, %scan3A_64 : i32
        %add3A_234 = arith.constant 0 : i32
        %add3A_235 = arith.addi %mul3A_233, %add3A_234 : i32
        %swap3A_236 = arith.index_cast %add3A_235 : i32 to index
        %swap3A_237 = arith.constant 112 : index
        %swap3A_238 = tpu.vector_load %arg10[%swap3A_236, %swap3A_237] {strides = array<i32>} : memref<200x128xf32, #tpu.memory_space<vmem>>, vector<16xf32>,
        tpu.vector_store %arg10[%swap3A_236, %swap3A_237], %add3A_231 {strides = array<i32>} : memref<200x128xf32, #tpu.memory_space<vmem>>, vector<16xf32>,
        %mul3A_239 = arith.constant 4 : i32
        %mul3A_240 = arith.muli %mul3A_239, %scan3A_64 : i32
        %add3A_241 = arith.constant 1 : i32
        %add3A_242 = arith.addi %mul3A_240, %add3A_241 : i32
        %get3A_243 = arith.index_cast %add3A_242 : i32 to index
        %get3A_244 = arith.constant 0 : index
        %get3A_245 = tpu.vector_load %arg10[%get3A_243, %get3A_244] {strides = array<i32>} : memref<200x128xf32, #tpu.memory_space<vmem>>, vector<16xf32>,
        %mul3A_246 = arith.constant 4 : i32
        %mul3A_247 = arith.muli %mul3A_246, %scan3A_64 : i32
        %add3A_248 = arith.constant 1 : i32
        %add3A_249 = arith.addi %mul3A_247, %add3A_248 : i32
        %get3A_250 = arith.index_cast %add3A_249 : i32 to index
        %get3A_251 = arith.constant 0 : index
        %get3A_252 = tpu.vector_load %arg12[%get3A_250, %get3A_251] {strides = array<i32>} : memref<200x128xf32, #tpu.memory_space<vmem>>, vector<16xf32>,
        %add3A_253 = arith.addf %get3A_245, %get3A_252 : vector<16xf32>
        %mul3A_254 = arith.constant 4 : i32
        %mul3A_255 = arith.muli %mul3A_254, %scan3A_64 : i32
        %add3A_256 = arith.constant 1 : i32
        %add3A_257 = arith.addi %mul3A_255, %add3A_256 : i32
        %swap3A_258 = arith.index_cast %add3A_257 : i32 to index
        %swap3A_259 = arith.constant 0 : index
        %swap3A_260 = tpu.vector_load %arg10[%swap3A_258, %swap3A_259] {strides = array<i32>} : memref<200x128xf32, #tpu.memory_space<vmem>>, vector<16xf32>,
        tpu.vector_store %arg10[%swap3A_258, %swap3A_259], %add3A_253 {strides = array<i32>} : memref<200x128xf32, #tpu.memory_space<vmem>>, vector<16xf32>,
        %mul3A_261 = arith.constant 4 : i32
        %mul3A_262 = arith.muli %mul3A_261, %scan3A_64 : i32
        %add3A_263 = arith.constant 1 : i32
        %add3A_264 = arith.addi %mul3A_262, %add3A_263 : i32
        %get3A_265 = arith.index_cast %add3A_264 : i32 to index
        %get3A_266 = arith.constant 16 : index
        %get3A_267 = tpu.vector_load %arg10[%get3A_265, %get3A_266] {strides = array<i32>} : memref<200x128xf32, #tpu.memory_space<vmem>>, vector<16xf32>,
        %mul3A_268 = arith.constant 4 : i32
        %mul3A_269 = arith.muli %mul3A_268, %scan3A_64 : i32
        %add3A_270 = arith.constant 1 : i32
        %add3A_271 = arith.addi %mul3A_269, %add3A_270 : i32
        %get3A_272 = arith.index_cast %add3A_271 : i32 to index
        %get3A_273 = arith.constant 16 : index
        %get3A_274 = tpu.vector_load %arg12[%get3A_272, %get3A_273] {strides = array<i32>} : memref<200x128xf32, #tpu.memory_space<vmem>>, vector<16xf32>,
        %add3A_275 = arith.addf %get3A_267, %get3A_274 : vector<16xf32>
        %mul3A_276 = arith.constant 4 : i32
        %mul3A_277 = arith.muli %mul3A_276, %scan3A_64 : i32
        %add3A_278 = arith.constant 1 : i32
        %add3A_279 = arith.addi %mul3A_277, %add3A_278 : i32
        %swap3A_280 = arith.index_cast %add3A_279 : i32 to index
        %swap3A_281 = arith.constant 16 : index
        %swap3A_282 = tpu.vector_load %arg10[%swap3A_280, %swap3A_281] {strides = array<i32>} : memref<200x128xf32, #tpu.memory_space<vmem>>, vector<16xf32>,
        tpu.vector_store %arg10[%swap3A_280, %swap3A_281], %add3A_275 {strides = array<i32>} : memref<200x128xf32, #tpu.memory_space<vmem>>, vector<16xf32>,
        %mul3A_283 = arith.constant 4 : i32
        %mul3A_284 = arith.muli %mul3A_283, %scan3A_64 : i32
        %add3A_285 = arith.constant 1 : i32
        %add3A_286 = arith.addi %mul3A_284, %add3A_285 : i32
        %get3A_287 = arith.index_cast %add3A_286 : i32 to index
        %get3A_288 = arith.constant 32 : index
        %get3A_289 = tpu.vector_load %arg10[%get3A_287, %get3A_288] {strides = array<i32>} : memref<200x128xf32, #tpu.memory_space<vmem>>, vector<16xf32>,
        %mul3A_290 = arith.constant 4 : i32
        %mul3A_291 = arith.muli %mul3A_290, %scan3A_64 : i32
        %add3A_292 = arith.constant 1 : i32
        %add3A_293 = arith.addi %mul3A_291, %add3A_292 : i32
        %get3A_294 = arith.index_cast %add3A_293 : i32 to index
        %get3A_295 = arith.constant 32 : index
        %get3A_296 = tpu.vector_load %arg12[%get3A_294, %get3A_295] {strides = array<i32>} : memref<200x128xf32, #tpu.memory_space<vmem>>, vector<16xf32>,
        %add3A_297 = arith.addf %get3A_289, %get3A_296 : vector<16xf32>
        %mul3A_298 = arith.constant 4 : i32
        %mul3A_299 = arith.muli %mul3A_298, %scan3A_64 : i32
        %add3A_300 = arith.constant 1 : i32
        %add3A_301 = arith.addi %mul3A_299, %add3A_300 : i32
        %swap3A_302 = arith.index_cast %add3A_301 : i32 to index
        %swap3A_303 = arith.constant 32 : index
        %swap3A_304 = tpu.vector_load %arg10[%swap3A_302, %swap3A_303] {strides = array<i32>} : memref<200x128xf32, #tpu.memory_space<vmem>>, vector<16xf32>,
        tpu.vector_store %arg10[%swap3A_302, %swap3A_303], %add3A_297 {strides = array<i32>} : memref<200x128xf32, #tpu.memory_space<vmem>>, vector<16xf32>,
        %mul3A_305 = arith.constant 4 : i32
        %mul3A_306 = arith.muli %mul3A_305, %scan3A_64 : i32
        %add3A_307 = arith.constant 1 : i32
        %add3A_308 = arith.addi %mul3A_306, %add3A_307 : i32
        %get3A_309 = arith.index_cast %add3A_308 : i32 to index
        %get3A_310 = arith.constant 48 : index
        %get3A_311 = tpu.vector_load %arg10[%get3A_309, %get3A_310] {strides = array<i32>} : memref<200x128xf32, #tpu.memory_space<vmem>>, vector<16xf32>,
        %mul3A_312 = arith.constant 4 : i32
        %mul3A_313 = arith.muli %mul3A_312, %scan3A_64 : i32
        %add3A_314 = arith.constant 1 : i32
        %add3A_315 = arith.addi %mul3A_313, %add3A_314 : i32
        %get3A_316 = arith.index_cast %add3A_315 : i32 to index
        %get3A_317 = arith.constant 48 : index
        %get3A_318 = tpu.vector_load %arg12[%get3A_316, %get3A_317] {strides = array<i32>} : memref<200x128xf32, #tpu.memory_space<vmem>>, vector<16xf32>,
        %add3A_319 = arith.addf %get3A_311, %get3A_318 : vector<16xf32>
        %mul3A_320 = arith.constant 4 : i32
        %mul3A_321 = arith.muli %mul3A_320, %scan3A_64 : i32
        %add3A_322 = arith.constant 1 : i32
        %add3A_323 = arith.addi %mul3A_321, %add3A_322 : i32
        %swap3A_324 = arith.index_cast %add3A_323 : i32 to index
        %swap3A_325 = arith.constant 48 : index
        %swap3A_326 = tpu.vector_load %arg10[%swap3A_324, %swap3A_325] {strides = array<i32>} : memref<200x128xf32, #tpu.memory_space<vmem>>, vector<16xf32>,
        tpu.vector_store %arg10[%swap3A_324, %swap3A_325], %add3A_319 {strides = array<i32>} : memref<200x128xf32, #tpu.memory_space<vmem>>, vector<16xf32>,
        %mul3A_327 = arith.constant 4 : i32
        %mul3A_328 = arith.muli %mul3A_327, %scan3A_64 : i32
        %add3A_329 = arith.constant 1 : i32
        %add3A_330 = arith.addi %mul3A_328, %add3A_329 : i32
        %get3A_331 = arith.index_cast %add3A_330 : i32 to index
        %get3A_332 = arith.constant 64 : index
        %get3A_333 = tpu.vector_load %arg10[%get3A_331, %get3A_332] {strides = array<i32>} : memref<200x128xf32, #tpu.memory_space<vmem>>, vector<16xf32>,
        %mul3A_334 = arith.constant 4 : i32
        %mul3A_335 = arith.muli %mul3A_334, %scan3A_64 : i32
        %add3A_336 = arith.constant 1 : i32
        %add3A_337 = arith.addi %mul3A_335, %add3A_336 : i32
        %get3A_338 = arith.index_cast %add3A_337 : i32 to index
        %get3A_339 = arith.constant 64 : index
        %get3A_340 = tpu.vector_load %arg12[%get3A_338, %get3A_339] {strides = array<i32>} : memref<200x128xf32, #tpu.memory_space<vmem>>, vector<16xf32>,
        %add3A_341 = arith.addf %get3A_333, %get3A_340 : vector<16xf32>
        %mul3A_342 = arith.constant 4 : i32
        %mul3A_343 = arith.muli %mul3A_342, %scan3A_64 : i32
        %add3A_344 = arith.constant 1 : i32
        %add3A_345 = arith.addi %mul3A_343, %add3A_344 : i32
        %swap3A_346 = arith.index_cast %add3A_345 : i32 to index
        %swap3A_347 = arith.constant 64 : index
        %swap3A_348 = tpu.vector_load %arg10[%swap3A_346, %swap3A_347] {strides = array<i32>} : memref<200x128xf32, #tpu.memory_space<vmem>>, vector<16xf32>,
        tpu.vector_store %arg10[%swap3A_346, %swap3A_347], %add3A_341 {strides = array<i32>} : memref<200x128xf32, #tpu.memory_space<vmem>>, vector<16xf32>,
        %mul3A_349 = arith.constant 4 : i32
        %mul3A_350 = arith.muli %mul3A_349, %scan3A_64 : i32
        %add3A_351 = arith.constant 1 : i32
        %add3A_352 = arith.addi %mul3A_350, %add3A_351 : i32
        %get3A_353 = arith.index_cast %add3A_352 : i32 to index
        %get3A_354 = arith.constant 80 : index
        %get3A_355 = tpu.vector_load %arg10[%get3A_353, %get3A_354] {strides = array<i32>} : memref<200x128xf32, #tpu.memory_space<vmem>>, vector<16xf32>,
        %mul3A_356 = arith.constant 4 : i32
        %mul3A_357 = arith.muli %mul3A_356, %scan3A_64 : i32
        %add3A_358 = arith.constant 1 : i32
        %add3A_359 = arith.addi %mul3A_357, %add3A_358 : i32
        %get3A_360 = arith.index_cast %add3A_359 : i32 to index
        %get3A_361 = arith.constant 80 : index
        %get3A_362 = tpu.vector_load %arg12[%get3A_360, %get3A_361] {strides = array<i32>} : memref<200x128xf32, #tpu.memory_space<vmem>>, vector<16xf32>,
        %add3A_363 = arith.addf %get3A_355, %get3A_362 : vector<16xf32>
        %mul3A_364 = arith.constant 4 : i32
        %mul3A_365 = arith.muli %mul3A_364, %scan3A_64 : i32
        %add3A_366 = arith.constant 1 : i32
        %add3A_367 = arith.addi %mul3A_365, %add3A_366 : i32
        %swap3A_368 = arith.index_cast %add3A_367 : i32 to index
        %swap3A_369 = arith.constant 80 : index
        %swap3A_370 = tpu.vector_load %arg10[%swap3A_368, %swap3A_369] {strides = array<i32>} : memref<200x128xf32, #tpu.memory_space<vmem>>, vector<16xf32>,
        tpu.vector_store %arg10[%swap3A_368, %swap3A_369], %add3A_363 {strides = array<i32>} : memref<200x128xf32, #tpu.memory_space<vmem>>, vector<16xf32>,
        %mul3A_371 = arith.constant 4 : i32
        %mul3A_372 = arith.muli %mul3A_371, %scan3A_64 : i32
        %add3A_373 = arith.constant 1 : i32
        %add3A_374 = arith.addi %mul3A_372, %add3A_373 : i32
        %get3A_375 = arith.index_cast %add3A_374 : i32 to index
        %get3A_376 = arith.constant 96 : index
        %get3A_377 = tpu.vector_load %arg10[%get3A_375, %get3A_376] {strides = array<i32>} : memref<200x128xf32, #tpu.memory_space<vmem>>, vector<16xf32>,
        %mul3A_378 = arith.constant 4 : i32
        %mul3A_379 = arith.muli %mul3A_378, %scan3A_64 : i32
        %add3A_380 = arith.constant 1 : i32
        %add3A_381 = arith.addi %mul3A_379, %add3A_380 : i32
        %get3A_382 = arith.index_cast %add3A_381 : i32 to index
        %get3A_383 = arith.constant 96 : index
        %get3A_384 = tpu.vector_load %arg12[%get3A_382, %get3A_383] {strides = array<i32>} : memref<200x128xf32, #tpu.memory_space<vmem>>, vector<16xf32>,
        %add3A_385 = arith.addf %get3A_377, %get3A_384 : vector<16xf32>
        %mul3A_386 = arith.constant 4 : i32
        %mul3A_387 = arith.muli %mul3A_386, %scan3A_64 : i32
        %add3A_388 = arith.constant 1 : i32
        %add3A_389 = arith.addi %mul3A_387, %add3A_388 : i32
        %swap3A_390 = arith.index_cast %add3A_389 : i32 to index
        %swap3A_391 = arith.constant 96 : index
        %swap3A_392 = tpu.vector_load %arg10[%swap3A_390, %swap3A_391] {strides = array<i32>} : memref<200x128xf32, #tpu.memory_space<vmem>>, vector<16xf32>,
        tpu.vector_store %arg10[%swap3A_390, %swap3A_391], %add3A_385 {strides = array<i32>} : memref<200x128xf32, #tpu.memory_space<vmem>>, vector<16xf32>,
        %mul3A_393 = arith.constant 4 : i32
        %mul3A_394 = arith.muli %mul3A_393, %scan3A_64 : i32
        %add3A_395 = arith.constant 1 : i32
        %add3A_396 = arith.addi %mul3A_394, %add3A_395 : i32
        %get3A_397 = arith.index_cast %add3A_396 : i32 to index
        %get3A_398 = arith.constant 112 : index
        %get3A_399 = tpu.vector_load %arg10[%get3A_397, %get3A_398] {strides = array<i32>} : memref<200x128xf32, #tpu.memory_space<vmem>>, vector<16xf32>,
        %mul3A_400 = arith.constant 4 : i32
        %mul3A_401 = arith.muli %mul3A_400, %scan3A_64 : i32
        %add3A_402 = arith.constant 1 : i32
        %add3A_403 = arith.addi %mul3A_401, %add3A_402 : i32
        %get3A_404 = arith.index_cast %add3A_403 : i32 to index
        %get3A_405 = arith.constant 112 : index
        %get3A_406 = tpu.vector_load %arg12[%get3A_404, %get3A_405] {strides = array<i32>} : memref<200x128xf32, #tpu.memory_space<vmem>>, vector<16xf32>,
        %add3A_407 = arith.addf %get3A_399, %get3A_406 : vector<16xf32>
        %mul3A_408 = arith.constant 4 : i32
        %mul3A_409 = arith.muli %mul3A_408, %scan3A_64 : i32
        %add3A_410 = arith.constant 1 : i32
        %add3A_411 = arith.addi %mul3A_409, %add3A_410 : i32
        %swap3A_412 = arith.index_cast %add3A_411 : i32 to index
        %swap3A_413 = arith.constant 112 : index
        %swap3A_414 = tpu.vector_load %arg10[%swap3A_412, %swap3A_413] {strides = array<i32>} : memref<200x128xf32, #tpu.memory_space<vmem>>, vector<16xf32>,
        tpu.vector_store %arg10[%swap3A_412, %swap3A_413], %add3A_407 {strides = array<i32>} : memref<200x128xf32, #tpu.memory_space<vmem>>, vector<16xf32>,
        %mul3A_415 = arith.constant 4 : i32
        %mul3A_416 = arith.muli %mul3A_415, %scan3A_64 : i32
        %add3A_417 = arith.constant 2 : i32
        %add3A_418 = arith.addi %mul3A_416, %add3A_417 : i32
        %get3A_419 = arith.index_cast %add3A_418 : i32 to index
        %get3A_420 = arith.constant 0 : index
        %get3A_421 = tpu.vector_load %arg10[%get3A_419, %get3A_420] {strides = array<i32>} : memref<200x128xf32, #tpu.memory_space<vmem>>, vector<16xf32>,
        %mul3A_422 = arith.constant 4 : i32
        %mul3A_423 = arith.muli %mul3A_422, %scan3A_64 : i32
        %add3A_424 = arith.constant 2 : i32
        %add3A_425 = arith.addi %mul3A_423, %add3A_424 : i32
        %get3A_426 = arith.index_cast %add3A_425 : i32 to index
        %get3A_427 = arith.constant 0 : index
        %get3A_428 = tpu.vector_load %arg12[%get3A_426, %get3A_427] {strides = array<i32>} : memref<200x128xf32, #tpu.memory_space<vmem>>, vector<16xf32>,
        %add3A_429 = arith.addf %get3A_421, %get3A_428 : vector<16xf32>
        %mul3A_430 = arith.constant 4 : i32
        %mul3A_431 = arith.muli %mul3A_430, %scan3A_64 : i32
        %add3A_432 = arith.constant 2 : i32
        %add3A_433 = arith.addi %mul3A_431, %add3A_432 : i32
        %swap3A_434 = arith.index_cast %add3A_433 : i32 to index
        %swap3A_435 = arith.constant 0 : index
        %swap3A_436 = tpu.vector_load %arg10[%swap3A_434, %swap3A_435] {strides = array<i32>} : memref<200x128xf32, #tpu.memory_space<vmem>>, vector<16xf32>,
        tpu.vector_store %arg10[%swap3A_434, %swap3A_435], %add3A_429 {strides = array<i32>} : memref<200x128xf32, #tpu.memory_space<vmem>>, vector<16xf32>,
        %mul3A_437 = arith.constant 4 : i32
        %mul3A_438 = arith.muli %mul3A_437, %scan3A_64 : i32
        %add3A_439 = arith.constant 2 : i32
        %add3A_440 = arith.addi %mul3A_438, %add3A_439 : i32
        %get3A_441 = arith.index_cast %add3A_440 : i32 to index
        %get3A_442 = arith.constant 16 : index
        %get3A_443 = tpu.vector_load %arg10[%get3A_441, %get3A_442] {strides = array<i32>} : memref<200x128xf32, #tpu.memory_space<vmem>>, vector<16xf32>,
        %mul3A_444 = arith.constant 4 : i32
        %mul3A_445 = arith.muli %mul3A_444, %scan3A_64 : i32
        %add3A_446 = arith.constant 2 : i32
        %add3A_447 = arith.addi %mul3A_445, %add3A_446 : i32
        %get3A_448 = arith.index_cast %add3A_447 : i32 to index
        %get3A_449 = arith.constant 16 : index
        %get3A_450 = tpu.vector_load %arg12[%get3A_448, %get3A_449] {strides = array<i32>} : memref<200x128xf32, #tpu.memory_space<vmem>>, vector<16xf32>,
        %add3A_451 = arith.addf %get3A_443, %get3A_450 : vector<16xf32>
        %mul3A_452 = arith.constant 4 : i32
        %mul3A_453 = arith.muli %mul3A_452, %scan3A_64 : i32
        %add3A_454 = arith.constant 2 : i32
        %add3A_455 = arith.addi %mul3A_453, %add3A_454 : i32
        %swap3A_456 = arith.index_cast %add3A_455 : i32 to index
        %swap3A_457 = arith.constant 16 : index
        %swap3A_458 = tpu.vector_load %arg10[%swap3A_456, %swap3A_457] {strides = array<i32>} : memref<200x128xf32, #tpu.memory_space<vmem>>, vector<16xf32>,
        tpu.vector_store %arg10[%swap3A_456, %swap3A_457], %add3A_451 {strides = array<i32>} : memref<200x128xf32, #tpu.memory_space<vmem>>, vector<16xf32>,
        %mul3A_459 = arith.constant 4 : i32
        %mul3A_460 = arith.muli %mul3A_459, %scan3A_64 : i32
        %add3A_461 = arith.constant 2 : i32
        %add3A_462 = arith.addi %mul3A_460, %add3A_461 : i32
        %get3A_463 = arith.index_cast %add3A_462 : i32 to index
        %get3A_464 = arith.constant 32 : index
        %get3A_465 = tpu.vector_load %arg10[%get3A_463, %get3A_464] {strides = array<i32>} : memref<200x128xf32, #tpu.memory_space<vmem>>, vector<16xf32>,
        %mul3A_466 = arith.constant 4 : i32
        %mul3A_467 = arith.muli %mul3A_466, %scan3A_64 : i32
        %add3A_468 = arith.constant 2 : i32
        %add3A_469 = arith.addi %mul3A_467, %add3A_468 : i32
        %get3A_470 = arith.index_cast %add3A_469 : i32 to index
        %get3A_471 = arith.constant 32 : index
        %get3A_472 = tpu.vector_load %arg12[%get3A_470, %get3A_471] {strides = array<i32>} : memref<200x128xf32, #tpu.memory_space<vmem>>, vector<16xf32>,
        %add3A_473 = arith.addf %get3A_465, %get3A_472 : vector<16xf32>
        %mul3A_474 = arith.constant 4 : i32
        %mul3A_475 = arith.muli %mul3A_474, %scan3A_64 : i32
        %add3A_476 = arith.constant 2 : i32
        %add3A_477 = arith.addi %mul3A_475, %add3A_476 : i32
        %swap3A_478 = arith.index_cast %add3A_477 : i32 to index
        %swap3A_479 = arith.constant 32 : index
        %swap3A_480 = tpu.vector_load %arg10[%swap3A_478, %swap3A_479] {strides = array<i32>} : memref<200x128xf32, #tpu.memory_space<vmem>>, vector<16xf32>,
        tpu.vector_store %arg10[%swap3A_478, %swap3A_479], %add3A_473 {strides = array<i32>} : memref<200x128xf32, #tpu.memory_space<vmem>>, vector<16xf32>,
        %mul3A_481 = arith.constant 4 : i32
        %mul3A_482 = arith.muli %mul3A_481, %scan3A_64 : i32
        %add3A_483 = arith.constant 2 : i32
        %add3A_484 = arith.addi %mul3A_482, %add3A_483 : i32
        %get3A_485 = arith.index_cast %add3A_484 : i32 to index
        %get3A_486 = arith.constant 48 : index
        %get3A_487 = tpu.vector_load %arg10[%get3A_485, %get3A_486] {strides = array<i32>} : memref<200x128xf32, #tpu.memory_space<vmem>>, vector<16xf32>,
        %mul3A_488 = arith.constant 4 : i32
        %mul3A_489 = arith.muli %mul3A_488, %scan3A_64 : i32
        %add3A_490 = arith.constant 2 : i32
        %add3A_491 = arith.addi %mul3A_489, %add3A_490 : i32
        %get3A_492 = arith.index_cast %add3A_491 : i32 to index
        %get3A_493 = arith.constant 48 : index
        %get3A_494 = tpu.vector_load %arg12[%get3A_492, %get3A_493] {strides = array<i32>} : memref<200x128xf32, #tpu.memory_space<vmem>>, vector<16xf32>,
        %add3A_495 = arith.addf %get3A_487, %get3A_494 : vector<16xf32>
        %mul3A_496 = arith.constant 4 : i32
        %mul3A_497 = arith.muli %mul3A_496, %scan3A_64 : i32
        %add3A_498 = arith.constant 2 : i32
        %add3A_499 = arith.addi %mul3A_497, %add3A_498 : i32
        %swap3A_500 = arith.index_cast %add3A_499 : i32 to index
        %swap3A_501 = arith.constant 48 : index
        %swap3A_502 = tpu.vector_load %arg10[%swap3A_500, %swap3A_501] {strides = array<i32>} : memref<200x128xf32, #tpu.memory_space<vmem>>, vector<16xf32>,
        tpu.vector_store %arg10[%swap3A_500, %swap3A_501], %add3A_495 {strides = array<i32>} : memref<200x128xf32, #tpu.memory_space<vmem>>, vector<16xf32>,
        %mul3A_503 = arith.constant 4 : i32
        %mul3A_504 = arith.muli %mul3A_503, %scan3A_64 : i32
        %add3A_505 = arith.constant 2 : i32
        %add3A_506 = arith.addi %mul3A_504, %add3A_505 : i32
        %get3A_507 = arith.index_cast %add3A_506 : i32 to index
        %get3A_508 = arith.constant 64 : index
        %get3A_509 = tpu.vector_load %arg10[%get3A_507, %get3A_508] {strides = array<i32>} : memref<200x128xf32, #tpu.memory_space<vmem>>, vector<16xf32>,
        %mul3A_510 = arith.constant 4 : i32
        %mul3A_511 = arith.muli %mul3A_510, %scan3A_64 : i32
        %add3A_512 = arith.constant 2 : i32
        %add3A_513 = arith.addi %mul3A_511, %add3A_512 : i32
        %get3A_514 = arith.index_cast %add3A_513 : i32 to index
        %get3A_515 = arith.constant 64 : index
        %get3A_516 = tpu.vector_load %arg12[%get3A_514, %get3A_515] {strides = array<i32>} : memref<200x128xf32, #tpu.memory_space<vmem>>, vector<16xf32>,
        %add3A_517 = arith.addf %get3A_509, %get3A_516 : vector<16xf32>
        %mul3A_518 = arith.constant 4 : i32
        %mul3A_519 = arith.muli %mul3A_518, %scan3A_64 : i32
        %add3A_520 = arith.constant 2 : i32
        %add3A_521 = arith.addi %mul3A_519, %add3A_520 : i32
        %swap3A_522 = arith.index_cast %add3A_521 : i32 to index
        %swap3A_523 = arith.constant 64 : index
        %swap3A_524 = tpu.vector_load %arg10[%swap3A_522, %swap3A_523] {strides = array<i32>} : memref<200x128xf32, #tpu.memory_space<vmem>>, vector<16xf32>,
        tpu.vector_store %arg10[%swap3A_522, %swap3A_523], %add3A_517 {strides = array<i32>} : memref<200x128xf32, #tpu.memory_space<vmem>>, vector<16xf32>,
        %mul3A_525 = arith.constant 4 : i32
        %mul3A_526 = arith.muli %mul3A_525, %scan3A_64 : i32
        %add3A_527 = arith.constant 2 : i32
        %add3A_528 = arith.addi %mul3A_526, %add3A_527 : i32
        %get3A_529 = arith.index_cast %add3A_528 : i32 to index
        %get3A_530 = arith.constant 80 : index
        %get3A_531 = tpu.vector_load %arg10[%get3A_529, %get3A_530] {strides = array<i32>} : memref<200x128xf32, #tpu.memory_space<vmem>>, vector<16xf32>,
        %mul3A_532 = arith.constant 4 : i32
        %mul3A_533 = arith.muli %mul3A_532, %scan3A_64 : i32
        %add3A_534 = arith.constant 2 : i32
        %add3A_535 = arith.addi %mul3A_533, %add3A_534 : i32
        %get3A_536 = arith.index_cast %add3A_535 : i32 to index
        %get3A_537 = arith.constant 80 : index
        %get3A_538 = tpu.vector_load %arg12[%get3A_536, %get3A_537] {strides = array<i32>} : memref<200x128xf32, #tpu.memory_space<vmem>>, vector<16xf32>,
        %add3A_539 = arith.addf %get3A_531, %get3A_538 : vector<16xf32>
        %mul3A_540 = arith.constant 4 : i32
        %mul3A_541 = arith.muli %mul3A_540, %scan3A_64 : i32
        %add3A_542 = arith.constant 2 : i32
        %add3A_543 = arith.addi %mul3A_541, %add3A_542 : i32
        %swap3A_544 = arith.index_cast %add3A_543 : i32 to index
        %swap3A_545 = arith.constant 80 : index
        %swap3A_546 = tpu.vector_load %arg10[%swap3A_544, %swap3A_545] {strides = array<i32>} : memref<200x128xf32, #tpu.memory_space<vmem>>, vector<16xf32>,
        tpu.vector_store %arg10[%swap3A_544, %swap3A_545], %add3A_539 {strides = array<i32>} : memref<200x128xf32, #tpu.memory_space<vmem>>, vector<16xf32>,
        %mul3A_547 = arith.constant 4 : i32
        %mul3A_548 = arith.muli %mul3A_547, %scan3A_64 : i32
        %add3A_549 = arith.constant 2 : i32
        %add3A_550 = arith.addi %mul3A_548, %add3A_549 : i32
        %get3A_551 = arith.index_cast %add3A_550 : i32 to index
        %get3A_552 = arith.constant 96 : index
        %get3A_553 = tpu.vector_load %arg10[%get3A_551, %get3A_552] {strides = array<i32>} : memref<200x128xf32, #tpu.memory_space<vmem>>, vector<16xf32>,
        %mul3A_554 = arith.constant 4 : i32
        %mul3A_555 = arith.muli %mul3A_554, %scan3A_64 : i32
        %add3A_556 = arith.constant 2 : i32
        %add3A_557 = arith.addi %mul3A_555, %add3A_556 : i32
        %get3A_558 = arith.index_cast %add3A_557 : i32 to index
        %get3A_559 = arith.constant 96 : index
        %get3A_560 = tpu.vector_load %arg12[%get3A_558, %get3A_559] {strides = array<i32>} : memref<200x128xf32, #tpu.memory_space<vmem>>, vector<16xf32>,
        %add3A_561 = arith.addf %get3A_553, %get3A_560 : vector<16xf32>
        %mul3A_562 = arith.constant 4 : i32
        %mul3A_563 = arith.muli %mul3A_562, %scan3A_64 : i32
        %add3A_564 = arith.constant 2 : i32
        %add3A_565 = arith.addi %mul3A_563, %add3A_564 : i32
        %swap3A_566 = arith.index_cast %add3A_565 : i32 to index
        %swap3A_567 = arith.constant 96 : index
        %swap3A_568 = tpu.vector_load %arg10[%swap3A_566, %swap3A_567] {strides = array<i32>} : memref<200x128xf32, #tpu.memory_space<vmem>>, vector<16xf32>,
        tpu.vector_store %arg10[%swap3A_566, %swap3A_567], %add3A_561 {strides = array<i32>} : memref<200x128xf32, #tpu.memory_space<vmem>>, vector<16xf32>,
        %mul3A_569 = arith.constant 4 : i32
        %mul3A_570 = arith.muli %mul3A_569, %scan3A_64 : i32
        %add3A_571 = arith.constant 2 : i32
        %add3A_572 = arith.addi %mul3A_570, %add3A_571 : i32
        %get3A_573 = arith.index_cast %add3A_572 : i32 to index
        %get3A_574 = arith.constant 112 : index
        %get3A_575 = tpu.vector_load %arg10[%get3A_573, %get3A_574] {strides = array<i32>} : memref<200x128xf32, #tpu.memory_space<vmem>>, vector<16xf32>,
        %mul3A_576 = arith.constant 4 : i32
        %mul3A_577 = arith.muli %mul3A_576, %scan3A_64 : i32
        %add3A_578 = arith.constant 2 : i32
        %add3A_579 = arith.addi %mul3A_577, %add3A_578 : i32
        %get3A_580 = arith.index_cast %add3A_579 : i32 to index
        %get3A_581 = arith.constant 112 : index
        %get3A_582 = tpu.vector_load %arg12[%get3A_580, %get3A_581] {strides = array<i32>} : memref<200x128xf32, #tpu.memory_space<vmem>>, vector<16xf32>,
        %add3A_583 = arith.addf %get3A_575, %get3A_582 : vector<16xf32>
        %mul3A_584 = arith.constant 4 : i32
        %mul3A_585 = arith.muli %mul3A_584, %scan3A_64 : i32
        %add3A_586 = arith.constant 2 : i32
        %add3A_587 = arith.addi %mul3A_585, %add3A_586 : i32
        %swap3A_588 = arith.index_cast %add3A_587 : i32 to index
        %swap3A_589 = arith.constant 112 : index
        %swap3A_590 = tpu.vector_load %arg10[%swap3A_588, %swap3A_589] {strides = array<i32>} : memref<200x128xf32, #tpu.memory_space<vmem>>, vector<16xf32>,
        tpu.vector_store %arg10[%swap3A_588, %swap3A_589], %add3A_583 {strides = array<i32>} : memref<200x128xf32, #tpu.memory_space<vmem>>, vector<16xf32>,
        %mul3A_591 = arith.constant 4 : i32
        %mul3A_592 = arith.muli %mul3A_591, %scan3A_64 : i32
        %add3A_593 = arith.constant 3 : i32
        %add3A_594 = arith.addi %mul3A_592, %add3A_593 : i32
        %get3A_595 = arith.index_cast %add3A_594 : i32 to index
        %get3A_596 = arith.constant 0 : index
        %get3A_597 = tpu.vector_load %arg10[%get3A_595, %get3A_596] {strides = array<i32>} : memref<200x128xf32, #tpu.memory_space<vmem>>, vector<16xf32>,
        %mul3A_598 = arith.constant 4 : i32
        %mul3A_599 = arith.muli %mul3A_598, %scan3A_64 : i32
        %add3A_600 = arith.constant 3 : i32
        %add3A_601 = arith.addi %mul3A_599, %add3A_600 : i32
        %get3A_602 = arith.index_cast %add3A_601 : i32 to index
        %get3A_603 = arith.constant 0 : index
        %get3A_604 = tpu.vector_load %arg12[%get3A_602, %get3A_603] {strides = array<i32>} : memref<200x128xf32, #tpu.memory_space<vmem>>, vector<16xf32>,
        %add3A_605 = arith.addf %get3A_597, %get3A_604 : vector<16xf32>
        %mul3A_606 = arith.constant 4 : i32
        %mul3A_607 = arith.muli %mul3A_606, %scan3A_64 : i32
        %add3A_608 = arith.constant 3 : i32
        %add3A_609 = arith.addi %mul3A_607, %add3A_608 : i32
        %swap3A_610 = arith.index_cast %add3A_609 : i32 to index
        %swap3A_611 = arith.constant 0 : index
        %swap3A_612 = tpu.vector_load %arg10[%swap3A_610, %swap3A_611] {strides = array<i32>} : memref<200x128xf32, #tpu.memory_space<vmem>>, vector<16xf32>,
        tpu.vector_store %arg10[%swap3A_610, %swap3A_611], %add3A_605 {strides = array<i32>} : memref<200x128xf32, #tpu.memory_space<vmem>>, vector<16xf32>,
        %mul3A_613 = arith.constant 4 : i32
        %mul3A_614 = arith.muli %mul3A_613, %scan3A_64 : i32
        %add3A_615 = arith.constant 3 : i32
        %add3A_616 = arith.addi %mul3A_614, %add3A_615 : i32
        %get3A_617 = arith.index_cast %add3A_616 : i32 to index
        %get3A_618 = arith.constant 16 : index
        %get3A_619 = tpu.vector_load %arg10[%get3A_617, %get3A_618] {strides = array<i32>} : memref<200x128xf32, #tpu.memory_space<vmem>>, vector<16xf32>,
        %mul3A_620 = arith.constant 4 : i32
        %mul3A_621 = arith.muli %mul3A_620, %scan3A_64 : i32
        %add3A_622 = arith.constant 3 : i32
        %add3A_623 = arith.addi %mul3A_621, %add3A_622 : i32
        %get3A_624 = arith.index_cast %add3A_623 : i32 to index
        %get3A_625 = arith.constant 16 : index
        %get3A_626 = tpu.vector_load %arg12[%get3A_624, %get3A_625] {strides = array<i32>} : memref<200x128xf32, #tpu.memory_space<vmem>>, vector<16xf32>,
        %add3A_627 = arith.addf %get3A_619, %get3A_626 : vector<16xf32>
        %mul3A_628 = arith.constant 4 : i32
        %mul3A_629 = arith.muli %mul3A_628, %scan3A_64 : i32
        %add3A_630 = arith.constant 3 : i32
        %add3A_631 = arith.addi %mul3A_629, %add3A_630 : i32
        %swap3A_632 = arith.index_cast %add3A_631 : i32 to index
        %swap3A_633 = arith.constant 16 : index
        %swap3A_634 = tpu.vector_load %arg10[%swap3A_632, %swap3A_633] {strides = array<i32>} : memref<200x128xf32, #tpu.memory_space<vmem>>, vector<16xf32>,
        tpu.vector_store %arg10[%swap3A_632, %swap3A_633], %add3A_627 {strides = array<i32>} : memref<200x128xf32, #tpu.memory_space<vmem>>, vector<16xf32>,
        %mul3A_635 = arith.constant 4 : i32
        %mul3A_636 = arith.muli %mul3A_635, %scan3A_64 : i32
        %add3A_637 = arith.constant 3 : i32
        %add3A_638 = arith.addi %mul3A_636, %add3A_637 : i32
        %get3A_639 = arith.index_cast %add3A_638 : i32 to index
        %get3A_640 = arith.constant 32 : index
        %get3A_641 = tpu.vector_load %arg10[%get3A_639, %get3A_640] {strides = array<i32>} : memref<200x128xf32, #tpu.memory_space<vmem>>, vector<16xf32>,
        %mul3A_642 = arith.constant 4 : i32
        %mul3A_643 = arith.muli %mul3A_642, %scan3A_64 : i32
        %add3A_644 = arith.constant 3 : i32
        %add3A_645 = arith.addi %mul3A_643, %add3A_644 : i32
        %get3A_646 = arith.index_cast %add3A_645 : i32 to index
        %get3A_647 = arith.constant 32 : index
        %get3A_648 = tpu.vector_load %arg12[%get3A_646, %get3A_647] {strides = array<i32>} : memref<200x128xf32, #tpu.memory_space<vmem>>, vector<16xf32>,
        %add3A_649 = arith.addf %get3A_641, %get3A_648 : vector<16xf32>
        %mul3A_650 = arith.constant 4 : i32
        %mul3A_651 = arith.muli %mul3A_650, %scan3A_64 : i32
        %add3A_652 = arith.constant 3 : i32
        %add3A_653 = arith.addi %mul3A_651, %add3A_652 : i32
        %swap3A_654 = arith.index_cast %add3A_653 : i32 to index
        %swap3A_655 = arith.constant 32 : index
        %swap3A_656 = tpu.vector_load %arg10[%swap3A_654, %swap3A_655] {strides = array<i32>} : memref<200x128xf32, #tpu.memory_space<vmem>>, vector<16xf32>,
        tpu.vector_store %arg10[%swap3A_654, %swap3A_655], %add3A_649 {strides = array<i32>} : memref<200x128xf32, #tpu.memory_space<vmem>>, vector<16xf32>,
        %mul3A_657 = arith.constant 4 : i32
        %mul3A_658 = arith.muli %mul3A_657, %scan3A_64 : i32
        %add3A_659 = arith.constant 3 : i32
        %add3A_660 = arith.addi %mul3A_658, %add3A_659 : i32
        %get3A_661 = arith.index_cast %add3A_660 : i32 to index
        %get3A_662 = arith.constant 48 : index
        %get3A_663 = tpu.vector_load %arg10[%get3A_661, %get3A_662] {strides = array<i32>} : memref<200x128xf32, #tpu.memory_space<vmem>>, vector<16xf32>,
        %mul3A_664 = arith.constant 4 : i32
        %mul3A_665 = arith.muli %mul3A_664, %scan3A_64 : i32
        %add3A_666 = arith.constant 3 : i32
        %add3A_667 = arith.addi %mul3A_665, %add3A_666 : i32
        %get3A_668 = arith.index_cast %add3A_667 : i32 to index
        %get3A_669 = arith.constant 48 : index
        %get3A_670 = tpu.vector_load %arg12[%get3A_668, %get3A_669] {strides = array<i32>} : memref<200x128xf32, #tpu.memory_space<vmem>>, vector<16xf32>,
        %add3A_671 = arith.addf %get3A_663, %get3A_670 : vector<16xf32>
        %mul3A_672 = arith.constant 4 : i32
        %mul3A_673 = arith.muli %mul3A_672, %scan3A_64 : i32
        %add3A_674 = arith.constant 3 : i32
        %add3A_675 = arith.addi %mul3A_673, %add3A_674 : i32
        %swap3A_676 = arith.index_cast %add3A_675 : i32 to index
        %swap3A_677 = arith.constant 48 : index
        %swap3A_678 = tpu.vector_load %arg10[%swap3A_676, %swap3A_677] {strides = array<i32>} : memref<200x128xf32, #tpu.memory_space<vmem>>, vector<16xf32>,
        tpu.vector_store %arg10[%swap3A_676, %swap3A_677], %add3A_671 {strides = array<i32>} : memref<200x128xf32, #tpu.memory_space<vmem>>, vector<16xf32>,
        %mul3A_679 = arith.constant 4 : i32
        %mul3A_680 = arith.muli %mul3A_679, %scan3A_64 : i32
        %add3A_681 = arith.constant 3 : i32
        %add3A_682 = arith.addi %mul3A_680, %add3A_681 : i32
        %get3A_683 = arith.index_cast %add3A_682 : i32 to index
        %get3A_684 = arith.constant 64 : index
        %get3A_685 = tpu.vector_load %arg10[%get3A_683, %get3A_684] {strides = array<i32>} : memref<200x128xf32, #tpu.memory_space<vmem>>, vector<16xf32>,
        %mul3A_686 = arith.constant 4 : i32
        %mul3A_687 = arith.muli %mul3A_686, %scan3A_64 : i32
        %add3A_688 = arith.constant 3 : i32
        %add3A_689 = arith.addi %mul3A_687, %add3A_688 : i32
        %get3A_690 = arith.index_cast %add3A_689 : i32 to index
        %get3A_691 = arith.constant 64 : index
        %get3A_692 = tpu.vector_load %arg12[%get3A_690, %get3A_691] {strides = array<i32>} : memref<200x128xf32, #tpu.memory_space<vmem>>, vector<16xf32>,
        %add3A_693 = arith.addf %get3A_685, %get3A_692 : vector<16xf32>
        %mul3A_694 = arith.constant 4 : i32
        %mul3A_695 = arith.muli %mul3A_694, %scan3A_64 : i32
        %add3A_696 = arith.constant 3 : i32
        %add3A_697 = arith.addi %mul3A_695, %add3A_696 : i32
        %swap3A_698 = arith.index_cast %add3A_697 : i32 to index
        %swap3A_699 = arith.constant 64 : index
        %swap3A_700 = tpu.vector_load %arg10[%swap3A_698, %swap3A_699] {strides = array<i32>} : memref<200x128xf32, #tpu.memory_space<vmem>>, vector<16xf32>,
        tpu.vector_store %arg10[%swap3A_698, %swap3A_699], %add3A_693 {strides = array<i32>} : memref<200x128xf32, #tpu.memory_space<vmem>>, vector<16xf32>,
        %mul3A_701 = arith.constant 4 : i32
        %mul3A_702 = arith.muli %mul3A_701, %scan3A_64 : i32
        %add3A_703 = arith.constant 3 : i32
        %add3A_704 = arith.addi %mul3A_702, %add3A_703 : i32
        %get3A_705 = arith.index_cast %add3A_704 : i32 to index
        %get3A_706 = arith.constant 80 : index
        %get3A_707 = tpu.vector_load %arg10[%get3A_705, %get3A_706] {strides = array<i32>} : memref<200x128xf32, #tpu.memory_space<vmem>>, vector<16xf32>,
        %mul3A_708 = arith.constant 4 : i32
        %mul3A_709 = arith.muli %mul3A_708, %scan3A_64 : i32
        %add3A_710 = arith.constant 3 : i32
        %add3A_711 = arith.addi %mul3A_709, %add3A_710 : i32
        %get3A_712 = arith.index_cast %add3A_711 : i32 to index
        %get3A_713 = arith.constant 80 : index
        %get3A_714 = tpu.vector_load %arg12[%get3A_712, %get3A_713] {strides = array<i32>} : memref<200x128xf32, #tpu.memory_space<vmem>>, vector<16xf32>,
        %add3A_715 = arith.addf %get3A_707, %get3A_714 : vector<16xf32>
        %mul3A_716 = arith.constant 4 : i32
        %mul3A_717 = arith.muli %mul3A_716, %scan3A_64 : i32
        %add3A_718 = arith.constant 3 : i32
        %add3A_719 = arith.addi %mul3A_717, %add3A_718 : i32
        %swap3A_720 = arith.index_cast %add3A_719 : i32 to index
        %swap3A_721 = arith.constant 80 : index
        %swap3A_722 = tpu.vector_load %arg10[%swap3A_720, %swap3A_721] {strides = array<i32>} : memref<200x128xf32, #tpu.memory_space<vmem>>, vector<16xf32>,
        tpu.vector_store %arg10[%swap3A_720, %swap3A_721], %add3A_715 {strides = array<i32>} : memref<200x128xf32, #tpu.memory_space<vmem>>, vector<16xf32>,
        %mul3A_723 = arith.constant 4 : i32
        %mul3A_724 = arith.muli %mul3A_723, %scan3A_64 : i32
        %add3A_725 = arith.constant 3 : i32
        %add3A_726 = arith.addi %mul3A_724, %add3A_725 : i32
        %get3A_727 = arith.index_cast %add3A_726 : i32 to index
        %get3A_728 = arith.constant 96 : index
        %get3A_729 = tpu.vector_load %arg10[%get3A_727, %get3A_728] {strides = array<i32>} : memref<200x128xf32, #tpu.memory_space<vmem>>, vector<16xf32>,
        %mul3A_730 = arith.constant 4 : i32
        %mul3A_731 = arith.muli %mul3A_730, %scan3A_64 : i32
        %add3A_732 = arith.constant 3 : i32
        %add3A_733 = arith.addi %mul3A_731, %add3A_732 : i32
        %get3A_734 = arith.index_cast %add3A_733 : i32 to index
        %get3A_735 = arith.constant 96 : index
        %get3A_736 = tpu.vector_load %arg12[%get3A_734, %get3A_735] {strides = array<i32>} : memref<200x128xf32, #tpu.memory_space<vmem>>, vector<16xf32>,
        %add3A_737 = arith.addf %get3A_729, %get3A_736 : vector<16xf32>
        %mul3A_738 = arith.constant 4 : i32
        %mul3A_739 = arith.muli %mul3A_738, %scan3A_64 : i32
        %add3A_740 = arith.constant 3 : i32
        %add3A_741 = arith.addi %mul3A_739, %add3A_740 : i32
        %swap3A_742 = arith.index_cast %add3A_741 : i32 to index
        %swap3A_743 = arith.constant 96 : index
        %swap3A_744 = tpu.vector_load %arg10[%swap3A_742, %swap3A_743] {strides = array<i32>} : memref<200x128xf32, #tpu.memory_space<vmem>>, vector<16xf32>,
        tpu.vector_store %arg10[%swap3A_742, %swap3A_743], %add3A_737 {strides = array<i32>} : memref<200x128xf32, #tpu.memory_space<vmem>>, vector<16xf32>,
        %mul3A_745 = arith.constant 4 : i32
        %mul3A_746 = arith.muli %mul3A_745, %scan3A_64 : i32
        %add3A_747 = arith.constant 3 : i32
        %add3A_748 = arith.addi %mul3A_746, %add3A_747 : i32
        %get3A_749 = arith.index_cast %add3A_748 : i32 to index
        %get3A_750 = arith.constant 112 : index
        %get3A_751 = tpu.vector_load %arg10[%get3A_749, %get3A_750] {strides = array<i32>} : memref<200x128xf32, #tpu.memory_space<vmem>>, vector<16xf32>,
        %mul3A_752 = arith.constant 4 : i32
        %mul3A_753 = arith.muli %mul3A_752, %scan3A_64 : i32
        %add3A_754 = arith.constant 3 : i32
        %add3A_755 = arith.addi %mul3A_753, %add3A_754 : i32
        %get3A_756 = arith.index_cast %add3A_755 : i32 to index
        %get3A_757 = arith.constant 112 : index
        %get3A_758 = tpu.vector_load %arg12[%get3A_756, %get3A_757] {strides = array<i32>} : memref<200x128xf32, #tpu.memory_space<vmem>>, vector<16xf32>,
        %add3A_759 = arith.addf %get3A_751, %get3A_758 : vector<16xf32>
        %mul3A_760 = arith.constant 4 : i32
        %mul3A_761 = arith.muli %mul3A_760, %scan3A_64 : i32
        %add3A_762 = arith.constant 3 : i32
        %add3A_763 = arith.addi %mul3A_761, %add3A_762 : i32
        %swap3A_764 = arith.index_cast %add3A_763 : i32 to index
        %swap3A_765 = arith.constant 112 : index
        %swap3A_766 = tpu.vector_load %arg10[%swap3A_764, %swap3A_765] {strides = array<i32>} : memref<200x128xf32, #tpu.memory_space<vmem>>, vector<16xf32>,
        tpu.vector_store %arg10[%swap3A_764, %swap3A_765], %add3A_759 {strides = array<i32>} : memref<200x128xf32, #tpu.memory_space<vmem>>, vector<16xf32>,
      }
      %scan3A_61 = arith.constant 50 : i32
      %add3A_62 = arith.constant 200 : i32
      %add3A_63 = arith.addi %add3A_13, %add3A_62 : i32
      "tpu.region"() ({
        %run_scoped3A = tpu.sem_alloc : memref<!tpu.dma_semaphore, #tpu.memory_space<semaphore_mem>>
        %dma_start3A_64 = arith.constant 0 : i32
        %dma_start3A_65 = tpu.memref_slice %arg6[%add3A_63, %dma_start3A_64] : memref<320000x128xf32, #tpu.memory_space<hbm>> -> memref<200x128xf32, #tpu.memory_space<hbm>>
        %dma_start3A_66 = arith.constant 0 : i32
        %dma_start3A_67 = tpu.memref_slice %arg6[%add3A_63, %dma_start3A_66] : memref<320000x128xf32, #tpu.memory_space<hbm>> -> memref<200x128xf32, #tpu.memory_space<hbm>>
        tpu.enqueue_dma source(%arg10 : memref<200x128xf32, #tpu.memory_space<vmem>>) target(%dma_start3A_67 : memref<200x128xf32, #tpu.memory_space<hbm>>) target_semaphore(%run_scoped3A : memref<!tpu.dma_semaphore, #tpu.memory_space<semaphore_mem>>)
        %dma_wait3A_68 = arith.constant 0 : i32
        %dma_wait3A_69 = tpu.memref_slice %arg6[%add3A_63, %dma_wait3A_68] : memref<320000x128xf32, #tpu.memory_space<hbm>> -> memref<200x128xf32, #tpu.memory_space<hbm>>
        %dma_wait3A_70 = arith.constant 0 : i32
        %dma_wait3A_71 = tpu.memref_slice %arg6[%add3A_63, %dma_wait3A_70] : memref<320000x128xf32, #tpu.memory_space<hbm>> -> memref<200x128xf32, #tpu.memory_space<hbm>>
        tpu.wait_dma2 semaphore(%run_scoped3A : memref<!tpu.dma_semaphore, #tpu.memory_space<semaphore_mem>>) src(%arg10 : memref<200x128xf32, #tpu.memory_space<vmem>>) dst(%dma_wait3A_71 : memref<200x128xf32, #tpu.memory_space<hbm>>)
        tpu.yield
      }) : () -> ()
    }
    %scan3A_9 = arith.constant 25 : i32
    return
  }
}

#map = affine_map<(d0, d1) -> (0, 0)>
#map1 = affine_map<(d0, d1) -> (0)>
module attributes {stable_mosaic.version = 14 : i64} {
  func.func @scatter_k(%arg0: i32, %arg1: i32, %arg2: memref<320000x128xf32, #tpu.memory_space<hbm>>, %arg3: memref<320000xi32, #tpu.memory_space<hbm>>, %arg4: memref<10000x128xf32, #tpu.memory_space<hbm>>, %arg5: memref<320000xf32, #tpu.memory_space<hbm>>, %arg6: memref<400xi32, #tpu.memory_space<vmem>>, %arg7: memref<400x128xf32, #tpu.memory_space<vmem>>, %arg8: memref<10000xf32, #tpu.memory_space<vmem>>, %arg9: memref<5008x128xf32, #tpu.memory_space<vmem_shared>>) attributes {dimension_semantics = [#tpu.dimension_semantics<core_parallel>, #tpu.dimension_semantics<subcore_parallel>], iteration_bounds = array<i64: 2, 16>, scalar_prefetch = 0 : i64, scratch_operands = 4 : i64, tpu.core_type = #tpu.core_type<sc_vector_subcore>, window_params = [{transform_indices = #map}, {transform_indices = #map1}, {transform_indices = #map}, {transform_indices = #map1}]} {
    %mul3A = arith.constant 2 : i32
    %mul3A_0 = arith.muli %arg1, %mul3A : i32
    %add3A = arith.addi %mul3A_0, %arg0 : i32
    %mul3A_1 = arith.constant 5000 : i32
    %mul3A_2 = arith.muli %arg0, %mul3A_1 : i32
    %mul3A_3 = arith.constant 50 : i32
    %mul3A_4 = arith.muli %arg1, %mul3A_3 : i32
    %mul3A_5 = arith.constant 400 : i32
    %mul3A_6 = arith.muli %mul3A_4, %mul3A_5 : i32
    %broadcast_in_dim3A = arith.constant 0.000000e+00 : f32
    %broadcast_in_dim3A_7 = vector.broadcast %broadcast_in_dim3A : f32 to vector<16xf32>
    %scan3A = arith.constant 0 : i32
    %scan3A_8 = arith.constant 0 : i32
    %scan3A_9 = arith.constant 200 : i32
    %scan3A_10 = arith.addi %scan3A_8, %scan3A_9 : i32
    %scan3A_11 = arith.constant 1 : i32
    scf.for %scan3A_35 = %scan3A_8 to %scan3A_10 step %scan3A_11  : i32 {
      %swap3A = arith.index_cast %scan3A_35 : i32 to index
      %swap3A_36 = arith.constant 0 : index
      %swap3A_37 = tpu.vector_load %arg7[%swap3A, %swap3A_36] {strides = array<i32>} : memref<400x128xf32, #tpu.memory_space<vmem>>, vector<16xf32>,
      tpu.vector_store %arg7[%swap3A, %swap3A_36], %broadcast_in_dim3A_7 {strides = array<i32>} : memref<400x128xf32, #tpu.memory_space<vmem>>, vector<16xf32>,
      %swap3A_38 = arith.index_cast %scan3A_35 : i32 to index
      %swap3A_39 = arith.constant 16 : index
      %swap3A_40 = tpu.vector_load %arg7[%swap3A_38, %swap3A_39] {strides = array<i32>} : memref<400x128xf32, #tpu.memory_space<vmem>>, vector<16xf32>,
      tpu.vector_store %arg7[%swap3A_38, %swap3A_39], %broadcast_in_dim3A_7 {strides = array<i32>} : memref<400x128xf32, #tpu.memory_space<vmem>>, vector<16xf32>,
      %swap3A_41 = arith.index_cast %scan3A_35 : i32 to index
      %swap3A_42 = arith.constant 32 : index
      %swap3A_43 = tpu.vector_load %arg7[%swap3A_41, %swap3A_42] {strides = array<i32>} : memref<400x128xf32, #tpu.memory_space<vmem>>, vector<16xf32>,
      tpu.vector_store %arg7[%swap3A_41, %swap3A_42], %broadcast_in_dim3A_7 {strides = array<i32>} : memref<400x128xf32, #tpu.memory_space<vmem>>, vector<16xf32>,
      %swap3A_44 = arith.index_cast %scan3A_35 : i32 to index
      %swap3A_45 = arith.constant 48 : index
      %swap3A_46 = tpu.vector_load %arg7[%swap3A_44, %swap3A_45] {strides = array<i32>} : memref<400x128xf32, #tpu.memory_space<vmem>>, vector<16xf32>,
      tpu.vector_store %arg7[%swap3A_44, %swap3A_45], %broadcast_in_dim3A_7 {strides = array<i32>} : memref<400x128xf32, #tpu.memory_space<vmem>>, vector<16xf32>,
      %swap3A_47 = arith.index_cast %scan3A_35 : i32 to index
      %swap3A_48 = arith.constant 64 : index
      %swap3A_49 = tpu.vector_load %arg7[%swap3A_47, %swap3A_48] {strides = array<i32>} : memref<400x128xf32, #tpu.memory_space<vmem>>, vector<16xf32>,
      tpu.vector_store %arg7[%swap3A_47, %swap3A_48], %broadcast_in_dim3A_7 {strides = array<i32>} : memref<400x128xf32, #tpu.memory_space<vmem>>, vector<16xf32>,
      %swap3A_50 = arith.index_cast %scan3A_35 : i32 to index
      %swap3A_51 = arith.constant 80 : index
      %swap3A_52 = tpu.vector_load %arg7[%swap3A_50, %swap3A_51] {strides = array<i32>} : memref<400x128xf32, #tpu.memory_space<vmem>>, vector<16xf32>,
      tpu.vector_store %arg7[%swap3A_50, %swap3A_51], %broadcast_in_dim3A_7 {strides = array<i32>} : memref<400x128xf32, #tpu.memory_space<vmem>>, vector<16xf32>,
      %swap3A_53 = arith.index_cast %scan3A_35 : i32 to index
      %swap3A_54 = arith.constant 96 : index
      %swap3A_55 = tpu.vector_load %arg7[%swap3A_53, %swap3A_54] {strides = array<i32>} : memref<400x128xf32, #tpu.memory_space<vmem>>, vector<16xf32>,
      tpu.vector_store %arg7[%swap3A_53, %swap3A_54], %broadcast_in_dim3A_7 {strides = array<i32>} : memref<400x128xf32, #tpu.memory_space<vmem>>, vector<16xf32>,
      %swap3A_56 = arith.index_cast %scan3A_35 : i32 to index
      %swap3A_57 = arith.constant 112 : index
      %swap3A_58 = tpu.vector_load %arg7[%swap3A_56, %swap3A_57] {strides = array<i32>} : memref<400x128xf32, #tpu.memory_space<vmem>>, vector<16xf32>,
      tpu.vector_store %arg7[%swap3A_56, %swap3A_57], %broadcast_in_dim3A_7 {strides = array<i32>} : memref<400x128xf32, #tpu.memory_space<vmem>>, vector<16xf32>,
    }
    %scan3A_12 = arith.constant 200 : i32
    %scan3A_13 = arith.constant 0 : i32
    %scan3A_14 = arith.constant 0 : i32
    %scan3A_15 = arith.constant 625 : i32
    %scan3A_16 = arith.addi %scan3A_14, %scan3A_15 : i32
    %scan3A_17 = arith.constant 1 : i32
    scf.for %scan3A_35 = %scan3A_14 to %scan3A_16 step %scan3A_17  : i32 {
      %mul3A_36 = arith.constant 16 : i32
      %mul3A_37 = arith.muli %scan3A_35, %mul3A_36 : i32
      %swap3A = arith.index_cast %mul3A_37 : i32 to index
      %swap3A_38 = tpu.vector_load %arg8[%swap3A] {strides = array<i32>} : memref<10000xf32, #tpu.memory_space<vmem>>, vector<16xf32>,
      tpu.vector_store %arg8[%swap3A], %broadcast_in_dim3A_7 {strides = array<i32>} : memref<10000xf32, #tpu.memory_space<vmem>>, vector<16xf32>,
    }
    %scan3A_18 = arith.constant 625 : i32
    %lt3A = arith.constant 5 : i32
    %lt3A_19 = arith.cmpi slt, %arg1, %lt3A : i32
    %convert_element_type3A = arith.extui %lt3A_19 : i1 to i32
    %cond3A = arith.constant 0 : i32
    %cond3A_20 = arith.cmpi ne, %convert_element_type3A, %cond3A : i32
    scf.if %cond3A_20 {
      %scan3A_35 = arith.constant 0 : i32
      %scan3A_36 = arith.constant 0 : i32
      %scan3A_37 = arith.constant 5 : i32
      %scan3A_38 = arith.addi %scan3A_36, %scan3A_37 : i32
      %scan3A_39 = arith.constant 1 : i32
      scf.for %scan3A_41 = %scan3A_36 to %scan3A_38 step %scan3A_39  : i32 {
        %mul3A_42 = arith.constant 1000 : i32
        %mul3A_43 = arith.muli %arg1, %mul3A_42 : i32
        %mul3A_44 = arith.constant 200 : i32
        %mul3A_45 = arith.muli %scan3A_41, %mul3A_44 : i32
        %add3A_46 = arith.addi %mul3A_43, %mul3A_45 : i32
        "tpu.region"() ({
          %run_scoped3A = tpu.sem_alloc : memref<!tpu.dma_semaphore, #tpu.memory_space<semaphore_mem>>
          %dma_start3A = arith.constant 0 : i32
          %dma_start3A_47 = arith.constant 0 : i32
          %dma_start3A_48 = tpu.memref_slice %arg7[%dma_start3A, %dma_start3A_47] : memref<400x128xf32, #tpu.memory_space<vmem>> -> memref<200x128xf32, #tpu.memory_space<vmem>>
          %dma_start3A_49 = arith.constant 0 : i32
          %dma_start3A_50 = tpu.memref_slice %arg9[%add3A_46, %dma_start3A_49] : memref<5008x128xf32, #tpu.memory_space<vmem_shared>> -> memref<200x128xf32, #tpu.memory_space<vmem_shared>>
          %dma_start3A_51 = arith.constant 0 : i32
          %dma_start3A_52 = tpu.memref_slice %arg9[%add3A_46, %dma_start3A_51] : memref<5008x128xf32, #tpu.memory_space<vmem_shared>> -> memref<200x128xf32, #tpu.memory_space<vmem_shared>>
          %dma_start3A_53 = arith.constant 0 : i32
          %dma_start3A_54 = arith.constant 0 : i32
          %dma_start3A_55 = tpu.memref_slice %arg7[%dma_start3A_53, %dma_start3A_54] : memref<400x128xf32, #tpu.memory_space<vmem>> -> memref<200x128xf32, #tpu.memory_space<vmem>>
          tpu.enqueue_dma source(%dma_start3A_55 : memref<200x128xf32, #tpu.memory_space<vmem>>) target(%dma_start3A_52 : memref<200x128xf32, #tpu.memory_space<vmem_shared>>) target_semaphore(%run_scoped3A : memref<!tpu.dma_semaphore, #tpu.memory_space<semaphore_mem>>)
          %dma_wait3A = arith.constant 0 : i32
          %dma_wait3A_56 = arith.constant 0 : i32
          %dma_wait3A_57 = tpu.memref_slice %arg7[%dma_wait3A, %dma_wait3A_56] : memref<400x128xf32, #tpu.memory_space<vmem>> -> memref<200x128xf32, #tpu.memory_space<vmem>>
          %dma_wait3A_58 = arith.constant 0 : i32
          %dma_wait3A_59 = tpu.memref_slice %arg9[%add3A_46, %dma_wait3A_58] : memref<5008x128xf32, #tpu.memory_space<vmem_shared>> -> memref<200x128xf32, #tpu.memory_space<vmem_shared>>
          %dma_wait3A_60 = arith.constant 0 : i32
          %dma_wait3A_61 = tpu.memref_slice %arg9[%add3A_46, %dma_wait3A_60] : memref<5008x128xf32, #tpu.memory_space<vmem_shared>> -> memref<200x128xf32, #tpu.memory_space<vmem_shared>>
          %dma_wait3A_62 = arith.constant 0 : i32
          %dma_wait3A_63 = arith.constant 0 : i32
          %dma_wait3A_64 = tpu.memref_slice %arg7[%dma_wait3A_62, %dma_wait3A_63] : memref<400x128xf32, #tpu.memory_space<vmem>> -> memref<200x128xf32, #tpu.memory_space<vmem>>
          tpu.wait_dma2 semaphore(%run_scoped3A : memref<!tpu.dma_semaphore, #tpu.memory_space<semaphore_mem>>) src(%dma_wait3A_64 : memref<200x128xf32, #tpu.memory_space<vmem>>) dst(%dma_wait3A_61 : memref<200x128xf32, #tpu.memory_space<vmem_shared>>)
          tpu.yield
        }) : () -> ()
      }
      %scan3A_40 = arith.constant 5 : i32
    } else {
    }
    %barrier3A = arith.constant 0 : index
    tpu.barrier barrier_id(%barrier3A)
    %scan3A_21 = arith.constant 0 : i32
    %scan3A_22 = arith.constant 0 : i32
    %scan3A_23 = arith.constant 50 : i32
    %scan3A_24 = arith.addi %scan3A_22, %scan3A_23 : i32
    %scan3A_25 = arith.constant 1 : i32
    scf.for %scan3A_35 = %scan3A_22 to %scan3A_24 step %scan3A_25  : i32 {
      %mul3A_36 = arith.constant 400 : i32
      %mul3A_37 = arith.muli %scan3A_35, %mul3A_36 : i32
      %add3A_38 = arith.addi %mul3A_6, %mul3A_37 : i32
      "tpu.region"() ({
        %run_scoped3A = tpu.sem_alloc : memref<!tpu.dma_semaphore, #tpu.memory_space<semaphore_mem>>
        %dma_start3A = tpu.memref_slice %arg3[%add3A_38] : memref<320000xi32, #tpu.memory_space<hbm>> -> memref<400xi32, #tpu.memory_space<hbm>>
        %dma_start3A_557 = tpu.memref_slice %arg3[%add3A_38] : memref<320000xi32, #tpu.memory_space<hbm>> -> memref<400xi32, #tpu.memory_space<hbm>>
        tpu.enqueue_dma source(%dma_start3A_557 : memref<400xi32, #tpu.memory_space<hbm>>) target(%arg6 : memref<400xi32, #tpu.memory_space<vmem>>) target_semaphore(%run_scoped3A : memref<!tpu.dma_semaphore, #tpu.memory_space<semaphore_mem>>)
        %dma_wait3A = tpu.memref_slice %arg3[%add3A_38] : memref<320000xi32, #tpu.memory_space<hbm>> -> memref<400xi32, #tpu.memory_space<hbm>>
        %dma_wait3A_558 = tpu.memref_slice %arg3[%add3A_38] : memref<320000xi32, #tpu.memory_space<hbm>> -> memref<400xi32, #tpu.memory_space<hbm>>
        tpu.wait_dma2 semaphore(%run_scoped3A : memref<!tpu.dma_semaphore, #tpu.memory_space<semaphore_mem>>) src(%dma_wait3A_558 : memref<400xi32, #tpu.memory_space<hbm>>) dst(%arg6 : memref<400xi32, #tpu.memory_space<vmem>>)
        tpu.yield
      }) : () -> ()
      "tpu.region"() ({
        %run_scoped3A = tpu.sem_alloc : memref<!tpu.dma_semaphore, #tpu.memory_space<semaphore_mem>>
        %dma_start3A = arith.constant 0 : i32
        %dma_start3A_557 = tpu.memref_slice %arg2[%add3A_38, %dma_start3A] : memref<320000x128xf32, #tpu.memory_space<hbm>> -> memref<400x128xf32, #tpu.memory_space<hbm>>
        %dma_start3A_558 = arith.constant 0 : i32
        %dma_start3A_559 = tpu.memref_slice %arg2[%add3A_38, %dma_start3A_558] : memref<320000x128xf32, #tpu.memory_space<hbm>> -> memref<400x128xf32, #tpu.memory_space<hbm>>
        tpu.enqueue_dma source(%dma_start3A_559 : memref<400x128xf32, #tpu.memory_space<hbm>>) target(%arg7 : memref<400x128xf32, #tpu.memory_space<vmem>>) target_semaphore(%run_scoped3A : memref<!tpu.dma_semaphore, #tpu.memory_space<semaphore_mem>>)
        %dma_wait3A = arith.constant 0 : i32
        %dma_wait3A_560 = tpu.memref_slice %arg2[%add3A_38, %dma_wait3A] : memref<320000x128xf32, #tpu.memory_space<hbm>> -> memref<400x128xf32, #tpu.memory_space<hbm>>
        %dma_wait3A_561 = arith.constant 0 : i32
        %dma_wait3A_562 = tpu.memref_slice %arg2[%add3A_38, %dma_wait3A_561] : memref<320000x128xf32, #tpu.memory_space<hbm>> -> memref<400x128xf32, #tpu.memory_space<hbm>>
        tpu.wait_dma2 semaphore(%run_scoped3A : memref<!tpu.dma_semaphore, #tpu.memory_space<semaphore_mem>>) src(%dma_wait3A_562 : memref<400x128xf32, #tpu.memory_space<hbm>>) dst(%arg7 : memref<400x128xf32, #tpu.memory_space<vmem>>)
        tpu.yield
      }) : () -> ()
      %get3A = arith.constant 0 : index
      %get3A_39 = tpu.vector_load %arg6[%get3A] {strides = array<i32>} : memref<400xi32, #tpu.memory_space<vmem>>, vector<16xi32>,
      %sub3A = vector.broadcast %mul3A_2 : i32 to vector<16xi32>
      %sub3A_40 = arith.subi %get3A_39, %sub3A : vector<16xi32>
      %ge3A = arith.constant 0 : i32
      %ge3A_41 = vector.broadcast %ge3A : i32 to vector<16xi32>
      %ge3A_42 = arith.cmpi sge, %sub3A_40, %ge3A_41 : vector<16xi32>
      %lt3A_43 = arith.constant 5000 : i32
      %lt3A_44 = vector.broadcast %lt3A_43 : i32 to vector<16xi32>
      %lt3A_45 = arith.cmpi slt, %sub3A_40, %lt3A_44 : vector<16xi32>
      %and3A = arith.andi %ge3A_42, %lt3A_45 : vector<16xi1>
      %jit3A = arith.constant 1.000000e+00 : f32
      %jit3A_46 = arith.constant 0.000000e+00 : f32
      %broadcast_in_dim3A_47 = vector.broadcast %jit3A : f32 to vector<16xf32>
      %broadcast_in_dim3A_48 = vector.broadcast %jit3A_46 : f32 to vector<16xf32>
      %select_n3A = arith.select %and3A, %broadcast_in_dim3A_47, %broadcast_in_dim3A_48 : vector<16xi1>, vector<16xf32>
      tpu.vector_store_idx %arg8[%get3A_39], %select_n3A {add = true} : memref<10000xf32, #tpu.memory_space<vmem>>[vector<16xi32>], vector<16xf32>,
      %jit3A_49 = arith.constant 5000 : i32
      %broadcast_in_dim3A_50 = vector.broadcast %jit3A_49 : i32 to vector<16xi32>
      %select_n3A_51 = arith.select %and3A, %sub3A_40, %broadcast_in_dim3A_50 : vector<16xi1>, vector<16xi32>
      %swap3A = arith.constant 0 : index
      %swap3A_52 = tpu.vector_load %arg6[%swap3A] {strides = array<i32>} : memref<400xi32, #tpu.memory_space<vmem>>, vector<16xi32>,
      tpu.vector_store %arg6[%swap3A], %select_n3A_51 {strides = array<i32>} : memref<400xi32, #tpu.memory_space<vmem>>, vector<16xi32>,
      %get3A_53 = arith.constant 16 : index
      %get3A_54 = tpu.vector_load %arg6[%get3A_53] {strides = array<i32>} : memref<400xi32, #tpu.memory_space<vmem>>, vector<16xi32>,
      %sub3A_55 = vector.broadcast %mul3A_2 : i32 to vector<16xi32>
      %sub3A_56 = arith.subi %get3A_54, %sub3A_55 : vector<16xi32>
      %ge3A_57 = arith.constant 0 : i32
      %ge3A_58 = vector.broadcast %ge3A_57 : i32 to vector<16xi32>
      %ge3A_59 = arith.cmpi sge, %sub3A_56, %ge3A_58 : vector<16xi32>
      %lt3A_60 = arith.constant 5000 : i32
      %lt3A_61 = vector.broadcast %lt3A_60 : i32 to vector<16xi32>
      %lt3A_62 = arith.cmpi slt, %sub3A_56, %lt3A_61 : vector<16xi32>
      %and3A_63 = arith.andi %ge3A_59, %lt3A_62 : vector<16xi1>
      %jit3A_64 = arith.constant 1.000000e+00 : f32
      %jit3A_65 = arith.constant 0.000000e+00 : f32
      %broadcast_in_dim3A_66 = vector.broadcast %jit3A_64 : f32 to vector<16xf32>
      %broadcast_in_dim3A_67 = vector.broadcast %jit3A_65 : f32 to vector<16xf32>
      %select_n3A_68 = arith.select %and3A_63, %broadcast_in_dim3A_66, %broadcast_in_dim3A_67 : vector<16xi1>, vector<16xf32>
      tpu.vector_store_idx %arg8[%get3A_54], %select_n3A_68 {add = true} : memref<10000xf32, #tpu.memory_space<vmem>>[vector<16xi32>], vector<16xf32>,
      %jit3A_69 = arith.constant 5000 : i32
      %broadcast_in_dim3A_70 = vector.broadcast %jit3A_69 : i32 to vector<16xi32>
      %select_n3A_71 = arith.select %and3A_63, %sub3A_56, %broadcast_in_dim3A_70 : vector<16xi1>, vector<16xi32>
      %swap3A_72 = arith.constant 16 : index
      %swap3A_73 = tpu.vector_load %arg6[%swap3A_72] {strides = array<i32>} : memref<400xi32, #tpu.memory_space<vmem>>, vector<16xi32>,
      tpu.vector_store %arg6[%swap3A_72], %select_n3A_71 {strides = array<i32>} : memref<400xi32, #tpu.memory_space<vmem>>, vector<16xi32>,
      %get3A_74 = arith.constant 32 : index
      %get3A_75 = tpu.vector_load %arg6[%get3A_74] {strides = array<i32>} : memref<400xi32, #tpu.memory_space<vmem>>, vector<16xi32>,
      %sub3A_76 = vector.broadcast %mul3A_2 : i32 to vector<16xi32>
      %sub3A_77 = arith.subi %get3A_75, %sub3A_76 : vector<16xi32>
      %ge3A_78 = arith.constant 0 : i32
      %ge3A_79 = vector.broadcast %ge3A_78 : i32 to vector<16xi32>
      %ge3A_80 = arith.cmpi sge, %sub3A_77, %ge3A_79 : vector<16xi32>
      %lt3A_81 = arith.constant 5000 : i32
      %lt3A_82 = vector.broadcast %lt3A_81 : i32 to vector<16xi32>
      %lt3A_83 = arith.cmpi slt, %sub3A_77, %lt3A_82 : vector<16xi32>
      %and3A_84 = arith.andi %ge3A_80, %lt3A_83 : vector<16xi1>
      %jit3A_85 = arith.constant 1.000000e+00 : f32
      %jit3A_86 = arith.constant 0.000000e+00 : f32
      %broadcast_in_dim3A_87 = vector.broadcast %jit3A_85 : f32 to vector<16xf32>
      %broadcast_in_dim3A_88 = vector.broadcast %jit3A_86 : f32 to vector<16xf32>
      %select_n3A_89 = arith.select %and3A_84, %broadcast_in_dim3A_87, %broadcast_in_dim3A_88 : vector<16xi1>, vector<16xf32>
      tpu.vector_store_idx %arg8[%get3A_75], %select_n3A_89 {add = true} : memref<10000xf32, #tpu.memory_space<vmem>>[vector<16xi32>], vector<16xf32>,
      %jit3A_90 = arith.constant 5000 : i32
      %broadcast_in_dim3A_91 = vector.broadcast %jit3A_90 : i32 to vector<16xi32>
      %select_n3A_92 = arith.select %and3A_84, %sub3A_77, %broadcast_in_dim3A_91 : vector<16xi1>, vector<16xi32>
      %swap3A_93 = arith.constant 32 : index
      %swap3A_94 = tpu.vector_load %arg6[%swap3A_93] {strides = array<i32>} : memref<400xi32, #tpu.memory_space<vmem>>, vector<16xi32>,
      tpu.vector_store %arg6[%swap3A_93], %select_n3A_92 {strides = array<i32>} : memref<400xi32, #tpu.memory_space<vmem>>, vector<16xi32>,
      %get3A_95 = arith.constant 48 : index
      %get3A_96 = tpu.vector_load %arg6[%get3A_95] {strides = array<i32>} : memref<400xi32, #tpu.memory_space<vmem>>, vector<16xi32>,
      %sub3A_97 = vector.broadcast %mul3A_2 : i32 to vector<16xi32>
      %sub3A_98 = arith.subi %get3A_96, %sub3A_97 : vector<16xi32>
      %ge3A_99 = arith.constant 0 : i32
      %ge3A_100 = vector.broadcast %ge3A_99 : i32 to vector<16xi32>
      %ge3A_101 = arith.cmpi sge, %sub3A_98, %ge3A_100 : vector<16xi32>
      %lt3A_102 = arith.constant 5000 : i32
      %lt3A_103 = vector.broadcast %lt3A_102 : i32 to vector<16xi32>
      %lt3A_104 = arith.cmpi slt, %sub3A_98, %lt3A_103 : vector<16xi32>
      %and3A_105 = arith.andi %ge3A_101, %lt3A_104 : vector<16xi1>
      %jit3A_106 = arith.constant 1.000000e+00 : f32
      %jit3A_107 = arith.constant 0.000000e+00 : f32
      %broadcast_in_dim3A_108 = vector.broadcast %jit3A_106 : f32 to vector<16xf32>
      %broadcast_in_dim3A_109 = vector.broadcast %jit3A_107 : f32 to vector<16xf32>
      %select_n3A_110 = arith.select %and3A_105, %broadcast_in_dim3A_108, %broadcast_in_dim3A_109 : vector<16xi1>, vector<16xf32>
      tpu.vector_store_idx %arg8[%get3A_96], %select_n3A_110 {add = true} : memref<10000xf32, #tpu.memory_space<vmem>>[vector<16xi32>], vector<16xf32>,
      %jit3A_111 = arith.constant 5000 : i32
      %broadcast_in_dim3A_112 = vector.broadcast %jit3A_111 : i32 to vector<16xi32>
      %select_n3A_113 = arith.select %and3A_105, %sub3A_98, %broadcast_in_dim3A_112 : vector<16xi1>, vector<16xi32>
      %swap3A_114 = arith.constant 48 : index
      %swap3A_115 = tpu.vector_load %arg6[%swap3A_114] {strides = array<i32>} : memref<400xi32, #tpu.memory_space<vmem>>, vector<16xi32>,
      tpu.vector_store %arg6[%swap3A_114], %select_n3A_113 {strides = array<i32>} : memref<400xi32, #tpu.memory_space<vmem>>, vector<16xi32>,
      %get3A_116 = arith.constant 64 : index
      %get3A_117 = tpu.vector_load %arg6[%get3A_116] {strides = array<i32>} : memref<400xi32, #tpu.memory_space<vmem>>, vector<16xi32>,
      %sub3A_118 = vector.broadcast %mul3A_2 : i32 to vector<16xi32>
      %sub3A_119 = arith.subi %get3A_117, %sub3A_118 : vector<16xi32>
      %ge3A_120 = arith.constant 0 : i32
      %ge3A_121 = vector.broadcast %ge3A_120 : i32 to vector<16xi32>
      %ge3A_122 = arith.cmpi sge, %sub3A_119, %ge3A_121 : vector<16xi32>
      %lt3A_123 = arith.constant 5000 : i32
      %lt3A_124 = vector.broadcast %lt3A_123 : i32 to vector<16xi32>
      %lt3A_125 = arith.cmpi slt, %sub3A_119, %lt3A_124 : vector<16xi32>
      %and3A_126 = arith.andi %ge3A_122, %lt3A_125 : vector<16xi1>
      %jit3A_127 = arith.constant 1.000000e+00 : f32
      %jit3A_128 = arith.constant 0.000000e+00 : f32
      %broadcast_in_dim3A_129 = vector.broadcast %jit3A_127 : f32 to vector<16xf32>
      %broadcast_in_dim3A_130 = vector.broadcast %jit3A_128 : f32 to vector<16xf32>
      %select_n3A_131 = arith.select %and3A_126, %broadcast_in_dim3A_129, %broadcast_in_dim3A_130 : vector<16xi1>, vector<16xf32>
      tpu.vector_store_idx %arg8[%get3A_117], %select_n3A_131 {add = true} : memref<10000xf32, #tpu.memory_space<vmem>>[vector<16xi32>], vector<16xf32>,
      %jit3A_132 = arith.constant 5000 : i32
      %broadcast_in_dim3A_133 = vector.broadcast %jit3A_132 : i32 to vector<16xi32>
      %select_n3A_134 = arith.select %and3A_126, %sub3A_119, %broadcast_in_dim3A_133 : vector<16xi1>, vector<16xi32>
      %swap3A_135 = arith.constant 64 : index
      %swap3A_136 = tpu.vector_load %arg6[%swap3A_135] {strides = array<i32>} : memref<400xi32, #tpu.memory_space<vmem>>, vector<16xi32>,
      tpu.vector_store %arg6[%swap3A_135], %select_n3A_134 {strides = array<i32>} : memref<400xi32, #tpu.memory_space<vmem>>, vector<16xi32>,
      %get3A_137 = arith.constant 80 : index
      %get3A_138 = tpu.vector_load %arg6[%get3A_137] {strides = array<i32>} : memref<400xi32, #tpu.memory_space<vmem>>, vector<16xi32>,
      %sub3A_139 = vector.broadcast %mul3A_2 : i32 to vector<16xi32>
      %sub3A_140 = arith.subi %get3A_138, %sub3A_139 : vector<16xi32>
      %ge3A_141 = arith.constant 0 : i32
      %ge3A_142 = vector.broadcast %ge3A_141 : i32 to vector<16xi32>
      %ge3A_143 = arith.cmpi sge, %sub3A_140, %ge3A_142 : vector<16xi32>
      %lt3A_144 = arith.constant 5000 : i32
      %lt3A_145 = vector.broadcast %lt3A_144 : i32 to vector<16xi32>
      %lt3A_146 = arith.cmpi slt, %sub3A_140, %lt3A_145 : vector<16xi32>
      %and3A_147 = arith.andi %ge3A_143, %lt3A_146 : vector<16xi1>
      %jit3A_148 = arith.constant 1.000000e+00 : f32
      %jit3A_149 = arith.constant 0.000000e+00 : f32
      %broadcast_in_dim3A_150 = vector.broadcast %jit3A_148 : f32 to vector<16xf32>
      %broadcast_in_dim3A_151 = vector.broadcast %jit3A_149 : f32 to vector<16xf32>
      %select_n3A_152 = arith.select %and3A_147, %broadcast_in_dim3A_150, %broadcast_in_dim3A_151 : vector<16xi1>, vector<16xf32>
      tpu.vector_store_idx %arg8[%get3A_138], %select_n3A_152 {add = true} : memref<10000xf32, #tpu.memory_space<vmem>>[vector<16xi32>], vector<16xf32>,
      %jit3A_153 = arith.constant 5000 : i32
      %broadcast_in_dim3A_154 = vector.broadcast %jit3A_153 : i32 to vector<16xi32>
      %select_n3A_155 = arith.select %and3A_147, %sub3A_140, %broadcast_in_dim3A_154 : vector<16xi1>, vector<16xi32>
      %swap3A_156 = arith.constant 80 : index
      %swap3A_157 = tpu.vector_load %arg6[%swap3A_156] {strides = array<i32>} : memref<400xi32, #tpu.memory_space<vmem>>, vector<16xi32>,
      tpu.vector_store %arg6[%swap3A_156], %select_n3A_155 {strides = array<i32>} : memref<400xi32, #tpu.memory_space<vmem>>, vector<16xi32>,
      %get3A_158 = arith.constant 96 : index
      %get3A_159 = tpu.vector_load %arg6[%get3A_158] {strides = array<i32>} : memref<400xi32, #tpu.memory_space<vmem>>, vector<16xi32>,
      %sub3A_160 = vector.broadcast %mul3A_2 : i32 to vector<16xi32>
      %sub3A_161 = arith.subi %get3A_159, %sub3A_160 : vector<16xi32>
      %ge3A_162 = arith.constant 0 : i32
      %ge3A_163 = vector.broadcast %ge3A_162 : i32 to vector<16xi32>
      %ge3A_164 = arith.cmpi sge, %sub3A_161, %ge3A_163 : vector<16xi32>
      %lt3A_165 = arith.constant 5000 : i32
      %lt3A_166 = vector.broadcast %lt3A_165 : i32 to vector<16xi32>
      %lt3A_167 = arith.cmpi slt, %sub3A_161, %lt3A_166 : vector<16xi32>
      %and3A_168 = arith.andi %ge3A_164, %lt3A_167 : vector<16xi1>
      %jit3A_169 = arith.constant 1.000000e+00 : f32
      %jit3A_170 = arith.constant 0.000000e+00 : f32
      %broadcast_in_dim3A_171 = vector.broadcast %jit3A_169 : f32 to vector<16xf32>
      %broadcast_in_dim3A_172 = vector.broadcast %jit3A_170 : f32 to vector<16xf32>
      %select_n3A_173 = arith.select %and3A_168, %broadcast_in_dim3A_171, %broadcast_in_dim3A_172 : vector<16xi1>, vector<16xf32>
      tpu.vector_store_idx %arg8[%get3A_159], %select_n3A_173 {add = true} : memref<10000xf32, #tpu.memory_space<vmem>>[vector<16xi32>], vector<16xf32>,
      %jit3A_174 = arith.constant 5000 : i32
      %broadcast_in_dim3A_175 = vector.broadcast %jit3A_174 : i32 to vector<16xi32>
      %select_n3A_176 = arith.select %and3A_168, %sub3A_161, %broadcast_in_dim3A_175 : vector<16xi1>, vector<16xi32>
      %swap3A_177 = arith.constant 96 : index
      %swap3A_178 = tpu.vector_load %arg6[%swap3A_177] {strides = array<i32>} : memref<400xi32, #tpu.memory_space<vmem>>, vector<16xi32>,
      tpu.vector_store %arg6[%swap3A_177], %select_n3A_176 {strides = array<i32>} : memref<400xi32, #tpu.memory_space<vmem>>, vector<16xi32>,
      %get3A_179 = arith.constant 112 : index
      %get3A_180 = tpu.vector_load %arg6[%get3A_179] {strides = array<i32>} : memref<400xi32, #tpu.memory_space<vmem>>, vector<16xi32>,
      %sub3A_181 = vector.broadcast %mul3A_2 : i32 to vector<16xi32>
      %sub3A_182 = arith.subi %get3A_180, %sub3A_181 : vector<16xi32>
      %ge3A_183 = arith.constant 0 : i32
      %ge3A_184 = vector.broadcast %ge3A_183 : i32 to vector<16xi32>
      %ge3A_185 = arith.cmpi sge, %sub3A_182, %ge3A_184 : vector<16xi32>
      %lt3A_186 = arith.constant 5000 : i32
      %lt3A_187 = vector.broadcast %lt3A_186 : i32 to vector<16xi32>
      %lt3A_188 = arith.cmpi slt, %sub3A_182, %lt3A_187 : vector<16xi32>
      %and3A_189 = arith.andi %ge3A_185, %lt3A_188 : vector<16xi1>
      %jit3A_190 = arith.constant 1.000000e+00 : f32
      %jit3A_191 = arith.constant 0.000000e+00 : f32
      %broadcast_in_dim3A_192 = vector.broadcast %jit3A_190 : f32 to vector<16xf32>
      %broadcast_in_dim3A_193 = vector.broadcast %jit3A_191 : f32 to vector<16xf32>
      %select_n3A_194 = arith.select %and3A_189, %broadcast_in_dim3A_192, %broadcast_in_dim3A_193 : vector<16xi1>, vector<16xf32>
      tpu.vector_store_idx %arg8[%get3A_180], %select_n3A_194 {add = true} : memref<10000xf32, #tpu.memory_space<vmem>>[vector<16xi32>], vector<16xf32>,
      %jit3A_195 = arith.constant 5000 : i32
      %broadcast_in_dim3A_196 = vector.broadcast %jit3A_195 : i32 to vector<16xi32>
      %select_n3A_197 = arith.select %and3A_189, %sub3A_182, %broadcast_in_dim3A_196 : vector<16xi1>, vector<16xi32>
      %swap3A_198 = arith.constant 112 : index
      %swap3A_199 = tpu.vector_load %arg6[%swap3A_198] {strides = array<i32>} : memref<400xi32, #tpu.memory_space<vmem>>, vector<16xi32>,
      tpu.vector_store %arg6[%swap3A_198], %select_n3A_197 {strides = array<i32>} : memref<400xi32, #tpu.memory_space<vmem>>, vector<16xi32>,
      %get3A_200 = arith.constant 128 : index
      %get3A_201 = tpu.vector_load %arg6[%get3A_200] {strides = array<i32>} : memref<400xi32, #tpu.memory_space<vmem>>, vector<16xi32>,
      %sub3A_202 = vector.broadcast %mul3A_2 : i32 to vector<16xi32>
      %sub3A_203 = arith.subi %get3A_201, %sub3A_202 : vector<16xi32>
      %ge3A_204 = arith.constant 0 : i32
      %ge3A_205 = vector.broadcast %ge3A_204 : i32 to vector<16xi32>
      %ge3A_206 = arith.cmpi sge, %sub3A_203, %ge3A_205 : vector<16xi32>
      %lt3A_207 = arith.constant 5000 : i32
      %lt3A_208 = vector.broadcast %lt3A_207 : i32 to vector<16xi32>
      %lt3A_209 = arith.cmpi slt, %sub3A_203, %lt3A_208 : vector<16xi32>
      %and3A_210 = arith.andi %ge3A_206, %lt3A_209 : vector<16xi1>
      %jit3A_211 = arith.constant 1.000000e+00 : f32
      %jit3A_212 = arith.constant 0.000000e+00 : f32
      %broadcast_in_dim3A_213 = vector.broadcast %jit3A_211 : f32 to vector<16xf32>
      %broadcast_in_dim3A_214 = vector.broadcast %jit3A_212 : f32 to vector<16xf32>
      %select_n3A_215 = arith.select %and3A_210, %broadcast_in_dim3A_213, %broadcast_in_dim3A_214 : vector<16xi1>, vector<16xf32>
      tpu.vector_store_idx %arg8[%get3A_201], %select_n3A_215 {add = true} : memref<10000xf32, #tpu.memory_space<vmem>>[vector<16xi32>], vector<16xf32>,
      %jit3A_216 = arith.constant 5000 : i32
      %broadcast_in_dim3A_217 = vector.broadcast %jit3A_216 : i32 to vector<16xi32>
      %select_n3A_218 = arith.select %and3A_210, %sub3A_203, %broadcast_in_dim3A_217 : vector<16xi1>, vector<16xi32>
      %swap3A_219 = arith.constant 128 : index
      %swap3A_220 = tpu.vector_load %arg6[%swap3A_219] {strides = array<i32>} : memref<400xi32, #tpu.memory_space<vmem>>, vector<16xi32>,
      tpu.vector_store %arg6[%swap3A_219], %select_n3A_218 {strides = array<i32>} : memref<400xi32, #tpu.memory_space<vmem>>, vector<16xi32>,
      %get3A_221 = arith.constant 144 : index
      %get3A_222 = tpu.vector_load %arg6[%get3A_221] {strides = array<i32>} : memref<400xi32, #tpu.memory_space<vmem>>, vector<16xi32>,
      %sub3A_223 = vector.broadcast %mul3A_2 : i32 to vector<16xi32>
      %sub3A_224 = arith.subi %get3A_222, %sub3A_223 : vector<16xi32>
      %ge3A_225 = arith.constant 0 : i32
      %ge3A_226 = vector.broadcast %ge3A_225 : i32 to vector<16xi32>
      %ge3A_227 = arith.cmpi sge, %sub3A_224, %ge3A_226 : vector<16xi32>
      %lt3A_228 = arith.constant 5000 : i32
      %lt3A_229 = vector.broadcast %lt3A_228 : i32 to vector<16xi32>
      %lt3A_230 = arith.cmpi slt, %sub3A_224, %lt3A_229 : vector<16xi32>
      %and3A_231 = arith.andi %ge3A_227, %lt3A_230 : vector<16xi1>
      %jit3A_232 = arith.constant 1.000000e+00 : f32
      %jit3A_233 = arith.constant 0.000000e+00 : f32
      %broadcast_in_dim3A_234 = vector.broadcast %jit3A_232 : f32 to vector<16xf32>
      %broadcast_in_dim3A_235 = vector.broadcast %jit3A_233 : f32 to vector<16xf32>
      %select_n3A_236 = arith.select %and3A_231, %broadcast_in_dim3A_234, %broadcast_in_dim3A_235 : vector<16xi1>, vector<16xf32>
      tpu.vector_store_idx %arg8[%get3A_222], %select_n3A_236 {add = true} : memref<10000xf32, #tpu.memory_space<vmem>>[vector<16xi32>], vector<16xf32>,
      %jit3A_237 = arith.constant 5000 : i32
      %broadcast_in_dim3A_238 = vector.broadcast %jit3A_237 : i32 to vector<16xi32>
      %select_n3A_239 = arith.select %and3A_231, %sub3A_224, %broadcast_in_dim3A_238 : vector<16xi1>, vector<16xi32>
      %swap3A_240 = arith.constant 144 : index
      %swap3A_241 = tpu.vector_load %arg6[%swap3A_240] {strides = array<i32>} : memref<400xi32, #tpu.memory_space<vmem>>, vector<16xi32>,
      tpu.vector_store %arg6[%swap3A_240], %select_n3A_239 {strides = array<i32>} : memref<400xi32, #tpu.memory_space<vmem>>, vector<16xi32>,
      %get3A_242 = arith.constant 160 : index
      %get3A_243 = tpu.vector_load %arg6[%get3A_242] {strides = array<i32>} : memref<400xi32, #tpu.memory_space<vmem>>, vector<16xi32>,
      %sub3A_244 = vector.broadcast %mul3A_2 : i32 to vector<16xi32>
      %sub3A_245 = arith.subi %get3A_243, %sub3A_244 : vector<16xi32>
      %ge3A_246 = arith.constant 0 : i32
      %ge3A_247 = vector.broadcast %ge3A_246 : i32 to vector<16xi32>
      %ge3A_248 = arith.cmpi sge, %sub3A_245, %ge3A_247 : vector<16xi32>
      %lt3A_249 = arith.constant 5000 : i32
      %lt3A_250 = vector.broadcast %lt3A_249 : i32 to vector<16xi32>
      %lt3A_251 = arith.cmpi slt, %sub3A_245, %lt3A_250 : vector<16xi32>
      %and3A_252 = arith.andi %ge3A_248, %lt3A_251 : vector<16xi1>
      %jit3A_253 = arith.constant 1.000000e+00 : f32
      %jit3A_254 = arith.constant 0.000000e+00 : f32
      %broadcast_in_dim3A_255 = vector.broadcast %jit3A_253 : f32 to vector<16xf32>
      %broadcast_in_dim3A_256 = vector.broadcast %jit3A_254 : f32 to vector<16xf32>
      %select_n3A_257 = arith.select %and3A_252, %broadcast_in_dim3A_255, %broadcast_in_dim3A_256 : vector<16xi1>, vector<16xf32>
      tpu.vector_store_idx %arg8[%get3A_243], %select_n3A_257 {add = true} : memref<10000xf32, #tpu.memory_space<vmem>>[vector<16xi32>], vector<16xf32>,
      %jit3A_258 = arith.constant 5000 : i32
      %broadcast_in_dim3A_259 = vector.broadcast %jit3A_258 : i32 to vector<16xi32>
      %select_n3A_260 = arith.select %and3A_252, %sub3A_245, %broadcast_in_dim3A_259 : vector<16xi1>, vector<16xi32>
      %swap3A_261 = arith.constant 160 : index
      %swap3A_262 = tpu.vector_load %arg6[%swap3A_261] {strides = array<i32>} : memref<400xi32, #tpu.memory_space<vmem>>, vector<16xi32>,
      tpu.vector_store %arg6[%swap3A_261], %select_n3A_260 {strides = array<i32>} : memref<400xi32, #tpu.memory_space<vmem>>, vector<16xi32>,
      %get3A_263 = arith.constant 176 : index
      %get3A_264 = tpu.vector_load %arg6[%get3A_263] {strides = array<i32>} : memref<400xi32, #tpu.memory_space<vmem>>, vector<16xi32>,
      %sub3A_265 = vector.broadcast %mul3A_2 : i32 to vector<16xi32>
      %sub3A_266 = arith.subi %get3A_264, %sub3A_265 : vector<16xi32>
      %ge3A_267 = arith.constant 0 : i32
      %ge3A_268 = vector.broadcast %ge3A_267 : i32 to vector<16xi32>
      %ge3A_269 = arith.cmpi sge, %sub3A_266, %ge3A_268 : vector<16xi32>
      %lt3A_270 = arith.constant 5000 : i32
      %lt3A_271 = vector.broadcast %lt3A_270 : i32 to vector<16xi32>
      %lt3A_272 = arith.cmpi slt, %sub3A_266, %lt3A_271 : vector<16xi32>
      %and3A_273 = arith.andi %ge3A_269, %lt3A_272 : vector<16xi1>
      %jit3A_274 = arith.constant 1.000000e+00 : f32
      %jit3A_275 = arith.constant 0.000000e+00 : f32
      %broadcast_in_dim3A_276 = vector.broadcast %jit3A_274 : f32 to vector<16xf32>
      %broadcast_in_dim3A_277 = vector.broadcast %jit3A_275 : f32 to vector<16xf32>
      %select_n3A_278 = arith.select %and3A_273, %broadcast_in_dim3A_276, %broadcast_in_dim3A_277 : vector<16xi1>, vector<16xf32>
      tpu.vector_store_idx %arg8[%get3A_264], %select_n3A_278 {add = true} : memref<10000xf32, #tpu.memory_space<vmem>>[vector<16xi32>], vector<16xf32>,
      %jit3A_279 = arith.constant 5000 : i32
      %broadcast_in_dim3A_280 = vector.broadcast %jit3A_279 : i32 to vector<16xi32>
      %select_n3A_281 = arith.select %and3A_273, %sub3A_266, %broadcast_in_dim3A_280 : vector<16xi1>, vector<16xi32>
      %swap3A_282 = arith.constant 176 : index
      %swap3A_283 = tpu.vector_load %arg6[%swap3A_282] {strides = array<i32>} : memref<400xi32, #tpu.memory_space<vmem>>, vector<16xi32>,
      tpu.vector_store %arg6[%swap3A_282], %select_n3A_281 {strides = array<i32>} : memref<400xi32, #tpu.memory_space<vmem>>, vector<16xi32>,
      %get3A_284 = arith.constant 192 : index
      %get3A_285 = tpu.vector_load %arg6[%get3A_284] {strides = array<i32>} : memref<400xi32, #tpu.memory_space<vmem>>, vector<16xi32>,
      %sub3A_286 = vector.broadcast %mul3A_2 : i32 to vector<16xi32>
      %sub3A_287 = arith.subi %get3A_285, %sub3A_286 : vector<16xi32>
      %ge3A_288 = arith.constant 0 : i32
      %ge3A_289 = vector.broadcast %ge3A_288 : i32 to vector<16xi32>
      %ge3A_290 = arith.cmpi sge, %sub3A_287, %ge3A_289 : vector<16xi32>
      %lt3A_291 = arith.constant 5000 : i32
      %lt3A_292 = vector.broadcast %lt3A_291 : i32 to vector<16xi32>
      %lt3A_293 = arith.cmpi slt, %sub3A_287, %lt3A_292 : vector<16xi32>
      %and3A_294 = arith.andi %ge3A_290, %lt3A_293 : vector<16xi1>
      %jit3A_295 = arith.constant 1.000000e+00 : f32
      %jit3A_296 = arith.constant 0.000000e+00 : f32
      %broadcast_in_dim3A_297 = vector.broadcast %jit3A_295 : f32 to vector<16xf32>
      %broadcast_in_dim3A_298 = vector.broadcast %jit3A_296 : f32 to vector<16xf32>
      %select_n3A_299 = arith.select %and3A_294, %broadcast_in_dim3A_297, %broadcast_in_dim3A_298 : vector<16xi1>, vector<16xf32>
      tpu.vector_store_idx %arg8[%get3A_285], %select_n3A_299 {add = true} : memref<10000xf32, #tpu.memory_space<vmem>>[vector<16xi32>], vector<16xf32>,
      %jit3A_300 = arith.constant 5000 : i32
      %broadcast_in_dim3A_301 = vector.broadcast %jit3A_300 : i32 to vector<16xi32>
      %select_n3A_302 = arith.select %and3A_294, %sub3A_287, %broadcast_in_dim3A_301 : vector<16xi1>, vector<16xi32>
      %swap3A_303 = arith.constant 192 : index
      %swap3A_304 = tpu.vector_load %arg6[%swap3A_303] {strides = array<i32>} : memref<400xi32, #tpu.memory_space<vmem>>, vector<16xi32>,
      tpu.vector_store %arg6[%swap3A_303], %select_n3A_302 {strides = array<i32>} : memref<400xi32, #tpu.memory_space<vmem>>, vector<16xi32>,
      %get3A_305 = arith.constant 208 : index
      %get3A_306 = tpu.vector_load %arg6[%get3A_305] {strides = array<i32>} : memref<400xi32, #tpu.memory_space<vmem>>, vector<16xi32>,
      %sub3A_307 = vector.broadcast %mul3A_2 : i32 to vector<16xi32>
      %sub3A_308 = arith.subi %get3A_306, %sub3A_307 : vector<16xi32>
      %ge3A_309 = arith.constant 0 : i32
      %ge3A_310 = vector.broadcast %ge3A_309 : i32 to vector<16xi32>
      %ge3A_311 = arith.cmpi sge, %sub3A_308, %ge3A_310 : vector<16xi32>
      %lt3A_312 = arith.constant 5000 : i32
      %lt3A_313 = vector.broadcast %lt3A_312 : i32 to vector<16xi32>
      %lt3A_314 = arith.cmpi slt, %sub3A_308, %lt3A_313 : vector<16xi32>
      %and3A_315 = arith.andi %ge3A_311, %lt3A_314 : vector<16xi1>
      %jit3A_316 = arith.constant 1.000000e+00 : f32
      %jit3A_317 = arith.constant 0.000000e+00 : f32
      %broadcast_in_dim3A_318 = vector.broadcast %jit3A_316 : f32 to vector<16xf32>
      %broadcast_in_dim3A_319 = vector.broadcast %jit3A_317 : f32 to vector<16xf32>
      %select_n3A_320 = arith.select %and3A_315, %broadcast_in_dim3A_318, %broadcast_in_dim3A_319 : vector<16xi1>, vector<16xf32>
      tpu.vector_store_idx %arg8[%get3A_306], %select_n3A_320 {add = true} : memref<10000xf32, #tpu.memory_space<vmem>>[vector<16xi32>], vector<16xf32>,
      %jit3A_321 = arith.constant 5000 : i32
      %broadcast_in_dim3A_322 = vector.broadcast %jit3A_321 : i32 to vector<16xi32>
      %select_n3A_323 = arith.select %and3A_315, %sub3A_308, %broadcast_in_dim3A_322 : vector<16xi1>, vector<16xi32>
      %swap3A_324 = arith.constant 208 : index
      %swap3A_325 = tpu.vector_load %arg6[%swap3A_324] {strides = array<i32>} : memref<400xi32, #tpu.memory_space<vmem>>, vector<16xi32>,
      tpu.vector_store %arg6[%swap3A_324], %select_n3A_323 {strides = array<i32>} : memref<400xi32, #tpu.memory_space<vmem>>, vector<16xi32>,
      %get3A_326 = arith.constant 224 : index
      %get3A_327 = tpu.vector_load %arg6[%get3A_326] {strides = array<i32>} : memref<400xi32, #tpu.memory_space<vmem>>, vector<16xi32>,
      %sub3A_328 = vector.broadcast %mul3A_2 : i32 to vector<16xi32>
      %sub3A_329 = arith.subi %get3A_327, %sub3A_328 : vector<16xi32>
      %ge3A_330 = arith.constant 0 : i32
      %ge3A_331 = vector.broadcast %ge3A_330 : i32 to vector<16xi32>
      %ge3A_332 = arith.cmpi sge, %sub3A_329, %ge3A_331 : vector<16xi32>
      %lt3A_333 = arith.constant 5000 : i32
      %lt3A_334 = vector.broadcast %lt3A_333 : i32 to vector<16xi32>
      %lt3A_335 = arith.cmpi slt, %sub3A_329, %lt3A_334 : vector<16xi32>
      %and3A_336 = arith.andi %ge3A_332, %lt3A_335 : vector<16xi1>
      %jit3A_337 = arith.constant 1.000000e+00 : f32
      %jit3A_338 = arith.constant 0.000000e+00 : f32
      %broadcast_in_dim3A_339 = vector.broadcast %jit3A_337 : f32 to vector<16xf32>
      %broadcast_in_dim3A_340 = vector.broadcast %jit3A_338 : f32 to vector<16xf32>
      %select_n3A_341 = arith.select %and3A_336, %broadcast_in_dim3A_339, %broadcast_in_dim3A_340 : vector<16xi1>, vector<16xf32>
      tpu.vector_store_idx %arg8[%get3A_327], %select_n3A_341 {add = true} : memref<10000xf32, #tpu.memory_space<vmem>>[vector<16xi32>], vector<16xf32>,
      %jit3A_342 = arith.constant 5000 : i32
      %broadcast_in_dim3A_343 = vector.broadcast %jit3A_342 : i32 to vector<16xi32>
      %select_n3A_344 = arith.select %and3A_336, %sub3A_329, %broadcast_in_dim3A_343 : vector<16xi1>, vector<16xi32>
      %swap3A_345 = arith.constant 224 : index
      %swap3A_346 = tpu.vector_load %arg6[%swap3A_345] {strides = array<i32>} : memref<400xi32, #tpu.memory_space<vmem>>, vector<16xi32>,
      tpu.vector_store %arg6[%swap3A_345], %select_n3A_344 {strides = array<i32>} : memref<400xi32, #tpu.memory_space<vmem>>, vector<16xi32>,
      %get3A_347 = arith.constant 240 : index
      %get3A_348 = tpu.vector_load %arg6[%get3A_347] {strides = array<i32>} : memref<400xi32, #tpu.memory_space<vmem>>, vector<16xi32>,
      %sub3A_349 = vector.broadcast %mul3A_2 : i32 to vector<16xi32>
      %sub3A_350 = arith.subi %get3A_348, %sub3A_349 : vector<16xi32>
      %ge3A_351 = arith.constant 0 : i32
      %ge3A_352 = vector.broadcast %ge3A_351 : i32 to vector<16xi32>
      %ge3A_353 = arith.cmpi sge, %sub3A_350, %ge3A_352 : vector<16xi32>
      %lt3A_354 = arith.constant 5000 : i32
      %lt3A_355 = vector.broadcast %lt3A_354 : i32 to vector<16xi32>
      %lt3A_356 = arith.cmpi slt, %sub3A_350, %lt3A_355 : vector<16xi32>
      %and3A_357 = arith.andi %ge3A_353, %lt3A_356 : vector<16xi1>
      %jit3A_358 = arith.constant 1.000000e+00 : f32
      %jit3A_359 = arith.constant 0.000000e+00 : f32
      %broadcast_in_dim3A_360 = vector.broadcast %jit3A_358 : f32 to vector<16xf32>
      %broadcast_in_dim3A_361 = vector.broadcast %jit3A_359 : f32 to vector<16xf32>
      %select_n3A_362 = arith.select %and3A_357, %broadcast_in_dim3A_360, %broadcast_in_dim3A_361 : vector<16xi1>, vector<16xf32>
      tpu.vector_store_idx %arg8[%get3A_348], %select_n3A_362 {add = true} : memref<10000xf32, #tpu.memory_space<vmem>>[vector<16xi32>], vector<16xf32>,
      %jit3A_363 = arith.constant 5000 : i32
      %broadcast_in_dim3A_364 = vector.broadcast %jit3A_363 : i32 to vector<16xi32>
      %select_n3A_365 = arith.select %and3A_357, %sub3A_350, %broadcast_in_dim3A_364 : vector<16xi1>, vector<16xi32>
      %swap3A_366 = arith.constant 240 : index
      %swap3A_367 = tpu.vector_load %arg6[%swap3A_366] {strides = array<i32>} : memref<400xi32, #tpu.memory_space<vmem>>, vector<16xi32>,
      tpu.vector_store %arg6[%swap3A_366], %select_n3A_365 {strides = array<i32>} : memref<400xi32, #tpu.memory_space<vmem>>, vector<16xi32>,
      %get3A_368 = arith.constant 256 : index
      %get3A_369 = tpu.vector_load %arg6[%get3A_368] {strides = array<i32>} : memref<400xi32, #tpu.memory_space<vmem>>, vector<16xi32>,
      %sub3A_370 = vector.broadcast %mul3A_2 : i32 to vector<16xi32>
      %sub3A_371 = arith.subi %get3A_369, %sub3A_370 : vector<16xi32>
      %ge3A_372 = arith.constant 0 : i32
      %ge3A_373 = vector.broadcast %ge3A_372 : i32 to vector<16xi32>
      %ge3A_374 = arith.cmpi sge, %sub3A_371, %ge3A_373 : vector<16xi32>
      %lt3A_375 = arith.constant 5000 : i32
      %lt3A_376 = vector.broadcast %lt3A_375 : i32 to vector<16xi32>
      %lt3A_377 = arith.cmpi slt, %sub3A_371, %lt3A_376 : vector<16xi32>
      %and3A_378 = arith.andi %ge3A_374, %lt3A_377 : vector<16xi1>
      %jit3A_379 = arith.constant 1.000000e+00 : f32
      %jit3A_380 = arith.constant 0.000000e+00 : f32
      %broadcast_in_dim3A_381 = vector.broadcast %jit3A_379 : f32 to vector<16xf32>
      %broadcast_in_dim3A_382 = vector.broadcast %jit3A_380 : f32 to vector<16xf32>
      %select_n3A_383 = arith.select %and3A_378, %broadcast_in_dim3A_381, %broadcast_in_dim3A_382 : vector<16xi1>, vector<16xf32>
      tpu.vector_store_idx %arg8[%get3A_369], %select_n3A_383 {add = true} : memref<10000xf32, #tpu.memory_space<vmem>>[vector<16xi32>], vector<16xf32>,
      %jit3A_384 = arith.constant 5000 : i32
      %broadcast_in_dim3A_385 = vector.broadcast %jit3A_384 : i32 to vector<16xi32>
      %select_n3A_386 = arith.select %and3A_378, %sub3A_371, %broadcast_in_dim3A_385 : vector<16xi1>, vector<16xi32>
      %swap3A_387 = arith.constant 256 : index
      %swap3A_388 = tpu.vector_load %arg6[%swap3A_387] {strides = array<i32>} : memref<400xi32, #tpu.memory_space<vmem>>, vector<16xi32>,
      tpu.vector_store %arg6[%swap3A_387], %select_n3A_386 {strides = array<i32>} : memref<400xi32, #tpu.memory_space<vmem>>, vector<16xi32>,
      %get3A_389 = arith.constant 272 : index
      %get3A_390 = tpu.vector_load %arg6[%get3A_389] {strides = array<i32>} : memref<400xi32, #tpu.memory_space<vmem>>, vector<16xi32>,
      %sub3A_391 = vector.broadcast %mul3A_2 : i32 to vector<16xi32>
      %sub3A_392 = arith.subi %get3A_390, %sub3A_391 : vector<16xi32>
      %ge3A_393 = arith.constant 0 : i32
      %ge3A_394 = vector.broadcast %ge3A_393 : i32 to vector<16xi32>
      %ge3A_395 = arith.cmpi sge, %sub3A_392, %ge3A_394 : vector<16xi32>
      %lt3A_396 = arith.constant 5000 : i32
      %lt3A_397 = vector.broadcast %lt3A_396 : i32 to vector<16xi32>
      %lt3A_398 = arith.cmpi slt, %sub3A_392, %lt3A_397 : vector<16xi32>
      %and3A_399 = arith.andi %ge3A_395, %lt3A_398 : vector<16xi1>
      %jit3A_400 = arith.constant 1.000000e+00 : f32
      %jit3A_401 = arith.constant 0.000000e+00 : f32
      %broadcast_in_dim3A_402 = vector.broadcast %jit3A_400 : f32 to vector<16xf32>
      %broadcast_in_dim3A_403 = vector.broadcast %jit3A_401 : f32 to vector<16xf32>
      %select_n3A_404 = arith.select %and3A_399, %broadcast_in_dim3A_402, %broadcast_in_dim3A_403 : vector<16xi1>, vector<16xf32>
      tpu.vector_store_idx %arg8[%get3A_390], %select_n3A_404 {add = true} : memref<10000xf32, #tpu.memory_space<vmem>>[vector<16xi32>], vector<16xf32>,
      %jit3A_405 = arith.constant 5000 : i32
      %broadcast_in_dim3A_406 = vector.broadcast %jit3A_405 : i32 to vector<16xi32>
      %select_n3A_407 = arith.select %and3A_399, %sub3A_392, %broadcast_in_dim3A_406 : vector<16xi1>, vector<16xi32>
      %swap3A_408 = arith.constant 272 : index
      %swap3A_409 = tpu.vector_load %arg6[%swap3A_408] {strides = array<i32>} : memref<400xi32, #tpu.memory_space<vmem>>, vector<16xi32>,
      tpu.vector_store %arg6[%swap3A_408], %select_n3A_407 {strides = array<i32>} : memref<400xi32, #tpu.memory_space<vmem>>, vector<16xi32>,
      %get3A_410 = arith.constant 288 : index
      %get3A_411 = tpu.vector_load %arg6[%get3A_410] {strides = array<i32>} : memref<400xi32, #tpu.memory_space<vmem>>, vector<16xi32>,
      %sub3A_412 = vector.broadcast %mul3A_2 : i32 to vector<16xi32>
      %sub3A_413 = arith.subi %get3A_411, %sub3A_412 : vector<16xi32>
      %ge3A_414 = arith.constant 0 : i32
      %ge3A_415 = vector.broadcast %ge3A_414 : i32 to vector<16xi32>
      %ge3A_416 = arith.cmpi sge, %sub3A_413, %ge3A_415 : vector<16xi32>
      %lt3A_417 = arith.constant 5000 : i32
      %lt3A_418 = vector.broadcast %lt3A_417 : i32 to vector<16xi32>
      %lt3A_419 = arith.cmpi slt, %sub3A_413, %lt3A_418 : vector<16xi32>
      %and3A_420 = arith.andi %ge3A_416, %lt3A_419 : vector<16xi1>
      %jit3A_421 = arith.constant 1.000000e+00 : f32
      %jit3A_422 = arith.constant 0.000000e+00 : f32
      %broadcast_in_dim3A_423 = vector.broadcast %jit3A_421 : f32 to vector<16xf32>
      %broadcast_in_dim3A_424 = vector.broadcast %jit3A_422 : f32 to vector<16xf32>
      %select_n3A_425 = arith.select %and3A_420, %broadcast_in_dim3A_423, %broadcast_in_dim3A_424 : vector<16xi1>, vector<16xf32>
      tpu.vector_store_idx %arg8[%get3A_411], %select_n3A_425 {add = true} : memref<10000xf32, #tpu.memory_space<vmem>>[vector<16xi32>], vector<16xf32>,
      %jit3A_426 = arith.constant 5000 : i32
      %broadcast_in_dim3A_427 = vector.broadcast %jit3A_426 : i32 to vector<16xi32>
      %select_n3A_428 = arith.select %and3A_420, %sub3A_413, %broadcast_in_dim3A_427 : vector<16xi1>, vector<16xi32>
      %swap3A_429 = arith.constant 288 : index
      %swap3A_430 = tpu.vector_load %arg6[%swap3A_429] {strides = array<i32>} : memref<400xi32, #tpu.memory_space<vmem>>, vector<16xi32>,
      tpu.vector_store %arg6[%swap3A_429], %select_n3A_428 {strides = array<i32>} : memref<400xi32, #tpu.memory_space<vmem>>, vector<16xi32>,
      %get3A_431 = arith.constant 304 : index
      %get3A_432 = tpu.vector_load %arg6[%get3A_431] {strides = array<i32>} : memref<400xi32, #tpu.memory_space<vmem>>, vector<16xi32>,
      %sub3A_433 = vector.broadcast %mul3A_2 : i32 to vector<16xi32>
      %sub3A_434 = arith.subi %get3A_432, %sub3A_433 : vector<16xi32>
      %ge3A_435 = arith.constant 0 : i32
      %ge3A_436 = vector.broadcast %ge3A_435 : i32 to vector<16xi32>
      %ge3A_437 = arith.cmpi sge, %sub3A_434, %ge3A_436 : vector<16xi32>
      %lt3A_438 = arith.constant 5000 : i32
      %lt3A_439 = vector.broadcast %lt3A_438 : i32 to vector<16xi32>
      %lt3A_440 = arith.cmpi slt, %sub3A_434, %lt3A_439 : vector<16xi32>
      %and3A_441 = arith.andi %ge3A_437, %lt3A_440 : vector<16xi1>
      %jit3A_442 = arith.constant 1.000000e+00 : f32
      %jit3A_443 = arith.constant 0.000000e+00 : f32
      %broadcast_in_dim3A_444 = vector.broadcast %jit3A_442 : f32 to vector<16xf32>
      %broadcast_in_dim3A_445 = vector.broadcast %jit3A_443 : f32 to vector<16xf32>
      %select_n3A_446 = arith.select %and3A_441, %broadcast_in_dim3A_444, %broadcast_in_dim3A_445 : vector<16xi1>, vector<16xf32>
      tpu.vector_store_idx %arg8[%get3A_432], %select_n3A_446 {add = true} : memref<10000xf32, #tpu.memory_space<vmem>>[vector<16xi32>], vector<16xf32>,
      %jit3A_447 = arith.constant 5000 : i32
      %broadcast_in_dim3A_448 = vector.broadcast %jit3A_447 : i32 to vector<16xi32>
      %select_n3A_449 = arith.select %and3A_441, %sub3A_434, %broadcast_in_dim3A_448 : vector<16xi1>, vector<16xi32>
      %swap3A_450 = arith.constant 304 : index
      %swap3A_451 = tpu.vector_load %arg6[%swap3A_450] {strides = array<i32>} : memref<400xi32, #tpu.memory_space<vmem>>, vector<16xi32>,
      tpu.vector_store %arg6[%swap3A_450], %select_n3A_449 {strides = array<i32>} : memref<400xi32, #tpu.memory_space<vmem>>, vector<16xi32>,
      %get3A_452 = arith.constant 320 : index
      %get3A_453 = tpu.vector_load %arg6[%get3A_452] {strides = array<i32>} : memref<400xi32, #tpu.memory_space<vmem>>, vector<16xi32>,
      %sub3A_454 = vector.broadcast %mul3A_2 : i32 to vector<16xi32>
      %sub3A_455 = arith.subi %get3A_453, %sub3A_454 : vector<16xi32>
      %ge3A_456 = arith.constant 0 : i32
      %ge3A_457 = vector.broadcast %ge3A_456 : i32 to vector<16xi32>
      %ge3A_458 = arith.cmpi sge, %sub3A_455, %ge3A_457 : vector<16xi32>
      %lt3A_459 = arith.constant 5000 : i32
      %lt3A_460 = vector.broadcast %lt3A_459 : i32 to vector<16xi32>
      %lt3A_461 = arith.cmpi slt, %sub3A_455, %lt3A_460 : vector<16xi32>
      %and3A_462 = arith.andi %ge3A_458, %lt3A_461 : vector<16xi1>
      %jit3A_463 = arith.constant 1.000000e+00 : f32
      %jit3A_464 = arith.constant 0.000000e+00 : f32
      %broadcast_in_dim3A_465 = vector.broadcast %jit3A_463 : f32 to vector<16xf32>
      %broadcast_in_dim3A_466 = vector.broadcast %jit3A_464 : f32 to vector<16xf32>
      %select_n3A_467 = arith.select %and3A_462, %broadcast_in_dim3A_465, %broadcast_in_dim3A_466 : vector<16xi1>, vector<16xf32>
      tpu.vector_store_idx %arg8[%get3A_453], %select_n3A_467 {add = true} : memref<10000xf32, #tpu.memory_space<vmem>>[vector<16xi32>], vector<16xf32>,
      %jit3A_468 = arith.constant 5000 : i32
      %broadcast_in_dim3A_469 = vector.broadcast %jit3A_468 : i32 to vector<16xi32>
      %select_n3A_470 = arith.select %and3A_462, %sub3A_455, %broadcast_in_dim3A_469 : vector<16xi1>, vector<16xi32>
      %swap3A_471 = arith.constant 320 : index
      %swap3A_472 = tpu.vector_load %arg6[%swap3A_471] {strides = array<i32>} : memref<400xi32, #tpu.memory_space<vmem>>, vector<16xi32>,
      tpu.vector_store %arg6[%swap3A_471], %select_n3A_470 {strides = array<i32>} : memref<400xi32, #tpu.memory_space<vmem>>, vector<16xi32>,
      %get3A_473 = arith.constant 336 : index
      %get3A_474 = tpu.vector_load %arg6[%get3A_473] {strides = array<i32>} : memref<400xi32, #tpu.memory_space<vmem>>, vector<16xi32>,
      %sub3A_475 = vector.broadcast %mul3A_2 : i32 to vector<16xi32>
      %sub3A_476 = arith.subi %get3A_474, %sub3A_475 : vector<16xi32>
      %ge3A_477 = arith.constant 0 : i32
      %ge3A_478 = vector.broadcast %ge3A_477 : i32 to vector<16xi32>
      %ge3A_479 = arith.cmpi sge, %sub3A_476, %ge3A_478 : vector<16xi32>
      %lt3A_480 = arith.constant 5000 : i32
      %lt3A_481 = vector.broadcast %lt3A_480 : i32 to vector<16xi32>
      %lt3A_482 = arith.cmpi slt, %sub3A_476, %lt3A_481 : vector<16xi32>
      %and3A_483 = arith.andi %ge3A_479, %lt3A_482 : vector<16xi1>
      %jit3A_484 = arith.constant 1.000000e+00 : f32
      %jit3A_485 = arith.constant 0.000000e+00 : f32
      %broadcast_in_dim3A_486 = vector.broadcast %jit3A_484 : f32 to vector<16xf32>
      %broadcast_in_dim3A_487 = vector.broadcast %jit3A_485 : f32 to vector<16xf32>
      %select_n3A_488 = arith.select %and3A_483, %broadcast_in_dim3A_486, %broadcast_in_dim3A_487 : vector<16xi1>, vector<16xf32>
      tpu.vector_store_idx %arg8[%get3A_474], %select_n3A_488 {add = true} : memref<10000xf32, #tpu.memory_space<vmem>>[vector<16xi32>], vector<16xf32>,
      %jit3A_489 = arith.constant 5000 : i32
      %broadcast_in_dim3A_490 = vector.broadcast %jit3A_489 : i32 to vector<16xi32>
      %select_n3A_491 = arith.select %and3A_483, %sub3A_476, %broadcast_in_dim3A_490 : vector<16xi1>, vector<16xi32>
      %swap3A_492 = arith.constant 336 : index
      %swap3A_493 = tpu.vector_load %arg6[%swap3A_492] {strides = array<i32>} : memref<400xi32, #tpu.memory_space<vmem>>, vector<16xi32>,
      tpu.vector_store %arg6[%swap3A_492], %select_n3A_491 {strides = array<i32>} : memref<400xi32, #tpu.memory_space<vmem>>, vector<16xi32>,
      %get3A_494 = arith.constant 352 : index
      %get3A_495 = tpu.vector_load %arg6[%get3A_494] {strides = array<i32>} : memref<400xi32, #tpu.memory_space<vmem>>, vector<16xi32>,
      %sub3A_496 = vector.broadcast %mul3A_2 : i32 to vector<16xi32>
      %sub3A_497 = arith.subi %get3A_495, %sub3A_496 : vector<16xi32>
      %ge3A_498 = arith.constant 0 : i32
      %ge3A_499 = vector.broadcast %ge3A_498 : i32 to vector<16xi32>
      %ge3A_500 = arith.cmpi sge, %sub3A_497, %ge3A_499 : vector<16xi32>
      %lt3A_501 = arith.constant 5000 : i32
      %lt3A_502 = vector.broadcast %lt3A_501 : i32 to vector<16xi32>
      %lt3A_503 = arith.cmpi slt, %sub3A_497, %lt3A_502 : vector<16xi32>
      %and3A_504 = arith.andi %ge3A_500, %lt3A_503 : vector<16xi1>
      %jit3A_505 = arith.constant 1.000000e+00 : f32
      %jit3A_506 = arith.constant 0.000000e+00 : f32
      %broadcast_in_dim3A_507 = vector.broadcast %jit3A_505 : f32 to vector<16xf32>
      %broadcast_in_dim3A_508 = vector.broadcast %jit3A_506 : f32 to vector<16xf32>
      %select_n3A_509 = arith.select %and3A_504, %broadcast_in_dim3A_507, %broadcast_in_dim3A_508 : vector<16xi1>, vector<16xf32>
      tpu.vector_store_idx %arg8[%get3A_495], %select_n3A_509 {add = true} : memref<10000xf32, #tpu.memory_space<vmem>>[vector<16xi32>], vector<16xf32>,
      %jit3A_510 = arith.constant 5000 : i32
      %broadcast_in_dim3A_511 = vector.broadcast %jit3A_510 : i32 to vector<16xi32>
      %select_n3A_512 = arith.select %and3A_504, %sub3A_497, %broadcast_in_dim3A_511 : vector<16xi1>, vector<16xi32>
      %swap3A_513 = arith.constant 352 : index
      %swap3A_514 = tpu.vector_load %arg6[%swap3A_513] {strides = array<i32>} : memref<400xi32, #tpu.memory_space<vmem>>, vector<16xi32>,
      tpu.vector_store %arg6[%swap3A_513], %select_n3A_512 {strides = array<i32>} : memref<400xi32, #tpu.memory_space<vmem>>, vector<16xi32>,
      %get3A_515 = arith.constant 368 : index
      %get3A_516 = tpu.vector_load %arg6[%get3A_515] {strides = array<i32>} : memref<400xi32, #tpu.memory_space<vmem>>, vector<16xi32>,
      %sub3A_517 = vector.broadcast %mul3A_2 : i32 to vector<16xi32>
      %sub3A_518 = arith.subi %get3A_516, %sub3A_517 : vector<16xi32>
      %ge3A_519 = arith.constant 0 : i32
      %ge3A_520 = vector.broadcast %ge3A_519 : i32 to vector<16xi32>
      %ge3A_521 = arith.cmpi sge, %sub3A_518, %ge3A_520 : vector<16xi32>
      %lt3A_522 = arith.constant 5000 : i32
      %lt3A_523 = vector.broadcast %lt3A_522 : i32 to vector<16xi32>
      %lt3A_524 = arith.cmpi slt, %sub3A_518, %lt3A_523 : vector<16xi32>
      %and3A_525 = arith.andi %ge3A_521, %lt3A_524 : vector<16xi1>
      %jit3A_526 = arith.constant 1.000000e+00 : f32
      %jit3A_527 = arith.constant 0.000000e+00 : f32
      %broadcast_in_dim3A_528 = vector.broadcast %jit3A_526 : f32 to vector<16xf32>
      %broadcast_in_dim3A_529 = vector.broadcast %jit3A_527 : f32 to vector<16xf32>
      %select_n3A_530 = arith.select %and3A_525, %broadcast_in_dim3A_528, %broadcast_in_dim3A_529 : vector<16xi1>, vector<16xf32>
      tpu.vector_store_idx %arg8[%get3A_516], %select_n3A_530 {add = true} : memref<10000xf32, #tpu.memory_space<vmem>>[vector<16xi32>], vector<16xf32>,
      %jit3A_531 = arith.constant 5000 : i32
      %broadcast_in_dim3A_532 = vector.broadcast %jit3A_531 : i32 to vector<16xi32>
      %select_n3A_533 = arith.select %and3A_525, %sub3A_518, %broadcast_in_dim3A_532 : vector<16xi1>, vector<16xi32>
      %swap3A_534 = arith.constant 368 : index
      %swap3A_535 = tpu.vector_load %arg6[%swap3A_534] {strides = array<i32>} : memref<400xi32, #tpu.memory_space<vmem>>, vector<16xi32>,
      tpu.vector_store %arg6[%swap3A_534], %select_n3A_533 {strides = array<i32>} : memref<400xi32, #tpu.memory_space<vmem>>, vector<16xi32>,
      %get3A_536 = arith.constant 384 : index
      %get3A_537 = tpu.vector_load %arg6[%get3A_536] {strides = array<i32>} : memref<400xi32, #tpu.memory_space<vmem>>, vector<16xi32>,
      %sub3A_538 = vector.broadcast %mul3A_2 : i32 to vector<16xi32>
      %sub3A_539 = arith.subi %get3A_537, %sub3A_538 : vector<16xi32>
      %ge3A_540 = arith.constant 0 : i32
      %ge3A_541 = vector.broadcast %ge3A_540 : i32 to vector<16xi32>
      %ge3A_542 = arith.cmpi sge, %sub3A_539, %ge3A_541 : vector<16xi32>
      %lt3A_543 = arith.constant 5000 : i32
      %lt3A_544 = vector.broadcast %lt3A_543 : i32 to vector<16xi32>
      %lt3A_545 = arith.cmpi slt, %sub3A_539, %lt3A_544 : vector<16xi32>
      %and3A_546 = arith.andi %ge3A_542, %lt3A_545 : vector<16xi1>
      %jit3A_547 = arith.constant 1.000000e+00 : f32
      %jit3A_548 = arith.constant 0.000000e+00 : f32
      %broadcast_in_dim3A_549 = vector.broadcast %jit3A_547 : f32 to vector<16xf32>
      %broadcast_in_dim3A_550 = vector.broadcast %jit3A_548 : f32 to vector<16xf32>
      %select_n3A_551 = arith.select %and3A_546, %broadcast_in_dim3A_549, %broadcast_in_dim3A_550 : vector<16xi1>, vector<16xf32>
      tpu.vector_store_idx %arg8[%get3A_537], %select_n3A_551 {add = true} : memref<10000xf32, #tpu.memory_space<vmem>>[vector<16xi32>], vector<16xf32>,
      %jit3A_552 = arith.constant 5000 : i32
      %broadcast_in_dim3A_553 = vector.broadcast %jit3A_552 : i32 to vector<16xi32>
      %select_n3A_554 = arith.select %and3A_546, %sub3A_539, %broadcast_in_dim3A_553 : vector<16xi1>, vector<16xi32>
      %swap3A_555 = arith.constant 384 : index
      %swap3A_556 = tpu.vector_load %arg6[%swap3A_555] {strides = array<i32>} : memref<400xi32, #tpu.memory_space<vmem>>, vector<16xi32>,
      tpu.vector_store %arg6[%swap3A_555], %select_n3A_554 {strides = array<i32>} : memref<400xi32, #tpu.memory_space<vmem>>, vector<16xi32>,
      "tpu.region"() ({
        %run_scoped3A = tpu.sem_alloc : memref<!tpu.dma_semaphore, #tpu.memory_space<semaphore_mem>>
        %dma_start3A = arith.constant 0 : i32
        %dma_start3A_557 = arith.constant 0 : i32
        %dma_start3A_558 = tpu.memref_slice %arg9[%dma_start3A, %dma_start3A_557] : memref<5008x128xf32, #tpu.memory_space<vmem_shared>> -> memref<5008x128xf32, #tpu.memory_space<vmem_shared>>
        tpu.enqueue_indirect_dma source(%arg7 : memref<400x128xf32, #tpu.memory_space<vmem>>) target(%dma_start3A_558 : memref<5008x128xf32, #tpu.memory_space<vmem_shared>>) offsets(%arg6 : memref<400xi32, #tpu.memory_space<vmem>>) semaphore(%run_scoped3A : memref<!tpu.dma_semaphore, #tpu.memory_space<semaphore_mem>>) {add = true}
        %dma_wait3A = arith.constant 0 : i32
        %dma_wait3A_559 = arith.constant 0 : i32
        %dma_wait3A_560 = tpu.memref_slice %arg9[%dma_wait3A, %dma_wait3A_559] : memref<5008x128xf32, #tpu.memory_space<vmem_shared>> -> memref<5008x128xf32, #tpu.memory_space<vmem_shared>>
        tpu.wait_indirect_dma semaphore(%run_scoped3A : memref<!tpu.dma_semaphore, #tpu.memory_space<semaphore_mem>>) src(%arg7 : memref<400x128xf32, #tpu.memory_space<vmem>>) dst(%dma_wait3A_560 : memref<5008x128xf32, #tpu.memory_space<vmem_shared>>)
        tpu.yield
      }) : () -> ()
    }
    %scan3A_26 = arith.constant 50 : i32
    %barrier3A_27 = arith.constant 0 : index
    tpu.barrier barrier_id(%barrier3A_27)
    %mul3A_28 = arith.constant 10000 : i32
    %mul3A_29 = arith.muli %add3A, %mul3A_28 : i32
    "tpu.region"() ({
      %run_scoped3A = tpu.sem_alloc : memref<!tpu.dma_semaphore, #tpu.memory_space<semaphore_mem>>
      %dma_start3A = tpu.memref_slice %arg5[%mul3A_29] : memref<320000xf32, #tpu.memory_space<hbm>> -> memref<10000xf32, #tpu.memory_space<hbm>>
      %dma_start3A_35 = tpu.memref_slice %arg5[%mul3A_29] : memref<320000xf32, #tpu.memory_space<hbm>> -> memref<10000xf32, #tpu.memory_space<hbm>>
      tpu.enqueue_dma source(%arg8 : memref<10000xf32, #tpu.memory_space<vmem>>) target(%dma_start3A_35 : memref<10000xf32, #tpu.memory_space<hbm>>) target_semaphore(%run_scoped3A : memref<!tpu.dma_semaphore, #tpu.memory_space<semaphore_mem>>)
      %dma_wait3A = tpu.memref_slice %arg5[%mul3A_29] : memref<320000xf32, #tpu.memory_space<hbm>> -> memref<10000xf32, #tpu.memory_space<hbm>>
      %dma_wait3A_36 = tpu.memref_slice %arg5[%mul3A_29] : memref<320000xf32, #tpu.memory_space<hbm>> -> memref<10000xf32, #tpu.memory_space<hbm>>
      tpu.wait_dma2 semaphore(%run_scoped3A : memref<!tpu.dma_semaphore, #tpu.memory_space<semaphore_mem>>) src(%arg8 : memref<10000xf32, #tpu.memory_space<vmem>>) dst(%dma_wait3A_36 : memref<10000xf32, #tpu.memory_space<hbm>>)
      tpu.yield
    }) : () -> ()
    %lt3A_30 = arith.constant 5 : i32
    %lt3A_31 = arith.cmpi slt, %arg1, %lt3A_30 : i32
    %convert_element_type3A_32 = arith.extui %lt3A_31 : i1 to i32
    %cond3A_33 = arith.constant 0 : i32
    %cond3A_34 = arith.cmpi ne, %convert_element_type3A_32, %cond3A_33 : i32
    scf.if %cond3A_34 {
      %scan3A_35 = arith.constant 0 : i32
      %scan3A_36 = arith.constant 0 : i32
      %scan3A_37 = arith.constant 5 : i32
      %scan3A_38 = arith.addi %scan3A_36, %scan3A_37 : i32
      %scan3A_39 = arith.constant 1 : i32
      scf.for %scan3A_41 = %scan3A_36 to %scan3A_38 step %scan3A_39  : i32 {
        %mul3A_42 = arith.constant 1000 : i32
        %mul3A_43 = arith.muli %arg1, %mul3A_42 : i32
        %mul3A_44 = arith.constant 200 : i32
        %mul3A_45 = arith.muli %scan3A_41, %mul3A_44 : i32
        %add3A_46 = arith.addi %mul3A_43, %mul3A_45 : i32
        "tpu.region"() ({
          %run_scoped3A = tpu.sem_alloc : memref<!tpu.dma_semaphore, #tpu.memory_space<semaphore_mem>>
          %dma_start3A = arith.constant 0 : i32
          %dma_start3A_48 = arith.constant 0 : i32
          %dma_start3A_49 = tpu.memref_slice %arg7[%dma_start3A, %dma_start3A_48] : memref<400x128xf32, #tpu.memory_space<vmem>> -> memref<200x128xf32, #tpu.memory_space<vmem>>
          %dma_start3A_50 = arith.constant 0 : i32
          %dma_start3A_51 = tpu.memref_slice %arg9[%add3A_46, %dma_start3A_50] : memref<5008x128xf32, #tpu.memory_space<vmem_shared>> -> memref<200x128xf32, #tpu.memory_space<vmem_shared>>
          %dma_start3A_52 = arith.constant 0 : i32
          %dma_start3A_53 = arith.constant 0 : i32
          %dma_start3A_54 = tpu.memref_slice %arg7[%dma_start3A_52, %dma_start3A_53] : memref<400x128xf32, #tpu.memory_space<vmem>> -> memref<200x128xf32, #tpu.memory_space<vmem>>
          %dma_start3A_55 = arith.constant 0 : i32
          %dma_start3A_56 = tpu.memref_slice %arg9[%add3A_46, %dma_start3A_55] : memref<5008x128xf32, #tpu.memory_space<vmem_shared>> -> memref<200x128xf32, #tpu.memory_space<vmem_shared>>
          tpu.enqueue_dma source(%dma_start3A_56 : memref<200x128xf32, #tpu.memory_space<vmem_shared>>) target(%dma_start3A_54 : memref<200x128xf32, #tpu.memory_space<vmem>>) target_semaphore(%run_scoped3A : memref<!tpu.dma_semaphore, #tpu.memory_space<semaphore_mem>>)
          %dma_wait3A = arith.constant 0 : i32
          %dma_wait3A_57 = arith.constant 0 : i32
          %dma_wait3A_58 = tpu.memref_slice %arg7[%dma_wait3A, %dma_wait3A_57] : memref<400x128xf32, #tpu.memory_space<vmem>> -> memref<200x128xf32, #tpu.memory_space<vmem>>
          %dma_wait3A_59 = arith.constant 0 : i32
          %dma_wait3A_60 = tpu.memref_slice %arg9[%add3A_46, %dma_wait3A_59] : memref<5008x128xf32, #tpu.memory_space<vmem_shared>> -> memref<200x128xf32, #tpu.memory_space<vmem_shared>>
          %dma_wait3A_61 = arith.constant 0 : i32
          %dma_wait3A_62 = arith.constant 0 : i32
          %dma_wait3A_63 = tpu.memref_slice %arg7[%dma_wait3A_61, %dma_wait3A_62] : memref<400x128xf32, #tpu.memory_space<vmem>> -> memref<200x128xf32, #tpu.memory_space<vmem>>
          %dma_wait3A_64 = arith.constant 0 : i32
          %dma_wait3A_65 = tpu.memref_slice %arg9[%add3A_46, %dma_wait3A_64] : memref<5008x128xf32, #tpu.memory_space<vmem_shared>> -> memref<200x128xf32, #tpu.memory_space<vmem_shared>>
          tpu.wait_dma2 semaphore(%run_scoped3A : memref<!tpu.dma_semaphore, #tpu.memory_space<semaphore_mem>>) src(%dma_wait3A_65 : memref<200x128xf32, #tpu.memory_space<vmem_shared>>) dst(%dma_wait3A_63 : memref<200x128xf32, #tpu.memory_space<vmem>>)
          tpu.yield
        }) : () -> ()
        %add3A_47 = arith.addi %mul3A_2, %add3A_46 : i32
        "tpu.region"() ({
          %run_scoped3A = tpu.sem_alloc : memref<!tpu.dma_semaphore, #tpu.memory_space<semaphore_mem>>
          %dma_start3A = arith.constant 0 : i32
          %dma_start3A_48 = arith.constant 0 : i32
          %dma_start3A_49 = tpu.memref_slice %arg7[%dma_start3A, %dma_start3A_48] : memref<400x128xf32, #tpu.memory_space<vmem>> -> memref<200x128xf32, #tpu.memory_space<vmem>>
          %dma_start3A_50 = arith.constant 0 : i32
          %dma_start3A_51 = tpu.memref_slice %arg4[%add3A_47, %dma_start3A_50] : memref<10000x128xf32, #tpu.memory_space<hbm>> -> memref<200x128xf32, #tpu.memory_space<hbm>>
          %dma_start3A_52 = arith.constant 0 : i32
          %dma_start3A_53 = tpu.memref_slice %arg4[%add3A_47, %dma_start3A_52] : memref<10000x128xf32, #tpu.memory_space<hbm>> -> memref<200x128xf32, #tpu.memory_space<hbm>>
          %dma_start3A_54 = arith.constant 0 : i32
          %dma_start3A_55 = arith.constant 0 : i32
          %dma_start3A_56 = tpu.memref_slice %arg7[%dma_start3A_54, %dma_start3A_55] : memref<400x128xf32, #tpu.memory_space<vmem>> -> memref<200x128xf32, #tpu.memory_space<vmem>>
          tpu.enqueue_dma source(%dma_start3A_56 : memref<200x128xf32, #tpu.memory_space<vmem>>) target(%dma_start3A_53 : memref<200x128xf32, #tpu.memory_space<hbm>>) target_semaphore(%run_scoped3A : memref<!tpu.dma_semaphore, #tpu.memory_space<semaphore_mem>>)
          %dma_wait3A = arith.constant 0 : i32
          %dma_wait3A_57 = arith.constant 0 : i32
          %dma_wait3A_58 = tpu.memref_slice %arg7[%dma_wait3A, %dma_wait3A_57] : memref<400x128xf32, #tpu.memory_space<vmem>> -> memref<200x128xf32, #tpu.memory_space<vmem>>
          %dma_wait3A_59 = arith.constant 0 : i32
          %dma_wait3A_60 = tpu.memref_slice %arg4[%add3A_47, %dma_wait3A_59] : memref<10000x128xf32, #tpu.memory_space<hbm>> -> memref<200x128xf32, #tpu.memory_space<hbm>>
          %dma_wait3A_61 = arith.constant 0 : i32
          %dma_wait3A_62 = tpu.memref_slice %arg4[%add3A_47, %dma_wait3A_61] : memref<10000x128xf32, #tpu.memory_space<hbm>> -> memref<200x128xf32, #tpu.memory_space<hbm>>
          %dma_wait3A_63 = arith.constant 0 : i32
          %dma_wait3A_64 = arith.constant 0 : i32
          %dma_wait3A_65 = tpu.memref_slice %arg7[%dma_wait3A_63, %dma_wait3A_64] : memref<400x128xf32, #tpu.memory_space<vmem>> -> memref<200x128xf32, #tpu.memory_space<vmem>>
          tpu.wait_dma2 semaphore(%run_scoped3A : memref<!tpu.dma_semaphore, #tpu.memory_space<semaphore_mem>>) src(%dma_wait3A_65 : memref<200x128xf32, #tpu.memory_space<vmem>>) dst(%dma_wait3A_62 : memref<200x128xf32, #tpu.memory_space<hbm>>)
          tpu.yield
        }) : () -> ()
      }
      %scan3A_40 = arith.constant 5 : i32
    } else {
    }
    return
  }
}

module attributes {stable_mosaic.version = 14 : i64} {
  func.func @_pre_body(%arg0: i32, %arg1: memref<2000x128xf32, #tpu.memory_space<vmem>>, %arg2: memref<128x128xf32, #tpu.memory_space<vmem>>, %arg3: memref<128x128xf32, #tpu.memory_space<vmem>>, %arg4: memref<128xf32, #tpu.memory_space<vmem>>, %arg5: memref<2000x128xf32, #tpu.memory_space<vmem>>, %arg6: memref<2000x128xf32, #tpu.memory_space<vmem>>) attributes {dimension_semantics = [#tpu.dimension_semantics<arbitrary>], iteration_bounds = array<i64: 5>, scalar_prefetch = 0 : i64, scratch_operands = 0 : i64, tpu.core_type = #tpu.core_type<tc>, window_params = [{transform_indices = @transform_0, window_bounds = array<i64: 2000, 128>}, {pipeline_mode = #tpu.pipeline_mode<synchronous>, transform_indices = @transform_1, window_bounds = array<i64: 128, 128>}, {pipeline_mode = #tpu.pipeline_mode<synchronous>, transform_indices = @transform_2, window_bounds = array<i64: 128, 128>}, {pipeline_mode = #tpu.pipeline_mode<synchronous>, transform_indices = @transform_3, window_bounds = array<i64: 128>}, {transform_indices = @transform_4, window_bounds = array<i64: 2000, 128>}, {transform_indices = @transform_5, window_bounds = array<i64: 2000, 128>}]} {
    %get3A = arith.constant 0 : index
    %get3A_0 = arith.constant 0 : index
    %get3A_1 = vector.load %arg1[%get3A, %get3A_0] : memref<2000x128xf32, #tpu.memory_space<vmem>>, vector<2000x128xf32>
    %get3A_2 = arith.constant 0 : index
    %get3A_3 = arith.constant 0 : index
    %get3A_4 = vector.load %arg2[%get3A_2, %get3A_3] : memref<128x128xf32, #tpu.memory_space<vmem>>, vector<128x128xf32>
    %dot_general3A = arith.constant dense<0.000000e+00> : vector<2000x128xf32>
    %dot_general3A_5 = tpu.matmul %get3A_1, %get3A_4, %dot_general3A {dimension_numbers = #tpu.dot_dimension_numbers<[1], [0], [0], [1], [0, 0, 1, 1], [], []>, transpose_lhs_hint = false} : vector<2000x128xf32>, vector<128x128xf32>, vector<2000x128xf32> -> vector<2000x128xf32>
    %get3A_6 = arith.constant 0 : index
    %get3A_7 = vector.load %arg4[%get3A_6] : memref<128xf32, #tpu.memory_space<vmem>>, vector<128xf32>
    %broadcast_in_dim3A = vector.shape_cast %get3A_7 : vector<128xf32> to vector<1x128xf32>
    %add3A = vector.broadcast %broadcast_in_dim3A : vector<1x128xf32> to vector<2000x128xf32>
    %add3A_8 = arith.addf %dot_general3A_5, %add3A : vector<2000x128xf32>
    %swap3A = arith.constant 0 : index
    %swap3A_9 = arith.constant 0 : index
    %swap3A_10 = vector.load %arg5[%swap3A, %swap3A_9] : memref<2000x128xf32, #tpu.memory_space<vmem>>, vector<2000x128xf32>
    tpu.vector_store %arg5[%swap3A, %swap3A_9], %add3A_8 {strides = array<i32>} : memref<2000x128xf32, #tpu.memory_space<vmem>>, vector<2000x128xf32>,
    %get3A_11 = arith.constant 0 : index
    %get3A_12 = arith.constant 0 : index
    %get3A_13 = vector.load %arg3[%get3A_11, %get3A_12] : memref<128x128xf32, #tpu.memory_space<vmem>>, vector<128x128xf32>
    %dot_general3A_14 = arith.constant dense<0.000000e+00> : vector<2000x128xf32>
    %dot_general3A_15 = tpu.matmul %get3A_1, %get3A_13, %dot_general3A_14 {dimension_numbers = #tpu.dot_dimension_numbers<[1], [0], [0], [1], [0, 0, 1, 1], [], []>, transpose_lhs_hint = false} : vector<2000x128xf32>, vector<128x128xf32>, vector<2000x128xf32> -> vector<2000x128xf32>
    %swap3A_16 = arith.constant 0 : index
    %swap3A_17 = arith.constant 0 : index
    %swap3A_18 = vector.load %arg6[%swap3A_16, %swap3A_17] : memref<2000x128xf32, #tpu.memory_space<vmem>>, vector<2000x128xf32>
    tpu.vector_store %arg6[%swap3A_16, %swap3A_17], %dot_general3A_15 {strides = array<i32>} : memref<2000x128xf32, #tpu.memory_space<vmem>>, vector<2000x128xf32>,
    return
  }
  func.func @transform_0(%arg0: i32) -> (i32, i32) {
    %c0_i32 = arith.constant 0 : i32
    %c0_i32_0 = arith.constant 0 : i32
    return %arg0, %c0_i32 : i32, i32
  }
  func.func @transform_1(%arg0: i32) -> (i32, i32) {
    %c0_i32 = arith.constant 0 : i32
    %c0_i32_0 = arith.constant 0 : i32
    %c0_i32_1 = arith.constant 0 : i32
    return %c0_i32, %c0_i32_0 : i32, i32
  }
  func.func @transform_2(%arg0: i32) -> (i32, i32) {
    %c0_i32 = arith.constant 0 : i32
    %c0_i32_0 = arith.constant 0 : i32
    %c0_i32_1 = arith.constant 0 : i32
    return %c0_i32, %c0_i32_0 : i32, i32
  }
  func.func @transform_3(%arg0: i32) -> i32 {
    %c0_i32 = arith.constant 0 : i32
    %c0_i32_0 = arith.constant 0 : i32
    return %c0_i32 : i32
  }
  func.func @transform_4(%arg0: i32) -> (i32, i32) {
    %c0_i32 = arith.constant 0 : i32
    %c0_i32_0 = arith.constant 0 : i32
    return %arg0, %c0_i32 : i32, i32
  }
  func.func @transform_5(%arg0: i32) -> (i32, i32) {
    %c0_i32 = arith.constant 0 : i32
    %c0_i32_0 = arith.constant 0 : i32
    return %arg0, %c0_i32 : i32, i32
  }
}

module attributes {stable_mosaic.version = 14 : i64} {
  func.func @_edge_body(%arg0: i32, %arg1: memref<2560x128xf32, #tpu.memory_space<vmem>>, %arg2: memref<2560x1xf32, #tpu.memory_space<vmem>>, %arg3: memref<32x128xf32, #tpu.memory_space<vmem>>, %arg4: memref<128x128xf32, #tpu.memory_space<vmem>>, %arg5: memref<128xf32, #tpu.memory_space<vmem>>, %arg6: memref<2560x128xf32, #tpu.memory_space<vmem>>) attributes {dimension_semantics = [#tpu.dimension_semantics<arbitrary>], iteration_bounds = array<i64: 125>, scalar_prefetch = 0 : i64, scratch_operands = 0 : i64, tpu.core_type = #tpu.core_type<tc>, window_params = [{transform_indices = @transform_0, window_bounds = array<i64: 2560, 128>}, {transform_indices = @transform_1, window_bounds = array<i64: 2560, 1>}, {pipeline_mode = #tpu.pipeline_mode<synchronous>, transform_indices = @transform_2, window_bounds = array<i64: 32, 128>}, {pipeline_mode = #tpu.pipeline_mode<synchronous>, transform_indices = @transform_3, window_bounds = array<i64: 128, 128>}, {pipeline_mode = #tpu.pipeline_mode<synchronous>, transform_indices = @transform_4, window_bounds = array<i64: 128>}, {transform_indices = @transform_5, window_bounds = array<i64: 2560, 128>}]} {
    %get3A = arith.constant 0 : index
    %get3A_0 = arith.constant 0 : index
    %get3A_1 = vector.load %arg2[%get3A, %get3A_0] : memref<2560x1xf32, #tpu.memory_space<vmem>>, vector<2560x1xf32>
    %sqrt3A = math.sqrt %get3A_1 : vector<2560x1xf32>
    %iota3A = tpu.iota {dimensions = array<i32: 1>} : vector<1x32xi32>
    %convert_element_type3A = arith.sitofp %iota3A : vector<1x32xi32> to vector<1x32xf32>
    %mul3A = arith.constant 0.161290318 : f32
    %mul3A_2 = vector.broadcast %mul3A : f32 to vector<1x32xf32>
    %mul3A_3 = arith.mulf %convert_element_type3A, %mul3A_2 : vector<1x32xf32>
    %sub3A = vector.broadcast %sqrt3A : vector<2560x1xf32> to vector<2560x32xf32>
    %sub3A_4 = vector.broadcast %mul3A_3 : vector<1x32xf32> to vector<2560x32xf32>
    %sub3A_5 = arith.subf %sub3A, %sub3A_4 : vector<2560x32xf32>
    %integer_pow3A = arith.mulf %sub3A_5, %sub3A_5 : vector<2560x32xf32>
    %mul3A_6 = arith.constant -1.000000e+01 : f32
    %mul3A_7 = vector.broadcast %mul3A_6 : f32 to vector<2560x32xf32>
    %mul3A_8 = arith.mulf %mul3A_7, %integer_pow3A : vector<2560x32xf32>
    %exp3A = math.exp %mul3A_8 : vector<2560x32xf32>
    %get3A_9 = arith.constant 0 : index
    %get3A_10 = arith.constant 0 : index
    %get3A_11 = vector.load %arg1[%get3A_9, %get3A_10] : memref<2560x128xf32, #tpu.memory_space<vmem>>, vector<2560x128xf32>
    %get3A_12 = arith.constant 0 : index
    %get3A_13 = arith.constant 0 : index
    %get3A_14 = vector.load %arg3[%get3A_12, %get3A_13] : memref<32x128xf32, #tpu.memory_space<vmem>>, vector<32x128xf32>
    %dot_general3A = arith.constant dense<0.000000e+00> : vector<2560x128xf32>
    %dot_general3A_15 = tpu.matmul %exp3A, %get3A_14, %dot_general3A {dimension_numbers = #tpu.dot_dimension_numbers<[1], [0], [0], [1], [0, 0, 1, 1], [], []>, transpose_lhs_hint = false} : vector<2560x32xf32>, vector<32x128xf32>, vector<2560x128xf32> -> vector<2560x128xf32>
    %add3A = arith.addf %get3A_11, %dot_general3A_15 : vector<2560x128xf32>
    %max3A = arith.constant 0.000000e+00 : f32
    %max3A_16 = vector.broadcast %max3A : f32 to vector<2560x128xf32>
    %max3A_17 = arith.maximumf %add3A, %max3A_16 : vector<2560x128xf32>
    %get3A_18 = arith.constant 0 : index
    %get3A_19 = arith.constant 0 : index
    %get3A_20 = vector.load %arg4[%get3A_18, %get3A_19] : memref<128x128xf32, #tpu.memory_space<vmem>>, vector<128x128xf32>
    %dot_general3A_21 = arith.constant dense<0.000000e+00> : vector<2560x128xf32>
    %dot_general3A_22 = tpu.matmul %max3A_17, %get3A_20, %dot_general3A_21 {dimension_numbers = #tpu.dot_dimension_numbers<[1], [0], [0], [1], [0, 0, 1, 1], [], []>, transpose_lhs_hint = false} : vector<2560x128xf32>, vector<128x128xf32>, vector<2560x128xf32> -> vector<2560x128xf32>
    %get3A_23 = arith.constant 0 : index
    %get3A_24 = vector.load %arg5[%get3A_23] : memref<128xf32, #tpu.memory_space<vmem>>, vector<128xf32>
    %broadcast_in_dim3A = vector.shape_cast %get3A_24 : vector<128xf32> to vector<1x128xf32>
    %add3A_25 = vector.broadcast %broadcast_in_dim3A : vector<1x128xf32> to vector<2560x128xf32>
    %add3A_26 = arith.addf %dot_general3A_22, %add3A_25 : vector<2560x128xf32>
    %swap3A = arith.constant 0 : index
    %swap3A_27 = arith.constant 0 : index
    %swap3A_28 = vector.load %arg6[%swap3A, %swap3A_27] : memref<2560x128xf32, #tpu.memory_space<vmem>>, vector<2560x128xf32>
    tpu.vector_store %arg6[%swap3A, %swap3A_27], %add3A_26 {strides = array<i32>} : memref<2560x128xf32, #tpu.memory_space<vmem>>, vector<2560x128xf32>,
    return
  }
  func.func @transform_0(%arg0: i32) -> (i32, i32) {
    %c0_i32 = arith.constant 0 : i32
    %c0_i32_0 = arith.constant 0 : i32
    return %arg0, %c0_i32 : i32, i32
  }
  func.func @transform_1(%arg0: i32) -> (i32, i32) {
    %c0_i32 = arith.constant 0 : i32
    %c0_i32_0 = arith.constant 0 : i32
    return %arg0, %c0_i32 : i32, i32
  }
  func.func @transform_2(%arg0: i32) -> (i32, i32) {
    %c0_i32 = arith.constant 0 : i32
    %c0_i32_0 = arith.constant 0 : i32
    %c0_i32_1 = arith.constant 0 : i32
    return %c0_i32, %c0_i32_0 : i32, i32
  }
  func.func @transform_3(%arg0: i32) -> (i32, i32) {
    %c0_i32 = arith.constant 0 : i32
    %c0_i32_0 = arith.constant 0 : i32
    %c0_i32_1 = arith.constant 0 : i32
    return %c0_i32, %c0_i32_0 : i32, i32
  }
  func.func @transform_4(%arg0: i32) -> i32 {
    %c0_i32 = arith.constant 0 : i32
    %c0_i32_0 = arith.constant 0 : i32
    return %c0_i32 : i32
  }
  func.func @transform_5(%arg0: i32) -> (i32, i32) {
    %c0_i32 = arith.constant 0 : i32
    %c0_i32_0 = arith.constant 0 : i32
    return %arg0, %c0_i32 : i32, i32
  }
}

module attributes {stable_mosaic.version = 14 : i64} {
  func.func @_update_body(%arg0: i32, %arg1: memref<1000x128xf32, #tpu.memory_space<vmem>>, %arg2: memref<1000x128xf32, #tpu.memory_space<vmem>>, %arg3: memref<1000x1xf32, #tpu.memory_space<vmem>>, %arg4: memref<128x128xf32, #tpu.memory_space<vmem>>, %arg5: memref<128x128xf32, #tpu.memory_space<vmem>>, %arg6: memref<128xf32, #tpu.memory_space<vmem>>, %arg7: memref<128x128xf32, #tpu.memory_space<vmem>>, %arg8: memref<128xf32, #tpu.memory_space<vmem>>, %arg9: memref<1000x128xf32, #tpu.memory_space<vmem>>) attributes {dimension_semantics = [#tpu.dimension_semantics<arbitrary>], iteration_bounds = array<i64: 10>, scalar_prefetch = 0 : i64, scratch_operands = 0 : i64, tpu.core_type = #tpu.core_type<tc>, window_params = [{transform_indices = @transform_0, window_bounds = array<i64: 1000, 128>}, {transform_indices = @transform_1, window_bounds = array<i64: 1000, 128>}, {transform_indices = @transform_2, window_bounds = array<i64: 1000, 1>}, {pipeline_mode = #tpu.pipeline_mode<synchronous>, transform_indices = @transform_3, window_bounds = array<i64: 128, 128>}, {pipeline_mode = #tpu.pipeline_mode<synchronous>, transform_indices = @transform_4, window_bounds = array<i64: 128, 128>}, {pipeline_mode = #tpu.pipeline_mode<synchronous>, transform_indices = @transform_5, window_bounds = array<i64: 128>}, {pipeline_mode = #tpu.pipeline_mode<synchronous>, transform_indices = @transform_6, window_bounds = array<i64: 128, 128>}, {pipeline_mode = #tpu.pipeline_mode<synchronous>, transform_indices = @transform_7, window_bounds = array<i64: 128>}, {transform_indices = @transform_8, window_bounds = array<i64: 1000, 128>}]} {
    %get3A = arith.constant 0 : index
    %get3A_0 = arith.constant 0 : index
    %get3A_1 = vector.load %arg2[%get3A, %get3A_0] : memref<1000x128xf32, #tpu.memory_space<vmem>>, vector<1000x128xf32>
    %get3A_2 = arith.constant 0 : index
    %get3A_3 = arith.constant 0 : index
    %get3A_4 = vector.load %arg3[%get3A_2, %get3A_3] : memref<1000x1xf32, #tpu.memory_space<vmem>>, vector<1000x1xf32>
    %mul3A = vector.broadcast %get3A_4 : vector<1000x1xf32> to vector<1000x128xf32>
    %mul3A_5 = arith.mulf %get3A_1, %mul3A : vector<1000x128xf32>
    %get3A_6 = arith.constant 0 : index
    %get3A_7 = arith.constant 0 : index
    %get3A_8 = vector.load %arg1[%get3A_6, %get3A_7] : memref<1000x128xf32, #tpu.memory_space<vmem>>, vector<1000x128xf32>
    %get3A_9 = arith.constant 0 : index
    %get3A_10 = arith.constant 0 : index
    %get3A_11 = vector.load %arg4[%get3A_9, %get3A_10] : memref<128x128xf32, #tpu.memory_space<vmem>>, vector<128x128xf32>
    %dot_general3A = arith.constant dense<0.000000e+00> : vector<1000x128xf32>
    %dot_general3A_12 = tpu.matmul %get3A_8, %get3A_11, %dot_general3A {dimension_numbers = #tpu.dot_dimension_numbers<[1], [0], [0], [1], [0, 0, 1, 1], [], []>, transpose_lhs_hint = false} : vector<1000x128xf32>, vector<128x128xf32>, vector<1000x128xf32> -> vector<1000x128xf32>
    %get3A_13 = arith.constant 0 : index
    %get3A_14 = arith.constant 0 : index
    %get3A_15 = vector.load %arg5[%get3A_13, %get3A_14] : memref<128x128xf32, #tpu.memory_space<vmem>>, vector<128x128xf32>
    %dot_general3A_16 = arith.constant dense<0.000000e+00> : vector<1000x128xf32>
    %dot_general3A_17 = tpu.matmul %mul3A_5, %get3A_15, %dot_general3A_16 {dimension_numbers = #tpu.dot_dimension_numbers<[1], [0], [0], [1], [0, 0, 1, 1], [], []>, transpose_lhs_hint = false} : vector<1000x128xf32>, vector<128x128xf32>, vector<1000x128xf32> -> vector<1000x128xf32>
    %add3A = arith.addf %dot_general3A_12, %dot_general3A_17 : vector<1000x128xf32>
    %get3A_18 = arith.constant 0 : index
    %get3A_19 = vector.load %arg6[%get3A_18] : memref<128xf32, #tpu.memory_space<vmem>>, vector<128xf32>
    %broadcast_in_dim3A = vector.shape_cast %get3A_19 : vector<128xf32> to vector<1x128xf32>
    %add3A_20 = vector.broadcast %broadcast_in_dim3A : vector<1x128xf32> to vector<1000x128xf32>
    %add3A_21 = arith.addf %add3A, %add3A_20 : vector<1000x128xf32>
    %max3A = arith.constant 0.000000e+00 : f32
    %max3A_22 = vector.broadcast %max3A : f32 to vector<1000x128xf32>
    %max3A_23 = arith.maximumf %add3A_21, %max3A_22 : vector<1000x128xf32>
    %get3A_24 = arith.constant 0 : index
    %get3A_25 = arith.constant 0 : index
    %get3A_26 = vector.load %arg7[%get3A_24, %get3A_25] : memref<128x128xf32, #tpu.memory_space<vmem>>, vector<128x128xf32>
    %dot_general3A_27 = arith.constant dense<0.000000e+00> : vector<1000x128xf32>
    %dot_general3A_28 = tpu.matmul %max3A_23, %get3A_26, %dot_general3A_27 {dimension_numbers = #tpu.dot_dimension_numbers<[1], [0], [0], [1], [0, 0, 1, 1], [], []>, transpose_lhs_hint = false} : vector<1000x128xf32>, vector<128x128xf32>, vector<1000x128xf32> -> vector<1000x128xf32>
    %get3A_29 = arith.constant 0 : index
    %get3A_30 = vector.load %arg8[%get3A_29] : memref<128xf32, #tpu.memory_space<vmem>>, vector<128xf32>
    %broadcast_in_dim3A_31 = vector.shape_cast %get3A_30 : vector<128xf32> to vector<1x128xf32>
    %add3A_32 = vector.broadcast %broadcast_in_dim3A_31 : vector<1x128xf32> to vector<1000x128xf32>
    %add3A_33 = arith.addf %dot_general3A_28, %add3A_32 : vector<1000x128xf32>
    %swap3A = arith.constant 0 : index
    %swap3A_34 = arith.constant 0 : index
    %swap3A_35 = vector.load %arg9[%swap3A, %swap3A_34] : memref<1000x128xf32, #tpu.memory_space<vmem>>, vector<1000x128xf32>
    tpu.vector_store %arg9[%swap3A, %swap3A_34], %add3A_33 {strides = array<i32>} : memref<1000x128xf32, #tpu.memory_space<vmem>>, vector<1000x128xf32>,
    return
  }
  func.func @transform_0(%arg0: i32) -> (i32, i32) {
    %c0_i32 = arith.constant 0 : i32
    %c0_i32_0 = arith.constant 0 : i32
    return %arg0, %c0_i32 : i32, i32
  }
  func.func @transform_1(%arg0: i32) -> (i32, i32) {
    %c0_i32 = arith.constant 0 : i32
    %c0_i32_0 = arith.constant 0 : i32
    return %arg0, %c0_i32 : i32, i32
  }
  func.func @transform_2(%arg0: i32) -> (i32, i32) {
    %c0_i32 = arith.constant 0 : i32
    %c0_i32_0 = arith.constant 0 : i32
    return %arg0, %c0_i32 : i32, i32
  }
  func.func @transform_3(%arg0: i32) -> (i32, i32) {
    %c0_i32 = arith.constant 0 : i32
    %c0_i32_0 = arith.constant 0 : i32
    %c0_i32_1 = arith.constant 0 : i32
    return %c0_i32, %c0_i32_0 : i32, i32
  }
  func.func @transform_4(%arg0: i32) -> (i32, i32) {
    %c0_i32 = arith.constant 0 : i32
    %c0_i32_0 = arith.constant 0 : i32
    %c0_i32_1 = arith.constant 0 : i32
    return %c0_i32, %c0_i32_0 : i32, i32
  }
  func.func @transform_5(%arg0: i32) -> i32 {
    %c0_i32 = arith.constant 0 : i32
    %c0_i32_0 = arith.constant 0 : i32
    return %c0_i32 : i32
  }
  func.func @transform_6(%arg0: i32) -> (i32, i32) {
    %c0_i32 = arith.constant 0 : i32
    %c0_i32_0 = arith.constant 0 : i32
    %c0_i32_1 = arith.constant 0 : i32
    return %c0_i32, %c0_i32_0 : i32, i32
  }
  func.func @transform_7(%arg0: i32) -> i32 {
    %c0_i32 = arith.constant 0 : i32
    %c0_i32_0 = arith.constant 0 : i32
    return %c0_i32 : i32
  }
  func.func @transform_8(%arg0: i32) -> (i32, i32) {
    %c0_i32 = arith.constant 0 : i32
    %c0_i32_0 = arith.constant 0 : i32
    return %arg0, %c0_i32 : i32, i32
  }
}

</mosaic_0001>

<sc_bundles>
// kernel: kernel.11.cloned.1.call-start
scs
__scs_entry_jumppad:
0x0: {  	(pc) =	sbr.rel $0x88, $3  }
0x1: {  	(tag) =	ssettag $0x0;
	lr =	simm.s32 $0x1  }
0x2: {  	[smem:$0x3F96] =	sst lr;
	_ =	strace $0xD0000000  }
0x3: {  	_ = 	snop  }
0x4: {  	_ = 	snop  }
0x5: {  	_ = 	snop  }
0x6: {  	_ = 	snop  }
0x7: {  	_ = 	snop  }
__scs_overlays_trampoline_lowered:
0x8: {  	[smem:$0x3FA5] =	sst s0  }
0x9: {  	[smem:$0x3FA6] =	sst s1  }
0xa: {  	[smem:$0x3FA7] =	sst s2  }
0xb: {  	[smem:$0x3FA8] =	sst s3  }
0xc: {  	[smem:$0x3FA9] =	sst s4  }
0xd: {  	[smem:$0x3FAA] =	sst s5  }
0xe: {  	[smem:$0x3FAB] =	sst s6  }
0xf: {  	[smem:$0x3FAC] =	sst s7  }
0x10: {  	[smem:$0x3FAD] =	sst s8  }
0x11: {  	[smem:$0x3FAE] =	sst s9;
	s0 =	simm.s32 @!p0 $0x0  }
0x12: {  	s1 =	sld [smem:$0x3F94];
	s0 =	simm.s32 @p0 $0x1  }
0x13: {  	[smem:$0x3FAF] =	sst s0;
	s0 =	simm.s32 @!p1 $0x0  }
0x14: {  	s2 =	sld [smem:$0x3F93];
	s0 =	simm.s32 @p1 $0x1  }
0x15: {  	[smem:$0x3FB0] =	sst s0;
	s0 =	simm.s32 @!p2 $0x0  }
0x16: {  	s3 =	sld [smem:$0x3FDB];
	s0 =	simm.s32 @p2 $0x1  }
0x17: {  	s4 =	simm.s32 $0x1BF5;
	[smem:$0x3FB2] =	sst s0  }
0x18: {  	s0 =	sld [smem:$0x3F95];
	_ =	swait.ge [sflag:s4], $0x0  }
0x19: {  	s7 =	sld [smem:$0x3F96]  }
0x1a: {  	s8 =	sadd.s32 $0xFFFFE003, lr  }
0x1b: {  	s9 =	sadd.s32 $0xFFFFFEF7, lr;
	s5 =	simm.s32 $0xFFFFFFFF;
	p2 =	slt.u32 s8, $0xFFFFF086  }
0x1c: {  	p1 =	slt.u32 s9, $0xF7A;
	s5 =	simm.s32 @!p2 $0x0  }
0x1d: {  	s5 =	simm.s32 @p1 $0x1;
	p0 =	seq.s32 s7, s2  }
0x1e: {  	s7 =	smul.u32 @!p0 $0xF7A, s2;
	p2 =	seq.s32 @!p0 s5, $0x0  }
0x1f: {  	s9 =	smul.u32 $0xF7A, s1;
	s8 =	simm.s32 @!p0 $0x1BF5;
	p2 =	por !p2, p0  }
0x20: {  	[sflag:s8] =	ssyncset.s32 @!p0 $0xFFFFF086;
	s6 =	sadd.s32 @!p0 s3, s7;
	s7 =	simm.s32 @!p0 $0x108  }
0x21: {  	s3 =	sadd.s32 s3, s9;
	s6 =	sadd.s32 @!p0 $0x88, s6;
	s7 =	simm.s32 @p2 $0x1082  }
0x22: {  	[simem:s7], [sflag:s8] =	dma.local @!p0 [hbm:s6], $0xF7A  }
0x23: {  	s9 =	sor.u32 $0xD0000000, s2;
	s6 =	simm.s32 $0x108;
	_ =	swait.ge @!p0 [sflag:s8], $0x0  }
0x24: {  	s3 =	sadd.s32 $0x88, s3;
	s6 =	simm.s32 @!p1 $0x1082;
	[sflag:s4] =	ssyncset.s32 $0xFFFFF086  }
0x25: {  	[simem:s6], [sflag:s4] =	dma.local [hbm:s3], $0xF7A  }
0x26: {  	[smem:$0x3F96] =	sst s1;
	(tag) =	ssettag s2;
	_ =	strace s9  }
0x27: {  	s1 =	sld [smem:$0x3FA6]  }
0x28: {  	s2 =	sld [smem:$0x3FA7]  }
0x29: {  	s4 =	sld [smem:$0x3FA9]  }
0x2a: {  	p0 =	seq.s32 s5, $0x0;
	s5 =	sld [smem:$0x3FAA]  }
0x2b: {  	s6 =	sld [smem:$0x3FAB]  }
0x2c: {  	s7 =	sld [smem:$0x3FAC]  }
0x2d: {  	s3 =	simm.s32 $0x108;
	s8 =	sld [smem:$0x3FAD]  }
0x2e: {  	s3 =	simm.s32 @!p0 $0x1082;
	s9 =	sld [smem:$0x3FAE]  }
0x2f: {  	lr =	sadd.s32 s0, s3;
	s0 =	sld [smem:$0x3FA5]  }
0x30: {  	s3 =	sld [smem:$0x3FA8]  }
0x31: {  	[smem:$0x3FB1] =	sst s10  }
0x32: {  	s10 =	sld [smem:$0x3FAF];
	_ =	sdelay $0x3  }
0x33: {  	p0 =	seq.s32 s10, $0x1;
	s10 =	sld [smem:$0x3FB1];
	_ =	sdelay $0x3  }
0x34: {  	[smem:$0x3FB1] =	sst s10  }
0x35: {  	s10 =	sld [smem:$0x3FB0];
	_ =	sdelay $0x3  }
0x36: {  	p1 =	seq.s32 s10, $0x1;
	s10 =	sld [smem:$0x3FB1];
	_ =	sdelay $0x3  }
0x37: {  	[smem:$0x3FB1] =	sst s10  }
0x38: {  	s10 =	sld [smem:$0x3FB2]  }
0x39: {  	_ = 	snop;
	(pc) =	sbr.ind lr, $3  }
0x3a: {  	_ = 	snop  }
0x3b: {  	_ = 	snop  }
0x3c: {  	p2 =	seq.s32 s10, $0x1;
	s10 =	sld [smem:$0x3FB1]  }
0x3d: {  	_ =	shalt  }
0x3e: {  	_ =	shalt  }
0x3f: {  	_ =	shalt  }
0x40: {  	_ =	shalt  }
0x41: {  	_ =	shalt  }
0x42: {  	_ =	shalt  }
0x43: {  	_ =	shalt  }
0x44: {  	_ =	shalt  }
0x45: {  	_ =	shalt  }
0x46: {  	_ =	shalt  }
0x47: {  	_ =	shalt  }
0x48: {  	_ =	shalt  }
0x49: {  	_ =	shalt  }
0x4a: {  	_ =	shalt  }
0x4b: {  	_ =	shalt  }
0x4c: {  	_ =	shalt  }
0x4d: {  	_ =	shalt  }
0x4e: {  	_ =	shalt  }
0x4f: {  	_ =	shalt  }
0x50: {  	_ =	shalt  }
0x51: {  	_ =	shalt  }
0x52: {  	_ =	shalt  }
0x53: {  	_ =	shalt  }
0x54: {  	_ =	shalt  }
0x55: {  	_ =	shalt  }
0x56: {  	_ =	shalt  }
0x57: {  	_ =	shalt  }
0x58: {  	_ =	shalt  }
0x59: {  	_ =	shalt  }
0x5a: {  	_ =	shalt  }
0x5b: {  	_ =	shalt  }
0x5c: {  	_ =	shalt  }
0x5d: {  	_ =	shalt  }
0x5e: {  	_ =	shalt  }
0x5f: {  	_ =	shalt  }
0x60: {  	_ =	shalt  }
0x61: {  	_ =	shalt  }
0x62: {  	_ =	shalt  }
0x63: {  	_ =	shalt  }
0x64: {  	_ =	shalt  }
0x65: {  	_ =	shalt  }
0x66: {  	_ =	shalt  }
0x67: {  	_ =	shalt  }
0x68: {  	_ =	shalt  }
0x69: {  	_ =	shalt  }
0x6a: {  	_ =	shalt  }
0x6b: {  	_ =	shalt  }
0x6c: {  	_ =	shalt  }
0x6d: {  	_ =	shalt  }
0x6e: {  	_ =	shalt  }
0x6f: {  	_ =	shalt  }
0x70: {  	_ =	shalt  }
0x71: {  	_ =	shalt  }
0x72: {  	_ =	shalt  }
0x73: {  	_ =	shalt  }
0x74: {  	_ =	shalt  }
0x75: {  	_ =	shalt  }
0x76: {  	_ =	shalt  }
0x77: {  	_ =	shalt  }
0x78: {  	_ =	shalt  }
0x79: {  	_ =	shalt  }
0x7a: {  	_ =	shalt  }
0x7b: {  	_ =	shalt  }
0x7c: {  	_ =	shalt  }
0x7d: {  	_ =	shalt  }
0x7e: {  	_ =	shalt  }
0x7f: {  	_ =	shalt  }
0x80: {  	_ =	shalt  }
0x81: {  	_ =	shalt  }
0x82: {  	_ =	shalt  }
0x83: {  	_ =	shalt  }
0x84: {  	_ =	shalt  }
0x85: {  	_ =	shalt  }
0x86: {  	_ =	shalt  }
0x87: {  	_ =	shalt  }
.Lfunc_end0:
.L_simem_size_0:
called_computation.1_lowered:
.L_overlay_start_0:
0x88: {  	s2 =	sld [smem:$0x3FD9]  }
0x89: {  	s3 =	sld [smem:$0x3FFE];
	_ =	sdelay $0x1  }
0x8a: {  	s1 =	srdreg.scid  }
0x8b: {  	s0 =	sand.u32 $0x1, s1  }
0x8c: {  	s15 =	sshll.u32 s0, $0xA;
	s2 =	sadd.s32 s3, s2  }
0x8d: {  	s2 =	sadd.s32 s2, s15  }
0x8e: {  	[smem:$0x3FBD] =	sst s2  }
0x8f: {  	_ = 	snop  }
0x90: {  	s2 =	sld [smem:$0x3FD0];
	_ =	sdelay $0x2  }
0x91: {  	s16 =	simm.s32 $0xB;
	s4 =	simm.s32 $0x10  }
0x92: {  	[smem:s4], [sflag:s16] =	dma.local [hbm:s2], $0x1  }
0x93: {  	_ =	swait.eq [sflag:s16], $0x1  }
0x94: {  	[sflag:s16] =	ssyncset.done $0x0  }
0x95: {  	[sflag:s16] =	ssyncadd.s32 $0xFFFFFFFF  }
0x96: {  	s17 =	sld [smem:$0x10];
	(tm) =	ssettm $0x1  }
0x97: {  	s18 =	sld [smem:$0x3FFB];
	_ =	sdelay $0x3  }
0x98: {  	_ =	strace s18  }
0x99: {  	s2 =	sld [smem:$0x3FFC];
	_ =	sdelay $0x3  }
0x9a: {  	_ =	strace s2  }
0x9b: {  	s2 =	sld [smem:$0x3FFD];
	_ =	sdelay $0x3  }
0x9c: {  	_ =	strace s2  }
0x9d: {  	_ =	strace $0x8FFFFFFF  }
0x9e: {  	s19 =	sld [smem:$0x3FDB];
	_ =	sdelay $0x1  }
0x9f: {  	s20 =	simm.s32 $_scs_section_size  }
0xa0: {  	s5 =	simm.s32 $_size__tile_overlayer_lowered;
	s6 =	simm.s32 $_tile_overlayer_lowered  }
0xa1: {  	s7 =	simm.s32 $0x1BFF;
	s21 =	sshll.u32 s6, $0x1;
	s4 =	sadd.s32 s20, s19  }
0xa2: {  	s22 =	simm.s32 $0x0;
	s5 =	sshll.u32 s5, $0x1;
	s6 =	sadd.s32 s21, s4  }
0xa3: {  	[timem:s22], [sflag:s7] =	dma.local [hbm:s6], s5  }
0xa4: {  	_ =	swait.ge [sflag:s7], s5  }
0xa5: {  	s5 =	ssub.s32 $0x0, s5;
	[sflag:s7] =	ssyncset.done $0x0  }
0xa6: {  	[sflag:s7] =	ssyncadd.s32 s5;
	_ =	sdelay $0x1  }
0xa7: {  	s23 =	simm.s32 $0x1B8B  }
0xa8: {  	_ =	swait.ge [sflag:s23], $0x1  }
0xa9: {  	[sflag:s23] =	ssyncset.done $0x0  }
0xaa: {  	[sflag:s23] =	ssyncadd.s32 $0xFFFFFFFF  }
0xab: {  	s5 =	sld [smem:$0x0]  }
0xac: {  	s6 =	sand.u32 $0xFFFFFFFE, s1  }
0xad: {  	p0 =	sne.s32 s1, s6  }
0xae: {  	s6 =	sshll.u32 @p0 s6, $0xE  }
0xaf: {  	s6 =	sadd.s32 @p0 $0x11B8D, s6;
	s7 =	sshll.u32 @p0 s5, $0x11  }
0xb0: {  	s6 =	sor.u32 @p0 s7, s6  }
0xb1: {  	[sflag:s6] =	ssyncadd.remote.s32 @p0 $0x1;
	_ =	sdelay $0x1  }
0xb2: {  	s6 =	simm.s32 @p0 $0x1B8D  }
0xb3: {  	_ =	swait.eq @p0 [sflag:s6], $0x1  }
0xb4: {  	[sflag:s6] =	ssyncadd.s32 @p0 $0xFFFFFFFF  }
0xb5: {  	s7 =	sshll.u32 @!p0 s1, $0xE  }
0xb6: {  	s7 =	sor.u32 @!p0 $0x4000, s7;
	s6 =	simm.s32 @!p0 $0x1B8D  }
0xb7: {  	s5 =	sshll.u32 @!p0 s5, $0x11;
	s7 =	sadd.s32 @!p0 $0x11B8D, s7;
	_ =	swait.eq @!p0 [sflag:s6], $0x1  }
0xb8: {  	s5 =	sor.u32 @!p0 s5, s7;
	[sflag:s6] =	ssyncadd.s32 @!p0 $0xFFFFFFFF  }
0xb9: {  	s25 =	simm.s32 $0x1B8E;
	s24 =	sld [smem:$0x3FFE];
	[sflag:s5] =	ssyncadd.remote.s32 @!p0 $0x1  }
0xba: {  	s26 =	simm.s32 $execute0_lowered;
	[smem:$0x3FD2] =	sst s25  }
0xbb: {  	s6 =	sshll.u32 s26, $0x1;
	_ =	strace $0x80000049;
	[dreg:$0x1] =	wrdreg $0xFFFFFFFF  }
0xbc: {  	s28 =	simm.s32 $_size_execute0_lowered;
	s4 =	sadd.s32 s4, s6;
	[dreg:$0x0] =	wrdreg $0x0  }
0xbd: {  	s6 =	sshll.u32 s28, $0x1;
	[dreg:$0x2] =	wrdreg s4  }
0xbe: {  	[dreg:$0x3] =	wrdreg s6  }
0xbf: {  	[dreg:$0x4] =	wrdreg $0xC0  }
0xc0: {  	_ =	task [dreg:s22], $0x5FFFF  }
0xc1: {  	[dreg:$0x1] =	wrdreg $0xFFFFFFFF  }
0xc2: {  	[dreg:$0x0] =	wrdreg $0x60  }
0xc3: {  	[dreg:$0x2] =	wrdreg s17  }
0xc4: {  	[dreg:$0x3] =	wrdreg s24  }
0xc5: {  	[dreg:$0x4] =	wrdreg $0xA  }
0xc6: {  	_ =	task.clear_ibuf [dreg:s22], $0x5FFFF;
	_ =	strace $0x90000049  }
0xc7: {  	s29 =	simm.s32 $0xA;
	_ =	strace $0x8000004B  }
0xc8: {  	_ =	swait.ge [sflag:s29], $0x1  }
0xc9: {  	[sflag:s29] =	ssyncadd.s32 $0xFFFFFFFF  }
0xca: {  	_ =	strace $0x9000004B  }
0xcb: {  	_ =	sfence  }
0xcc: {  	s30 =	sld [smem:$0x0];
	_ =	sdelay $0x2  }
0xcd: {  	s31 =	sshll.u32 s1, $0xD;
	s1 =	sshrl.u32 s1, $0x2  }
0xce: {  	s4 =	sand.u32 $0x4000, s31;
	s1 =	sadd.s32 s1, s30  }
0xcf: {  	s0 =	sor.u32 s4, s0;
	s1 =	sshll.u32 s1, $0x11  }
0xd0: {  	s0 =	sor.u32 s1, s0  }
0xd1: {  	s0 =	sadd.s32 $0x8F2B, s0  }
0xd2: {  	[sflag:s0] =	ssyncadd.remote.s32 $0x1  }
0xd3: {  	_ =	sfence.sel $0xFFFF  }
0xd4: {  	[dreg:$0x0] =	wrdreg $0xFFFFFFFF;
	(pc) =	sbr.abs _section_cstart, $3  }
0xd5: {  	[dreg:$0x1] =	wrdreg $0xFFFFFFFF  }
0xd6: {  	_ =	task.clear_ibuf [dreg:s22], $0x2FFFF;
	_ =	strace $0x9FFFFFFF  }
0xd7: {  	(tm) =	ssettm $0x7FFFFFFF  }
tec
execute0_lowered:
.L_overlay_start_1:
0x0: {  	(tag) =	ssettag $0x1  }
0x1: {  	s1 =	srdreg.scid;
	s2 =	rddreg [dreg:$0x0]  }
0x2: {  	s0 =	stileid.u32;
	s9 =	rddreg [dreg:$0x1];
	s3 =	simm.s32 $0x0  }
0x3: {  	s11 =	simm.s32 $0x5;
	s12 =	simm.s32 $0x2780;
	s13 =	simm.s32 $0xC8  }
0x4: {  	s14 =	simm.s32 $0x4F00;
	s15 =	simm.s32 $0x11700;
	s16 =	simm.s32 $0xB300  }
0x5: {  	s17 =	simm.s32 $0x17B00;
	s18 =	simm.s32 $0x1;
	s19 =	simm.s32 $0x3  }
0x6: {  	s20 =	simm.s32 $0x2;
	s5 =	sand.u32 $0x1, s1;
	s31 =	sshll.u32 s0, $0x1  }
0x7: {  	s21 =	simm.s32 $0x4;
	s22 =	simm.s32 $0x0;
	s4 =	sor.u32 s5, s31  }
0x8: {  	[smem:$0x7FF] =	sst s3;
	s7 =	ssub.s32 $0x2, s5;
	s4 =	smul.u32 $0x2710, s4  }
0x9: {  	s1 =	rddreg [dreg:$0x2];
	_ =	strace $0x8000004A;
	s10 =	sshrl.u32 s7, $0x1  }
0xa: {  	s5 =	sadd.s32 $0x22000, s9;
	s10 =	ssub.s32 s7, s10;
	s6 =	sshrl.u32 s4, $0x3  }
0xb: {  	s10 =	smax.u32 s10, $0x1;
	s8 =	sadd.s32 s6, s9;
	s6 =	sadd.s32 $0x49200, s9  }
0xc: {  	s9 =	sadd.s32 $0x49E80, s9;
	s7 =	sadd.s32 $0xD000, s8;
	s8 =	sadd.s32 $0x3200, s8  }
.LBB2_1:
0xd: {  	[tilespmem:s3], [sflag:$0x5] =	stream.linear.gather [hbm4b:s7+s3], $0x2710, $0x38;
	[tilespmem:$0x1DF00] =	vst v63  }
0xe: {  	_ =	swait.ge [sflag:s11], $0x2710  }
0xf: {  	[sflag:s11] =	ssyncset.done $0x0  }
0x10: {  	[sflag:s11] =	ssyncadd.s32 $0xFFFFD8F0  }
0x11: {  	[tilespmem:s12], [sflag:$0x5] =	stream.linear.gather [hbm4b:s8+s3], $0x2710, $0x38;
	[tilespmem:$0x1DF00] =	vst v63  }
0x12: {  	_ =	swait.ge [sflag:s11], $0x2710  }
0x13: {  	[sflag:s11] =	ssyncset.done $0x0  }
0x14: {  	s23 =	simm.s32 $0x0;
	[sflag:s11] =	ssyncadd.s32 $0xFFFFD8F0  }
.LBB2_2:
0x15: {  	s24 =	smul.u32 $0x190, s23;
	_ =	sdelay $0x1  }
0x16: {  	[tilespmem:s14], [sflag:$0x1] =	stream.indirect.gather [hbm4b:s2+s13], $0x80, s24, s13, $0xb8;
	[tilespmem:$0x1DF00] =	vst v63  }
0x17: {  	s25 =	sadd.s32 $0x2780, s24  }
0x18: {  	[tilespmem:s15], [sflag:$0x3] =	stream.indirect.gather [hbm4b:s5+s13], $0x80, s25, s13, $0xb8;
	[tilespmem:$0x1DF00] =	vst v63  }
0x19: {  	s30 =	sadd.s32 $0xC8, s24  }
0x1a: {  	[tilespmem:s16], [sflag:$0x2] =	stream.indirect.gather [hbm4b:s2+s13], $0x80, s30, s13, $0xb8;
	[tilespmem:$0x1DF00] =	vst v63  }
0x1b: {  	s31 =	sadd.s32 $0x2848, s24  }
0x1c: {  	[tilespmem:s17], [sflag:$0x4] =	stream.indirect.gather [hbm4b:s5+s13], $0x80, s31, s13, $0xb8;
	[tilespmem:$0x1DF00] =	vst v63  }
0x1d: {  	_ =	swait.ge [sflag:s18], $0x6400  }
0x1e: {  	[sflag:s18] =	ssyncset.done $0x0  }
0x1f: {  	[sflag:s18] =	ssyncadd.s32 $0xFFFF9C00  }
0x20: {  	_ =	swait.ge [sflag:s19], $0x6400  }
0x21: {  	[sflag:s19] =	ssyncset.done $0x0  }
0x22: {  	s25 =	simm.s32 $0x0;
	[sflag:s19] =	ssyncadd.s32 $0xFFFF9C00  }
0x23: {  	v6 =	vld [tilespmem:s25+$0x11700]  }
0x24: {  	v7 =	vld [tilespmem:s25+$0x11710]  }
0x25: {  	v8 =	vld [tilespmem:s25+$0x11720]  }
0x26: {  	v9 =	vld [tilespmem:s25+$0x11730]  }
0x27: {  	v10 =	vld [tilespmem:s25+$0x11740]  }
0x28: {  	v11 =	vld [tilespmem:s25+$0x11750]  }
0x29: {  	v12 =	vld [tilespmem:s25+$0x11760]  }
0x2a: {  	v13 =	vld [tilespmem:s25+$0x11770]  }
0x2b: {  	v14 =	vld [tilespmem:s25+$0x11780]  }
0x2c: {  	v15 =	vld [tilespmem:s25+$0x11790]  }
0x2d: {  	v16 =	vld [tilespmem:s25+$0x117A0]  }
0x2e: {  	v17 =	vld [tilespmem:s25+$0x117B0]  }
0x2f: {  	v18 =	vld [tilespmem:s25+$0x117C0]  }
0x30: {  	v19 =	vld [tilespmem:s25+$0x117D0]  }
0x31: {  	v20 =	vld [tilespmem:s25+$0x117E0]  }
0x32: {  	v21 =	vld [tilespmem:s25+$0x117F0]  }
0x33: {  	v22 =	vld [tilespmem:s25+$0x11800]  }
0x34: {  	v23 =	vld [tilespmem:s25+$0x11810]  }
0x35: {  	v24 =	vld [tilespmem:s25+$0x11820]  }
0x36: {  	v25 =	vld [tilespmem:s25+$0x11830]  }
0x37: {  	v26 =	vld [tilespmem:s25+$0x11840]  }
0x38: {  	v27 =	vld [tilespmem:s25+$0x11850]  }
0x39: {  	v28 =	vld [tilespmem:s25+$0x11860]  }
0x3a: {  	v29 =	vld [tilespmem:s25+$0x11870]  }
0x3b: {  	v30 =	vld [tilespmem:s25+$0x11880]  }
0x3c: {  	v31 =	vld [tilespmem:s25+$0x11890]  }
0x3d: {  	v5 =	vld [tilespmem:s25+$0x118A0]  }
0x3e: {  	v4 =	vld [tilespmem:s25+$0x118B0]  }
0x3f: {  	v3 =	vld [tilespmem:s25+$0x118C0]  }
0x40: {  	v2 =	vld [tilespmem:s25+$0x118D0]  }
0x41: {  	v1 =	vld [tilespmem:s25+$0x118E0]  }
0x42: {  	v32 =	vld [tilespmem:s25+$0x4F00]  }
0x43: {  	v33 =	vld [tilespmem:s25+$0x4F10]  }
0x44: {  	v34 =	vld [tilespmem:s25+$0x4F20]  }
0x45: {  	v35 =	vld [tilespmem:s25+$0x4F30]  }
0x46: {  	v36 =	vld [tilespmem:s25+$0x4F40]  }
0x47: {  	v63 =	vld [tilespmem:s25+$0x4F50];
	v6 =	vadd.f32 v6, v32  }
0x48: {  	v37 =	vld [tilespmem:s25+$0x4F60];
	v7 =	vadd.f32 v7, v33  }
0x49: {  	v8 =	vadd.f32 v8, v34;
	[tilespmem:s25+$0x4F00] =	vst v6;
	v6 =	vld [tilespmem:s25+$0x4F70]  }
0x4a: {  	v9 =	vadd.f32 v9, v35;
	[tilespmem:s25+$0x4F10] =	vst v7;
	v7 =	vld [tilespmem:s25+$0x4F80]  }
0x4b: {  	v10 =	vadd.f32 v10, v36;
	[tilespmem:s25+$0x4F20] =	vst v8;
	v8 =	vld [tilespmem:s25+$0x4F90]  }
0x4c: {  	v11 =	vadd.f32 v11, v63;
	[tilespmem:s25+$0x4F30] =	vst v9;
	v9 =	vld [tilespmem:s25+$0x4FA0]  }
0x4d: {  	v12 =	vadd.f32 v12, v37;
	[tilespmem:s25+$0x4F40] =	vst v10;
	v10 =	vld [tilespmem:s25+$0x4FB0]  }
0x4e: {  	[tilespmem:s25+$0x4F50] =	vst v11;
	v11 =	vld [tilespmem:s25+$0x4FC0];
	v6 =	vadd.f32 v13, v6  }
0x4f: {  	[tilespmem:s25+$0x4F60] =	vst v12;
	v12 =	vld [tilespmem:s25+$0x4FD0];
	v7 =	vadd.f32 v14, v7  }
0x50: {  	v8 =	vadd.f32 v15, v8;
	[tilespmem:s25+$0x4F70] =	vst v6;
	v6 =	vld [tilespmem:s25+$0x4FE0]  }
0x51: {  	v9 =	vadd.f32 v16, v9;
	[tilespmem:s25+$0x4F80] =	vst v7;
	v7 =	vld [tilespmem:s25+$0x4FF0]  }
0x52: {  	v10 =	vadd.f32 v17, v10;
	[tilespmem:s25+$0x4F90] =	vst v8;
	v8 =	vld [tilespmem:s25+$0x5000]  }
0x53: {  	v11 =	vadd.f32 v18, v11;
	[tilespmem:s25+$0x4FA0] =	vst v9;
	v9 =	vld [tilespmem:s25+$0x5010]  }
0x54: {  	v12 =	vadd.f32 v19, v12;
	[tilespmem:s25+$0x4FB0] =	vst v10;
	v10 =	vld [tilespmem:s25+$0x5020]  }
0x55: {  	[tilespmem:s25+$0x4FC0] =	vst v11;
	v11 =	vld [tilespmem:s25+$0x5030];
	v6 =	vadd.f32 v20, v6  }
0x56: {  	[tilespmem:s25+$0x4FD0] =	vst v12;
	v12 =	vld [tilespmem:s25+$0x5040]  }
0x57: {  	v7 =	vadd.f32 v21, v7;
	[tilespmem:s25+$0x4FE0] =	vst v6;
	v6 =	vld [tilespmem:s25+$0x5050]  }
0x58: {  	v0 =	vld [tilespmem:s25+$0x118F0];
	v8 =	vadd.f32 v22, v8  }
0x59: {  	[tilespmem:s25+$0x4FF0] =	vst v7;
	v7 =	vadd.f32 v23, v9;
	v9 =	vld [tilespmem:s25+$0x5070]  }
0x5a: {  	v13 =	vld [tilespmem:s25+$0x5060];
	[tilespmem:s25+$0x5000] =	vst v8;
	v8 =	vadd.f32 v24, v10  }
0x5b: {  	v10 =	vld [tilespmem:s25+$0x5080];
	[tilespmem:s25+$0x5010] =	vst v7;
	v7 =	vadd.f32 v25, v11  }
0x5c: {  	[tilespmem:s25+$0x5020] =	vst v8;
	v11 =	vld [tilespmem:s25+$0x5090];
	v8 =	vadd.f32 v26, v12;
	v12 =	vadd.f32 v27, v6  }
0x5d: {  	[tilespmem:s25+$0x5030] =	vst v7;
	v7 =	vld [tilespmem:s25+$0x50A0]  }
0x5e: {  	v6 =	vld [tilespmem:s25+$0x50B0];
	[tilespmem:s25+$0x5050] =	vst v12;
	v12 =	vadd.f32 v29, v9  }
0x5f: {  	v13 =	vadd.f32 v28, v13;
	[tilespmem:s25+$0x5040] =	vst v8;
	v8 =	vld [tilespmem:s25+$0x50C0]  }
0x60: {  	v9 =	vld [tilespmem:s25+$0x50D0];
	[tilespmem:s25+$0x5070] =	vst v12;
	v12 =	vadd.f32 v30, v10  }
0x61: {  	s26 =	simm.s32 $0x800;
	[tilespmem:s25+$0x5060] =	vst v13;
	v11 =	vadd.f32 v31, v11;
	v10 =	vld [tilespmem:s25+$0x50E0]  }
.LBB2_3:
0x62: {  	s28 =	sshra.s32 s26, $0x2;
	p0 =	sne.s32 s26, $0x18800;
	[tilespmem:s25+$0x5080] =	vst v12;
	v5 =	vadd.f32 v5, v7;
	v7 =	vld [tilespmem:s25+$0x50F0]  }
0x63: {  	v12 =	vld [tilespmem:s28+$0x11700];
	[tilespmem:s25+$0x5090] =	vst v11;
	v4 =	vadd.f32 v4, v6  }
0x64: {  	v6 =	vld [tilespmem:s28+$0x11710];
	[tilespmem:s25+$0x50A0] =	vst v5;
	v3 =	vadd.f32 v3, v8  }
0x65: {  	v8 =	vld [tilespmem:s28+$0x11720];
	[tilespmem:s25+$0x50B0] =	vst v4;
	v2 =	vadd.f32 v2, v9  }
0x66: {  	v9 =	vld [tilespmem:s28+$0x11730];
	[tilespmem:s25+$0x50C0] =	vst v3;
	v1 =	vadd.f32 v1, v10  }
0x67: {  	v10 =	vld [tilespmem:s28+$0x11740];
	[tilespmem:s25+$0x50D0] =	vst v2;
	v0 =	vadd.f32 v0, v7  }
0x68: {  	v7 =	vld [tilespmem:s28+$0x11750];
	[tilespmem:s25+$0x50E0] =	vst v1  }
0x69: {  	v11 =	vld [tilespmem:s28+$0x11760];
	[tilespmem:s25+$0x50F0] =	vst v0;
	s25 =	smov.u32 s28  }
0x6a: {  	v13 =	vld [tilespmem:s25+$0x11770]  }
0x6b: {  	v14 =	vld [tilespmem:s25+$0x11780]  }
0x6c: {  	v15 =	vld [tilespmem:s25+$0x11790]  }
0x6d: {  	v16 =	vld [tilespmem:s25+$0x117A0]  }
0x6e: {  	v17 =	vld [tilespmem:s25+$0x117B0]  }
0x6f: {  	v18 =	vld [tilespmem:s25+$0x117C0]  }
0x70: {  	v19 =	vld [tilespmem:s25+$0x117D0]  }
0x71: {  	v20 =	vld [tilespmem:s25+$0x117E0]  }
0x72: {  	v21 =	vld [tilespmem:s25+$0x117F0]  }
0x73: {  	v22 =	vld [tilespmem:s25+$0x11800]  }
0x74: {  	v23 =	vld [tilespmem:s25+$0x11810]  }
0x75: {  	v24 =	vld [tilespmem:s25+$0x11820]  }
0x76: {  	v25 =	vld [tilespmem:s25+$0x11830]  }
0x77: {  	v26 =	vld [tilespmem:s25+$0x11840]  }
0x78: {  	v27 =	vld [tilespmem:s25+$0x11850]  }
0x79: {  	v28 =	vld [tilespmem:s25+$0x11860]  }
0x7a: {  	v29 =	vld [tilespmem:s25+$0x11870]  }
0x7b: {  	v30 =	vld [tilespmem:s25+$0x11880]  }
0x7c: {  	v31 =	vld [tilespmem:s25+$0x11890]  }
0x7d: {  	v5 =	vld [tilespmem:s25+$0x118A0]  }
0x7e: {  	v4 =	vld [tilespmem:s25+$0x118B0]  }
0x7f: {  	v3 =	vld [tilespmem:s25+$0x118C0]  }
0x80: {  	v2 =	vld [tilespmem:s25+$0x118D0]  }
0x81: {  	v1 =	vld [tilespmem:s25+$0x118E0]  }
0x82: {  	v0 =	vld [tilespmem:s25+$0x118F0]  }
0x83: {  	v32 =	vld [tilespmem:s25+$0x4F00]  }
0x84: {  	v33 =	vld [tilespmem:s25+$0x4F10]  }
0x85: {  	v34 =	vld [tilespmem:s25+$0x4F20]  }
0x86: {  	v35 =	vld [tilespmem:s25+$0x4F30]  }
0x87: {  	v36 =	vld [tilespmem:s25+$0x4F40]  }
0x88: {  	v12 =	vadd.f32 v12, v32;
	v32 =	vld [tilespmem:s25+$0x4F50]  }
0x89: {  	v6 =	vadd.f32 v6, v33;
	v33 =	vld [tilespmem:s25+$0x4F60]  }
0x8a: {  	[tilespmem:s25+$0x4F00] =	vst v12;
	v8 =	vadd.f32 v8, v34;
	v12 =	vld [tilespmem:s25+$0x4F70]  }
0x8b: {  	[tilespmem:s25+$0x4F10] =	vst v6;
	v6 =	vadd.f32 v9, v35;
	v9 =	vld [tilespmem:s25+$0x4F80]  }
0x8c: {  	[tilespmem:s25+$0x4F20] =	vst v8;
	v8 =	vadd.f32 v10, v36;
	v10 =	vld [tilespmem:s25+$0x4F90]  }
0x8d: {  	[tilespmem:s25+$0x4F30] =	vst v6;
	v6 =	vadd.f32 v7, v32;
	v7 =	vld [tilespmem:s25+$0x4FA0]  }
0x8e: {  	[tilespmem:s25+$0x4F40] =	vst v8;
	v8 =	vadd.f32 v11, v33;
	v11 =	vld [tilespmem:s25+$0x4FB0]  }
0x8f: {  	[tilespmem:s25+$0x4F50] =	vst v6;
	v6 =	vadd.f32 v13, v12;
	v12 =	vld [tilespmem:s25+$0x4FC0]  }
0x90: {  	[tilespmem:s25+$0x4F60] =	vst v8;
	v8 =	vadd.f32 v14, v9;
	v9 =	vld [tilespmem:s25+$0x4FD0]  }
0x91: {  	[tilespmem:s25+$0x4F70] =	vst v6;
	v6 =	vadd.f32 v15, v10;
	v10 =	vld [tilespmem:s25+$0x4FE0]  }
0x92: {  	[tilespmem:s25+$0x4F80] =	vst v8;
	v7 =	vadd.f32 v16, v7;
	v8 =	vld [tilespmem:s25+$0x4FF0]  }
0x93: {  	[tilespmem:s25+$0x4F90] =	vst v6;
	v6 =	vadd.f32 v17, v11;
	v11 =	vld [tilespmem:s25+$0x5000]  }
0x94: {  	[tilespmem:s25+$0x4FA0] =	vst v7;
	v7 =	vadd.f32 v18, v12;
	v12 =	vld [tilespmem:s25+$0x5010]  }
0x95: {  	[tilespmem:s25+$0x4FB0] =	vst v6;
	v6 =	vadd.f32 v19, v9;
	v9 =	vld [tilespmem:s25+$0x5020]  }
0x96: {  	[tilespmem:s25+$0x4FC0] =	vst v7;
	v7 =	vadd.f32 v20, v10;
	v10 =	vld [tilespmem:s25+$0x5030]  }
0x97: {  	[tilespmem:s25+$0x4FD0] =	vst v6;
	v6 =	vadd.f32 v21, v8;
	v8 =	vld [tilespmem:s25+$0x5040]  }
0x98: {  	[tilespmem:s25+$0x4FE0] =	vst v7;
	v7 =	vadd.f32 v22, v11;
	v11 =	vld [tilespmem:s25+$0x5050]  }
0x99: {  	[tilespmem:s25+$0x4FF0] =	vst v6;
	v6 =	vadd.f32 v23, v12;
	v12 =	vld [tilespmem:s25+$0x5060]  }
0x9a: {  	[tilespmem:s25+$0x5000] =	vst v7;
	v7 =	vadd.f32 v24, v9;
	v9 =	vld [tilespmem:s25+$0x5070]  }
0x9b: {  	[tilespmem:s25+$0x5010] =	vst v6;
	v6 =	vadd.f32 v25, v10;
	v10 =	vld [tilespmem:s25+$0x5080]  }
0x9c: {  	[tilespmem:s25+$0x5020] =	vst v7;
	v8 =	vadd.f32 v26, v8;
	v13 =	vld [tilespmem:s25+$0x5090]  }
.Ltmp0:
0x9d: {  	[tilespmem:s25+$0x5030] =	vst v6;
	v11 =	vadd.f32 v27, v11;
	v7 =	vld [tilespmem:s25+$0x50A0];
	(pc) =	sbr.rel @p0 .LBB2_3-.Ltmp0, $4  }
0x9e: {  	[tilespmem:s25+$0x5040] =	vst v8;
	v12 =	vadd.f32 v28, v12;
	v6 =	vld [tilespmem:s25+$0x50B0]  }
0x9f: {  	[tilespmem:s25+$0x5050] =	vst v11;
	v11 =	vadd.f32 v29, v9;
	v8 =	vld [tilespmem:s25+$0x50C0]  }
0xa0: {  	[tilespmem:s25+$0x5060] =	vst v12;
	v12 =	vadd.f32 v30, v10;
	v9 =	vld [tilespmem:s25+$0x50D0]  }
0xa1: {  	s26 =	sadd.s32 $0x800, s26;
	[tilespmem:s25+$0x5070] =	vst v11;
	v11 =	vadd.f32 v31, v13;
	v10 =	vld [tilespmem:s25+$0x50E0]  }
0xa2: {  	[tilespmem:s25+$0x5080] =	vst v12;
	v5 =	vadd.f32 v5, v7;
	v7 =	vld [tilespmem:s25+$0x50F0]  }
0xa3: {  	[tilespmem:s25+$0x5090] =	vst v11;
	v4 =	vadd.f32 v4, v6  }
0xa4: {  	[tilespmem:s25+$0x50A0] =	vst v5;
	v3 =	vadd.f32 v3, v8  }
0xa5: {  	[tilespmem:s25+$0x50B0] =	vst v4;
	v2 =	vadd.f32 v2, v9  }
0xa6: {  	[tilespmem:s25+$0x50C0] =	vst v3;
	v1 =	vadd.f32 v1, v10  }
0xa7: {  	s24 =	sadd.s32 s4, s24;
	[tilespmem:s25+$0x50D0] =	vst v2;
	v0 =	vadd.f32 v0, v7  }
0xa8: {  	s24 =	sshll.u32 s24, $0x4;
	[tilespmem:s25+$0x50E0] =	vst v1  }
0xa9: {  	s26 =	simm.s32 $0x0;
	s31 =	sadd.s32 s6, s24;
	[tilespmem:s25+$0x50F0] =	vst v0  }
0xaa: {  	[hbm4b:s31+s26] =	stream.linear.scatter [tilespmem:s14], [sflag:$0x5], $0x6400, $0x38;
	[tilespmem:$0x1DF00] =	vst v63  }
0xab: {  	_ =	swait.ge [sflag:s11], $0x6400  }
0xac: {  	[sflag:s11] =	ssyncset.done $0x0  }
0xad: {  	[sflag:s11] =	ssyncadd.s32 $0xFFFF9C00  }
0xae: {  	_ =	swait.ge [sflag:s20], $0x6400  }
0xaf: {  	[sflag:s20] =	ssyncset.done $0x0  }
0xb0: {  	[sflag:s20] =	ssyncadd.s32 $0xFFFF9C00  }
0xb1: {  	_ =	swait.ge [sflag:s21], $0x6400  }
0xb2: {  	[sflag:s21] =	ssyncset.done $0x0  }
0xb3: {  	s25 =	simm.s32 $0x0;
	[sflag:s21] =	ssyncadd.s32 $0xFFFF9C00  }
0xb4: {  	v6 =	vld [tilespmem:s25+$0x17B00]  }
0xb5: {  	v7 =	vld [tilespmem:s25+$0x17B10]  }
0xb6: {  	v8 =	vld [tilespmem:s25+$0x17B20]  }
0xb7: {  	v9 =	vld [tilespmem:s25+$0x17B30]  }
0xb8: {  	v10 =	vld [tilespmem:s25+$0x17B40]  }
0xb9: {  	v11 =	vld [tilespmem:s25+$0x17B50]  }
0xba: {  	v12 =	vld [tilespmem:s25+$0x17B60]  }
0xbb: {  	v13 =	vld [tilespmem:s25+$0x17B70]  }
0xbc: {  	v14 =	vld [tilespmem:s25+$0x17B80]  }
0xbd: {  	v15 =	vld [tilespmem:s25+$0x17B90]  }
0xbe: {  	v16 =	vld [tilespmem:s25+$0x17BA0]  }
0xbf: {  	v17 =	vld [tilespmem:s25+$0x17BB0]  }
0xc0: {  	v18 =	vld [tilespmem:s25+$0x17BC0]  }
0xc1: {  	v19 =	vld [tilespmem:s25+$0x17BD0]  }
0xc2: {  	v20 =	vld [tilespmem:s25+$0x17BE0]  }
0xc3: {  	v21 =	vld [tilespmem:s25+$0x17BF0]  }
0xc4: {  	v22 =	vld [tilespmem:s25+$0x17C00]  }
0xc5: {  	v23 =	vld [tilespmem:s25+$0x17C10]  }
0xc6: {  	v24 =	vld [tilespmem:s25+$0x17C20]  }
0xc7: {  	v25 =	vld [tilespmem:s25+$0x17C30]  }
0xc8: {  	v26 =	vld [tilespmem:s25+$0x17C40]  }
0xc9: {  	v27 =	vld [tilespmem:s25+$0x17C50]  }
0xca: {  	v28 =	vld [tilespmem:s25+$0x17C60]  }
0xcb: {  	v29 =	vld [tilespmem:s25+$0x17C70]  }
0xcc: {  	v30 =	vld [tilespmem:s25+$0x17C80]  }
0xcd: {  	v31 =	vld [tilespmem:s25+$0x17C90]  }
0xce: {  	v5 =	vld [tilespmem:s25+$0x17CA0]  }
0xcf: {  	v4 =	vld [tilespmem:s25+$0x17CB0]  }
0xd0: {  	v3 =	vld [tilespmem:s25+$0x17CC0]  }
0xd1: {  	v2 =	vld [tilespmem:s25+$0x17CD0]  }
0xd2: {  	v1 =	vld [tilespmem:s25+$0x17CE0]  }
0xd3: {  	v32 =	vld [tilespmem:s25+$0xB300]  }
0xd4: {  	v33 =	vld [tilespmem:s25+$0xB310]  }
0xd5: {  	v34 =	vld [tilespmem:s25+$0xB320]  }
0xd6: {  	v35 =	vld [tilespmem:s25+$0xB330]  }
0xd7: {  	v36 =	vld [tilespmem:s25+$0xB340]  }
0xd8: {  	v63 =	vld [tilespmem:s25+$0xB350];
	v6 =	vadd.f32 v6, v32  }
0xd9: {  	v37 =	vld [tilespmem:s25+$0xB360];
	v7 =	vadd.f32 v7, v33  }
0xda: {  	v8 =	vadd.f32 v8, v34;
	[tilespmem:s25+$0xB300] =	vst v6;
	v6 =	vld [tilespmem:s25+$0xB370]  }
0xdb: {  	v9 =	vadd.f32 v9, v35;
	[tilespmem:s25+$0xB310] =	vst v7;
	v7 =	vld [tilespmem:s25+$0xB380]  }
0xdc: {  	v10 =	vadd.f32 v10, v36;
	[tilespmem:s25+$0xB320] =	vst v8;
	v8 =	vld [tilespmem:s25+$0xB390]  }
0xdd: {  	v11 =	vadd.f32 v11, v63;
	[tilespmem:s25+$0xB330] =	vst v9;
	v9 =	vld [tilespmem:s25+$0xB3A0]  }
0xde: {  	v12 =	vadd.f32 v12, v37;
	[tilespmem:s25+$0xB340] =	vst v10;
	v10 =	vld [tilespmem:s25+$0xB3B0]  }
0xdf: {  	[tilespmem:s25+$0xB350] =	vst v11;
	v11 =	vld [tilespmem:s25+$0xB3C0];
	v6 =	vadd.f32 v13, v6  }
0xe0: {  	[tilespmem:s25+$0xB360] =	vst v12;
	v12 =	vld [tilespmem:s25+$0xB3D0];
	v7 =	vadd.f32 v14, v7  }
0xe1: {  	v8 =	vadd.f32 v15, v8;
	[tilespmem:s25+$0xB370] =	vst v6;
	v6 =	vld [tilespmem:s25+$0xB3E0]  }
0xe2: {  	v9 =	vadd.f32 v16, v9;
	[tilespmem:s25+$0xB380] =	vst v7;
	v7 =	vld [tilespmem:s25+$0xB3F0]  }
0xe3: {  	v10 =	vadd.f32 v17, v10;
	[tilespmem:s25+$0xB390] =	vst v8;
	v8 =	vld [tilespmem:s25+$0xB400]  }
0xe4: {  	v11 =	vadd.f32 v18, v11;
	[tilespmem:s25+$0xB3A0] =	vst v9;
	v9 =	vld [tilespmem:s25+$0xB410]  }
0xe5: {  	v12 =	vadd.f32 v19, v12;
	[tilespmem:s25+$0xB3B0] =	vst v10;
	v10 =	vld [tilespmem:s25+$0xB420]  }
0xe6: {  	[tilespmem:s25+$0xB3C0] =	vst v11;
	v11 =	vld [tilespmem:s25+$0xB430];
	v6 =	vadd.f32 v20, v6  }
0xe7: {  	[tilespmem:s25+$0xB3D0] =	vst v12;
	v12 =	vld [tilespmem:s25+$0xB440]  }
0xe8: {  	v7 =	vadd.f32 v21, v7;
	[tilespmem:s25+$0xB3E0] =	vst v6;
	v6 =	vld [tilespmem:s25+$0xB450]  }
0xe9: {  	v0 =	vld [tilespmem:s25+$0x17CF0];
	v8 =	vadd.f32 v22, v8  }
0xea: {  	[tilespmem:s25+$0xB3F0] =	vst v7;
	v7 =	vadd.f32 v23, v9;
	v9 =	vld [tilespmem:s25+$0xB470]  }
0xeb: {  	v13 =	vld [tilespmem:s25+$0xB460];
	[tilespmem:s25+$0xB400] =	vst v8;
	v8 =	vadd.f32 v24, v10  }
0xec: {  	v10 =	vld [tilespmem:s25+$0xB480];
	[tilespmem:s25+$0xB410] =	vst v7;
	v7 =	vadd.f32 v25, v11  }
0xed: {  	[tilespmem:s25+$0xB420] =	vst v8;
	v11 =	vld [tilespmem:s25+$0xB490];
	v8 =	vadd.f32 v26, v12;
	v12 =	vadd.f32 v27, v6  }
0xee: {  	[tilespmem:s25+$0xB430] =	vst v7;
	v7 =	vld [tilespmem:s25+$0xB4A0]  }
0xef: {  	v6 =	vld [tilespmem:s25+$0xB4B0];
	[tilespmem:s25+$0xB450] =	vst v12;
	v12 =	vadd.f32 v29, v9  }
0xf0: {  	v13 =	vadd.f32 v28, v13;
	[tilespmem:s25+$0xB440] =	vst v8;
	v8 =	vld [tilespmem:s25+$0xB4C0]  }
0xf1: {  	v9 =	vld [tilespmem:s25+$0xB4D0];
	[tilespmem:s25+$0xB470] =	vst v12;
	v12 =	vadd.f32 v30, v10  }
0xf2: {  	s26 =	simm.s32 $0x800;
	[tilespmem:s25+$0xB460] =	vst v13;
	v11 =	vadd.f32 v31, v11;
	v10 =	vld [tilespmem:s25+$0xB4E0]  }
.LBB2_5:
0xf3: {  	s28 =	sshra.s32 s26, $0x2;
	p0 =	sne.s32 s26, $0x18800;
	[tilespmem:s25+$0xB480] =	vst v12;
	v5 =	vadd.f32 v5, v7;
	v7 =	vld [tilespmem:s25+$0xB4F0]  }
0xf4: {  	v12 =	vld [tilespmem:s28+$0x17B00];
	[tilespmem:s25+$0xB490] =	vst v11;
	v4 =	vadd.f32 v4, v6  }
0xf5: {  	v6 =	vld [tilespmem:s28+$0x17B10];
	[tilespmem:s25+$0xB4A0] =	vst v5;
	v3 =	vadd.f32 v3, v8  }
0xf6: {  	v8 =	vld [tilespmem:s28+$0x17B20];
	[tilespmem:s25+$0xB4B0] =	vst v4;
	v2 =	vadd.f32 v2, v9  }
0xf7: {  	v9 =	vld [tilespmem:s28+$0x17B30];
	[tilespmem:s25+$0xB4C0] =	vst v3;
	v1 =	vadd.f32 v1, v10  }
0xf8: {  	v10 =	vld [tilespmem:s28+$0x17B40];
	[tilespmem:s25+$0xB4D0] =	vst v2;
	v0 =	vadd.f32 v0, v7  }
0xf9: {  	v7 =	vld [tilespmem:s28+$0x17B50];
	[tilespmem:s25+$0xB4E0] =	vst v1  }
0xfa: {  	v11 =	vld [tilespmem:s28+$0x17B60];
	[tilespmem:s25+$0xB4F0] =	vst v0;
	s25 =	smov.u32 s28  }
0xfb: {  	v13 =	vld [tilespmem:s25+$0x17B70]  }
0xfc: {  	v14 =	vld [tilespmem:s25+$0x17B80]  }
0xfd: {  	v15 =	vld [tilespmem:s25+$0x17B90]  }
0xfe: {  	v16 =	vld [tilespmem:s25+$0x17BA0]  }
0xff: {  	v17 =	vld [tilespmem:s25+$0x17BB0]  }
0x100: {  	v18 =	vld [tilespmem:s25+$0x17BC0]  }
0x101: {  	v19 =	vld [tilespmem:s25+$0x17BD0]  }
0x102: {  	v20 =	vld [tilespmem:s25+$0x17BE0]  }
0x103: {  	v21 =	vld [tilespmem:s25+$0x17BF0]  }
0x104: {  	v22 =	vld [tilespmem:s25+$0x17C00]  }
0x105: {  	v23 =	vld [tilespmem:s25+$0x17C10]  }
0x106: {  	v24 =	vld [tilespmem:s25+$0x17C20]  }
0x107: {  	v25 =	vld [tilespmem:s25+$0x17C30]  }
0x108: {  	v26 =	vld [tilespmem:s25+$0x17C40]  }
0x109: {  	v27 =	vld [tilespmem:s25+$0x17C50]  }
0x10a: {  	v28 =	vld [tilespmem:s25+$0x17C60]  }
0x10b: {  	v29 =	vld [tilespmem:s25+$0x17C70]  }
0x10c: {  	v30 =	vld [tilespmem:s25+$0x17C80]  }
0x10d: {  	v31 =	vld [tilespmem:s25+$0x17C90]  }
0x10e: {  	v5 =	vld [tilespmem:s25+$0x17CA0]  }
0x10f: {  	v4 =	vld [tilespmem:s25+$0x17CB0]  }
0x110: {  	v3 =	vld [tilespmem:s25+$0x17CC0]  }
0x111: {  	v2 =	vld [tilespmem:s25+$0x17CD0]  }
0x112: {  	v1 =	vld [tilespmem:s25+$0x17CE0]  }
0x113: {  	v0 =	vld [tilespmem:s25+$0x17CF0]  }
0x114: {  	v32 =	vld [tilespmem:s25+$0xB300]  }
0x115: {  	v33 =	vld [tilespmem:s25+$0xB310]  }
0x116: {  	v34 =	vld [tilespmem:s25+$0xB320]  }
0x117: {  	v35 =	vld [tilespmem:s25+$0xB330]  }
0x118: {  	v36 =	vld [tilespmem:s25+$0xB340]  }
0x119: {  	v12 =	vadd.f32 v12, v32;
	v32 =	vld [tilespmem:s25+$0xB350]  }
0x11a: {  	v6 =	vadd.f32 v6, v33;
	v33 =	vld [tilespmem:s25+$0xB360]  }
0x11b: {  	[tilespmem:s25+$0xB300] =	vst v12;
	v8 =	vadd.f32 v8, v34;
	v12 =	vld [tilespmem:s25+$0xB370]  }
0x11c: {  	[tilespmem:s25+$0xB310] =	vst v6;
	v6 =	vadd.f32 v9, v35;
	v9 =	vld [tilespmem:s25+$0xB380]  }
0x11d: {  	[tilespmem:s25+$0xB320] =	vst v8;
	v8 =	vadd.f32 v10, v36;
	v10 =	vld [tilespmem:s25+$0xB390]  }
0x11e: {  	[tilespmem:s25+$0xB330] =	vst v6;
	v6 =	vadd.f32 v7, v32;
	v7 =	vld [tilespmem:s25+$0xB3A0]  }
0x11f: {  	[tilespmem:s25+$0xB340] =	vst v8;
	v8 =	vadd.f32 v11, v33;
	v11 =	vld [tilespmem:s25+$0xB3B0]  }
0x120: {  	[tilespmem:s25+$0xB350] =	vst v6;
	v6 =	vadd.f32 v13, v12;
	v12 =	vld [tilespmem:s25+$0xB3C0]  }
0x121: {  	[tilespmem:s25+$0xB360] =	vst v8;
	v8 =	vadd.f32 v14, v9;
	v9 =	vld [tilespmem:s25+$0xB3D0]  }
0x122: {  	[tilespmem:s25+$0xB370] =	vst v6;
	v6 =	vadd.f32 v15, v10;
	v10 =	vld [tilespmem:s25+$0xB3E0]  }
0x123: {  	[tilespmem:s25+$0xB380] =	vst v8;
	v7 =	vadd.f32 v16, v7;
	v8 =	vld [tilespmem:s25+$0xB3F0]  }
0x124: {  	[tilespmem:s25+$0xB390] =	vst v6;
	v6 =	vadd.f32 v17, v11;
	v11 =	vld [tilespmem:s25+$0xB400]  }
0x125: {  	[tilespmem:s25+$0xB3A0] =	vst v7;
	v7 =	vadd.f32 v18, v12;
	v12 =	vld [tilespmem:s25+$0xB410]  }
0x126: {  	[tilespmem:s25+$0xB3B0] =	vst v6;
	v6 =	vadd.f32 v19, v9;
	v9 =	vld [tilespmem:s25+$0xB420]  }
0x127: {  	[tilespmem:s25+$0xB3C0] =	vst v7;
	v7 =	vadd.f32 v20, v10;
	v10 =	vld [tilespmem:s25+$0xB430]  }
0x128: {  	[tilespmem:s25+$0xB3D0] =	vst v6;
	v6 =	vadd.f32 v21, v8;
	v8 =	vld [tilespmem:s25+$0xB440]  }
0x129: {  	[tilespmem:s25+$0xB3E0] =	vst v7;
	v7 =	vadd.f32 v22, v11;
	v11 =	vld [tilespmem:s25+$0xB450]  }
0x12a: {  	[tilespmem:s25+$0xB3F0] =	vst v6;
	v6 =	vadd.f32 v23, v12;
	v12 =	vld [tilespmem:s25+$0xB460]  }
0x12b: {  	[tilespmem:s25+$0xB400] =	vst v7;
	v7 =	vadd.f32 v24, v9;
	v9 =	vld [tilespmem:s25+$0xB470]  }
0x12c: {  	[tilespmem:s25+$0xB410] =	vst v6;
	v6 =	vadd.f32 v25, v10;
	v10 =	vld [tilespmem:s25+$0xB480]  }
0x12d: {  	[tilespmem:s25+$0xB420] =	vst v7;
	v8 =	vadd.f32 v26, v8;
	v13 =	vld [tilespmem:s25+$0xB490]  }
.Ltmp1:
0x12e: {  	[tilespmem:s25+$0xB430] =	vst v6;
	v11 =	vadd.f32 v27, v11;
	v7 =	vld [tilespmem:s25+$0xB4A0];
	(pc) =	sbr.rel @p0 .LBB2_5-.Ltmp1, $4  }
0x12f: {  	[tilespmem:s25+$0xB440] =	vst v8;
	v12 =	vadd.f32 v28, v12;
	v6 =	vld [tilespmem:s25+$0xB4B0]  }
0x130: {  	[tilespmem:s25+$0xB450] =	vst v11;
	v11 =	vadd.f32 v29, v9;
	v8 =	vld [tilespmem:s25+$0xB4C0]  }
0x131: {  	[tilespmem:s25+$0xB460] =	vst v12;
	v12 =	vadd.f32 v30, v10;
	v9 =	vld [tilespmem:s25+$0xB4D0]  }
0x132: {  	s26 =	sadd.s32 $0x800, s26;
	[tilespmem:s25+$0xB470] =	vst v11;
	v11 =	vadd.f32 v31, v13;
	v10 =	vld [tilespmem:s25+$0xB4E0]  }
0x133: {  	[tilespmem:s25+$0xB480] =	vst v12;
	v5 =	vadd.f32 v5, v7;
	v63 =	vld [tilespmem:s25+$0xB4F0]  }
0x134: {  	[tilespmem:s25+$0xB490] =	vst v11;
	v4 =	vadd.f32 v4, v6  }
0x135: {  	[tilespmem:s25+$0xB4A0] =	vst v5;
	v3 =	vadd.f32 v3, v8  }
0x136: {  	[tilespmem:s25+$0xB4B0] =	vst v4;
	v2 =	vadd.f32 v2, v9  }
0x137: {  	[tilespmem:s25+$0xB4C0] =	vst v3;
	v1 =	vadd.f32 v1, v10  }
0x138: {  	s23 =	sadd.s32 $0x1, s23;
	[tilespmem:s25+$0xB4D0] =	vst v2;
	v0 =	vadd.f32 v0, v63  }
0x139: {  	p0 =	sne.s32 s23, $0x19;
	[tilespmem:s25+$0xB4E0] =	vst v1  }
.Ltmp2:
0x13a: {  	s24 =	sadd.s32 s24, s9;
	[tilespmem:s25+$0xB4F0] =	vst v0;
	(pc) =	sbr.rel @p0 .LBB2_2-.Ltmp2, $4  }
0x13b: {  	[hbm4b:s24+s3] =	stream.linear.scatter [tilespmem:s16], [sflag:$0x5], $0x6400, $0x38;
	[tilespmem:$0x1DF00] =	vst v63  }
0x13c: {  	_ =	swait.ge [sflag:s11], $0x6400  }
0x13d: {  	[sflag:s11] =	ssyncset.done $0x0  }
0x13e: {  	[sflag:s11] =	ssyncadd.s32 $0xFFFF9C00  }
0x13f: {  	s22 =	sadd.s32 $0x1, s22  }
0x140: {  	p0 =	sne.s32 s22, s10  }
.Ltmp3:
0x141: {  	_ = 	snop;
	(pc) =	sbr.rel @p0 .LBB2_1-.Ltmp3, $1  }
0x142: {  	_ =	sdelay $0x3  }
0x143: {  	_ =	sfence.sel $0x180000  }
0x144: {  	[bflag:$0x0] =	sbarrier.arrive $0xFFFF  }
0x145: {  	p0 =	sne.s32 s0, $0x0;
	_ =	strace $0x9000004A  }
0x146: {  	s0 =	sadd.s32 @!p0 $0x100000, s1;
	[bflag:$0x2] =	sbarrier.arrive $0xFFFF  }
0x147: {  	[sflag:s0] =	ssyncadd.tile.s32 @!p0 $0x1;
	_ =	shalt  }
.Lfunc_end2:
_tile_overlayer_lowered:
.L_overlay_start_2:
0x148: {  	(tag) =	ssettag $0x2  }
0x149: {  	s0 =	rddreg [dreg:$0x0];
	s2 =	stileid.u32  }
0x14a: {  	s1 =	rddreg [dreg:$0x1];
	p0 =	sne.s32 s2, $0x0  }
0x14b: {  	s3 =	rddreg [dreg:$0x2];
	[bflag:$0x3] =	sbarrier.arrive $0xFFFF;
	s2 =	simm.s32 @!p0 $0x1C05  }
0x14c: {  	[timem:s3], [sflag:s2] =	dma.local @!p0 [hbm:s0], s1  }
0x14d: {  	s0 =	simm.s32 @!p0 $0x5  }
0x14e: {  	_ =	swait.ge @!p0 [sflag:s0], s1  }
0x14f: {  	s1 =	ssub.s32 @!p0 $0x0, s1;
	[sflag:s0] =	ssyncset.done @!p0 $0x0  }
0x150: {  	[sflag:s0] =	ssyncadd.s32 @!p0 s1  }
0x151: {  	[bflag:$0x3] =	sbarrier.arrive $0xFFFF  }
0x152: {  	_ =	shalt  }

// kernel: kernel.14.cloned.1.call-start
scs
__scs_entry_jumppad:
0x0: {  	(pc) =	sbr.rel $0x88, $3  }
0x1: {  	(tag) =	ssettag $0x0;
	lr =	simm.s32 $0x1  }
0x2: {  	[smem:$0x3F96] =	sst lr;
	_ =	strace $0xD0000000  }
0x3: {  	_ = 	snop  }
0x4: {  	_ = 	snop  }
0x5: {  	_ = 	snop  }
0x6: {  	_ = 	snop  }
0x7: {  	_ = 	snop  }
__scs_overlays_trampoline_lowered:
0x8: {  	[smem:$0x3FA5] =	sst s0  }
0x9: {  	[smem:$0x3FA6] =	sst s1  }
0xa: {  	[smem:$0x3FA7] =	sst s2  }
0xb: {  	[smem:$0x3FA8] =	sst s3  }
0xc: {  	[smem:$0x3FA9] =	sst s4  }
0xd: {  	[smem:$0x3FAA] =	sst s5  }
0xe: {  	[smem:$0x3FAB] =	sst s6  }
0xf: {  	[smem:$0x3FAC] =	sst s7  }
0x10: {  	[smem:$0x3FAD] =	sst s8  }
0x11: {  	[smem:$0x3FAE] =	sst s9;
	s0 =	simm.s32 @!p0 $0x0  }
0x12: {  	s1 =	sld [smem:$0x3F94];
	s0 =	simm.s32 @p0 $0x1  }
0x13: {  	[smem:$0x3FAF] =	sst s0;
	s0 =	simm.s32 @!p1 $0x0  }
0x14: {  	s2 =	sld [smem:$0x3F93];
	s0 =	simm.s32 @p1 $0x1  }
0x15: {  	[smem:$0x3FB0] =	sst s0;
	s0 =	simm.s32 @!p2 $0x0  }
0x16: {  	s3 =	sld [smem:$0x3FDB];
	s0 =	simm.s32 @p2 $0x1  }
0x17: {  	s4 =	simm.s32 $0x1BF5;
	[smem:$0x3FB2] =	sst s0  }
0x18: {  	s0 =	sld [smem:$0x3F95];
	_ =	swait.ge [sflag:s4], $0x0  }
0x19: {  	s7 =	sld [smem:$0x3F96]  }
0x1a: {  	s8 =	sadd.s32 $0xFFFFE003, lr  }
0x1b: {  	s9 =	sadd.s32 $0xFFFFFEF7, lr;
	s5 =	simm.s32 $0xFFFFFFFF;
	p2 =	slt.u32 s8, $0xFFFFF086  }
0x1c: {  	p1 =	slt.u32 s9, $0xF7A;
	s5 =	simm.s32 @!p2 $0x0  }
0x1d: {  	s5 =	simm.s32 @p1 $0x1;
	p0 =	seq.s32 s7, s2  }
0x1e: {  	s7 =	smul.u32 @!p0 $0xF7A, s2;
	p2 =	seq.s32 @!p0 s5, $0x0  }
0x1f: {  	s9 =	smul.u32 $0xF7A, s1;
	s8 =	simm.s32 @!p0 $0x1BF5;
	p2 =	por !p2, p0  }
0x20: {  	[sflag:s8] =	ssyncset.s32 @!p0 $0xFFFFF086;
	s6 =	sadd.s32 @!p0 s3, s7;
	s7 =	simm.s32 @!p0 $0x108  }
0x21: {  	s3 =	sadd.s32 s3, s9;
	s6 =	sadd.s32 @!p0 $0x88, s6;
	s7 =	simm.s32 @p2 $0x1082  }
0x22: {  	[simem:s7], [sflag:s8] =	dma.local @!p0 [hbm:s6], $0xF7A  }
0x23: {  	s9 =	sor.u32 $0xD0000000, s2;
	s6 =	simm.s32 $0x108;
	_ =	swait.ge @!p0 [sflag:s8], $0x0  }
0x24: {  	s3 =	sadd.s32 $0x88, s3;
	s6 =	simm.s32 @!p1 $0x1082;
	[sflag:s4] =	ssyncset.s32 $0xFFFFF086  }
0x25: {  	[simem:s6], [sflag:s4] =	dma.local [hbm:s3], $0xF7A  }
0x26: {  	[smem:$0x3F96] =	sst s1;
	(tag) =	ssettag s2;
	_ =	strace s9  }
0x27: {  	s1 =	sld [smem:$0x3FA6]  }
0x28: {  	s2 =	sld [smem:$0x3FA7]  }
0x29: {  	s4 =	sld [smem:$0x3FA9]  }
0x2a: {  	p0 =	seq.s32 s5, $0x0;
	s5 =	sld [smem:$0x3FAA]  }
0x2b: {  	s6 =	sld [smem:$0x3FAB]  }
0x2c: {  	s7 =	sld [smem:$0x3FAC]  }
0x2d: {  	s3 =	simm.s32 $0x108;
	s8 =	sld [smem:$0x3FAD]  }
0x2e: {  	s3 =	simm.s32 @!p0 $0x1082;
	s9 =	sld [smem:$0x3FAE]  }
0x2f: {  	lr =	sadd.s32 s0, s3;
	s0 =	sld [smem:$0x3FA5]  }
0x30: {  	s3 =	sld [smem:$0x3FA8]  }
0x31: {  	[smem:$0x3FB1] =	sst s10  }
0x32: {  	s10 =	sld [smem:$0x3FAF];
	_ =	sdelay $0x3  }
0x33: {  	p0 =	seq.s32 s10, $0x1;
	s10 =	sld [smem:$0x3FB1];
	_ =	sdelay $0x3  }
0x34: {  	[smem:$0x3FB1] =	sst s10  }
0x35: {  	s10 =	sld [smem:$0x3FB0];
	_ =	sdelay $0x3  }
0x36: {  	p1 =	seq.s32 s10, $0x1;
	s10 =	sld [smem:$0x3FB1];
	_ =	sdelay $0x3  }
0x37: {  	[smem:$0x3FB1] =	sst s10  }
0x38: {  	s10 =	sld [smem:$0x3FB2]  }
0x39: {  	_ = 	snop;
	(pc) =	sbr.ind lr, $3  }
0x3a: {  	_ = 	snop  }
0x3b: {  	_ = 	snop  }
0x3c: {  	p2 =	seq.s32 s10, $0x1;
	s10 =	sld [smem:$0x3FB1]  }
0x3d: {  	_ =	shalt  }
0x3e: {  	_ =	shalt  }
0x3f: {  	_ =	shalt  }
0x40: {  	_ =	shalt  }
0x41: {  	_ =	shalt  }
0x42: {  	_ =	shalt  }
0x43: {  	_ =	shalt  }
0x44: {  	_ =	shalt  }
0x45: {  	_ =	shalt  }
0x46: {  	_ =	shalt  }
0x47: {  	_ =	shalt  }
0x48: {  	_ =	shalt  }
0x49: {  	_ =	shalt  }
0x4a: {  	_ =	shalt  }
0x4b: {  	_ =	shalt  }
0x4c: {  	_ =	shalt  }
0x4d: {  	_ =	shalt  }
0x4e: {  	_ =	shalt  }
0x4f: {  	_ =	shalt  }
0x50: {  	_ =	shalt  }
0x51: {  	_ =	shalt  }
0x52: {  	_ =	shalt  }
0x53: {  	_ =	shalt  }
0x54: {  	_ =	shalt  }
0x55: {  	_ =	shalt  }
0x56: {  	_ =	shalt  }
0x57: {  	_ =	shalt  }
0x58: {  	_ =	shalt  }
0x59: {  	_ =	shalt  }
0x5a: {  	_ =	shalt  }
0x5b: {  	_ =	shalt  }
0x5c: {  	_ =	shalt  }
0x5d: {  	_ =	shalt  }
0x5e: {  	_ =	shalt  }
0x5f: {  	_ =	shalt  }
0x60: {  	_ =	shalt  }
0x61: {  	_ =	shalt  }
0x62: {  	_ =	shalt  }
0x63: {  	_ =	shalt  }
0x64: {  	_ =	shalt  }
0x65: {  	_ =	shalt  }
0x66: {  	_ =	shalt  }
0x67: {  	_ =	shalt  }
0x68: {  	_ =	shalt  }
0x69: {  	_ =	shalt  }
0x6a: {  	_ =	shalt  }
0x6b: {  	_ =	shalt  }
0x6c: {  	_ =	shalt  }
0x6d: {  	_ =	shalt  }
0x6e: {  	_ =	shalt  }
0x6f: {  	_ =	shalt  }
0x70: {  	_ =	shalt  }
0x71: {  	_ =	shalt  }
0x72: {  	_ =	shalt  }
0x73: {  	_ =	shalt  }
0x74: {  	_ =	shalt  }
0x75: {  	_ =	shalt  }
0x76: {  	_ =	shalt  }
0x77: {  	_ =	shalt  }
0x78: {  	_ =	shalt  }
0x79: {  	_ =	shalt  }
0x7a: {  	_ =	shalt  }
0x7b: {  	_ =	shalt  }
0x7c: {  	_ =	shalt  }
0x7d: {  	_ =	shalt  }
0x7e: {  	_ =	shalt  }
0x7f: {  	_ =	shalt  }
0x80: {  	_ =	shalt  }
0x81: {  	_ =	shalt  }
0x82: {  	_ =	shalt  }
0x83: {  	_ =	shalt  }
0x84: {  	_ =	shalt  }
0x85: {  	_ =	shalt  }
0x86: {  	_ =	shalt  }
0x87: {  	_ =	shalt  }
.Lfunc_end0:
.L_simem_size_0:
called_computation.2_lowered:
.L_overlay_start_0:
0x88: {  	s2 =	sld [smem:$0x3FD9]  }
0x89: {  	s3 =	sld [smem:$0x3FFE];
	_ =	sdelay $0x1  }
0x8a: {  	s1 =	srdreg.scid  }
0x8b: {  	s0 =	sand.u32 $0x1, s1  }
0x8c: {  	s14 =	sshll.u32 s0, $0xA;
	s2 =	sadd.s32 s3, s2  }
0x8d: {  	s2 =	sadd.s32 s2, s14  }
0x8e: {  	[smem:$0x3FBD] =	sst s2  }
0x8f: {  	_ = 	snop  }
0x90: {  	s2 =	sld [smem:$0x3FD0];
	_ =	sdelay $0x2  }
0x91: {  	s15 =	simm.s32 $0xB;
	s4 =	simm.s32 $0x10  }
0x92: {  	[smem:s4], [sflag:s15] =	dma.local [hbm:s2], $0x1  }
0x93: {  	_ =	swait.eq [sflag:s15], $0x1  }
0x94: {  	[sflag:s15] =	ssyncset.done $0x0  }
0x95: {  	[sflag:s15] =	ssyncadd.s32 $0xFFFFFFFF  }
0x96: {  	s16 =	sld [smem:$0x10];
	(tm) =	ssettm $0x1  }
0x97: {  	s17 =	sld [smem:$0x3FFB];
	_ =	sdelay $0x3  }
0x98: {  	_ =	strace s17  }
0x99: {  	s3 =	sld [smem:$0x3FFC];
	_ =	sdelay $0x3  }
0x9a: {  	_ =	strace s3  }
0x9b: {  	s3 =	sld [smem:$0x3FFD];
	_ =	sdelay $0x3  }
0x9c: {  	_ =	strace s3  }
0x9d: {  	_ =	strace $0x8FFFFFFF  }
0x9e: {  	s18 =	sld [smem:$0x3FDB];
	_ =	sdelay $0x1  }
0x9f: {  	s19 =	simm.s32 $_scs_section_size  }
0xa0: {  	s5 =	simm.s32 $_size__tile_overlayer_lowered;
	s6 =	simm.s32 $_tile_overlayer_lowered  }
0xa1: {  	s22 =	simm.s32 $0x1BFF;
	s21 =	sshll.u32 s6, $0x1;
	s3 =	sadd.s32 s19, s18  }
0xa2: {  	s7 =	simm.s32 $0x0;
	s20 =	sshll.u32 s5, $0x1;
	s5 =	sadd.s32 s21, s3  }
0xa3: {  	[timem:s7], [sflag:s22] =	dma.local [hbm:s5], s20  }
0xa4: {  	_ =	swait.ge [sflag:s22], s20  }
0xa5: {  	s4 =	ssub.s32 $0x0, s20;
	[sflag:s22] =	ssyncset.done $0x0  }
0xa6: {  	[sflag:s22] =	ssyncadd.s32 s4;
	_ =	sdelay $0x1  }
0xa7: {  	s23 =	simm.s32 $0x1B8B  }
0xa8: {  	_ =	swait.ge [sflag:s23], $0x1  }
0xa9: {  	[sflag:s23] =	ssyncset.done $0x0  }
0xaa: {  	s25 =	simm.s32 $0x1B8E;
	s24 =	sld [smem:$0x3FFE];
	[sflag:s23] =	ssyncadd.s32 $0xFFFFFFFF  }
0xab: {  	s26 =	simm.s32 $execute0_lowered;
	[smem:$0x3FD2] =	sst s25  }
0xac: {  	s5 =	sshll.u32 s26, $0x1;
	_ =	strace $0x8000004C;
	[dreg:$0x1] =	wrdreg $0xFFFFFFFF  }
0xad: {  	s28 =	simm.s32 $_size_execute0_lowered;
	s3 =	sadd.s32 s3, s5;
	[dreg:$0x0] =	wrdreg $0x0  }
0xae: {  	s5 =	sshll.u32 s28, $0x1;
	[dreg:$0x2] =	wrdreg s3  }
0xaf: {  	[dreg:$0x3] =	wrdreg s5  }
0xb0: {  	[dreg:$0x4] =	wrdreg $0xC0  }
0xb1: {  	_ =	task [dreg:s7], $0x5FFFF  }
0xb2: {  	[dreg:$0x1] =	wrdreg $0xFFFFFFFF  }
0xb3: {  	[dreg:$0x0] =	wrdreg $0x60  }
0xb4: {  	[dreg:$0x2] =	wrdreg s24  }
0xb5: {  	[dreg:$0x3] =	wrdreg s16  }
0xb6: {  	[dreg:$0x4] =	wrdreg $0xF1800  }
0xb7: {  	[dreg:$0x5] =	wrdreg $0x9  }
0xb8: {  	_ =	task.clear_ibuf [dreg:s7], $0x6FFFF;
	_ =	strace $0x9000004C  }
0xb9: {  	s29 =	simm.s32 $0x9;
	_ =	strace $0x8000004E  }
0xba: {  	_ =	swait.ge [sflag:s29], $0x1  }
0xbb: {  	[sflag:s29] =	ssyncadd.s32 $0xFFFFFFFF  }
0xbc: {  	_ =	strace $0x9000004E  }
0xbd: {  	_ =	sfence  }
0xbe: {  	s30 =	sld [smem:$0x0];
	_ =	sdelay $0x2  }
0xbf: {  	s31 =	sshll.u32 s1, $0xD;
	s1 =	sshrl.u32 s1, $0x2  }
0xc0: {  	s3 =	sand.u32 $0x4000, s31;
	s1 =	sadd.s32 s1, s30  }
0xc1: {  	s0 =	sor.u32 s3, s0;
	s1 =	sshll.u32 s1, $0x11  }
0xc2: {  	s0 =	sor.u32 s1, s0  }
0xc3: {  	s0 =	sadd.s32 $0x8F2B, s0  }
0xc4: {  	[sflag:s0] =	ssyncadd.remote.s32 $0x1  }
0xc5: {  	_ =	sfence.sel $0xFFFF  }
0xc6: {  	[dreg:$0x0] =	wrdreg $0xFFFFFFFF;
	(pc) =	sbr.abs _section_cstart, $3  }
0xc7: {  	[dreg:$0x1] =	wrdreg $0xFFFFFFFF  }
0xc8: {  	_ =	task.clear_ibuf [dreg:s7], $0x2FFFF;
	_ =	strace $0x9FFFFFFF  }
0xc9: {  	(tm) =	ssettm $0x7FFFFFFF  }
tec
execute0_lowered:
.L_overlay_start_1:
0x0: {  	(tag) =	ssettag $0x1  }
0x1: {  	s4 =	rddreg [dreg:$0x0]  }
0x2: {  	s19 =	rddreg [dreg:$0x1]  }
0x3: {  	s2 =	rddreg [dreg:$0x2];
	s1 =	stileid.u32  }
0x4: {  	s5 =	srdreg.scid;
	s6 =	smul.u32 $0x4E200, s1  }
0x5: {  	s3 =	simm.s32 $0x0;
	s5 =	sand.u32 $0x1, s5;
	s8 =	smul.u32 $0x9C4, s1  }
0x6: {  	s7 =	sshll.u32 s1, $0x1;
	[smem:$0x7FF] =	sst s3;
	s26 =	smul.u32 $0x7D000, s1  }
0x7: {  	s17 =	smul.u32 $0x3E8, s1;
	p0 =	sgt.u32 s1, $0x4;
	s7 =	sor.u32 s5, s7  }
0x8: {  	_ =	strace $0x8000004D;
	s25 =	ssub.s32 $0x2, s5;
	s20 =	sadd.s32 s6, s4  }
0x9: {  	s24 =	smul.u32 $0x4E2, s7;
	s21 =	sadd.s32 s8, s4;
	s28 =	sshrl.u32 s25, $0x1  }
0xa: {  	s30 =	sshrl.u32 s26, $0x2;
	s12 =	sadd.s32 $0xC8, s17;
	s14 =	sadd.s32 $0x190, s17  }
0xb: {  	s18 =	sadd.s32 $0x258, s17;
	s26 =	simm.s32 $0x0;
	s29 =	ssub.s32 s25, s28  }
0xc: {  	s6 =	sadd.s32 s30, s2;
	s16 =	sshll.u32 s18, $0x7;
	s20 =	sadd.s32 $0xA0D200, s20  }
0xd: {  	s21 =	sadd.s32 $0xD000, s21;
	s25 =	simm.s32 $0x190;
	s4 =	sadd.s32 s24, s4  }
0xe: {  	s24 =	smul.u32 $0x1388, s5;
	s5 =	smax.u32 s29, $0x1;
	s7 =	sadd.s32 $0x6400, s6  }
0xf: {  	s8 =	sadd.s32 $0xC800, s6;
	s9 =	sadd.s32 $0x12C00, s6;
	s16 =	sadd.s32 s16, s2  }
0x10: {  	s4 =	sadd.s32 $0x3200, s4;
	s10 =	sadd.s32 s24, s17;
	s13 =	sadd.s32 s24, s12  }
0x11: {  	s12 =	sshll.u32 s12, $0x7;
	s15 =	sadd.s32 s24, s14;
	s14 =	sshll.u32 s14, $0x7  }
0x12: {  	s18 =	sadd.s32 s24, s18;
	s17 =	sadd.s32 $0x320, s17;
	s11 =	sshll.u32 s10, $0x4  }
0x13: {  	s10 =	sadd.s32 $0x19000, s6;
	s13 =	sshll.u32 s13, $0x4;
	s12 =	sadd.s32 s12, s2  }
0x14: {  	s15 =	sshll.u32 s15, $0x4;
	s14 =	sadd.s32 s14, s2;
	s18 =	sshll.u32 s18, $0x4  }
0x15: {  	v0 =	vmov s24;
	s22 =	sshll.u32 s17, $0x7;
	s23 =	sadd.s32 s24, s17;
	s24 =	simm.s32 $0xCA00  }
0x16: {  	s11 =	sadd.s32 s19, s11;
	s13 =	sadd.s32 s19, s13;
	s15 =	sadd.s32 s19, s15  }
0x17: {  	s17 =	sadd.s32 s19, s18;
	s18 =	sadd.s32 s22, s2;
	s31 =	sshll.u32 s23, $0x4  }
0x18: {  	v1 =	vimm.f32 $0.0e+00;
	s22 =	simm.s32 $0x1;
	s23 =	simm.s32 $0x200;
	s19 =	sadd.s32 s19, s31  }
.LBB2_1:
0x19: {  	s28 =	simm.s32 $0x0;
	s29 =	simm.s32 $0x200  }
.LBB2_2:
0x1a: {  	p1 =	sne.s32 s29, $0x18E00;
	[tilespmem:s28+$0x270] =	vst v1  }
0x1b: {  	[tilespmem:s28+$0x200] =	vst v1  }
0x1c: {  	[tilespmem:s28+$0x210] =	vst v1  }
.Ltmp0:
0x1d: {  	[tilespmem:s28+$0x220] =	vst v1;
	(pc) =	sbr.rel @p1 .LBB2_2-.Ltmp0, $4  }
0x1e: {  	[tilespmem:s28+$0x230] =	vst v1  }
0x1f: {  	[tilespmem:s28+$0x240] =	vst v1  }
0x20: {  	[tilespmem:s28+$0x250] =	vst v1  }
0x21: {  	[tilespmem:s28+$0x260] =	vst v1;
	s28 =	sshra.s32 s29, $0x2;
	s29 =	sadd.s32 $0x200, s29  }
0x22: {  	[tilespmem:s28+$0x270] =	vst v1  }
0x23: {  	[tilespmem:s28+$0x200] =	vst v1  }
0x24: {  	[tilespmem:s28+$0x210] =	vst v1  }
0x25: {  	[tilespmem:s28+$0x220] =	vst v1  }
0x26: {  	[tilespmem:s28+$0x230] =	vst v1  }
0x27: {  	[tilespmem:s28+$0x240] =	vst v1  }
0x28: {  	[tilespmem:s28+$0x250] =	vst v1  }
0x29: {  	[tilespmem:s28+$0x260] =	vst v1;
	s28 =	simm.s32 $0x40;
	s29 =	simm.s32 $0x0  }
.LBB2_4:
0x2a: {  	p1 =	sne.s32 s28, $0x9C00;
	[tilespmem:s29+$0xCA00] =	vst v1;
	s29 =	smov.u32 s28;
	s28 =	sadd.s32 $0x40, s28  }
.Ltmp1:
0x2b: {  	(pc) =	sbr.rel @p1 .LBB2_4-.Ltmp1, $2  }
0x2c: {  	_ =	sdelay $0x2  }
0x2d: {  	s29 =	sshra.s32 s29, $0x2  }
0x2e: {  	[tilespmem:s29+$0xCA00] =	vst v1;
	s28 =	simm.s32 @!p0 $0x200;
	s29 =	simm.s32 @!p0 $0x1  }
0x2f: {  	[spmem:s6] =	stream.linear.scatter @!p0 [tilespmem:s28], [sflag:$0x1], $0x6400, $0x38;
	[tilespmem:$0x18E00] =	vst v63  }
0x30: {  	_ =	swait.ge @!p0 [sflag:s29], $0x6400  }
0x31: {  	[sflag:s29] =	ssyncset.done @!p0 $0x0  }
0x32: {  	[sflag:s29] =	ssyncadd.s32 @!p0 $0xFFFF9C00  }
0x33: {  	[spmem:s7] =	stream.linear.scatter @!p0 [tilespmem:s28], [sflag:$0x1], $0x6400, $0x38;
	[tilespmem:$0x18E00] =	vst v63  }
0x34: {  	_ =	swait.ge @!p0 [sflag:s29], $0x6400  }
0x35: {  	[sflag:s29] =	ssyncset.done @!p0 $0x0  }
0x36: {  	[sflag:s29] =	ssyncadd.s32 @!p0 $0xFFFF9C00  }
0x37: {  	[spmem:s8] =	stream.linear.scatter @!p0 [tilespmem:s28], [sflag:$0x1], $0x6400, $0x38;
	[tilespmem:$0x18E00] =	vst v63  }
0x38: {  	_ =	swait.ge @!p0 [sflag:s29], $0x6400  }
0x39: {  	[sflag:s29] =	ssyncset.done @!p0 $0x0  }
0x3a: {  	[sflag:s29] =	ssyncadd.s32 @!p0 $0xFFFF9C00  }
0x3b: {  	[spmem:s9] =	stream.linear.scatter @!p0 [tilespmem:s28], [sflag:$0x1], $0x6400, $0x38;
	[tilespmem:$0x18E00] =	vst v63  }
0x3c: {  	_ =	swait.ge @!p0 [sflag:s29], $0x6400  }
0x3d: {  	[sflag:s29] =	ssyncset.done @!p0 $0x0  }
0x3e: {  	[sflag:s29] =	ssyncadd.s32 @!p0 $0xFFFF9C00  }
0x3f: {  	[spmem:s10] =	stream.linear.scatter @!p0 [tilespmem:s28], [sflag:$0x1], $0x6400, $0x38;
	[tilespmem:$0x18E00] =	vst v63  }
0x40: {  	_ =	swait.ge @!p0 [sflag:s29], $0x6400  }
0x41: {  	[sflag:s29] =	ssyncset.done @!p0 $0x0  }
0x42: {  	[sflag:s29] =	ssyncadd.s32 @!p0 $0xFFFF9C00  }
0x43: {  	s28 =	sadd.s32 $0x0, s21;
	[bflag:$0x0] =	sbarrier.arrive $0xFFFF  }
0x44: {  	[tilespmem:s3], [sflag:$0x1] =	stream.linear.gather [hbm4b:s28+s3], $0x190, $0x38;
	[tilespmem:$0x18E00] =	vst v63  }
0x45: {  	_ =	swait.ge [sflag:s22], $0x190  }
0x46: {  	[sflag:s22] =	ssyncset.done $0x0  }
0x47: {  	[sflag:s22] =	ssyncadd.s32 $0xFFFFFE70  }
0x48: {  	[tilespmem:s23], [sflag:$0x1] =	stream.linear.gather [hbm4b:s20+s3], $0xC800, $0x38;
	[tilespmem:$0x18E00] =	vst v63  }
0x49: {  	_ =	swait.ge [sflag:s22], $0xC800  }
0x4a: {  	[sflag:s22] =	ssyncset.done $0x0  }
0x4b: {  	[sflag:s22] =	ssyncadd.s32 $0xFFFF3800  }
0x4c: {  	v2 =	vld [tilespmem:$0x0];
	_ =	sdelay $0x4  }
0x4d: {  	v3 =	vsub.s32 v2, v0  }
0x4e: {  	vm0 =	vlt.u32 v3, $0x1388  }
0x4f: {  	v4 =	vsel vm0, $0x3F800000, v1  }
0x50: {  	[tilespmem:v2+s24+$0x0] =	vst.idx.add.f32.msk $0xffff, v4  }
0x51: {  	v2 =	vld [tilespmem:$0x10];
	_ =	sdelay $0x4  }
0x52: {  	v40 =	vsub.s32 v2, v0  }
0x53: {  	v3 =	vmin.u32 v3, $0x1388;
	vm4 =	vlt.u32 v40, $0x1388  }
0x54: {  	[tilespmem:$0x0] =	vst v3;
	v3 =	vsel vm4, $0x3F800000, v1  }
0x55: {  	[tilespmem:v2+s24+$0x0] =	vst.idx.add.f32.msk $0xffff, v3  }
0x56: {  	v2 =	vld [tilespmem:$0x20];
	_ =	sdelay $0x4  }
0x57: {  	v3 =	vsub.s32 v2, v0  }
0x58: {  	v4 =	vmin.u32 v40, $0x1388;
	vm5 =	vlt.u32 v3, $0x1388  }
0x59: {  	[tilespmem:$0x10] =	vst v4;
	v41 =	vsel vm5, $0x3F800000, v1  }
0x5a: {  	[tilespmem:v2+s24+$0x0] =	vst.idx.add.f32.msk $0xffff, v41  }
0x5b: {  	v2 =	vld [tilespmem:$0x30];
	_ =	sdelay $0x4  }
0x5c: {  	v42 =	vsub.s32 v2, v0  }
0x5d: {  	v3 =	vmin.u32 v3, $0x1388;
	vm6 =	vlt.u32 v42, $0x1388  }
0x5e: {  	[tilespmem:$0x20] =	vst v3;
	v3 =	vsel vm6, $0x3F800000, v1  }
0x5f: {  	[tilespmem:v2+s24+$0x0] =	vst.idx.add.f32.msk $0xffff, v3  }
0x60: {  	v2 =	vld [tilespmem:$0x40];
	_ =	sdelay $0x4  }
0x61: {  	v3 =	vsub.s32 v2, v0  }
0x62: {  	v4 =	vmin.u32 v42, $0x1388;
	vm7 =	vlt.u32 v3, $0x1388  }
0x63: {  	[tilespmem:$0x30] =	vst v4;
	v43 =	vsel vm7, $0x3F800000, v1  }
0x64: {  	[tilespmem:v2+s24+$0x0] =	vst.idx.add.f32.msk $0xffff, v43  }
0x65: {  	v2 =	vld [tilespmem:$0x50];
	_ =	sdelay $0x4  }
0x66: {  	v44 =	vsub.s32 v2, v0  }
0x67: {  	v3 =	vmin.u32 v3, $0x1388;
	vm8 =	vlt.u32 v44, $0x1388  }
0x68: {  	[tilespmem:$0x40] =	vst v3;
	v3 =	vsel vm8, $0x3F800000, v1  }
0x69: {  	[tilespmem:v2+s24+$0x0] =	vst.idx.add.f32.msk $0xffff, v3  }
0x6a: {  	v2 =	vld [tilespmem:$0x60];
	_ =	sdelay $0x4  }
0x6b: {  	v3 =	vsub.s32 v2, v0  }
0x6c: {  	v4 =	vmin.u32 v44, $0x1388;
	vm9 =	vlt.u32 v3, $0x1388  }
0x6d: {  	[tilespmem:$0x50] =	vst v4;
	v45 =	vsel vm9, $0x3F800000, v1  }
0x6e: {  	[tilespmem:v2+s24+$0x0] =	vst.idx.add.f32.msk $0xffff, v45  }
0x6f: {  	v2 =	vld [tilespmem:$0x70];
	_ =	sdelay $0x4  }
0x70: {  	v46 =	vsub.s32 v2, v0  }
0x71: {  	v3 =	vmin.u32 v3, $0x1388;
	vm10 =	vlt.u32 v46, $0x1388  }
0x72: {  	[tilespmem:$0x60] =	vst v3;
	v3 =	vsel vm10, $0x3F800000, v1  }
0x73: {  	[tilespmem:v2+s24+$0x0] =	vst.idx.add.f32.msk $0xffff, v3  }
0x74: {  	v2 =	vld [tilespmem:$0x80];
	_ =	sdelay $0x4  }
0x75: {  	v3 =	vsub.s32 v2, v0  }
0x76: {  	v4 =	vmin.u32 v46, $0x1388;
	vm11 =	vlt.u32 v3, $0x1388  }
0x77: {  	[tilespmem:$0x70] =	vst v4;
	v47 =	vsel vm11, $0x3F800000, v1  }
0x78: {  	[tilespmem:v2+s24+$0x0] =	vst.idx.add.f32.msk $0xffff, v47  }
0x79: {  	v2 =	vld [tilespmem:$0x90];
	_ =	sdelay $0x4  }
0x7a: {  	v48 =	vsub.s32 v2, v0  }
0x7b: {  	v3 =	vmin.u32 v3, $0x1388;
	vm12 =	vlt.u32 v48, $0x1388  }
0x7c: {  	[tilespmem:$0x80] =	vst v3;
	v3 =	vsel vm12, $0x3F800000, v1  }
0x7d: {  	[tilespmem:v2+s24+$0x0] =	vst.idx.add.f32.msk $0xffff, v3  }
0x7e: {  	v2 =	vld [tilespmem:$0xA0];
	_ =	sdelay $0x4  }
0x7f: {  	v3 =	vsub.s32 v2, v0  }
0x80: {  	v4 =	vmin.u32 v48, $0x1388;
	vm13 =	vlt.u32 v3, $0x1388  }
0x81: {  	[tilespmem:$0x90] =	vst v4;
	v49 =	vsel vm13, $0x3F800000, v1  }
0x82: {  	[tilespmem:v2+s24+$0x0] =	vst.idx.add.f32.msk $0xffff, v49  }
0x83: {  	v2 =	vld [tilespmem:$0xB0];
	_ =	sdelay $0x4  }
0x84: {  	v50 =	vsub.s32 v2, v0  }
0x85: {  	v3 =	vmin.u32 v3, $0x1388;
	vm14 =	vlt.u32 v50, $0x1388  }
0x86: {  	[tilespmem:$0xA0] =	vst v3;
	v3 =	vsel vm14, $0x3F800000, v1  }
0x87: {  	[tilespmem:v2+s24+$0x0] =	vst.idx.add.f32.msk $0xffff, v3  }
0x88: {  	v2 =	vld [tilespmem:$0xC0];
	_ =	sdelay $0x4  }
0x89: {  	v3 =	vsub.s32 v2, v0  }
0x8a: {  	v4 =	vmin.u32 v50, $0x1388;
	vm15 =	vlt.u32 v3, $0x1388  }
0x8b: {  	[tilespmem:$0xB0] =	vst v4;
	v51 =	vsel vm15, $0x3F800000, v1  }
0x8c: {  	[tilespmem:v2+s24+$0x0] =	vst.idx.add.f32.msk $0xffff, v51  }
0x8d: {  	v2 =	vld [tilespmem:$0xD0];
	_ =	sdelay $0x4  }
0x8e: {  	v52 =	vsub.s32 v2, v0  }
0x8f: {  	v3 =	vmin.u32 v3, $0x1388;
	vm4 =	vlt.u32 v52, $0x1388  }
0x90: {  	[tilespmem:$0xC0] =	vst v3;
	v3 =	vsel vm4, $0x3F800000, v1  }
0x91: {  	[tilespmem:v2+s24+$0x0] =	vst.idx.add.f32.msk $0xffff, v3  }
0x92: {  	v2 =	vld [tilespmem:$0xE0];
	_ =	sdelay $0x4  }
0x93: {  	v3 =	vsub.s32 v2, v0  }
0x94: {  	v4 =	vmin.u32 v52, $0x1388;
	vm5 =	vlt.u32 v3, $0x1388  }
0x95: {  	[tilespmem:$0xD0] =	vst v4;
	v53 =	vsel vm5, $0x3F800000, v1  }
0x96: {  	[tilespmem:v2+s24+$0x0] =	vst.idx.add.f32.msk $0xffff, v53  }
0x97: {  	v2 =	vld [tilespmem:$0xF0];
	_ =	sdelay $0x4  }
0x98: {  	v54 =	vsub.s32 v2, v0  }
0x99: {  	v3 =	vmin.u32 v3, $0x1388;
	vm6 =	vlt.u32 v54, $0x1388  }
0x9a: {  	[tilespmem:$0xE0] =	vst v3;
	v3 =	vsel vm6, $0x3F800000, v1  }
0x9b: {  	[tilespmem:v2+s24+$0x0] =	vst.idx.add.f32.msk $0xffff, v3  }
0x9c: {  	v2 =	vld [tilespmem:$0x100];
	_ =	sdelay $0x4  }
0x9d: {  	v3 =	vsub.s32 v2, v0  }
0x9e: {  	v4 =	vmin.u32 v54, $0x1388;
	vm7 =	vlt.u32 v3, $0x1388  }
0x9f: {  	[tilespmem:$0xF0] =	vst v4;
	v55 =	vsel vm7, $0x3F800000, v1  }
0xa0: {  	[tilespmem:v2+s24+$0x0] =	vst.idx.add.f32.msk $0xffff, v55  }
0xa1: {  	v2 =	vld [tilespmem:$0x110];
	_ =	sdelay $0x4  }
0xa2: {  	v56 =	vsub.s32 v2, v0  }
0xa3: {  	v3 =	vmin.u32 v3, $0x1388;
	vm8 =	vlt.u32 v56, $0x1388  }
0xa4: {  	[tilespmem:$0x100] =	vst v3;
	v3 =	vsel vm8, $0x3F800000, v1  }
0xa5: {  	[tilespmem:v2+s24+$0x0] =	vst.idx.add.f32.msk $0xffff, v3  }
0xa6: {  	v2 =	vld [tilespmem:$0x120];
	_ =	sdelay $0x4  }
0xa7: {  	v3 =	vsub.s32 v2, v0  }
0xa8: {  	v4 =	vmin.u32 v56, $0x1388;
	vm9 =	vlt.u32 v3, $0x1388  }
0xa9: {  	[tilespmem:$0x110] =	vst v4;
	v57 =	vsel vm9, $0x3F800000, v1  }
0xaa: {  	[tilespmem:v2+s24+$0x0] =	vst.idx.add.f32.msk $0xffff, v57  }
0xab: {  	v2 =	vld [tilespmem:$0x130];
	_ =	sdelay $0x4  }
0xac: {  	v58 =	vsub.s32 v2, v0  }
0xad: {  	v3 =	vmin.u32 v3, $0x1388;
	vm10 =	vlt.u32 v58, $0x1388  }
0xae: {  	[tilespmem:$0x120] =	vst v3;
	v3 =	vsel vm10, $0x3F800000, v1  }
0xaf: {  	[tilespmem:v2+s24+$0x0] =	vst.idx.add.f32.msk $0xffff, v3  }
0xb0: {  	v2 =	vld [tilespmem:$0x140];
	_ =	sdelay $0x4  }
0xb1: {  	v3 =	vsub.s32 v2, v0  }
0xb2: {  	v4 =	vmin.u32 v58, $0x1388;
	vm11 =	vlt.u32 v3, $0x1388  }
0xb3: {  	[tilespmem:$0x130] =	vst v4;
	v59 =	vsel vm11, $0x3F800000, v1  }
0xb4: {  	[tilespmem:v2+s24+$0x0] =	vst.idx.add.f32.msk $0xffff, v59  }
0xb5: {  	v2 =	vld [tilespmem:$0x150];
	_ =	sdelay $0x4  }
0xb6: {  	v60 =	vsub.s32 v2, v0  }
0xb7: {  	v3 =	vmin.u32 v3, $0x1388;
	vm12 =	vlt.u32 v60, $0x1388  }
0xb8: {  	[tilespmem:$0x140] =	vst v3;
	v3 =	vsel vm12, $0x3F800000, v1  }
0xb9: {  	[tilespmem:v2+s24+$0x0] =	vst.idx.add.f32.msk $0xffff, v3  }
0xba: {  	v2 =	vld [tilespmem:$0x160];
	_ =	sdelay $0x4  }
0xbb: {  	v3 =	vsub.s32 v2, v0  }
0xbc: {  	v4 =	vmin.u32 v60, $0x1388;
	vm13 =	vlt.u32 v3, $0x1388  }
0xbd: {  	[tilespmem:$0x150] =	vst v4;
	v61 =	vsel vm13, $0x3F800000, v1  }
0xbe: {  	[tilespmem:v2+s24+$0x0] =	vst.idx.add.f32.msk $0xffff, v61  }
0xbf: {  	v2 =	vld [tilespmem:$0x170];
	_ =	sdelay $0x4  }
0xc0: {  	v62 =	vsub.s32 v2, v0  }
0xc1: {  	v3 =	vmin.u32 v3, $0x1388;
	vm14 =	vlt.u32 v62, $0x1388  }
0xc2: {  	[tilespmem:$0x160] =	vst v3;
	v3 =	vsel vm14, $0x3F800000, v1  }
0xc3: {  	[tilespmem:v2+s24+$0x0] =	vst.idx.add.f32.msk $0xffff, v3  }
0xc4: {  	v2 =	vld [tilespmem:$0x180];
	_ =	sdelay $0x4  }
0xc5: {  	v3 =	vsub.s32 v2, v0  }
0xc6: {  	v4 =	vmin.u32 v62, $0x1388;
	vm15 =	vlt.u32 v3, $0x1388  }
0xc7: {  	[tilespmem:$0x170] =	vst v4;
	v63 =	vsel vm15, $0x3F800000, v1  }
0xc8: {  	[tilespmem:v2+s24+$0x0] =	vst.idx.add.f32.msk $0xffff, v63;
	v2 =	vmin.u32 v3, $0x1388  }
0xc9: {  	[tilespmem:$0x180] =	vst v2  }
0xca: {  	[spmem:s2] =	stream.indirect.scatter.add.f32 [tilespmem:s23], [sflag:$0x1], $0x80, s3, s25, $0xb8;
	[tilespmem:$0x18E00] =	vst v63  }
0xcb: {  	s31 =	simm.s32 $0x64;
	_ =	swait.ge [sflag:s22], $0xC800  }
0xcc: {  	s29 =	simm.s32 $0x32;
	s28 =	sadd.s32 $0x1900, s20;
	[sflag:s22] =	ssyncset.done $0x0  }
.LBB2_6:
0xcd: {  	s0 =	sadd.s32 s29, s21  }
0xce: {  	[sflag:s22] =	ssyncadd.s32 $0xFFFF3800;
	s29 =	smov.u32 s31;
	s30 =	sadd.s32 $0x32, s31  }
0xcf: {  	[tilespmem:s3], [sflag:$0x1] =	stream.linear.gather [hbm4b:s0+s3], $0x190, $0x38;
	[tilespmem:$0x18E00] =	vst v63  }
0xd0: {  	p1 =	sne.s32 s31, $0x992;
	_ =	swait.ge [sflag:s22], $0x190  }
0xd1: {  	[sflag:s22] =	ssyncset.done $0x0  }
0xd2: {  	[sflag:s22] =	ssyncadd.s32 $0xFFFFFE70  }
0xd3: {  	[tilespmem:s23], [sflag:$0x1] =	stream.linear.gather [hbm4b:s28+s3], $0xC800, $0x38;
	[tilespmem:$0x18E00] =	vst v63  }
0xd4: {  	_ =	swait.ge [sflag:s22], $0xC800  }
0xd5: {  	[sflag:s22] =	ssyncset.done $0x0  }
0xd6: {  	[sflag:s22] =	ssyncadd.s32 $0xFFFF3800  }
0xd7: {  	v2 =	vld [tilespmem:$0x0];
	_ =	sdelay $0x4  }
0xd8: {  	v3 =	vsub.s32 v2, v0  }
0xd9: {  	vm0 =	vlt.u32 v3, $0x1388  }
0xda: {  	v4 =	vsel vm0, $0x3F800000, v1  }
0xdb: {  	[tilespmem:v2+s24+$0x0] =	vst.idx.add.f32.msk $0xffff, v4  }
0xdc: {  	v2 =	vld [tilespmem:$0x10];
	_ =	sdelay $0x4  }
0xdd: {  	v4 =	vsub.s32 v2, v0  }
0xde: {  	v3 =	vmin.u32 v3, $0x1388;
	vm0 =	vlt.u32 v4, $0x1388  }
0xdf: {  	[tilespmem:$0x0] =	vst v3;
	v3 =	vsel vm0, $0x3F800000, v1  }
0xe0: {  	[tilespmem:v2+s24+$0x0] =	vst.idx.add.f32.msk $0xffff, v3  }
0xe1: {  	v2 =	vld [tilespmem:$0x20];
	_ =	sdelay $0x4  }
0xe2: {  	v3 =	vsub.s32 v2, v0  }
0xe3: {  	v4 =	vmin.u32 v4, $0x1388;
	vm0 =	vlt.u32 v3, $0x1388  }
0xe4: {  	[tilespmem:$0x10] =	vst v4;
	v4 =	vsel vm0, $0x3F800000, v1  }
0xe5: {  	[tilespmem:v2+s24+$0x0] =	vst.idx.add.f32.msk $0xffff, v4  }
0xe6: {  	v2 =	vld [tilespmem:$0x30];
	_ =	sdelay $0x4  }
0xe7: {  	v4 =	vsub.s32 v2, v0  }
0xe8: {  	v3 =	vmin.u32 v3, $0x1388;
	vm0 =	vlt.u32 v4, $0x1388  }
0xe9: {  	[tilespmem:$0x20] =	vst v3;
	v3 =	vsel vm0, $0x3F800000, v1  }
0xea: {  	[tilespmem:v2+s24+$0x0] =	vst.idx.add.f32.msk $0xffff, v3  }
0xeb: {  	v2 =	vld [tilespmem:$0x40];
	_ =	sdelay $0x4  }
0xec: {  	v3 =	vsub.s32 v2, v0  }
0xed: {  	v4 =	vmin.u32 v4, $0x1388;
	vm0 =	vlt.u32 v3, $0x1388  }
0xee: {  	[tilespmem:$0x30] =	vst v4;
	v4 =	vsel vm0, $0x3F800000, v1  }
0xef: {  	[tilespmem:v2+s24+$0x0] =	vst.idx.add.f32.msk $0xffff, v4  }
0xf0: {  	v2 =	vld [tilespmem:$0x50];
	_ =	sdelay $0x4  }
0xf1: {  	v4 =	vsub.s32 v2, v0  }
0xf2: {  	v3 =	vmin.u32 v3, $0x1388;
	vm0 =	vlt.u32 v4, $0x1388  }
0xf3: {  	[tilespmem:$0x40] =	vst v3;
	v3 =	vsel vm0, $0x3F800000, v1  }
0xf4: {  	[tilespmem:v2+s24+$0x0] =	vst.idx.add.f32.msk $0xffff, v3  }
0xf5: {  	v2 =	vld [tilespmem:$0x60];
	_ =	sdelay $0x4  }
0xf6: {  	v3 =	vsub.s32 v2, v0  }
0xf7: {  	v4 =	vmin.u32 v4, $0x1388;
	vm0 =	vlt.u32 v3, $0x1388  }
0xf8: {  	[tilespmem:$0x50] =	vst v4;
	v4 =	vsel vm0, $0x3F800000, v1  }
0xf9: {  	[tilespmem:v2+s24+$0x0] =	vst.idx.add.f32.msk $0xffff, v4  }
0xfa: {  	v2 =	vld [tilespmem:$0x70];
	_ =	sdelay $0x4  }
0xfb: {  	v4 =	vsub.s32 v2, v0  }
0xfc: {  	v3 =	vmin.u32 v3, $0x1388;
	vm0 =	vlt.u32 v4, $0x1388  }
0xfd: {  	[tilespmem:$0x60] =	vst v3;
	v3 =	vsel vm0, $0x3F800000, v1  }
0xfe: {  	[tilespmem:v2+s24+$0x0] =	vst.idx.add.f32.msk $0xffff, v3  }
0xff: {  	v2 =	vld [tilespmem:$0x80];
	_ =	sdelay $0x4  }
0x100: {  	v3 =	vsub.s32 v2, v0  }
0x101: {  	v4 =	vmin.u32 v4, $0x1388;
	vm0 =	vlt.u32 v3, $0x1388  }
0x102: {  	[tilespmem:$0x70] =	vst v4;
	v4 =	vsel vm0, $0x3F800000, v1  }
0x103: {  	[tilespmem:v2+s24+$0x0] =	vst.idx.add.f32.msk $0xffff, v4  }
0x104: {  	v2 =	vld [tilespmem:$0x90];
	_ =	sdelay $0x4  }
0x105: {  	v4 =	vsub.s32 v2, v0  }
0x106: {  	v3 =	vmin.u32 v3, $0x1388;
	vm0 =	vlt.u32 v4, $0x1388  }
0x107: {  	[tilespmem:$0x80] =	vst v3;
	v3 =	vsel vm0, $0x3F800000, v1  }
0x108: {  	[tilespmem:v2+s24+$0x0] =	vst.idx.add.f32.msk $0xffff, v3  }
0x109: {  	v2 =	vld [tilespmem:$0xA0];
	_ =	sdelay $0x4  }
0x10a: {  	v3 =	vsub.s32 v2, v0  }
0x10b: {  	v4 =	vmin.u32 v4, $0x1388;
	vm0 =	vlt.u32 v3, $0x1388  }
0x10c: {  	[tilespmem:$0x90] =	vst v4;
	v4 =	vsel vm0, $0x3F800000, v1  }
0x10d: {  	[tilespmem:v2+s24+$0x0] =	vst.idx.add.f32.msk $0xffff, v4  }
0x10e: {  	v2 =	vld [tilespmem:$0xB0];
	_ =	sdelay $0x4  }
0x10f: {  	v4 =	vsub.s32 v2, v0  }
0x110: {  	v3 =	vmin.u32 v3, $0x1388;
	vm0 =	vlt.u32 v4, $0x1388  }
0x111: {  	[tilespmem:$0xA0] =	vst v3;
	v3 =	vsel vm0, $0x3F800000, v1  }
0x112: {  	[tilespmem:v2+s24+$0x0] =	vst.idx.add.f32.msk $0xffff, v3;
	v2 =	vmin.u32 v4, $0x1388  }
0x113: {  	[tilespmem:$0xB0] =	vst v2;
	v2 =	vld [tilespmem:$0xC0];
	_ =	sdelay $0x4  }
0x114: {  	v3 =	vsub.s32 v2, v0  }
0x115: {  	vm0 =	vlt.u32 v3, $0x1388  }
0x116: {  	v4 =	vsel vm0, $0x3F800000, v1  }
0x117: {  	[tilespmem:v2+s24+$0x0] =	vst.idx.add.f32.msk $0xffff, v4;
	v2 =	vmin.u32 v3, $0x1388  }
0x118: {  	[tilespmem:$0xC0] =	vst v2;
	v2 =	vld [tilespmem:$0xD0];
	_ =	sdelay $0x4  }
0x119: {  	v3 =	vsub.s32 v2, v0  }
0x11a: {  	vm0 =	vlt.u32 v3, $0x1388  }
0x11b: {  	v4 =	vsel vm0, $0x3F800000, v1  }
0x11c: {  	[tilespmem:v2+s24+$0x0] =	vst.idx.add.f32.msk $0xffff, v4;
	v2 =	vmin.u32 v3, $0x1388  }
0x11d: {  	[tilespmem:$0xD0] =	vst v2;
	v2 =	vld [tilespmem:$0xE0];
	_ =	sdelay $0x4  }
0x11e: {  	v3 =	vsub.s32 v2, v0  }
0x11f: {  	vm0 =	vlt.u32 v3, $0x1388  }
0x120: {  	v4 =	vsel vm0, $0x3F800000, v1  }
0x121: {  	[tilespmem:v2+s24+$0x0] =	vst.idx.add.f32.msk $0xffff, v4;
	v2 =	vmin.u32 v3, $0x1388  }
0x122: {  	[tilespmem:$0xE0] =	vst v2;
	v2 =	vld [tilespmem:$0xF0];
	_ =	sdelay $0x4  }
0x123: {  	v3 =	vsub.s32 v2, v0  }
0x124: {  	vm0 =	vlt.u32 v3, $0x1388  }
0x125: {  	v4 =	vsel vm0, $0x3F800000, v1  }
0x126: {  	[tilespmem:v2+s24+$0x0] =	vst.idx.add.f32.msk $0xffff, v4;
	v2 =	vmin.u32 v3, $0x1388  }
0x127: {  	[tilespmem:$0xF0] =	vst v2;
	v2 =	vld [tilespmem:$0x100];
	_ =	sdelay $0x4  }
0x128: {  	v3 =	vsub.s32 v2, v0  }
0x129: {  	vm0 =	vlt.u32 v3, $0x1388  }
0x12a: {  	v4 =	vsel vm0, $0x3F800000, v1  }
0x12b: {  	[tilespmem:v2+s24+$0x0] =	vst.idx.add.f32.msk $0xffff, v4;
	v2 =	vmin.u32 v3, $0x1388  }
0x12c: {  	[tilespmem:$0x100] =	vst v2;
	v2 =	vld [tilespmem:$0x110];
	_ =	sdelay $0x4  }
0x12d: {  	v3 =	vsub.s32 v2, v0  }
0x12e: {  	vm0 =	vlt.u32 v3, $0x1388  }
0x12f: {  	v4 =	vsel vm0, $0x3F800000, v1  }
0x130: {  	[tilespmem:v2+s24+$0x0] =	vst.idx.add.f32.msk $0xffff, v4;
	v2 =	vmin.u32 v3, $0x1388  }
0x131: {  	[tilespmem:$0x110] =	vst v2;
	v2 =	vld [tilespmem:$0x120];
	_ =	sdelay $0x4  }
0x132: {  	v3 =	vsub.s32 v2, v0  }
0x133: {  	vm0 =	vlt.u32 v3, $0x1388  }
0x134: {  	v4 =	vsel vm0, $0x3F800000, v1  }
0x135: {  	[tilespmem:v2+s24+$0x0] =	vst.idx.add.f32.msk $0xffff, v4;
	v2 =	vmin.u32 v3, $0x1388  }
0x136: {  	[tilespmem:$0x120] =	vst v2;
	v2 =	vld [tilespmem:$0x130];
	_ =	sdelay $0x4  }
0x137: {  	v3 =	vsub.s32 v2, v0  }
0x138: {  	vm0 =	vlt.u32 v3, $0x1388  }
0x139: {  	v4 =	vsel vm0, $0x3F800000, v1  }
0x13a: {  	[tilespmem:v2+s24+$0x0] =	vst.idx.add.f32.msk $0xffff, v4;
	v2 =	vmin.u32 v3, $0x1388  }
0x13b: {  	[tilespmem:$0x130] =	vst v2;
	v2 =	vld [tilespmem:$0x140];
	_ =	sdelay $0x4  }
0x13c: {  	v3 =	vsub.s32 v2, v0  }
0x13d: {  	vm0 =	vlt.u32 v3, $0x1388  }
0x13e: {  	v4 =	vsel vm0, $0x3F800000, v1  }
0x13f: {  	[tilespmem:v2+s24+$0x0] =	vst.idx.add.f32.msk $0xffff, v4;
	v2 =	vmin.u32 v3, $0x1388  }
0x140: {  	[tilespmem:$0x140] =	vst v2;
	v2 =	vld [tilespmem:$0x150];
	_ =	sdelay $0x4  }
0x141: {  	v3 =	vsub.s32 v2, v0  }
0x142: {  	vm0 =	vlt.u32 v3, $0x1388  }
0x143: {  	v4 =	vsel vm0, $0x3F800000, v1  }
0x144: {  	[tilespmem:v2+s24+$0x0] =	vst.idx.add.f32.msk $0xffff, v4;
	v2 =	vmin.u32 v3, $0x1388  }
0x145: {  	[tilespmem:$0x150] =	vst v2;
	v2 =	vld [tilespmem:$0x160];
	_ =	sdelay $0x4  }
0x146: {  	v3 =	vsub.s32 v2, v0  }
0x147: {  	vm0 =	vlt.u32 v3, $0x1388  }
0x148: {  	v4 =	vsel vm0, $0x3F800000, v1  }
0x149: {  	[tilespmem:v2+s24+$0x0] =	vst.idx.add.f32.msk $0xffff, v4;
	v2 =	vmin.u32 v3, $0x1388  }
0x14a: {  	[tilespmem:$0x160] =	vst v2;
	v2 =	vld [tilespmem:$0x170];
	_ =	sdelay $0x4  }
0x14b: {  	v3 =	vsub.s32 v2, v0  }
0x14c: {  	vm0 =	vlt.u32 v3, $0x1388  }
0x14d: {  	v4 =	vsel vm0, $0x3F800000, v1  }
0x14e: {  	[tilespmem:v2+s24+$0x0] =	vst.idx.add.f32.msk $0xffff, v4;
	v2 =	vmin.u32 v3, $0x1388  }
0x14f: {  	[tilespmem:$0x170] =	vst v2;
	v2 =	vld [tilespmem:$0x180];
	_ =	sdelay $0x4  }
0x150: {  	v3 =	vsub.s32 v2, v0  }
0x151: {  	vm0 =	vlt.u32 v3, $0x1388  }
0x152: {  	v4 =	vsel vm0, $0x3F800000, v1  }
.Ltmp2:
0x153: {  	[tilespmem:v2+s24+$0x0] =	vst.idx.add.f32.msk $0xffff, v4;
	v2 =	vmin.u32 v3, $0x1388;
	(pc) =	sbr.rel @p1 .LBB2_6-.Ltmp2, $4  }
0x154: {  	[tilespmem:$0x180] =	vst v2  }
0x155: {  	[spmem:s2] =	stream.indirect.scatter.add.f32 [tilespmem:s23], [sflag:$0x1], $0x80, s3, s25, $0xb8;
	[tilespmem:$0x18E00] =	vst v63  }
0x156: {  	_ =	swait.ge [sflag:s22], $0xC800  }
0x157: {  	s31 =	smov.u32 s30;
	s28 =	sadd.s32 $0x1900, s28;
	[sflag:s22] =	ssyncset.done $0x0  }
0x158: {  	s0 =	sadd.s32 s29, s21;
	[sflag:s22] =	ssyncadd.s32 $0xFFFF3800  }
0x159: {  	[tilespmem:s3], [sflag:$0x1] =	stream.linear.gather [hbm4b:s0+s3], $0x190, $0x38;
	[tilespmem:$0x18E00] =	vst v63  }
0x15a: {  	_ =	swait.ge [sflag:s22], $0x190  }
0x15b: {  	[sflag:s22] =	ssyncset.done $0x0  }
0x15c: {  	[sflag:s22] =	ssyncadd.s32 $0xFFFFFE70  }
0x15d: {  	[tilespmem:s23], [sflag:$0x1] =	stream.linear.gather [hbm4b:s28+s3], $0xC800, $0x38;
	[tilespmem:$0x18E00] =	vst v63  }
0x15e: {  	_ =	swait.ge [sflag:s22], $0xC800  }
0x15f: {  	[sflag:s22] =	ssyncset.done $0x0  }
0x160: {  	[sflag:s22] =	ssyncadd.s32 $0xFFFF3800  }
0x161: {  	v2 =	vld [tilespmem:$0x0];
	_ =	sdelay $0x4  }
0x162: {  	v3 =	vsub.s32 v2, v0  }
0x163: {  	vm0 =	vlt.u32 v3, $0x1388  }
0x164: {  	v4 =	vsel vm0, $0x3F800000, v1  }
0x165: {  	[tilespmem:v2+s24+$0x0] =	vst.idx.add.f32.msk $0xffff, v4  }
0x166: {  	v2 =	vld [tilespmem:$0x10];
	_ =	sdelay $0x4  }
0x167: {  	v40 =	vsub.s32 v2, v0  }
0x168: {  	v3 =	vmin.u32 v3, $0x1388;
	vm4 =	vlt.u32 v40, $0x1388  }
0x169: {  	[tilespmem:$0x0] =	vst v3;
	v3 =	vsel vm4, $0x3F800000, v1  }
0x16a: {  	[tilespmem:v2+s24+$0x0] =	vst.idx.add.f32.msk $0xffff, v3  }
0x16b: {  	v2 =	vld [tilespmem:$0x20];
	_ =	sdelay $0x4  }
0x16c: {  	v3 =	vsub.s32 v2, v0  }
0x16d: {  	v4 =	vmin.u32 v40, $0x1388;
	vm5 =	vlt.u32 v3, $0x1388  }
0x16e: {  	[tilespmem:$0x10] =	vst v4;
	v41 =	vsel vm5, $0x3F800000, v1  }
0x16f: {  	[tilespmem:v2+s24+$0x0] =	vst.idx.add.f32.msk $0xffff, v41  }
0x170: {  	v2 =	vld [tilespmem:$0x30];
	_ =	sdelay $0x4  }
0x171: {  	v42 =	vsub.s32 v2, v0  }
0x172: {  	v3 =	vmin.u32 v3, $0x1388;
	vm6 =	vlt.u32 v42, $0x1388  }
0x173: {  	[tilespmem:$0x20] =	vst v3;
	v3 =	vsel vm6, $0x3F800000, v1  }
0x174: {  	[tilespmem:v2+s24+$0x0] =	vst.idx.add.f32.msk $0xffff, v3  }
0x175: {  	v2 =	vld [tilespmem:$0x40];
	_ =	sdelay $0x4  }
0x176: {  	v3 =	vsub.s32 v2, v0  }
0x177: {  	v4 =	vmin.u32 v42, $0x1388;
	vm7 =	vlt.u32 v3, $0x1388  }
0x178: {  	[tilespmem:$0x30] =	vst v4;
	v43 =	vsel vm7, $0x3F800000, v1  }
0x179: {  	[tilespmem:v2+s24+$0x0] =	vst.idx.add.f32.msk $0xffff, v43  }
0x17a: {  	v2 =	vld [tilespmem:$0x50];
	_ =	sdelay $0x4  }
0x17b: {  	v44 =	vsub.s32 v2, v0  }
0x17c: {  	v3 =	vmin.u32 v3, $0x1388;
	vm8 =	vlt.u32 v44, $0x1388  }
0x17d: {  	[tilespmem:$0x40] =	vst v3;
	v3 =	vsel vm8, $0x3F800000, v1  }
0x17e: {  	[tilespmem:v2+s24+$0x0] =	vst.idx.add.f32.msk $0xffff, v3  }
0x17f: {  	v2 =	vld [tilespmem:$0x60];
	_ =	sdelay $0x4  }
0x180: {  	v3 =	vsub.s32 v2, v0  }
0x181: {  	v4 =	vmin.u32 v44, $0x1388;
	vm9 =	vlt.u32 v3, $0x1388  }
0x182: {  	[tilespmem:$0x50] =	vst v4;
	v45 =	vsel vm9, $0x3F800000, v1  }
0x183: {  	[tilespmem:v2+s24+$0x0] =	vst.idx.add.f32.msk $0xffff, v45  }
0x184: {  	v2 =	vld [tilespmem:$0x70];
	_ =	sdelay $0x4  }
0x185: {  	v46 =	vsub.s32 v2, v0  }
0x186: {  	v3 =	vmin.u32 v3, $0x1388;
	vm10 =	vlt.u32 v46, $0x1388  }
0x187: {  	[tilespmem:$0x60] =	vst v3;
	v3 =	vsel vm10, $0x3F800000, v1  }
0x188: {  	[tilespmem:v2+s24+$0x0] =	vst.idx.add.f32.msk $0xffff, v3  }
0x189: {  	v2 =	vld [tilespmem:$0x80];
	_ =	sdelay $0x4  }
0x18a: {  	v3 =	vsub.s32 v2, v0  }
0x18b: {  	v4 =	vmin.u32 v46, $0x1388;
	vm11 =	vlt.u32 v3, $0x1388  }
0x18c: {  	[tilespmem:$0x70] =	vst v4;
	v47 =	vsel vm11, $0x3F800000, v1  }
0x18d: {  	[tilespmem:v2+s24+$0x0] =	vst.idx.add.f32.msk $0xffff, v47  }
0x18e: {  	v2 =	vld [tilespmem:$0x90];
	_ =	sdelay $0x4  }
0x18f: {  	v48 =	vsub.s32 v2, v0  }
0x190: {  	v3 =	vmin.u32 v3, $0x1388;
	vm12 =	vlt.u32 v48, $0x1388  }
0x191: {  	[tilespmem:$0x80] =	vst v3;
	v3 =	vsel vm12, $0x3F800000, v1  }
0x192: {  	[tilespmem:v2+s24+$0x0] =	vst.idx.add.f32.msk $0xffff, v3  }
0x193: {  	v2 =	vld [tilespmem:$0xA0];
	_ =	sdelay $0x4  }
0x194: {  	v3 =	vsub.s32 v2, v0  }
0x195: {  	v4 =	vmin.u32 v48, $0x1388;
	vm13 =	vlt.u32 v3, $0x1388  }
0x196: {  	[tilespmem:$0x90] =	vst v4;
	v49 =	vsel vm13, $0x3F800000, v1  }
0x197: {  	[tilespmem:v2+s24+$0x0] =	vst.idx.add.f32.msk $0xffff, v49  }
0x198: {  	v2 =	vld [tilespmem:$0xB0];
	_ =	sdelay $0x4  }
0x199: {  	v50 =	vsub.s32 v2, v0  }
0x19a: {  	v3 =	vmin.u32 v3, $0x1388;
	vm14 =	vlt.u32 v50, $0x1388  }
0x19b: {  	[tilespmem:$0xA0] =	vst v3;
	v3 =	vsel vm14, $0x3F800000, v1  }
0x19c: {  	[tilespmem:v2+s24+$0x0] =	vst.idx.add.f32.msk $0xffff, v3  }
0x19d: {  	v2 =	vld [tilespmem:$0xC0];
	_ =	sdelay $0x4  }
0x19e: {  	v3 =	vsub.s32 v2, v0  }
0x19f: {  	v4 =	vmin.u32 v50, $0x1388;
	vm15 =	vlt.u32 v3, $0x1388  }
0x1a0: {  	[tilespmem:$0xB0] =	vst v4;
	v51 =	vsel vm15, $0x3F800000, v1  }
0x1a1: {  	[tilespmem:v2+s24+$0x0] =	vst.idx.add.f32.msk $0xffff, v51  }
0x1a2: {  	v2 =	vld [tilespmem:$0xD0];
	_ =	sdelay $0x4  }
0x1a3: {  	v52 =	vsub.s32 v2, v0  }
0x1a4: {  	v3 =	vmin.u32 v3, $0x1388;
	vm4 =	vlt.u32 v52, $0x1388  }
0x1a5: {  	[tilespmem:$0xC0] =	vst v3;
	v3 =	vsel vm4, $0x3F800000, v1  }
0x1a6: {  	[tilespmem:v2+s24+$0x0] =	vst.idx.add.f32.msk $0xffff, v3  }
0x1a7: {  	v2 =	vld [tilespmem:$0xE0];
	_ =	sdelay $0x4  }
0x1a8: {  	v3 =	vsub.s32 v2, v0  }
0x1a9: {  	v4 =	vmin.u32 v52, $0x1388;
	vm5 =	vlt.u32 v3, $0x1388  }
0x1aa: {  	[tilespmem:$0xD0] =	vst v4;
	v53 =	vsel vm5, $0x3F800000, v1  }
0x1ab: {  	[tilespmem:v2+s24+$0x0] =	vst.idx.add.f32.msk $0xffff, v53  }
0x1ac: {  	v2 =	vld [tilespmem:$0xF0];
	_ =	sdelay $0x4  }
0x1ad: {  	v54 =	vsub.s32 v2, v0  }
0x1ae: {  	v3 =	vmin.u32 v3, $0x1388;
	vm6 =	vlt.u32 v54, $0x1388  }
0x1af: {  	[tilespmem:$0xE0] =	vst v3;
	v3 =	vsel vm6, $0x3F800000, v1  }
0x1b0: {  	[tilespmem:v2+s24+$0x0] =	vst.idx.add.f32.msk $0xffff, v3  }
0x1b1: {  	v2 =	vld [tilespmem:$0x100];
	_ =	sdelay $0x4  }
0x1b2: {  	v3 =	vsub.s32 v2, v0  }
0x1b3: {  	v4 =	vmin.u32 v54, $0x1388;
	vm7 =	vlt.u32 v3, $0x1388  }
0x1b4: {  	[tilespmem:$0xF0] =	vst v4;
	v55 =	vsel vm7, $0x3F800000, v1  }
0x1b5: {  	[tilespmem:v2+s24+$0x0] =	vst.idx.add.f32.msk $0xffff, v55  }
0x1b6: {  	v2 =	vld [tilespmem:$0x110];
	_ =	sdelay $0x4  }
0x1b7: {  	v56 =	vsub.s32 v2, v0  }
0x1b8: {  	v3 =	vmin.u32 v3, $0x1388;
	vm8 =	vlt.u32 v56, $0x1388  }
0x1b9: {  	[tilespmem:$0x100] =	vst v3;
	v3 =	vsel vm8, $0x3F800000, v1  }
0x1ba: {  	[tilespmem:v2+s24+$0x0] =	vst.idx.add.f32.msk $0xffff, v3  }
0x1bb: {  	v2 =	vld [tilespmem:$0x120];
	_ =	sdelay $0x4  }
0x1bc: {  	v3 =	vsub.s32 v2, v0  }
0x1bd: {  	v4 =	vmin.u32 v56, $0x1388;
	vm9 =	vlt.u32 v3, $0x1388  }
0x1be: {  	[tilespmem:$0x110] =	vst v4;
	v57 =	vsel vm9, $0x3F800000, v1  }
0x1bf: {  	[tilespmem:v2+s24+$0x0] =	vst.idx.add.f32.msk $0xffff, v57  }
0x1c0: {  	v2 =	vld [tilespmem:$0x130];
	_ =	sdelay $0x4  }
0x1c1: {  	v58 =	vsub.s32 v2, v0  }
0x1c2: {  	v3 =	vmin.u32 v3, $0x1388;
	vm10 =	vlt.u32 v58, $0x1388  }
0x1c3: {  	[tilespmem:$0x120] =	vst v3;
	v3 =	vsel vm10, $0x3F800000, v1  }
0x1c4: {  	[tilespmem:v2+s24+$0x0] =	vst.idx.add.f32.msk $0xffff, v3  }
0x1c5: {  	v2 =	vld [tilespmem:$0x140];
	_ =	sdelay $0x4  }
0x1c6: {  	v3 =	vsub.s32 v2, v0  }
0x1c7: {  	v4 =	vmin.u32 v58, $0x1388;
	vm11 =	vlt.u32 v3, $0x1388  }
0x1c8: {  	[tilespmem:$0x130] =	vst v4;
	v59 =	vsel vm11, $0x3F800000, v1  }
0x1c9: {  	[tilespmem:v2+s24+$0x0] =	vst.idx.add.f32.msk $0xffff, v59  }
0x1ca: {  	v2 =	vld [tilespmem:$0x150];
	_ =	sdelay $0x4  }
0x1cb: {  	v60 =	vsub.s32 v2, v0  }
0x1cc: {  	v3 =	vmin.u32 v3, $0x1388;
	vm12 =	vlt.u32 v60, $0x1388  }
0x1cd: {  	[tilespmem:$0x140] =	vst v3;
	v3 =	vsel vm12, $0x3F800000, v1  }
0x1ce: {  	[tilespmem:v2+s24+$0x0] =	vst.idx.add.f32.msk $0xffff, v3  }
0x1cf: {  	v2 =	vld [tilespmem:$0x160];
	_ =	sdelay $0x4  }
0x1d0: {  	v3 =	vsub.s32 v2, v0  }
0x1d1: {  	v4 =	vmin.u32 v60, $0x1388;
	vm13 =	vlt.u32 v3, $0x1388  }
0x1d2: {  	[tilespmem:$0x150] =	vst v4;
	v61 =	vsel vm13, $0x3F800000, v1  }
0x1d3: {  	[tilespmem:v2+s24+$0x0] =	vst.idx.add.f32.msk $0xffff, v61  }
0x1d4: {  	v2 =	vld [tilespmem:$0x170];
	_ =	sdelay $0x4  }
0x1d5: {  	v62 =	vsub.s32 v2, v0  }
0x1d6: {  	v3 =	vmin.u32 v3, $0x1388;
	vm14 =	vlt.u32 v62, $0x1388  }
0x1d7: {  	[tilespmem:$0x160] =	vst v3;
	v3 =	vsel vm14, $0x3F800000, v1  }
0x1d8: {  	[tilespmem:v2+s24+$0x0] =	vst.idx.add.f32.msk $0xffff, v3  }
0x1d9: {  	v2 =	vld [tilespmem:$0x180];
	_ =	sdelay $0x4  }
0x1da: {  	v3 =	vsub.s32 v2, v0  }
0x1db: {  	v4 =	vmin.u32 v62, $0x1388;
	vm15 =	vlt.u32 v3, $0x1388  }
0x1dc: {  	[tilespmem:$0x170] =	vst v4;
	v63 =	vsel vm15, $0x3F800000, v1  }
0x1dd: {  	[tilespmem:v2+s24+$0x0] =	vst.idx.add.f32.msk $0xffff, v63;
	v2 =	vmin.u32 v3, $0x1388  }
0x1de: {  	[tilespmem:$0x180] =	vst v2  }
0x1df: {  	[spmem:s2] =	stream.indirect.scatter.add.f32 [tilespmem:s23], [sflag:$0x1], $0x80, s3, s25, $0xb8;
	[tilespmem:$0x18E00] =	vst v63  }
0x1e0: {  	_ =	swait.ge [sflag:s22], $0xC800  }
0x1e1: {  	[sflag:s22] =	ssyncset.done $0x0  }
0x1e2: {  	[sflag:s22] =	ssyncadd.s32 $0xFFFF3800  }
0x1e3: {  	[bflag:$0x0] =	sbarrier.arrive $0xFFFF  }
0x1e4: {  	[hbm4b:s4+s3] =	stream.linear.scatter [tilespmem:s24], [sflag:$0x1], $0x2710, $0x38;
	[tilespmem:$0x18E00] =	vst v63  }
0x1e5: {  	_ =	swait.ge [sflag:s22], $0x2710  }
0x1e6: {  	[sflag:s22] =	ssyncset.done $0x0  }
0x1e7: {  	s0 =	simm.s32 @!p0 $0x200;
	s28 =	simm.s32 @!p0 $0x1;
	[sflag:s22] =	ssyncadd.s32 $0xFFFFD8F0  }
0x1e8: {  	[tilespmem:s0], [sflag:$0x1] =	stream.linear.gather @!p0 [spmem:s6], $0x6400, $0x38;
	[tilespmem:$0x18E00] =	vst v63  }
0x1e9: {  	_ =	swait.ge @!p0 [sflag:s28], $0x6400  }
0x1ea: {  	[sflag:s28] =	ssyncset.done @!p0 $0x0  }
0x1eb: {  	s29 =	simm.s32 @!p0 $0x0;
	[sflag:s28] =	ssyncadd.s32 @!p0 $0xFFFF9C00  }
0x1ec: {  	[hbm4b:s11+s29] =	stream.linear.scatter @!p0 [tilespmem:s0], [sflag:$0x1], $0x6400, $0x38;
	[tilespmem:$0x18E00] =	vst v63  }
0x1ed: {  	_ =	swait.ge @!p0 [sflag:s28], $0x6400  }
0x1ee: {  	[sflag:s28] =	ssyncset.done @!p0 $0x0  }
0x1ef: {  	[sflag:s28] =	ssyncadd.s32 @!p0 $0xFFFF9C00  }
0x1f0: {  	[tilespmem:s0], [sflag:$0x1] =	stream.linear.gather @!p0 [spmem:s12], $0x6400, $0x38;
	[tilespmem:$0x18E00] =	vst v63  }
0x1f1: {  	_ =	swait.ge @!p0 [sflag:s28], $0x6400  }
0x1f2: {  	[sflag:s28] =	ssyncset.done @!p0 $0x0  }
0x1f3: {  	[sflag:s28] =	ssyncadd.s32 @!p0 $0xFFFF9C00  }
0x1f4: {  	[hbm4b:s13+s29] =	stream.linear.scatter @!p0 [tilespmem:s0], [sflag:$0x1], $0x6400, $0x38;
	[tilespmem:$0x18E00] =	vst v63  }
0x1f5: {  	_ =	swait.ge @!p0 [sflag:s28], $0x6400  }
0x1f6: {  	[sflag:s28] =	ssyncset.done @!p0 $0x0  }
0x1f7: {  	[sflag:s28] =	ssyncadd.s32 @!p0 $0xFFFF9C00  }
0x1f8: {  	[tilespmem:s0], [sflag:$0x1] =	stream.linear.gather @!p0 [spmem:s14], $0x6400, $0x38;
	[tilespmem:$0x18E00] =	vst v63  }
0x1f9: {  	_ =	swait.ge @!p0 [sflag:s28], $0x6400  }
0x1fa: {  	[sflag:s28] =	ssyncset.done @!p0 $0x0  }
0x1fb: {  	[sflag:s28] =	ssyncadd.s32 @!p0 $0xFFFF9C00  }
0x1fc: {  	[hbm4b:s15+s29] =	stream.linear.scatter @!p0 [tilespmem:s0], [sflag:$0x1], $0x6400, $0x38;
	[tilespmem:$0x18E00] =	vst v63  }
0x1fd: {  	_ =	swait.ge @!p0 [sflag:s28], $0x6400  }
0x1fe: {  	[sflag:s28] =	ssyncset.done @!p0 $0x0  }
0x1ff: {  	[sflag:s28] =	ssyncadd.s32 @!p0 $0xFFFF9C00  }
0x200: {  	[tilespmem:s0], [sflag:$0x1] =	stream.linear.gather @!p0 [spmem:s16], $0x6400, $0x38;
	[tilespmem:$0x18E00] =	vst v63  }
0x201: {  	_ =	swait.ge @!p0 [sflag:s28], $0x6400  }
0x202: {  	[sflag:s28] =	ssyncset.done @!p0 $0x0  }
0x203: {  	[sflag:s28] =	ssyncadd.s32 @!p0 $0xFFFF9C00  }
0x204: {  	[hbm4b:s17+s29] =	stream.linear.scatter @!p0 [tilespmem:s0], [sflag:$0x1], $0x6400, $0x38;
	[tilespmem:$0x18E00] =	vst v63  }
0x205: {  	_ =	swait.ge @!p0 [sflag:s28], $0x6400  }
0x206: {  	[sflag:s28] =	ssyncset.done @!p0 $0x0  }
0x207: {  	[sflag:s28] =	ssyncadd.s32 @!p0 $0xFFFF9C00  }
0x208: {  	[tilespmem:s0], [sflag:$0x1] =	stream.linear.gather @!p0 [spmem:s18], $0x6400, $0x38;
	[tilespmem:$0x18E00] =	vst v63  }
0x209: {  	s26 =	sadd.s32 $0x1, s26;
	_ =	swait.ge @!p0 [sflag:s28], $0x6400  }
0x20a: {  	p1 =	sne.s32 s26, s5;
	[sflag:s28] =	ssyncset.done @!p0 $0x0  }
.Ltmp3:
0x20b: {  	[sflag:s28] =	ssyncadd.s32 @!p0 $0xFFFF9C00;
	(pc) =	sbr.rel @p1 .LBB2_1-.Ltmp3, $4  }
0x20c: {  	[hbm4b:s19+s29] =	stream.linear.scatter @!p0 [tilespmem:s0], [sflag:$0x1], $0x6400, $0x38;
	[tilespmem:$0x18E00] =	vst v63  }
0x20d: {  	_ =	swait.ge @!p0 [sflag:s28], $0x6400  }
0x20e: {  	[sflag:s28] =	ssyncset.done @!p0 $0x0  }
0x20f: {  	[sflag:s28] =	ssyncadd.s32 @!p0 $0xFFFF9C00  }
0x210: {  	_ =	sfence.sel $0x180000  }
0x211: {  	[bflag:$0x0] =	sbarrier.arrive $0xFFFF  }
0x212: {  	_ =	strace $0x9000004D  }
0x213: {  	[bflag:$0x2] =	sbarrier.arrive $0xFFFF  }
0x214: {  	p0 =	sne.s32 s1, $0x0;
	s0 =	rddreg [dreg:$0x3]  }
0x215: {  	s0 =	sadd.s32 @!p0 $0x100000, s0  }
0x216: {  	[sflag:s0] =	ssyncadd.tile.s32 @!p0 $0x1;
	_ =	shalt  }
.Lfunc_end2:
_tile_overlayer_lowered:
.L_overlay_start_2:
0x217: {  	(tag) =	ssettag $0x2  }
0x218: {  	s0 =	rddreg [dreg:$0x0];
	s2 =	stileid.u32  }
0x219: {  	s1 =	rddreg [dreg:$0x1];
	p0 =	sne.s32 s2, $0x0  }
0x21a: {  	s3 =	rddreg [dreg:$0x2];
	[bflag:$0x3] =	sbarrier.arrive $0xFFFF;
	s2 =	simm.s32 @!p0 $0x1C01  }
0x21b: {  	[timem:s3], [sflag:s2] =	dma.local @!p0 [hbm:s0], s1  }
0x21c: {  	s0 =	simm.s32 @!p0 $0x1  }
0x21d: {  	_ =	swait.ge @!p0 [sflag:s0], s1  }
0x21e: {  	s1 =	ssub.s32 @!p0 $0x0, s1;
	[sflag:s0] =	ssyncset.done @!p0 $0x0  }
0x21f: {  	[sflag:s0] =	ssyncadd.s32 @!p0 s1  }
0x220: {  	[bflag:$0x3] =	sbarrier.arrive $0xFFFF  }
0x221: {  	_ =	shalt  }

// kernel: kernel.8.cloned.1.call-start
scs
__scs_entry_jumppad:
0x0: {  	(pc) =	sbr.rel $0x88, $3  }
0x1: {  	(tag) =	ssettag $0x0;
	lr =	simm.s32 $0x1  }
0x2: {  	[smem:$0x3F96] =	sst lr;
	_ =	strace $0xD0000000  }
0x3: {  	_ = 	snop  }
0x4: {  	_ = 	snop  }
0x5: {  	_ = 	snop  }
0x6: {  	_ = 	snop  }
0x7: {  	_ = 	snop  }
__scs_overlays_trampoline_lowered:
0x8: {  	[smem:$0x3FA5] =	sst s0  }
0x9: {  	[smem:$0x3FA6] =	sst s1  }
0xa: {  	[smem:$0x3FA7] =	sst s2  }
0xb: {  	[smem:$0x3FA8] =	sst s3  }
0xc: {  	[smem:$0x3FA9] =	sst s4  }
0xd: {  	[smem:$0x3FAA] =	sst s5  }
0xe: {  	[smem:$0x3FAB] =	sst s6  }
0xf: {  	[smem:$0x3FAC] =	sst s7  }
0x10: {  	[smem:$0x3FAD] =	sst s8  }
0x11: {  	[smem:$0x3FAE] =	sst s9;
	s0 =	simm.s32 @!p0 $0x0  }
0x12: {  	s1 =	sld [smem:$0x3F94];
	s0 =	simm.s32 @p0 $0x1  }
0x13: {  	[smem:$0x3FAF] =	sst s0;
	s0 =	simm.s32 @!p1 $0x0  }
0x14: {  	s2 =	sld [smem:$0x3F93];
	s0 =	simm.s32 @p1 $0x1  }
0x15: {  	[smem:$0x3FB0] =	sst s0;
	s0 =	simm.s32 @!p2 $0x0  }
0x16: {  	s3 =	sld [smem:$0x3FDB];
	s0 =	simm.s32 @p2 $0x1  }
0x17: {  	s4 =	simm.s32 $0x1BF5;
	[smem:$0x3FB2] =	sst s0  }
0x18: {  	s0 =	sld [smem:$0x3F95];
	_ =	swait.ge [sflag:s4], $0x0  }
0x19: {  	s7 =	sld [smem:$0x3F96]  }
0x1a: {  	s8 =	sadd.s32 $0xFFFFE003, lr  }
0x1b: {  	s9 =	sadd.s32 $0xFFFFFEF7, lr;
	s5 =	simm.s32 $0xFFFFFFFF;
	p2 =	slt.u32 s8, $0xFFFFF086  }
0x1c: {  	p1 =	slt.u32 s9, $0xF7A;
	s5 =	simm.s32 @!p2 $0x0  }
0x1d: {  	s5 =	simm.s32 @p1 $0x1;
	p0 =	seq.s32 s7, s2  }
0x1e: {  	s7 =	smul.u32 @!p0 $0xF7A, s2;
	p2 =	seq.s32 @!p0 s5, $0x0  }
0x1f: {  	s9 =	smul.u32 $0xF7A, s1;
	s8 =	simm.s32 @!p0 $0x1BF5;
	p2 =	por !p2, p0  }
0x20: {  	[sflag:s8] =	ssyncset.s32 @!p0 $0xFFFFF086;
	s6 =	sadd.s32 @!p0 s3, s7;
	s7 =	simm.s32 @!p0 $0x108  }
0x21: {  	s3 =	sadd.s32 s3, s9;
	s6 =	sadd.s32 @!p0 $0x88, s6;
	s7 =	simm.s32 @p2 $0x1082  }
0x22: {  	[simem:s7], [sflag:s8] =	dma.local @!p0 [hbm:s6], $0xF7A  }
0x23: {  	s9 =	sor.u32 $0xD0000000, s2;
	s6 =	simm.s32 $0x108;
	_ =	swait.ge @!p0 [sflag:s8], $0x0  }
0x24: {  	s3 =	sadd.s32 $0x88, s3;
	s6 =	simm.s32 @!p1 $0x1082;
	[sflag:s4] =	ssyncset.s32 $0xFFFFF086  }
0x25: {  	[simem:s6], [sflag:s4] =	dma.local [hbm:s3], $0xF7A  }
0x26: {  	[smem:$0x3F96] =	sst s1;
	(tag) =	ssettag s2;
	_ =	strace s9  }
0x27: {  	s1 =	sld [smem:$0x3FA6]  }
0x28: {  	s2 =	sld [smem:$0x3FA7]  }
0x29: {  	s4 =	sld [smem:$0x3FA9]  }
0x2a: {  	p0 =	seq.s32 s5, $0x0;
	s5 =	sld [smem:$0x3FAA]  }
0x2b: {  	s6 =	sld [smem:$0x3FAB]  }
0x2c: {  	s7 =	sld [smem:$0x3FAC]  }
0x2d: {  	s3 =	simm.s32 $0x108;
	s8 =	sld [smem:$0x3FAD]  }
0x2e: {  	s3 =	simm.s32 @!p0 $0x1082;
	s9 =	sld [smem:$0x3FAE]  }
0x2f: {  	lr =	sadd.s32 s0, s3;
	s0 =	sld [smem:$0x3FA5]  }
0x30: {  	s3 =	sld [smem:$0x3FA8]  }
0x31: {  	[smem:$0x3FB1] =	sst s10  }
0x32: {  	s10 =	sld [smem:$0x3FAF];
	_ =	sdelay $0x3  }
0x33: {  	p0 =	seq.s32 s10, $0x1;
	s10 =	sld [smem:$0x3FB1];
	_ =	sdelay $0x3  }
0x34: {  	[smem:$0x3FB1] =	sst s10  }
0x35: {  	s10 =	sld [smem:$0x3FB0];
	_ =	sdelay $0x3  }
0x36: {  	p1 =	seq.s32 s10, $0x1;
	s10 =	sld [smem:$0x3FB1];
	_ =	sdelay $0x3  }
0x37: {  	[smem:$0x3FB1] =	sst s10  }
0x38: {  	s10 =	sld [smem:$0x3FB2]  }
0x39: {  	_ = 	snop;
	(pc) =	sbr.ind lr, $3  }
0x3a: {  	_ = 	snop  }
0x3b: {  	_ = 	snop  }
0x3c: {  	p2 =	seq.s32 s10, $0x1;
	s10 =	sld [smem:$0x3FB1]  }
0x3d: {  	_ =	shalt  }
0x3e: {  	_ =	shalt  }
0x3f: {  	_ =	shalt  }
0x40: {  	_ =	shalt  }
0x41: {  	_ =	shalt  }
0x42: {  	_ =	shalt  }
0x43: {  	_ =	shalt  }
0x44: {  	_ =	shalt  }
0x45: {  	_ =	shalt  }
0x46: {  	_ =	shalt  }
0x47: {  	_ =	shalt  }
0x48: {  	_ =	shalt  }
0x49: {  	_ =	shalt  }
0x4a: {  	_ =	shalt  }
0x4b: {  	_ =	shalt  }
0x4c: {  	_ =	shalt  }
0x4d: {  	_ =	shalt  }
0x4e: {  	_ =	shalt  }
0x4f: {  	_ =	shalt  }
0x50: {  	_ =	shalt  }
0x51: {  	_ =	shalt  }
0x52: {  	_ =	shalt  }
0x53: {  	_ =	shalt  }
0x54: {  	_ =	shalt  }
0x55: {  	_ =	shalt  }
0x56: {  	_ =	shalt  }
0x57: {  	_ =	shalt  }
0x58: {  	_ =	shalt  }
0x59: {  	_ =	shalt  }
0x5a: {  	_ =	shalt  }
0x5b: {  	_ =	shalt  }
0x5c: {  	_ =	shalt  }
0x5d: {  	_ =	shalt  }
0x5e: {  	_ =	shalt  }
0x5f: {  	_ =	shalt  }
0x60: {  	_ =	shalt  }
0x61: {  	_ =	shalt  }
0x62: {  	_ =	shalt  }
0x63: {  	_ =	shalt  }
0x64: {  	_ =	shalt  }
0x65: {  	_ =	shalt  }
0x66: {  	_ =	shalt  }
0x67: {  	_ =	shalt  }
0x68: {  	_ =	shalt  }
0x69: {  	_ =	shalt  }
0x6a: {  	_ =	shalt  }
0x6b: {  	_ =	shalt  }
0x6c: {  	_ =	shalt  }
0x6d: {  	_ =	shalt  }
0x6e: {  	_ =	shalt  }
0x6f: {  	_ =	shalt  }
0x70: {  	_ =	shalt  }
0x71: {  	_ =	shalt  }
0x72: {  	_ =	shalt  }
0x73: {  	_ =	shalt  }
0x74: {  	_ =	shalt  }
0x75: {  	_ =	shalt  }
0x76: {  	_ =	shalt  }
0x77: {  	_ =	shalt  }
0x78: {  	_ =	shalt  }
0x79: {  	_ =	shalt  }
0x7a: {  	_ =	shalt  }
0x7b: {  	_ =	shalt  }
0x7c: {  	_ =	shalt  }
0x7d: {  	_ =	shalt  }
0x7e: {  	_ =	shalt  }
0x7f: {  	_ =	shalt  }
0x80: {  	_ =	shalt  }
0x81: {  	_ =	shalt  }
0x82: {  	_ =	shalt  }
0x83: {  	_ =	shalt  }
0x84: {  	_ =	shalt  }
0x85: {  	_ =	shalt  }
0x86: {  	_ =	shalt  }
0x87: {  	_ =	shalt  }
.Lfunc_end0:
.L_simem_size_0:
called_computation_lowered:
.L_overlay_start_0:
0x88: {  	s2 =	sld [smem:$0x3FD9]  }
0x89: {  	s3 =	sld [smem:$0x3FFE];
	_ =	sdelay $0x1  }
0x8a: {  	s1 =	srdreg.scid  }
0x8b: {  	s0 =	sand.u32 $0x1, s1  }
0x8c: {  	s16 =	sshll.u32 s0, $0xA;
	s2 =	sadd.s32 s3, s2  }
0x8d: {  	s2 =	sadd.s32 s2, s16  }
0x8e: {  	[smem:$0x3FBD] =	sst s2  }
0x8f: {  	_ = 	snop  }
0x90: {  	(tm) =	ssettm $0x1  }
0x91: {  	s17 =	sld [smem:$0x3FFB];
	_ =	sdelay $0x3  }
0x92: {  	_ =	strace s17  }
0x93: {  	s2 =	sld [smem:$0x3FFC];
	_ =	sdelay $0x3  }
0x94: {  	_ =	strace s2  }
0x95: {  	s2 =	sld [smem:$0x3FFD];
	_ =	sdelay $0x3  }
0x96: {  	_ =	strace s2  }
0x97: {  	_ =	strace $0x8FFFFFFF  }
0x98: {  	s18 =	sld [smem:$0x3FDB];
	_ =	sdelay $0x1  }
0x99: {  	s19 =	simm.s32 $_scs_section_size  }
0x9a: {  	s4 =	simm.s32 $_size__tile_overlayer_lowered;
	s5 =	simm.s32 $_tile_overlayer_lowered  }
0x9b: {  	s22 =	simm.s32 $0x1BFF;
	s21 =	sshll.u32 s5, $0x1;
	s2 =	sadd.s32 s19, s18  }
0x9c: {  	s6 =	simm.s32 $0x0;
	s20 =	sshll.u32 s4, $0x1;
	s4 =	sadd.s32 s21, s2  }
0x9d: {  	[timem:s6], [sflag:s22] =	dma.local [hbm:s4], s20  }
0x9e: {  	_ =	swait.ge [sflag:s22], s20  }
0x9f: {  	s3 =	ssub.s32 $0x0, s20;
	[sflag:s22] =	ssyncset.done $0x0  }
0xa0: {  	[sflag:s22] =	ssyncadd.s32 s3;
	_ =	sdelay $0x1  }
0xa1: {  	s23 =	simm.s32 $0x1B8B  }
0xa2: {  	_ =	swait.ge [sflag:s23], $0x1  }
0xa3: {  	[sflag:s23] =	ssyncset.done $0x0  }
0xa4: {  	s25 =	simm.s32 $0x1B8E;
	s24 =	sld [smem:$0x3FFE];
	[sflag:s23] =	ssyncadd.s32 $0xFFFFFFFF  }
0xa5: {  	s26 =	simm.s32 $execute0_lowered;
	[smem:$0x3FD2] =	sst s25  }
0xa6: {  	s4 =	sshll.u32 s26, $0x1;
	_ =	strace $0x80000046;
	[dreg:$0x1] =	wrdreg $0xFFFFFFFF  }
0xa7: {  	s28 =	simm.s32 $_size_execute0_lowered;
	s2 =	sadd.s32 s2, s4;
	[dreg:$0x0] =	wrdreg $0x0  }
0xa8: {  	s4 =	sshll.u32 s28, $0x1;
	[dreg:$0x2] =	wrdreg s2  }
0xa9: {  	[dreg:$0x3] =	wrdreg s4  }
0xaa: {  	[dreg:$0x4] =	wrdreg $0xC0  }
0xab: {  	_ =	task [dreg:s6], $0x5FFFF  }
0xac: {  	[dreg:$0x1] =	wrdreg $0xFFFFFFFF  }
0xad: {  	[dreg:$0x0] =	wrdreg $0x60  }
0xae: {  	[dreg:$0x2] =	wrdreg s24  }
0xaf: {  	[dreg:$0x3] =	wrdreg $0x9  }
0xb0: {  	_ =	task.clear_ibuf [dreg:s6], $0x4FFFF;
	_ =	strace $0x90000046  }
0xb1: {  	s29 =	simm.s32 $0x9;
	_ =	strace $0x80000048  }
0xb2: {  	_ =	swait.ge [sflag:s29], $0x1  }
0xb3: {  	[sflag:s29] =	ssyncadd.s32 $0xFFFFFFFF  }
0xb4: {  	_ =	strace $0x90000048  }
0xb5: {  	_ =	sfence  }
0xb6: {  	s30 =	sld [smem:$0x0];
	_ =	sdelay $0x2  }
0xb7: {  	s31 =	sshll.u32 s1, $0xD;
	s1 =	sshrl.u32 s1, $0x2  }
0xb8: {  	s3 =	sand.u32 $0x4000, s31;
	s1 =	sadd.s32 s1, s30  }
0xb9: {  	s0 =	sor.u32 s3, s0;
	s1 =	sshll.u32 s1, $0x11  }
0xba: {  	s0 =	sor.u32 s1, s0  }
0xbb: {  	s0 =	sadd.s32 $0x8F2B, s0  }
0xbc: {  	[sflag:s0] =	ssyncadd.remote.s32 $0x1  }
0xbd: {  	_ =	sfence.sel $0xFFFF  }
0xbe: {  	[dreg:$0x0] =	wrdreg $0xFFFFFFFF;
	(pc) =	sbr.abs _section_cstart, $3  }
0xbf: {  	[dreg:$0x1] =	wrdreg $0xFFFFFFFF  }
0xc0: {  	_ =	task.clear_ibuf [dreg:s6], $0x2FFFF;
	_ =	strace $0x9FFFFFFF  }
0xc1: {  	(tm) =	ssettm $0x7FFFFFFF  }
tec
execute0_lowered:
.L_overlay_start_1:
0x0: {  	(tag) =	ssettag $0x1  }
0x1: {  	s6 =	rddreg [dreg:$0x0]  }
0x2: {  	s0 =	rddreg [dreg:$0x1];
	s1 =	simm.s32 $0x0  }
0x3: {  	s4 =	srdreg.scid;
	s2 =	stileid.u32;
	s11 =	simm.s32 $0x800  }
0x4: {  	s12 =	simm.s32 $0x1000;
	s13 =	simm.s32 $0x0;
	[smem:$0x7FF] =	sst s1  }
0x5: {  	s3 =	sadd.s32 $0xD000, s6;
	s7 =	sand.u32 $0x1, s4;
	s4 =	sadd.s32 $0x3200, s6  }
0x6: {  	s9 =	sshll.u32 s2, $0x1;
	s5 =	sadd.s32 $0x16E00, s6;
	s8 =	ssub.s32 $0x2, s7  }
0x7: {  	s6 =	sadd.s32 $0x18200, s6;
	_ =	strace $0x80000047;
	s10 =	sshrl.u32 s8, $0x1  }
0x8: {  	s7 =	sor.u32 s7, s9;
	s9 =	simm.s32 $0x1800;
	s8 =	ssub.s32 s8, s10  }
0x9: {  	s7 =	smul.u32 $0x5, s7;
	s10 =	simm.s32 $0x1;
	s8 =	smax.u32 s8, $0x1  }
.LBB2_1:
0xa: {  	[tilespmem:s9], [sflag:$0x1] =	stream.linear.gather [hbm4b:s5+s1], $0x9C80, $0x38;
	[tilespmem:$0xB480] =	vst v63  }
0xb: {  	_ =	swait.ge [sflag:s10], $0x9C80  }
0xc: {  	[sflag:s10] =	ssyncset.done $0x0  }
0xd: {  	s14 =	simm.s32 $0x0;
	[sflag:s10] =	ssyncadd.s32 $0xFFFF6380  }
.LBB2_2:
0xe: {  	s15 =	sadd.s32 s7, s14  }
0xf: {  	s15 =	smul.u32 $0xFA, s15;
	_ =	sdelay $0x1  }
0x10: {  	s17 =	simm.s32 $0x0;
	s16 =	sadd.s32 s3, s15  }
0x11: {  	[tilespmem:s17], [sflag:$0x1] =	stream.linear.gather [hbm4b:s16+s17], $0x7D0, $0x38;
	[tilespmem:$0xB480] =	vst v63  }
0x12: {  	_ =	swait.ge [sflag:s10], $0x7D0  }
0x13: {  	[sflag:s10] =	ssyncset.done $0x0  }
0x14: {  	s31 =	sadd.s32 s4, s15;
	[sflag:s10] =	ssyncadd.s32 $0xFFFFF830  }
0x15: {  	[tilespmem:s11], [sflag:$0x1] =	stream.linear.gather [hbm4b:s31+s17], $0x7D0, $0x38;
	[tilespmem:$0xB480] =	vst v63  }
0x16: {  	_ =	swait.ge [sflag:s10], $0x7D0  }
0x17: {  	[sflag:s10] =	ssyncset.done $0x0  }
0x18: {  	s16 =	simm.s32 $0x0;
	[sflag:s10] =	ssyncadd.s32 $0xFFFFF830  }
0x19: {  	v0 =	vld [tilespmem:s16+$0x800]  }
0x1a: {  	v1 =	vld [tilespmem:s16+$0x0];
	_ =	sdelay $0x3  }
0x1b: {  	v0 =	vshll.u32 v0, $0x2  }
0x1c: {  	v1 =	vshll.u32 v1, $0x2  }
0x1d: {  	v2 =	vor.u32 $0x1, v1  }
0x1e: {  	v3 =	vor.u32 $0x1, v0  }
0x1f: {  	v4 =	vor.u32 $0x2, v1  }
0x20: {  	v6 =	vor.u32 $0x2, v0;
	v5 =	vld.idx.msk [tilespmem:v0+s9+$0x0], $0xffff  }
0x21: {  	v7 =	vld.idx.msk [tilespmem:v1+s9+$0x0], $0xffff  }
0x22: {  	v8 =	vld.idx.msk [tilespmem:v2+s9+$0x0], $0xffff  }
0x23: {  	v9 =	vld.idx.msk [tilespmem:v3+s9+$0x0], $0xffff  }
0x24: {  	v0 =	vld.idx.msk [tilespmem:v4+s9+$0x0], $0xffff  }
0x25: {  	v2 =	vld.idx.msk [tilespmem:v6+s9+$0x0], $0xffff  }
0x26: {  	s17 =	simm.s32 $0x10  }
0x27: {  	v3 =	vld [tilespmem:s17+$0x800]  }
0x28: {  	s18 =	simm.s32 $0x80;
	v1 =	vld [tilespmem:s17+$0x0];
	v4 =	vsub.f32 v7, v5;
	v5 =	vsub.f32 v8, v9  }
.LBB2_3:
0x29: {  	p0 =	sne.s32 s18, $0x1F00  }
0x2a: {  	v0 =	vsub.f32 v0, v2;
	v4 =	vmul.f32 v4, v4;
	v5 =	vmul.f32 v5, v5;
	_ =	sdelay $0x1  }
0x2b: {  	v0 =	vmul.f32 v0, v0;
	v2 =	vshll.u32 v3, $0x2;
	v3 =	vadd.f32 v5, v4  }
0x2c: {  	v1 =	vshll.u32 v1, $0x2  }
0x2d: {  	v4 =	vor.u32 $0x1, v1;
	v0 =	vadd.f32 v0, v3  }
0x2e: {  	v3 =	vor.u32 $0x1, v2  }
0x2f: {  	v5 =	vor.u32 $0x2, v1;
	[tilespmem:s16+$0x1000] =	vst v0;
	s16 =	smov.u32 s17  }
0x30: {  	v6 =	vld.idx.msk [tilespmem:v2+s9+$0x0], $0xffff;
	v2 =	vor.u32 $0x2, v2  }
0x31: {  	v7 =	vld.idx.msk [tilespmem:v1+s9+$0x0], $0xffff  }
0x32: {  	v8 =	vld.idx.msk [tilespmem:v4+s9+$0x0], $0xffff  }
0x33: {  	v9 =	vld.idx.msk [tilespmem:v3+s9+$0x0], $0xffff  }
0x34: {  	v0 =	vld.idx.msk [tilespmem:v5+s9+$0x0], $0xffff  }
.Ltmp0:
0x35: {  	v2 =	vld.idx.msk [tilespmem:v2+s9+$0x0], $0xffff;
	(pc) =	sbr.rel @p0 .LBB2_3-.Ltmp0, $4  }
0x36: {  	_ = 	snop  }
0x37: {  	s17 =	sshra.s32 s18, $0x2  }
0x38: {  	v3 =	vld [tilespmem:s17+$0x800]  }
0x39: {  	s18 =	sadd.s32 $0x40, s18;
	v4 =	vsub.f32 v7, v6;
	v5 =	vsub.f32 v8, v9;
	v1 =	vld [tilespmem:s17+$0x0]  }
0x3a: {  	_ = 	snop  }
0x3b: {  	v0 =	vsub.f32 v0, v2;
	v4 =	vmul.f32 v4, v4;
	v5 =	vmul.f32 v5, v5;
	_ =	sdelay $0x1  }
0x3c: {  	v0 =	vmul.f32 v0, v0;
	v57 =	vshll.u32 v3, $0x2;
	v58 =	vadd.f32 v5, v4  }
0x3d: {  	v1 =	vshll.u32 v1, $0x2  }
0x3e: {  	v60 =	vor.u32 $0x1, v57;
	v0 =	vadd.f32 v0, v58  }
0x3f: {  	v59 =	vor.u32 $0x1, v1  }
0x40: {  	v2 =	vor.u32 $0x2, v57;
	[tilespmem:s16+$0x1000] =	vst v0  }
0x41: {  	v61 =	vor.u32 $0x2, v1;
	v0 =	vld.idx.msk [tilespmem:v57+s9+$0x0], $0xffff  }
0x42: {  	v1 =	vld.idx.msk [tilespmem:v1+s9+$0x0], $0xffff  }
0x43: {  	v3 =	vld.idx.msk [tilespmem:v60+s9+$0x0], $0xffff  }
0x44: {  	v4 =	vld.idx.msk [tilespmem:v59+s9+$0x0], $0xffff  }
0x45: {  	v2 =	vld.idx.msk [tilespmem:v2+s9+$0x0], $0xffff  }
0x46: {  	v5 =	vld.idx.msk [tilespmem:v61+s9+$0x0], $0xffff;
	_ =	sdelay $0x2  }
0x47: {  	v0 =	vsub.f32 v1, v0;
	v62 =	vsub.f32 v4, v3;
	_ =	sdelay $0x1  }
0x48: {  	v2 =	vsub.f32 v5, v2;
	v0 =	vmul.f32 v0, v0;
	v1 =	vmul.f32 v62, v62;
	_ =	sdelay $0x1  }
0x49: {  	v63 =	vmul.f32 v2, v2;
	v0 =	vadd.f32 v1, v0;
	_ =	sdelay $0x1  }
0x4a: {  	s14 =	sadd.s32 $0x1, s14;
	v0 =	vadd.f32 v63, v0  }
0x4b: {  	p0 =	sne.s32 s14, $0x5  }
.Ltmp1:
0x4c: {  	s15 =	sadd.s32 s6, s15;
	[tilespmem:s17+$0x1000] =	vst v0;
	(pc) =	sbr.rel @p0 .LBB2_2-.Ltmp1, $4  }
0x4d: {  	[hbm4b:s15+s1] =	stream.linear.scatter [tilespmem:s12], [sflag:$0x1], $0x7D0, $0x38;
	[tilespmem:$0xB480] =	vst v63  }
0x4e: {  	_ =	swait.ge [sflag:s10], $0x7D0  }
0x4f: {  	[sflag:s10] =	ssyncset.done $0x0  }
0x50: {  	[sflag:s10] =	ssyncadd.s32 $0xFFFFF830  }
0x51: {  	s13 =	sadd.s32 $0x1, s13  }
0x52: {  	p0 =	sne.s32 s13, s8  }
.Ltmp2:
0x53: {  	_ = 	snop;
	(pc) =	sbr.rel @p0 .LBB2_1-.Ltmp2, $1  }
0x54: {  	_ =	sdelay $0x3  }
0x55: {  	_ =	sfence.sel $0x180000  }
0x56: {  	[bflag:$0x0] =	sbarrier.arrive $0xFFFF  }
0x57: {  	p0 =	sne.s32 s2, $0x0;
	_ =	strace $0x90000047  }
0x58: {  	s0 =	sadd.s32 @!p0 $0x100000, s0;
	[bflag:$0x2] =	sbarrier.arrive $0xFFFF  }
0x59: {  	[sflag:s0] =	ssyncadd.tile.s32 @!p0 $0x1;
	_ =	shalt  }
.Lfunc_end2:
_tile_overlayer_lowered:
.L_overlay_start_2:
0x5a: {  	(tag) =	ssettag $0x2  }
0x5b: {  	s0 =	rddreg [dreg:$0x0];
	s2 =	stileid.u32  }
0x5c: {  	s1 =	rddreg [dreg:$0x1];
	p0 =	sne.s32 s2, $0x0  }
0x5d: {  	s3 =	rddreg [dreg:$0x2];
	[bflag:$0x3] =	sbarrier.arrive $0xFFFF;
	s2 =	simm.s32 @!p0 $0x1C01  }
0x5e: {  	[timem:s3], [sflag:s2] =	dma.local @!p0 [hbm:s0], s1  }
0x5f: {  	s0 =	simm.s32 @!p0 $0x1  }
0x60: {  	_ =	swait.ge @!p0 [sflag:s0], s1  }
0x61: {  	s1 =	ssub.s32 @!p0 $0x0, s1;
	[sflag:s0] =	ssyncset.done @!p0 $0x0  }
0x62: {  	[sflag:s0] =	ssyncadd.s32 @!p0 s1  }
0x63: {  	[bflag:$0x3] =	sbarrier.arrive $0xFFFF  }
0x64: {  	_ =	shalt  }

</sc_bundles>
